<compile_context>
chip_gen: v7x
topology: tpu7x:2x2x1
jax: 0.10.2.dev20260603
libtpu: 0.0.44.dev20260713+nightly
codegen_flags: <defaults>
</compile_context>

<pallas_src>
import functools

import jax
import jax.numpy as jnp
from jax import lax
from jax.experimental import pallas as pl
from jax.experimental.pallas import tpu as pltpu
from jax.experimental.pallas import tpu_sc as plsc

N = 10000
E = 160000
D = 128
D_EDGE = 4
FC = 64
NUM_HEADS = 4
HEAD_DIM = 32
MUL_ALPHA = 32

NC = 2
NS = 16
NW = NC * NS
CHUNK = 40
NPAD = 10240
ROWS_PER_S = NPAD // NS

SLICES = (32000, 64000, 64000)

TE = 2000

N_BLK = 1000
GRID_N = N // N_BLK


def _sigmoid(x):
    return 1.0 / (1.0 + jnp.exp(-x))


def _silu(x):
    return x * _sigmoid(x)


def _smooth_leaky_relu(x, a=0.2):
    return 0.5 * (1.0 + a) * x + 0.5 * (1.0 - a) * x * (2.0 * _sigmoid(x) - 1.0)


def _node_kernel(x_ref, attr_ref, ws_ref, bs_ref, wd_ref, bd_ref, os_ref, od_ref):
    x = x_ref[...] * attr_ref[...]
    os_ref[...] = jnp.dot(x, ws_ref[...], preferred_element_type=jnp.float32) + bs_ref[...]
    od_ref[...] = jnp.dot(x, wd_ref[...], preferred_element_type=jnp.float32) + bd_ref[...]


def _node_messages(node_input, node_attr, W_src, b_src, W_dst, b_dst):
    return pl.pallas_call(
        _node_kernel,
        grid=(GRID_N,),
        in_specs=[
            pl.BlockSpec((N_BLK, D), lambda i: (i, 0)),
            pl.BlockSpec((N_BLK, 1), lambda i: (i, 0)),
            pl.BlockSpec((D, D), lambda i: (0, 0)),
            pl.BlockSpec((1, D), lambda i: (0, 0)),
            pl.BlockSpec((D, D), lambda i: (0, 0)),
            pl.BlockSpec((1, D), lambda i: (0, 0)),
        ],
        out_specs=[
            pl.BlockSpec((N_BLK, D), lambda i: (i, 0)),
            pl.BlockSpec((N_BLK, D), lambda i: (i, 0)),
        ],
        out_shape=[
            jax.ShapeDtypeStruct((N, D), jnp.float32),
            jax.ShapeDtypeStruct((N, D), jnp.float32),
        ],
    )(node_input, node_attr, W_src, b_src.reshape(1, D), W_dst, b_dst.reshape(1, D))


def _make_gather(e_sz):
    cpw = e_sz // (NW * CHUNK)
    quads, tail = divmod(cpw, 4)

    def body(tbl_hbm, idx_hbm, out_hbm, idx_v, b0, b1, b2, b3, s0, s1, s2, s3):
        c = lax.axis_index("c")
        s = lax.axis_index("s")
        wid = c * NS + s
        pltpu.sync_copy(idx_hbm.at[wid], idx_v)
        base = wid * cpw
        bufs = (b0, b1, b2, b3)
        sems = (s0, s1, s2, s3)

        def quad(q, carry):
            g = q * 4
            cps = [pltpu.async_copy(tbl_hbm.at[idx_v.at[g + k]], bufs[k], sems[k])
                   for k in range(4)]
            for k in range(4):
                cps[k].wait()
                pltpu.sync_copy(
                    bufs[k], out_hbm.at[pl.ds((base + g + k) * CHUNK, CHUNK)])
            return carry

        lax.fori_loop(0, quads, quad, 0)
        g0 = quads * 4
        tcps = [pltpu.async_copy(tbl_hbm.at[idx_v.at[g0 + k]], bufs[k], sems[k])
                for k in range(tail)]
        for k in range(tail):
            tcps[k].wait()
            pltpu.sync_copy(bufs[k],
                            out_hbm.at[pl.ds((base + g0 + k) * CHUNK, CHUNK)])

    return functools.partial(
        pl.kernel,
        out_type=jax.ShapeDtypeStruct((e_sz, D), jnp.float32),
        mesh=plsc.VectorSubcoreMesh(core_axis_name="c", subcore_axis_name="s"),
        scratch_types=[
            pltpu.VMEM((cpw, CHUNK), jnp.int32),
            pltpu.VMEM((CHUNK, D), jnp.float32),
            pltpu.VMEM((CHUNK, D), jnp.float32),
            pltpu.VMEM((CHUNK, D), jnp.float32),
            pltpu.VMEM((CHUNK, D), jnp.float32),
            pltpu.SemaphoreType.DMA,
            pltpu.SemaphoreType.DMA,
            pltpu.SemaphoreType.DMA,
            pltpu.SemaphoreType.DMA,
        ],
    )(body)


_sc_gather = {e: _make_gather(e) for e in set(SLICES)}


def _edge_kernel(gs_ref, gd_ref, sc_ref, ea_ref, wr0_ref, br0_ref, wr1_ref,
                 br1_ref, wr2_ref, br2_ref, wla_ref, wlv_ref, bla_ref, blv_ref,
                 a_ref, out_ref):
    h = _silu(jnp.dot(sc_ref[...], wr0_ref[...], preferred_element_type=jnp.float32)
              + br0_ref[...])
    h = _silu(jnp.dot(h, wr1_ref[...], preferred_element_type=jnp.float32)
              + br1_ref[...])
    msg = gs_ref[...] + gd_ref[...]
    ea = ea_ref[...]
    w2 = wr2_ref[...]
    b2 = br2_ref[...]
    wla = wla_ref[...]
    wlv = wlv_ref[...]
    f_a = jnp.broadcast_to(bla_ref[...], (TE, MUL_ALPHA))
    f_v = jnp.broadcast_to(blv_ref[...], (TE, D))
    for c in range(D_EDGE):
        w_c = (jnp.dot(h, w2[:, c * D:(c + 1) * D], preferred_element_type=jnp.float32)
               + b2[:, c * D:(c + 1) * D])
        d_c = msg * ea[:, c:c + 1] * w_c
        f_a = f_a + jnp.dot(d_c, wla[c * D:(c + 1) * D, :],
                            preferred_element_type=jnp.float32)
        f_v = f_v + jnp.dot(d_c, wlv[c * D:(c + 1) * D, :],
                            preferred_element_type=jnp.float32)
    alpha = _smooth_leaky_relu(f_a)
    logits = jnp.dot(alpha, a_ref[...], preferred_element_type=jnp.float32)
    ex = jnp.exp(logits)
    val = _silu(f_v)
    head = lax.broadcasted_iota(jnp.int32, (NUM_HEADS, D), 0)
    lane_head = lax.broadcasted_iota(jnp.int32, (NUM_HEADS, D), 1) // HEAD_DIM
    sel = (head == lane_head).astype(jnp.float32)
    exb = jnp.dot(ex, sel, preferred_element_type=jnp.float32)
    out_ref[0] = val * exb
    out_ref[1] = exb


def _edge_pipeline(g_src, g_dst, edge_scalars, edge_attr, W_r0, b_r0, W_r1,
                   b_r1, W_r2p, b_r2p, W_la, W_lv, b_la, b_lv, A):
    e_sz = g_src.shape[0]
    rep = lambda shape: pl.BlockSpec(shape, lambda i: tuple(0 for _ in shape))
    return pl.pallas_call(
        _edge_kernel,
        grid=(e_sz // TE,),
        in_specs=[
            pl.BlockSpec((TE, D), lambda i: (i, 0)),
            pl.BlockSpec((TE, D), lambda i: (i, 0)),
            pl.BlockSpec((TE, FC), lambda i: (i, 0)),
            pl.BlockSpec((TE, D_EDGE), lambda i: (i, 0)),
            rep((FC, FC)),
            rep((1, FC)),
            rep((FC, FC)),
            rep((1, FC)),
            rep((FC, D * D_EDGE)),
            rep((1, D * D_EDGE)),
            rep((D * D_EDGE, MUL_ALPHA)),
            rep((D * D_EDGE, D)),
            rep((1, MUL_ALPHA)),
            rep((1, D)),
            rep((MUL_ALPHA, NUM_HEADS)),
        ],
        out_specs=pl.BlockSpec((2, TE, D), lambda i: (0, i, 0)),
        out_shape=jax.ShapeDtypeStruct((2, e_sz, D), jnp.float32),
    )(g_src, g_dst, edge_scalars, edge_attr, W_r0, b_r0.reshape(1, FC), W_r1,
      b_r1.reshape(1, FC), W_r2p, b_r2p.reshape(1, D * D_EDGE), W_la, W_lv,
      b_la.reshape(1, MUL_ALPHA), b_lv.reshape(1, D), A)


def _make_scatter(e_sz):
    cps = e_sz // (NS * CHUNK)

    def body(attn_hbm, idx_hbm, zeros_hbm, out_hbm, idx_v, b0, b1, s0, s1,
             acc_sh):
        c = lax.axis_index("c")
        s = lax.axis_index("s")
        pltpu.sync_copy(zeros_hbm.at[pl.ds(s * ROWS_PER_S, ROWS_PER_S)],
                        acc_sh.at[pl.ds(s * ROWS_PER_S, ROWS_PER_S)])
        pltpu.sync_copy(idx_hbm.at[s], idx_v)
        plsc.subcore_barrier()
        base = s * cps

        def pair(p, carry):
            g = p * 2
            cp0 = pltpu.async_copy(
                attn_hbm.at[c, pl.ds((base + g) * CHUNK, CHUNK)], b0, s0)
            cp1 = pltpu.async_copy(
                attn_hbm.at[c, pl.ds((base + g + 1) * CHUNK, CHUNK)], b1, s1)
            cp0.wait()
            pltpu.sync_copy(b0, acc_sh.at[idx_v.at[g]], add=True)
            cp1.wait()
            pltpu.sync_copy(b1, acc_sh.at[idx_v.at[g + 1]], add=True)
            return carry

        lax.fori_loop(0, cps // 2, pair, 0)
        plsc.subcore_barrier()
        pltpu.sync_copy(acc_sh.at[pl.ds(s * ROWS_PER_S, ROWS_PER_S)],
                        out_hbm.at[c, pl.ds(s * ROWS_PER_S, ROWS_PER_S)])

    return functools.partial(
        pl.kernel,
        out_type=jax.ShapeDtypeStruct((NC, NPAD, D), jnp.float32),
        mesh=plsc.VectorSubcoreMesh(core_axis_name="c", subcore_axis_name="s"),
        scratch_types=[
            pltpu.VMEM((cps, CHUNK), jnp.int32),
            pltpu.VMEM((CHUNK, D), jnp.float32),
            pltpu.VMEM((CHUNK, D), jnp.float32),
            pltpu.SemaphoreType.DMA,
            pltpu.SemaphoreType.DMA,
            pltpu.VMEM_SHARED((NPAD, D), jnp.float32),
        ],
    )(body)


_sc_scatter = {e: _make_scatter(e) for e in set(SLICES)}


def _proj_kernel(a0_ref, a1_ref, b0_ref, b1_ref, c0_ref, c1_ref, wp_ref,
                 bp_ref, o_ref):
    num = a0_ref[0] + b0_ref[0] + c0_ref[0]
    den = a1_ref[0] + b1_ref[0] + c1_ref[0]
    x = num / (den + 1e-9)
    o_ref[...] = (jnp.dot(x, wp_ref[...], preferred_element_type=jnp.float32)
                  + bp_ref[...])


def _project(acc_a, acc_b, acc_c, W_proj, b_proj):
    pspec = lambda c: pl.BlockSpec((1, N_BLK, D), lambda i, c=c: (c, i, 0))
    return pl.pallas_call(
        _proj_kernel,
        grid=(GRID_N,),
        in_specs=[
            pspec(0), pspec(1), pspec(0), pspec(1), pspec(0), pspec(1),
            pl.BlockSpec((D, D), lambda i: (0, 0)),
            pl.BlockSpec((1, D), lambda i: (0, 0)),
        ],
        out_specs=pl.BlockSpec((N_BLK, D), lambda i: (i, 0)),
        out_shape=jax.ShapeDtypeStruct((N, D), jnp.float32),
    )(acc_a, acc_a, acc_b, acc_b, acc_c, acc_c, W_proj, b_proj.reshape(1, D))


def kernel(node_input, node_attr, edge_src, edge_dst, edge_attr, edge_scalars,
           batch, W_src, b_src, W_dst, b_dst, W_r0, b_r0, W_r1, b_r1, W_r2,
           b_r2, W_lin, b_lin, alpha_dot, W_proj, b_proj):
    W_r2p = W_r2.reshape(FC, D, D_EDGE).transpose(0, 2, 1).reshape(FC, D * D_EDGE)
    b_r2p = b_r2.reshape(D, D_EDGE).T.reshape(D * D_EDGE)
    W_linp = W_lin.reshape(D, D_EDGE, MUL_ALPHA + D).transpose(1, 0, 2)
    W_linp = W_linp.reshape(D * D_EDGE, MUL_ALPHA + D)
    W_la = W_linp[:, :MUL_ALPHA]
    W_lv = W_linp[:, MUL_ALPHA:]
    b_la = b_lin[:MUL_ALPHA]
    b_lv = b_lin[MUL_ALPHA:]
    flat = alpha_dot.reshape(-1)
    rows = jnp.arange(MUL_ALPHA)
    A = jnp.zeros((MUL_ALPHA, NUM_HEADS), jnp.float32).at[rows, rows // 8].set(flat)

    src32 = edge_src.astype(jnp.int32)
    dst32 = edge_dst.astype(jnp.int32)
    msg_src, msg_dst = _node_messages(node_input, node_attr, W_src, b_src,
                                      W_dst, b_dst)
    zeros = jnp.zeros((NPAD, D), jnp.float32)

    accs = []
    off = 0
    for e_sz in SLICES:
        sl = slice(off, off + e_sz)
        src_idx = src32[sl].reshape(NW, e_sz // (NW * CHUNK), CHUNK)
        dst_idx = dst32[sl].reshape(NW, e_sz // (NW * CHUNK), CHUNK)
        dst_idx_sc = dst32[sl].reshape(NS, e_sz // (NS * CHUNK), CHUNK)
        g_src = _sc_gather[e_sz](msg_src, src_idx)
        g_dst = _sc_gather[e_sz](msg_dst, dst_idx)
        attn_ext = _edge_pipeline(g_src, g_dst, edge_scalars[sl],
                                  edge_attr[sl], W_r0, b_r0, W_r1, b_r1,
                                  W_r2p, b_r2p, W_la, W_lv, b_la, b_lv, A)
        accs.append(_sc_scatter[e_sz](attn_ext, dst_idx_sc, zeros))
        off += e_sz

    return _project(accs[0], accs[1], accs[2], W_proj, b_proj)

# --- scband reference (transcript-rebuilt; emitter-appended) ---
"""Pipeline reference for scband-graph-attention-18726057411373 (READ-ONLY COPY).

The authoritative reference and input builder live on the scoring server;
editing this copy changes nothing except your own understanding.
"""

import jax, jax.numpy as jnp
import numpy as np

N = 10000
E = 160000
D = 128
D_EDGE = 4
FC = 64
NUM_HEADS = 4
HEAD_DIM = 32
MUL_ALPHA_HEAD = 8
MUL_ALPHA = NUM_HEADS * MUL_ALPHA_HEAD
DTP_DIM = D * D_EDGE


def setup_inputs(seed: int = 0) -> dict:
    key = jax.random.key(seed)
    ks = jax.random.split(key, 20)
    node_input = jax.random.normal(ks[0], (N, D), dtype=jnp.float32)
    node_attr = jnp.ones((N, 1), dtype=jnp.float32)
    edge_src = jax.random.randint(ks[1], (E,), 0, N, dtype=jnp.int64) if jax.config.jax_enable_x64 else jax.random.randint(ks[1], (E,), 0, N)
    edge_dst = jnp.sort(jax.random.randint(ks[2], (E,), 0, N))
    edge_attr = jax.random.normal(ks[3], (E, D_EDGE), dtype=jnp.float32)
    edge_scalars = jax.random.normal(ks[4], (E, FC), dtype=jnp.float32)
    batch = jnp.zeros((N,), dtype=jnp.int32)
    # learned parameters
    W_src = jax.random.normal(ks[5], (D, D), dtype=jnp.float32) / np.sqrt(D)
    b_src = jnp.zeros((D,), dtype=jnp.float32)
    W_dst = jax.random.normal(ks[6], (D, D), dtype=jnp.float32) / np.sqrt(D)
    b_dst = jnp.zeros((D,), dtype=jnp.float32)
    # radial profile MLP producing depthwise-TP weights
    W_r0 = jax.random.normal(ks[7], (FC, FC), dtype=jnp.float32) / np.sqrt(FC)
    b_r0 = jnp.zeros((FC,), dtype=jnp.float32)
    W_r1 = jax.random.normal(ks[8], (FC, FC), dtype=jnp.float32) / np.sqrt(FC)
    b_r1 = jnp.zeros((FC,), dtype=jnp.float32)
    W_r2 = jax.random.normal(ks[9], (FC, DTP_DIM), dtype=jnp.float32) / np.sqrt(FC)
    b_r2 = jnp.zeros((DTP_DIM,), dtype=jnp.float32)
    # linear after DTP producing [alpha_scalars | value]
    W_lin = jax.random.normal(ks[10], (DTP_DIM, MUL_ALPHA + D), dtype=jnp.float32) / np.sqrt(DTP_DIM)
    b_lin = jnp.zeros((MUL_ALPHA + D,), dtype=jnp.float32)
    alpha_dot = jax.random.normal(ks[11], (NUM_HEADS, MUL_ALPHA_HEAD), dtype=jnp.float32) / np.sqrt(MUL_ALPHA_HEAD)
    W_proj = jax.random.normal(ks[12], (D, D), dtype=jnp.float32) / np.sqrt(D)
    b_proj = jnp.zeros((D,), dtype=jnp.float32)
    return {
        'node_input': node_input, 'node_attr': node_attr,
        'edge_src': edge_src, 'edge_dst': edge_dst,
        'edge_attr': edge_attr, 'edge_scalars': edge_scalars, 'batch': batch,
        'W_src': W_src, 'b_src': b_src, 'W_dst': W_dst, 'b_dst': b_dst,
        'W_r0': W_r0, 'b_r0': b_r0, 'W_r1': W_r1, 'b_r1': b_r1,
        'W_r2': W_r2, 'b_r2': b_r2, 'W_lin': W_lin, 'b_lin': b_lin,
        'alpha_dot': alpha_dot, 'W_proj': W_proj, 'b_proj': b_proj,
    }


def _smooth_leaky_relu(x, a=0.2):
    return 0.5 * (1.0 + a) * x + 0.5 * (1.0 - a) * x * (2.0 * jax.nn.sigmoid(x) - 1.0)


def reference(node_input, node_attr, edge_src, edge_dst, edge_attr, edge_scalars, batch,
              W_src, b_src, W_dst, b_dst, W_r0, b_r0, W_r1, b_r1, W_r2, b_r2,
              W_lin, b_lin, alpha_dot, W_proj, b_proj):
    n = node_input.shape[0]
    e = edge_src.shape[0]
    # merge_src / merge_dst: FullyConnectedTensorProductRescale with scalar node_attr ('1x0e')
    x = node_input * node_attr  # node_attr is 1x0e scalar -> elementwise
    msg_src = x @ W_src + b_src
    msg_dst = x @ W_dst + b_dst
    message = msg_src[edge_src] + msg_dst[edge_dst]  # [E, D] gather
    # RadialProfile: edge_scalars -> depthwise TP weights (uvu, scalar irreps)
    h = jax.nn.silu(edge_scalars @ W_r0 + b_r0)
    h = jax.nn.silu(h @ W_r1 + b_r1)
    w = (h @ W_r2 + b_r2).reshape(e, D, D_EDGE)
    # DepthwiseTensorProduct (uvu) for scalar irreps: outer product weighted per-edge
    dtp = message[:, :, None] * edge_attr[:, None, :] * w  # [E, D, D_EDGE]
    dtp = dtp.reshape(e, DTP_DIM)
    # linear to [alpha scalars | value]
    f = dtp @ W_lin + b_lin
    alpha = f[:, :MUL_ALPHA].reshape(e, NUM_HEADS, MUL_ALPHA_HEAD)  # Vec2AttnHeads
    value = jax.nn.silu(f[:, MUL_ALPHA:])  # Gate (scalar irreps -> plain activation)
    value = value.reshape(e, NUM_HEADS, HEAD_DIM)  # Vec2AttnHeads
    # attention logits
    alpha = _smooth_leaky_relu(alpha)
    alpha = jnp.einsum('ehk,hk->eh', alpha, alpha_dot)  # [E, H]
    # softmax over edges grouped by destination node
    amax = jax.ops.segment_max(alpha, edge_dst, num_segments=n)
    amax = jnp.where(jnp.isfinite(amax), amax, 0.0)
    amax = jax.lax.stop_gradient(amax)
    ex = jnp.exp(alpha - amax[edge_dst])
    denom = jax.ops.segment_sum(ex, edge_dst, num_segments=n)
    alpha = ex / (denom[edge_dst] + 1e-9)
    attn = value * alpha[:, :, None]  # [E, H, HEAD_DIM]
    # scatter-add messages to destination nodes, AttnHeads2Vec
    out = jax.ops.segment_sum(attn.reshape(e, D), edge_dst, num_segments=n)
    node_output = out @ W_proj + b_proj  # LinearRS proj
    return node_output

if __name__ == "__main__":
    import jax
    _d = setup_inputs()
    print(jax.jit(kernel)(*tuple(_d.values())))

</pallas_src>

<mosaic_0001>
#map = affine_map<(d0, d1) -> (0, 0)>
#map1 = affine_map<(d0, d1) -> (0, 0, 0)>
module attributes {stable_mosaic.version = 14 : i64} {
  func.func @body(%arg0: i32, %arg1: i32, %arg2: memref<10000x128xf32, #tpu.memory_space<hbm>>, %arg3: memref<32x50x40xi32, #tpu.memory_space<hbm>>, %arg4: memref<64000x128xf32, #tpu.memory_space<hbm>>, %arg5: memref<50x40xi32, #tpu.memory_space<vmem>>, %arg6: memref<40x128xf32, #tpu.memory_space<vmem>>, %arg7: memref<40x128xf32, #tpu.memory_space<vmem>>, %arg8: memref<40x128xf32, #tpu.memory_space<vmem>>, %arg9: memref<40x128xf32, #tpu.memory_space<vmem>>, %arg10: memref<!tpu.dma_semaphore, #tpu.memory_space<semaphore_mem>>, %arg11: memref<!tpu.dma_semaphore, #tpu.memory_space<semaphore_mem>>, %arg12: memref<!tpu.dma_semaphore, #tpu.memory_space<semaphore_mem>>, %arg13: memref<!tpu.dma_semaphore, #tpu.memory_space<semaphore_mem>>) attributes {dimension_semantics = [#tpu.dimension_semantics<core_parallel>, #tpu.dimension_semantics<subcore_parallel>], iteration_bounds = array<i64: 2, 16>, scalar_prefetch = 0 : i64, scratch_operands = 9 : i64, tpu.core_type = #tpu.core_type<sc_vector_subcore>, window_params = [{transform_indices = #map}, {transform_indices = #map1}, {transform_indices = #map}]} {
    %mul3A = arith.constant 16 : i32
    %mul3A_0 = arith.muli %arg0, %mul3A : i32
    %add3A = arith.addi %mul3A_0, %arg1 : i32
    "tpu.region"() ({
      %run_scoped3A = tpu.sem_alloc : memref<!tpu.dma_semaphore, #tpu.memory_space<semaphore_mem>>
      %dma_start3A_46 = arith.constant 0 : i32
      %dma_start3A_47 = arith.constant 0 : i32
      %dma_start3A_48 = tpu.memref_slice %arg3[%add3A, %dma_start3A_46, %dma_start3A_47] : memref<32x50x40xi32, #tpu.memory_space<hbm>> -> memref<1x50x40xi32, #tpu.memory_space<hbm>>
      %dma_start3A_49 = tpu.memref_squeeze %dma_start3A_48 : memref<1x50x40xi32, #tpu.memory_space<hbm>> -> memref<50x40xi32, #tpu.memory_space<hbm>>
      %dma_start3A_50 = arith.constant 0 : i32
      %dma_start3A_51 = arith.constant 0 : i32
      %dma_start3A_52 = tpu.memref_slice %arg3[%add3A, %dma_start3A_50, %dma_start3A_51] : memref<32x50x40xi32, #tpu.memory_space<hbm>> -> memref<1x50x40xi32, #tpu.memory_space<hbm>>
      %dma_start3A_53 = tpu.memref_squeeze %dma_start3A_52 : memref<1x50x40xi32, #tpu.memory_space<hbm>> -> memref<50x40xi32, #tpu.memory_space<hbm>>
      tpu.enqueue_dma source(%dma_start3A_53 : memref<50x40xi32, #tpu.memory_space<hbm>>) target(%arg5 : memref<50x40xi32, #tpu.memory_space<vmem>>) target_semaphore(%run_scoped3A : memref<!tpu.dma_semaphore, #tpu.memory_space<semaphore_mem>>)
      %dma_wait3A_54 = arith.constant 0 : i32
      %dma_wait3A_55 = arith.constant 0 : i32
      %dma_wait3A_56 = tpu.memref_slice %arg3[%add3A, %dma_wait3A_54, %dma_wait3A_55] : memref<32x50x40xi32, #tpu.memory_space<hbm>> -> memref<1x50x40xi32, #tpu.memory_space<hbm>>
      %dma_wait3A_57 = tpu.memref_squeeze %dma_wait3A_56 : memref<1x50x40xi32, #tpu.memory_space<hbm>> -> memref<50x40xi32, #tpu.memory_space<hbm>>
      %dma_wait3A_58 = arith.constant 0 : i32
      %dma_wait3A_59 = arith.constant 0 : i32
      %dma_wait3A_60 = tpu.memref_slice %arg3[%add3A, %dma_wait3A_58, %dma_wait3A_59] : memref<32x50x40xi32, #tpu.memory_space<hbm>> -> memref<1x50x40xi32, #tpu.memory_space<hbm>>
      %dma_wait3A_61 = tpu.memref_squeeze %dma_wait3A_60 : memref<1x50x40xi32, #tpu.memory_space<hbm>> -> memref<50x40xi32, #tpu.memory_space<hbm>>
      tpu.wait_dma2 semaphore(%run_scoped3A : memref<!tpu.dma_semaphore, #tpu.memory_space<semaphore_mem>>) src(%dma_wait3A_61 : memref<50x40xi32, #tpu.memory_space<hbm>>) dst(%arg5 : memref<50x40xi32, #tpu.memory_space<vmem>>)
      tpu.yield
    }) : () -> ()
    %mul3A_1 = arith.constant 50 : i32
    %mul3A_2 = arith.muli %add3A, %mul3A_1 : i32
    %scan3A = arith.constant 0 : i32
    %scan3A_3 = arith.constant 0 : i32
    %scan3A_4 = arith.constant 12 : i32
    %scan3A_5 = arith.addi %scan3A_3, %scan3A_4 : i32
    %scan3A_6 = arith.constant 1 : i32
    scf.for %scan3A_46 = %scan3A_3 to %scan3A_5 step %scan3A_6  : i32 {
      %mul3A_47 = arith.constant 4 : i32
      %mul3A_48 = arith.muli %scan3A_46, %mul3A_47 : i32
      %add3A_49 = arith.constant 0 : i32
      %add3A_50 = arith.addi %mul3A_48, %add3A_49 : i32
      %dma_start3A_51 = arith.constant 0 : i32
      %dma_start3A_52 = tpu.memref_slice %arg5[%add3A_50, %dma_start3A_51] : memref<50x40xi32, #tpu.memory_space<vmem>> -> memref<1x40xi32, #tpu.memory_space<vmem>>
      %dma_start3A_53 = tpu.memref_squeeze %dma_start3A_52 : memref<1x40xi32, #tpu.memory_space<vmem>> -> memref<40xi32, #tpu.memory_space<vmem>>
      %dma_start3A_54 = arith.constant 0 : i32
      %dma_start3A_55 = arith.constant 0 : i32
      %dma_start3A_56 = tpu.memref_slice %arg2[%dma_start3A_54, %dma_start3A_55] : memref<10000x128xf32, #tpu.memory_space<hbm>> -> memref<10000x128xf32, #tpu.memory_space<hbm>>
      tpu.enqueue_indirect_dma source(%dma_start3A_56 : memref<10000x128xf32, #tpu.memory_space<hbm>>) target(%arg6 : memref<40x128xf32, #tpu.memory_space<vmem>>) offsets(%dma_start3A_53 : memref<40xi32, #tpu.memory_space<vmem>>) semaphore(%arg10 : memref<!tpu.dma_semaphore, #tpu.memory_space<semaphore_mem>>)
      %add3A_57 = arith.constant 1 : i32
      %add3A_58 = arith.addi %mul3A_48, %add3A_57 : i32
      %dma_start3A_59 = arith.constant 0 : i32
      %dma_start3A_60 = tpu.memref_slice %arg5[%add3A_58, %dma_start3A_59] : memref<50x40xi32, #tpu.memory_space<vmem>> -> memref<1x40xi32, #tpu.memory_space<vmem>>
      %dma_start3A_61 = tpu.memref_squeeze %dma_start3A_60 : memref<1x40xi32, #tpu.memory_space<vmem>> -> memref<40xi32, #tpu.memory_space<vmem>>
      %dma_start3A_62 = arith.constant 0 : i32
      %dma_start3A_63 = arith.constant 0 : i32
      %dma_start3A_64 = tpu.memref_slice %arg2[%dma_start3A_62, %dma_start3A_63] : memref<10000x128xf32, #tpu.memory_space<hbm>> -> memref<10000x128xf32, #tpu.memory_space<hbm>>
      tpu.enqueue_indirect_dma source(%dma_start3A_64 : memref<10000x128xf32, #tpu.memory_space<hbm>>) target(%arg7 : memref<40x128xf32, #tpu.memory_space<vmem>>) offsets(%dma_start3A_61 : memref<40xi32, #tpu.memory_space<vmem>>) semaphore(%arg11 : memref<!tpu.dma_semaphore, #tpu.memory_space<semaphore_mem>>)
      %add3A_65 = arith.constant 2 : i32
      %add3A_66 = arith.addi %mul3A_48, %add3A_65 : i32
      %dma_start3A_67 = arith.constant 0 : i32
      %dma_start3A_68 = tpu.memref_slice %arg5[%add3A_66, %dma_start3A_67] : memref<50x40xi32, #tpu.memory_space<vmem>> -> memref<1x40xi32, #tpu.memory_space<vmem>>
      %dma_start3A_69 = tpu.memref_squeeze %dma_start3A_68 : memref<1x40xi32, #tpu.memory_space<vmem>> -> memref<40xi32, #tpu.memory_space<vmem>>
      %dma_start3A_70 = arith.constant 0 : i32
      %dma_start3A_71 = arith.constant 0 : i32
      %dma_start3A_72 = tpu.memref_slice %arg2[%dma_start3A_70, %dma_start3A_71] : memref<10000x128xf32, #tpu.memory_space<hbm>> -> memref<10000x128xf32, #tpu.memory_space<hbm>>
      tpu.enqueue_indirect_dma source(%dma_start3A_72 : memref<10000x128xf32, #tpu.memory_space<hbm>>) target(%arg8 : memref<40x128xf32, #tpu.memory_space<vmem>>) offsets(%dma_start3A_69 : memref<40xi32, #tpu.memory_space<vmem>>) semaphore(%arg12 : memref<!tpu.dma_semaphore, #tpu.memory_space<semaphore_mem>>)
      %add3A_73 = arith.constant 3 : i32
      %add3A_74 = arith.addi %mul3A_48, %add3A_73 : i32
      %dma_start3A_75 = arith.constant 0 : i32
      %dma_start3A_76 = tpu.memref_slice %arg5[%add3A_74, %dma_start3A_75] : memref<50x40xi32, #tpu.memory_space<vmem>> -> memref<1x40xi32, #tpu.memory_space<vmem>>
      %dma_start3A_77 = tpu.memref_squeeze %dma_start3A_76 : memref<1x40xi32, #tpu.memory_space<vmem>> -> memref<40xi32, #tpu.memory_space<vmem>>
      %dma_start3A_78 = arith.constant 0 : i32
      %dma_start3A_79 = arith.constant 0 : i32
      %dma_start3A_80 = tpu.memref_slice %arg2[%dma_start3A_78, %dma_start3A_79] : memref<10000x128xf32, #tpu.memory_space<hbm>> -> memref<10000x128xf32, #tpu.memory_space<hbm>>
      tpu.enqueue_indirect_dma source(%dma_start3A_80 : memref<10000x128xf32, #tpu.memory_space<hbm>>) target(%arg9 : memref<40x128xf32, #tpu.memory_space<vmem>>) offsets(%dma_start3A_77 : memref<40xi32, #tpu.memory_space<vmem>>) semaphore(%arg13 : memref<!tpu.dma_semaphore, #tpu.memory_space<semaphore_mem>>)
      %dma_wait3A_81 = arith.constant 0 : i32
      %dma_wait3A_82 = tpu.memref_slice %arg5[%add3A_50, %dma_wait3A_81] : memref<50x40xi32, #tpu.memory_space<vmem>> -> memref<1x40xi32, #tpu.memory_space<vmem>>
      %dma_wait3A_83 = tpu.memref_squeeze %dma_wait3A_82 : memref<1x40xi32, #tpu.memory_space<vmem>> -> memref<40xi32, #tpu.memory_space<vmem>>
      %dma_wait3A_84 = arith.constant 0 : i32
      %dma_wait3A_85 = arith.constant 0 : i32
      %dma_wait3A_86 = tpu.memref_slice %arg2[%dma_wait3A_84, %dma_wait3A_85] : memref<10000x128xf32, #tpu.memory_space<hbm>> -> memref<10000x128xf32, #tpu.memory_space<hbm>>
      tpu.wait_indirect_dma semaphore(%arg10 : memref<!tpu.dma_semaphore, #tpu.memory_space<semaphore_mem>>) src(%dma_wait3A_86 : memref<10000x128xf32, #tpu.memory_space<hbm>>) dst(%arg6 : memref<40x128xf32, #tpu.memory_space<vmem>>)
      %add3A_87 = arith.addi %mul3A_2, %mul3A_48 : i32
      %add3A_88 = arith.constant 0 : i32
      %add3A_89 = arith.addi %add3A_87, %add3A_88 : i32
      %mul3A_90 = arith.constant 40 : i32
      %mul3A_91 = arith.muli %add3A_89, %mul3A_90 : i32
      "tpu.region"() ({
        %run_scoped3A = tpu.sem_alloc : memref<!tpu.dma_semaphore, #tpu.memory_space<semaphore_mem>>
        %dma_start3A_125 = arith.constant 0 : i32
        %dma_start3A_126 = tpu.memref_slice %arg4[%mul3A_91, %dma_start3A_125] : memref<64000x128xf32, #tpu.memory_space<hbm>> -> memref<40x128xf32, #tpu.memory_space<hbm>>
        %dma_start3A_127 = arith.constant 0 : i32
        %dma_start3A_128 = tpu.memref_slice %arg4[%mul3A_91, %dma_start3A_127] : memref<64000x128xf32, #tpu.memory_space<hbm>> -> memref<40x128xf32, #tpu.memory_space<hbm>>
        tpu.enqueue_dma source(%arg6 : memref<40x128xf32, #tpu.memory_space<vmem>>) target(%dma_start3A_128 : memref<40x128xf32, #tpu.memory_space<hbm>>) target_semaphore(%run_scoped3A : memref<!tpu.dma_semaphore, #tpu.memory_space<semaphore_mem>>)
        %dma_wait3A_129 = arith.constant 0 : i32
        %dma_wait3A_130 = tpu.memref_slice %arg4[%mul3A_91, %dma_wait3A_129] : memref<64000x128xf32, #tpu.memory_space<hbm>> -> memref<40x128xf32, #tpu.memory_space<hbm>>
        %dma_wait3A_131 = arith.constant 0 : i32
        %dma_wait3A_132 = tpu.memref_slice %arg4[%mul3A_91, %dma_wait3A_131] : memref<64000x128xf32, #tpu.memory_space<hbm>> -> memref<40x128xf32, #tpu.memory_space<hbm>>
        tpu.wait_dma2 semaphore(%run_scoped3A : memref<!tpu.dma_semaphore, #tpu.memory_space<semaphore_mem>>) src(%arg6 : memref<40x128xf32, #tpu.memory_space<vmem>>) dst(%dma_wait3A_132 : memref<40x128xf32, #tpu.memory_space<hbm>>)
        tpu.yield
      }) : () -> ()
      %dma_wait3A_92 = arith.constant 0 : i32
      %dma_wait3A_93 = tpu.memref_slice %arg5[%add3A_58, %dma_wait3A_92] : memref<50x40xi32, #tpu.memory_space<vmem>> -> memref<1x40xi32, #tpu.memory_space<vmem>>
      %dma_wait3A_94 = tpu.memref_squeeze %dma_wait3A_93 : memref<1x40xi32, #tpu.memory_space<vmem>> -> memref<40xi32, #tpu.memory_space<vmem>>
      %dma_wait3A_95 = arith.constant 0 : i32
      %dma_wait3A_96 = arith.constant 0 : i32
      %dma_wait3A_97 = tpu.memref_slice %arg2[%dma_wait3A_95, %dma_wait3A_96] : memref<10000x128xf32, #tpu.memory_space<hbm>> -> memref<10000x128xf32, #tpu.memory_space<hbm>>
      tpu.wait_indirect_dma semaphore(%arg11 : memref<!tpu.dma_semaphore, #tpu.memory_space<semaphore_mem>>) src(%dma_wait3A_97 : memref<10000x128xf32, #tpu.memory_space<hbm>>) dst(%arg7 : memref<40x128xf32, #tpu.memory_space<vmem>>)
      %add3A_98 = arith.addi %mul3A_2, %mul3A_48 : i32
      %add3A_99 = arith.constant 1 : i32
      %add3A_100 = arith.addi %add3A_98, %add3A_99 : i32
      %mul3A_101 = arith.constant 40 : i32
      %mul3A_102 = arith.muli %add3A_100, %mul3A_101 : i32
      "tpu.region"() ({
        %run_scoped3A = tpu.sem_alloc : memref<!tpu.dma_semaphore, #tpu.memory_space<semaphore_mem>>
        %dma_start3A_125 = arith.constant 0 : i32
        %dma_start3A_126 = tpu.memref_slice %arg4[%mul3A_102, %dma_start3A_125] : memref<64000x128xf32, #tpu.memory_space<hbm>> -> memref<40x128xf32, #tpu.memory_space<hbm>>
        %dma_start3A_127 = arith.constant 0 : i32
        %dma_start3A_128 = tpu.memref_slice %arg4[%mul3A_102, %dma_start3A_127] : memref<64000x128xf32, #tpu.memory_space<hbm>> -> memref<40x128xf32, #tpu.memory_space<hbm>>
        tpu.enqueue_dma source(%arg7 : memref<40x128xf32, #tpu.memory_space<vmem>>) target(%dma_start3A_128 : memref<40x128xf32, #tpu.memory_space<hbm>>) target_semaphore(%run_scoped3A : memref<!tpu.dma_semaphore, #tpu.memory_space<semaphore_mem>>)
        %dma_wait3A_129 = arith.constant 0 : i32
        %dma_wait3A_130 = tpu.memref_slice %arg4[%mul3A_102, %dma_wait3A_129] : memref<64000x128xf32, #tpu.memory_space<hbm>> -> memref<40x128xf32, #tpu.memory_space<hbm>>
        %dma_wait3A_131 = arith.constant 0 : i32
        %dma_wait3A_132 = tpu.memref_slice %arg4[%mul3A_102, %dma_wait3A_131] : memref<64000x128xf32, #tpu.memory_space<hbm>> -> memref<40x128xf32, #tpu.memory_space<hbm>>
        tpu.wait_dma2 semaphore(%run_scoped3A : memref<!tpu.dma_semaphore, #tpu.memory_space<semaphore_mem>>) src(%arg7 : memref<40x128xf32, #tpu.memory_space<vmem>>) dst(%dma_wait3A_132 : memref<40x128xf32, #tpu.memory_space<hbm>>)
        tpu.yield
      }) : () -> ()
      %dma_wait3A_103 = arith.constant 0 : i32
      %dma_wait3A_104 = tpu.memref_slice %arg5[%add3A_66, %dma_wait3A_103] : memref<50x40xi32, #tpu.memory_space<vmem>> -> memref<1x40xi32, #tpu.memory_space<vmem>>
      %dma_wait3A_105 = tpu.memref_squeeze %dma_wait3A_104 : memref<1x40xi32, #tpu.memory_space<vmem>> -> memref<40xi32, #tpu.memory_space<vmem>>
      %dma_wait3A_106 = arith.constant 0 : i32
      %dma_wait3A_107 = arith.constant 0 : i32
      %dma_wait3A_108 = tpu.memref_slice %arg2[%dma_wait3A_106, %dma_wait3A_107] : memref<10000x128xf32, #tpu.memory_space<hbm>> -> memref<10000x128xf32, #tpu.memory_space<hbm>>
      tpu.wait_indirect_dma semaphore(%arg12 : memref<!tpu.dma_semaphore, #tpu.memory_space<semaphore_mem>>) src(%dma_wait3A_108 : memref<10000x128xf32, #tpu.memory_space<hbm>>) dst(%arg8 : memref<40x128xf32, #tpu.memory_space<vmem>>)
      %add3A_109 = arith.addi %mul3A_2, %mul3A_48 : i32
      %add3A_110 = arith.constant 2 : i32
      %add3A_111 = arith.addi %add3A_109, %add3A_110 : i32
      %mul3A_112 = arith.constant 40 : i32
      %mul3A_113 = arith.muli %add3A_111, %mul3A_112 : i32
      "tpu.region"() ({
        %run_scoped3A = tpu.sem_alloc : memref<!tpu.dma_semaphore, #tpu.memory_space<semaphore_mem>>
        %dma_start3A_125 = arith.constant 0 : i32
        %dma_start3A_126 = tpu.memref_slice %arg4[%mul3A_113, %dma_start3A_125] : memref<64000x128xf32, #tpu.memory_space<hbm>> -> memref<40x128xf32, #tpu.memory_space<hbm>>
        %dma_start3A_127 = arith.constant 0 : i32
        %dma_start3A_128 = tpu.memref_slice %arg4[%mul3A_113, %dma_start3A_127] : memref<64000x128xf32, #tpu.memory_space<hbm>> -> memref<40x128xf32, #tpu.memory_space<hbm>>
        tpu.enqueue_dma source(%arg8 : memref<40x128xf32, #tpu.memory_space<vmem>>) target(%dma_start3A_128 : memref<40x128xf32, #tpu.memory_space<hbm>>) target_semaphore(%run_scoped3A : memref<!tpu.dma_semaphore, #tpu.memory_space<semaphore_mem>>)
        %dma_wait3A_129 = arith.constant 0 : i32
        %dma_wait3A_130 = tpu.memref_slice %arg4[%mul3A_113, %dma_wait3A_129] : memref<64000x128xf32, #tpu.memory_space<hbm>> -> memref<40x128xf32, #tpu.memory_space<hbm>>
        %dma_wait3A_131 = arith.constant 0 : i32
        %dma_wait3A_132 = tpu.memref_slice %arg4[%mul3A_113, %dma_wait3A_131] : memref<64000x128xf32, #tpu.memory_space<hbm>> -> memref<40x128xf32, #tpu.memory_space<hbm>>
        tpu.wait_dma2 semaphore(%run_scoped3A : memref<!tpu.dma_semaphore, #tpu.memory_space<semaphore_mem>>) src(%arg8 : memref<40x128xf32, #tpu.memory_space<vmem>>) dst(%dma_wait3A_132 : memref<40x128xf32, #tpu.memory_space<hbm>>)
        tpu.yield
      }) : () -> ()
      %dma_wait3A_114 = arith.constant 0 : i32
      %dma_wait3A_115 = tpu.memref_slice %arg5[%add3A_74, %dma_wait3A_114] : memref<50x40xi32, #tpu.memory_space<vmem>> -> memref<1x40xi32, #tpu.memory_space<vmem>>
      %dma_wait3A_116 = tpu.memref_squeeze %dma_wait3A_115 : memref<1x40xi32, #tpu.memory_space<vmem>> -> memref<40xi32, #tpu.memory_space<vmem>>
      %dma_wait3A_117 = arith.constant 0 : i32
      %dma_wait3A_118 = arith.constant 0 : i32
      %dma_wait3A_119 = tpu.memref_slice %arg2[%dma_wait3A_117, %dma_wait3A_118] : memref<10000x128xf32, #tpu.memory_space<hbm>> -> memref<10000x128xf32, #tpu.memory_space<hbm>>
      tpu.wait_indirect_dma semaphore(%arg13 : memref<!tpu.dma_semaphore, #tpu.memory_space<semaphore_mem>>) src(%dma_wait3A_119 : memref<10000x128xf32, #tpu.memory_space<hbm>>) dst(%arg9 : memref<40x128xf32, #tpu.memory_space<vmem>>)
      %add3A_120 = arith.addi %mul3A_2, %mul3A_48 : i32
      %add3A_121 = arith.constant 3 : i32
      %add3A_122 = arith.addi %add3A_120, %add3A_121 : i32
      %mul3A_123 = arith.constant 40 : i32
      %mul3A_124 = arith.muli %add3A_122, %mul3A_123 : i32
      "tpu.region"() ({
        %run_scoped3A = tpu.sem_alloc : memref<!tpu.dma_semaphore, #tpu.memory_space<semaphore_mem>>
        %dma_start3A_125 = arith.constant 0 : i32
        %dma_start3A_126 = tpu.memref_slice %arg4[%mul3A_124, %dma_start3A_125] : memref<64000x128xf32, #tpu.memory_space<hbm>> -> memref<40x128xf32, #tpu.memory_space<hbm>>
        %dma_start3A_127 = arith.constant 0 : i32
        %dma_start3A_128 = tpu.memref_slice %arg4[%mul3A_124, %dma_start3A_127] : memref<64000x128xf32, #tpu.memory_space<hbm>> -> memref<40x128xf32, #tpu.memory_space<hbm>>
        tpu.enqueue_dma source(%arg9 : memref<40x128xf32, #tpu.memory_space<vmem>>) target(%dma_start3A_128 : memref<40x128xf32, #tpu.memory_space<hbm>>) target_semaphore(%run_scoped3A : memref<!tpu.dma_semaphore, #tpu.memory_space<semaphore_mem>>)
        %dma_wait3A_129 = arith.constant 0 : i32
        %dma_wait3A_130 = tpu.memref_slice %arg4[%mul3A_124, %dma_wait3A_129] : memref<64000x128xf32, #tpu.memory_space<hbm>> -> memref<40x128xf32, #tpu.memory_space<hbm>>
        %dma_wait3A_131 = arith.constant 0 : i32
        %dma_wait3A_132 = tpu.memref_slice %arg4[%mul3A_124, %dma_wait3A_131] : memref<64000x128xf32, #tpu.memory_space<hbm>> -> memref<40x128xf32, #tpu.memory_space<hbm>>
        tpu.wait_dma2 semaphore(%run_scoped3A : memref<!tpu.dma_semaphore, #tpu.memory_space<semaphore_mem>>) src(%arg9 : memref<40x128xf32, #tpu.memory_space<vmem>>) dst(%dma_wait3A_132 : memref<40x128xf32, #tpu.memory_space<hbm>>)
        tpu.yield
      }) : () -> ()
    }
    %scan3A_7 = arith.constant 12 : i32
    %dma_start3A = arith.constant 48 : i32
    %dma_start3A_8 = arith.constant 0 : i32
    %dma_start3A_9 = tpu.memref_slice %arg5[%dma_start3A, %dma_start3A_8] : memref<50x40xi32, #tpu.memory_space<vmem>> -> memref<1x40xi32, #tpu.memory_space<vmem>>
    %dma_start3A_10 = tpu.memref_squeeze %dma_start3A_9 : memref<1x40xi32, #tpu.memory_space<vmem>> -> memref<40xi32, #tpu.memory_space<vmem>>
    %dma_start3A_11 = arith.constant 0 : i32
    %dma_start3A_12 = arith.constant 0 : i32
    %dma_start3A_13 = tpu.memref_slice %arg2[%dma_start3A_11, %dma_start3A_12] : memref<10000x128xf32, #tpu.memory_space<hbm>> -> memref<10000x128xf32, #tpu.memory_space<hbm>>
    tpu.enqueue_indirect_dma source(%dma_start3A_13 : memref<10000x128xf32, #tpu.memory_space<hbm>>) target(%arg6 : memref<40x128xf32, #tpu.memory_space<vmem>>) offsets(%dma_start3A_10 : memref<40xi32, #tpu.memory_space<vmem>>) semaphore(%arg10 : memref<!tpu.dma_semaphore, #tpu.memory_space<semaphore_mem>>)
    %dma_start3A_14 = arith.constant 49 : i32
    %dma_start3A_15 = arith.constant 0 : i32
    %dma_start3A_16 = tpu.memref_slice %arg5[%dma_start3A_14, %dma_start3A_15] : memref<50x40xi32, #tpu.memory_space<vmem>> -> memref<1x40xi32, #tpu.memory_space<vmem>>
    %dma_start3A_17 = tpu.memref_squeeze %dma_start3A_16 : memref<1x40xi32, #tpu.memory_space<vmem>> -> memref<40xi32, #tpu.memory_space<vmem>>
    %dma_start3A_18 = arith.constant 0 : i32
    %dma_start3A_19 = arith.constant 0 : i32
    %dma_start3A_20 = tpu.memref_slice %arg2[%dma_start3A_18, %dma_start3A_19] : memref<10000x128xf32, #tpu.memory_space<hbm>> -> memref<10000x128xf32, #tpu.memory_space<hbm>>
    tpu.enqueue_indirect_dma source(%dma_start3A_20 : memref<10000x128xf32, #tpu.memory_space<hbm>>) target(%arg7 : memref<40x128xf32, #tpu.memory_space<vmem>>) offsets(%dma_start3A_17 : memref<40xi32, #tpu.memory_space<vmem>>) semaphore(%arg11 : memref<!tpu.dma_semaphore, #tpu.memory_space<semaphore_mem>>)
    %dma_wait3A = arith.constant 48 : i32
    %dma_wait3A_21 = arith.constant 0 : i32
    %dma_wait3A_22 = tpu.memref_slice %arg5[%dma_wait3A, %dma_wait3A_21] : memref<50x40xi32, #tpu.memory_space<vmem>> -> memref<1x40xi32, #tpu.memory_space<vmem>>
    %dma_wait3A_23 = tpu.memref_squeeze %dma_wait3A_22 : memref<1x40xi32, #tpu.memory_space<vmem>> -> memref<40xi32, #tpu.memory_space<vmem>>
    %dma_wait3A_24 = arith.constant 0 : i32
    %dma_wait3A_25 = arith.constant 0 : i32
    %dma_wait3A_26 = tpu.memref_slice %arg2[%dma_wait3A_24, %dma_wait3A_25] : memref<10000x128xf32, #tpu.memory_space<hbm>> -> memref<10000x128xf32, #tpu.memory_space<hbm>>
    tpu.wait_indirect_dma semaphore(%arg10 : memref<!tpu.dma_semaphore, #tpu.memory_space<semaphore_mem>>) src(%dma_wait3A_26 : memref<10000x128xf32, #tpu.memory_space<hbm>>) dst(%arg6 : memref<40x128xf32, #tpu.memory_space<vmem>>)
    %add3A_27 = arith.constant 48 : i32
    %add3A_28 = arith.addi %mul3A_2, %add3A_27 : i32
    %add3A_29 = arith.constant 0 : i32
    %add3A_30 = arith.addi %add3A_28, %add3A_29 : i32
    %mul3A_31 = arith.constant 40 : i32
    %mul3A_32 = arith.muli %add3A_30, %mul3A_31 : i32
    "tpu.region"() ({
      %run_scoped3A = tpu.sem_alloc : memref<!tpu.dma_semaphore, #tpu.memory_space<semaphore_mem>>
      %dma_start3A_46 = arith.constant 0 : i32
      %dma_start3A_47 = tpu.memref_slice %arg4[%mul3A_32, %dma_start3A_46] : memref<64000x128xf32, #tpu.memory_space<hbm>> -> memref<40x128xf32, #tpu.memory_space<hbm>>
      %dma_start3A_48 = arith.constant 0 : i32
      %dma_start3A_49 = tpu.memref_slice %arg4[%mul3A_32, %dma_start3A_48] : memref<64000x128xf32, #tpu.memory_space<hbm>> -> memref<40x128xf32, #tpu.memory_space<hbm>>
      tpu.enqueue_dma source(%arg6 : memref<40x128xf32, #tpu.memory_space<vmem>>) target(%dma_start3A_49 : memref<40x128xf32, #tpu.memory_space<hbm>>) target_semaphore(%run_scoped3A : memref<!tpu.dma_semaphore, #tpu.memory_space<semaphore_mem>>)
      %dma_wait3A_50 = arith.constant 0 : i32
      %dma_wait3A_51 = tpu.memref_slice %arg4[%mul3A_32, %dma_wait3A_50] : memref<64000x128xf32, #tpu.memory_space<hbm>> -> memref<40x128xf32, #tpu.memory_space<hbm>>
      %dma_wait3A_52 = arith.constant 0 : i32
      %dma_wait3A_53 = tpu.memref_slice %arg4[%mul3A_32, %dma_wait3A_52] : memref<64000x128xf32, #tpu.memory_space<hbm>> -> memref<40x128xf32, #tpu.memory_space<hbm>>
      tpu.wait_dma2 semaphore(%run_scoped3A : memref<!tpu.dma_semaphore, #tpu.memory_space<semaphore_mem>>) src(%arg6 : memref<40x128xf32, #tpu.memory_space<vmem>>) dst(%dma_wait3A_53 : memref<40x128xf32, #tpu.memory_space<hbm>>)
      tpu.yield
    }) : () -> ()
    %dma_wait3A_33 = arith.constant 49 : i32
    %dma_wait3A_34 = arith.constant 0 : i32
    %dma_wait3A_35 = tpu.memref_slice %arg5[%dma_wait3A_33, %dma_wait3A_34] : memref<50x40xi32, #tpu.memory_space<vmem>> -> memref<1x40xi32, #tpu.memory_space<vmem>>
    %dma_wait3A_36 = tpu.memref_squeeze %dma_wait3A_35 : memref<1x40xi32, #tpu.memory_space<vmem>> -> memref<40xi32, #tpu.memory_space<vmem>>
    %dma_wait3A_37 = arith.constant 0 : i32
    %dma_wait3A_38 = arith.constant 0 : i32
    %dma_wait3A_39 = tpu.memref_slice %arg2[%dma_wait3A_37, %dma_wait3A_38] : memref<10000x128xf32, #tpu.memory_space<hbm>> -> memref<10000x128xf32, #tpu.memory_space<hbm>>
    tpu.wait_indirect_dma semaphore(%arg11 : memref<!tpu.dma_semaphore, #tpu.memory_space<semaphore_mem>>) src(%dma_wait3A_39 : memref<10000x128xf32, #tpu.memory_space<hbm>>) dst(%arg7 : memref<40x128xf32, #tpu.memory_space<vmem>>)
    %add3A_40 = arith.constant 48 : i32
    %add3A_41 = arith.addi %mul3A_2, %add3A_40 : i32
    %add3A_42 = arith.constant 1 : i32
    %add3A_43 = arith.addi %add3A_41, %add3A_42 : i32
    %mul3A_44 = arith.constant 40 : i32
    %mul3A_45 = arith.muli %add3A_43, %mul3A_44 : i32
    "tpu.region"() ({
      %run_scoped3A = tpu.sem_alloc : memref<!tpu.dma_semaphore, #tpu.memory_space<semaphore_mem>>
      %dma_start3A_46 = arith.constant 0 : i32
      %dma_start3A_47 = tpu.memref_slice %arg4[%mul3A_45, %dma_start3A_46] : memref<64000x128xf32, #tpu.memory_space<hbm>> -> memref<40x128xf32, #tpu.memory_space<hbm>>
      %dma_start3A_48 = arith.constant 0 : i32
      %dma_start3A_49 = tpu.memref_slice %arg4[%mul3A_45, %dma_start3A_48] : memref<64000x128xf32, #tpu.memory_space<hbm>> -> memref<40x128xf32, #tpu.memory_space<hbm>>
      tpu.enqueue_dma source(%arg7 : memref<40x128xf32, #tpu.memory_space<vmem>>) target(%dma_start3A_49 : memref<40x128xf32, #tpu.memory_space<hbm>>) target_semaphore(%run_scoped3A : memref<!tpu.dma_semaphore, #tpu.memory_space<semaphore_mem>>)
      %dma_wait3A_50 = arith.constant 0 : i32
      %dma_wait3A_51 = tpu.memref_slice %arg4[%mul3A_45, %dma_wait3A_50] : memref<64000x128xf32, #tpu.memory_space<hbm>> -> memref<40x128xf32, #tpu.memory_space<hbm>>
      %dma_wait3A_52 = arith.constant 0 : i32
      %dma_wait3A_53 = tpu.memref_slice %arg4[%mul3A_45, %dma_wait3A_52] : memref<64000x128xf32, #tpu.memory_space<hbm>> -> memref<40x128xf32, #tpu.memory_space<hbm>>
      tpu.wait_dma2 semaphore(%run_scoped3A : memref<!tpu.dma_semaphore, #tpu.memory_space<semaphore_mem>>) src(%arg7 : memref<40x128xf32, #tpu.memory_space<vmem>>) dst(%dma_wait3A_53 : memref<40x128xf32, #tpu.memory_space<hbm>>)
      tpu.yield
    }) : () -> ()
    return
  }
}

#map = affine_map<(d0, d1) -> (0, 0)>
#map1 = affine_map<(d0, d1) -> (0, 0, 0)>
module attributes {stable_mosaic.version = 14 : i64} {
  func.func @body(%arg0: i32, %arg1: i32, %arg2: memref<10000x128xf32, #tpu.memory_space<hbm>>, %arg3: memref<32x50x40xi32, #tpu.memory_space<hbm>>, %arg4: memref<64000x128xf32, #tpu.memory_space<hbm>>, %arg5: memref<50x40xi32, #tpu.memory_space<vmem>>, %arg6: memref<40x128xf32, #tpu.memory_space<vmem>>, %arg7: memref<40x128xf32, #tpu.memory_space<vmem>>, %arg8: memref<40x128xf32, #tpu.memory_space<vmem>>, %arg9: memref<40x128xf32, #tpu.memory_space<vmem>>, %arg10: memref<!tpu.dma_semaphore, #tpu.memory_space<semaphore_mem>>, %arg11: memref<!tpu.dma_semaphore, #tpu.memory_space<semaphore_mem>>, %arg12: memref<!tpu.dma_semaphore, #tpu.memory_space<semaphore_mem>>, %arg13: memref<!tpu.dma_semaphore, #tpu.memory_space<semaphore_mem>>) attributes {dimension_semantics = [#tpu.dimension_semantics<core_parallel>, #tpu.dimension_semantics<subcore_parallel>], iteration_bounds = array<i64: 2, 16>, scalar_prefetch = 0 : i64, scratch_operands = 9 : i64, tpu.core_type = #tpu.core_type<sc_vector_subcore>, window_params = [{transform_indices = #map}, {transform_indices = #map1}, {transform_indices = #map}]} {
    %mul3A = arith.constant 16 : i32
    %mul3A_0 = arith.muli %arg0, %mul3A : i32
    %add3A = arith.addi %mul3A_0, %arg1 : i32
    "tpu.region"() ({
      %run_scoped3A = tpu.sem_alloc : memref<!tpu.dma_semaphore, #tpu.memory_space<semaphore_mem>>
      %dma_start3A_46 = arith.constant 0 : i32
      %dma_start3A_47 = arith.constant 0 : i32
      %dma_start3A_48 = tpu.memref_slice %arg3[%add3A, %dma_start3A_46, %dma_start3A_47] : memref<32x50x40xi32, #tpu.memory_space<hbm>> -> memref<1x50x40xi32, #tpu.memory_space<hbm>>
      %dma_start3A_49 = tpu.memref_squeeze %dma_start3A_48 : memref<1x50x40xi32, #tpu.memory_space<hbm>> -> memref<50x40xi32, #tpu.memory_space<hbm>>
      %dma_start3A_50 = arith.constant 0 : i32
      %dma_start3A_51 = arith.constant 0 : i32
      %dma_start3A_52 = tpu.memref_slice %arg3[%add3A, %dma_start3A_50, %dma_start3A_51] : memref<32x50x40xi32, #tpu.memory_space<hbm>> -> memref<1x50x40xi32, #tpu.memory_space<hbm>>
      %dma_start3A_53 = tpu.memref_squeeze %dma_start3A_52 : memref<1x50x40xi32, #tpu.memory_space<hbm>> -> memref<50x40xi32, #tpu.memory_space<hbm>>
      tpu.enqueue_dma source(%dma_start3A_53 : memref<50x40xi32, #tpu.memory_space<hbm>>) target(%arg5 : memref<50x40xi32, #tpu.memory_space<vmem>>) target_semaphore(%run_scoped3A : memref<!tpu.dma_semaphore, #tpu.memory_space<semaphore_mem>>)
      %dma_wait3A_54 = arith.constant 0 : i32
      %dma_wait3A_55 = arith.constant 0 : i32
      %dma_wait3A_56 = tpu.memref_slice %arg3[%add3A, %dma_wait3A_54, %dma_wait3A_55] : memref<32x50x40xi32, #tpu.memory_space<hbm>> -> memref<1x50x40xi32, #tpu.memory_space<hbm>>
      %dma_wait3A_57 = tpu.memref_squeeze %dma_wait3A_56 : memref<1x50x40xi32, #tpu.memory_space<hbm>> -> memref<50x40xi32, #tpu.memory_space<hbm>>
      %dma_wait3A_58 = arith.constant 0 : i32
      %dma_wait3A_59 = arith.constant 0 : i32
      %dma_wait3A_60 = tpu.memref_slice %arg3[%add3A, %dma_wait3A_58, %dma_wait3A_59] : memref<32x50x40xi32, #tpu.memory_space<hbm>> -> memref<1x50x40xi32, #tpu.memory_space<hbm>>
      %dma_wait3A_61 = tpu.memref_squeeze %dma_wait3A_60 : memref<1x50x40xi32, #tpu.memory_space<hbm>> -> memref<50x40xi32, #tpu.memory_space<hbm>>
      tpu.wait_dma2 semaphore(%run_scoped3A : memref<!tpu.dma_semaphore, #tpu.memory_space<semaphore_mem>>) src(%dma_wait3A_61 : memref<50x40xi32, #tpu.memory_space<hbm>>) dst(%arg5 : memref<50x40xi32, #tpu.memory_space<vmem>>)
      tpu.yield
    }) : () -> ()
    %mul3A_1 = arith.constant 50 : i32
    %mul3A_2 = arith.muli %add3A, %mul3A_1 : i32
    %scan3A = arith.constant 0 : i32
    %scan3A_3 = arith.constant 0 : i32
    %scan3A_4 = arith.constant 12 : i32
    %scan3A_5 = arith.addi %scan3A_3, %scan3A_4 : i32
    %scan3A_6 = arith.constant 1 : i32
    scf.for %scan3A_46 = %scan3A_3 to %scan3A_5 step %scan3A_6  : i32 {
      %mul3A_47 = arith.constant 4 : i32
      %mul3A_48 = arith.muli %scan3A_46, %mul3A_47 : i32
      %add3A_49 = arith.constant 0 : i32
      %add3A_50 = arith.addi %mul3A_48, %add3A_49 : i32
      %dma_start3A_51 = arith.constant 0 : i32
      %dma_start3A_52 = tpu.memref_slice %arg5[%add3A_50, %dma_start3A_51] : memref<50x40xi32, #tpu.memory_space<vmem>> -> memref<1x40xi32, #tpu.memory_space<vmem>>
      %dma_start3A_53 = tpu.memref_squeeze %dma_start3A_52 : memref<1x40xi32, #tpu.memory_space<vmem>> -> memref<40xi32, #tpu.memory_space<vmem>>
      %dma_start3A_54 = arith.constant 0 : i32
      %dma_start3A_55 = arith.constant 0 : i32
      %dma_start3A_56 = tpu.memref_slice %arg2[%dma_start3A_54, %dma_start3A_55] : memref<10000x128xf32, #tpu.memory_space<hbm>> -> memref<10000x128xf32, #tpu.memory_space<hbm>>
      tpu.enqueue_indirect_dma source(%dma_start3A_56 : memref<10000x128xf32, #tpu.memory_space<hbm>>) target(%arg6 : memref<40x128xf32, #tpu.memory_space<vmem>>) offsets(%dma_start3A_53 : memref<40xi32, #tpu.memory_space<vmem>>) semaphore(%arg10 : memref<!tpu.dma_semaphore, #tpu.memory_space<semaphore_mem>>)
      %add3A_57 = arith.constant 1 : i32
      %add3A_58 = arith.addi %mul3A_48, %add3A_57 : i32
      %dma_start3A_59 = arith.constant 0 : i32
      %dma_start3A_60 = tpu.memref_slice %arg5[%add3A_58, %dma_start3A_59] : memref<50x40xi32, #tpu.memory_space<vmem>> -> memref<1x40xi32, #tpu.memory_space<vmem>>
      %dma_start3A_61 = tpu.memref_squeeze %dma_start3A_60 : memref<1x40xi32, #tpu.memory_space<vmem>> -> memref<40xi32, #tpu.memory_space<vmem>>
      %dma_start3A_62 = arith.constant 0 : i32
      %dma_start3A_63 = arith.constant 0 : i32
      %dma_start3A_64 = tpu.memref_slice %arg2[%dma_start3A_62, %dma_start3A_63] : memref<10000x128xf32, #tpu.memory_space<hbm>> -> memref<10000x128xf32, #tpu.memory_space<hbm>>
      tpu.enqueue_indirect_dma source(%dma_start3A_64 : memref<10000x128xf32, #tpu.memory_space<hbm>>) target(%arg7 : memref<40x128xf32, #tpu.memory_space<vmem>>) offsets(%dma_start3A_61 : memref<40xi32, #tpu.memory_space<vmem>>) semaphore(%arg11 : memref<!tpu.dma_semaphore, #tpu.memory_space<semaphore_mem>>)
      %add3A_65 = arith.constant 2 : i32
      %add3A_66 = arith.addi %mul3A_48, %add3A_65 : i32
      %dma_start3A_67 = arith.constant 0 : i32
      %dma_start3A_68 = tpu.memref_slice %arg5[%add3A_66, %dma_start3A_67] : memref<50x40xi32, #tpu.memory_space<vmem>> -> memref<1x40xi32, #tpu.memory_space<vmem>>
      %dma_start3A_69 = tpu.memref_squeeze %dma_start3A_68 : memref<1x40xi32, #tpu.memory_space<vmem>> -> memref<40xi32, #tpu.memory_space<vmem>>
      %dma_start3A_70 = arith.constant 0 : i32
      %dma_start3A_71 = arith.constant 0 : i32
      %dma_start3A_72 = tpu.memref_slice %arg2[%dma_start3A_70, %dma_start3A_71] : memref<10000x128xf32, #tpu.memory_space<hbm>> -> memref<10000x128xf32, #tpu.memory_space<hbm>>
      tpu.enqueue_indirect_dma source(%dma_start3A_72 : memref<10000x128xf32, #tpu.memory_space<hbm>>) target(%arg8 : memref<40x128xf32, #tpu.memory_space<vmem>>) offsets(%dma_start3A_69 : memref<40xi32, #tpu.memory_space<vmem>>) semaphore(%arg12 : memref<!tpu.dma_semaphore, #tpu.memory_space<semaphore_mem>>)
      %add3A_73 = arith.constant 3 : i32
      %add3A_74 = arith.addi %mul3A_48, %add3A_73 : i32
      %dma_start3A_75 = arith.constant 0 : i32
      %dma_start3A_76 = tpu.memref_slice %arg5[%add3A_74, %dma_start3A_75] : memref<50x40xi32, #tpu.memory_space<vmem>> -> memref<1x40xi32, #tpu.memory_space<vmem>>
      %dma_start3A_77 = tpu.memref_squeeze %dma_start3A_76 : memref<1x40xi32, #tpu.memory_space<vmem>> -> memref<40xi32, #tpu.memory_space<vmem>>
      %dma_start3A_78 = arith.constant 0 : i32
      %dma_start3A_79 = arith.constant 0 : i32
      %dma_start3A_80 = tpu.memref_slice %arg2[%dma_start3A_78, %dma_start3A_79] : memref<10000x128xf32, #tpu.memory_space<hbm>> -> memref<10000x128xf32, #tpu.memory_space<hbm>>
      tpu.enqueue_indirect_dma source(%dma_start3A_80 : memref<10000x128xf32, #tpu.memory_space<hbm>>) target(%arg9 : memref<40x128xf32, #tpu.memory_space<vmem>>) offsets(%dma_start3A_77 : memref<40xi32, #tpu.memory_space<vmem>>) semaphore(%arg13 : memref<!tpu.dma_semaphore, #tpu.memory_space<semaphore_mem>>)
      %dma_wait3A_81 = arith.constant 0 : i32
      %dma_wait3A_82 = tpu.memref_slice %arg5[%add3A_50, %dma_wait3A_81] : memref<50x40xi32, #tpu.memory_space<vmem>> -> memref<1x40xi32, #tpu.memory_space<vmem>>
      %dma_wait3A_83 = tpu.memref_squeeze %dma_wait3A_82 : memref<1x40xi32, #tpu.memory_space<vmem>> -> memref<40xi32, #tpu.memory_space<vmem>>
      %dma_wait3A_84 = arith.constant 0 : i32
      %dma_wait3A_85 = arith.constant 0 : i32
      %dma_wait3A_86 = tpu.memref_slice %arg2[%dma_wait3A_84, %dma_wait3A_85] : memref<10000x128xf32, #tpu.memory_space<hbm>> -> memref<10000x128xf32, #tpu.memory_space<hbm>>
      tpu.wait_indirect_dma semaphore(%arg10 : memref<!tpu.dma_semaphore, #tpu.memory_space<semaphore_mem>>) src(%dma_wait3A_86 : memref<10000x128xf32, #tpu.memory_space<hbm>>) dst(%arg6 : memref<40x128xf32, #tpu.memory_space<vmem>>)
      %add3A_87 = arith.addi %mul3A_2, %mul3A_48 : i32
      %add3A_88 = arith.constant 0 : i32
      %add3A_89 = arith.addi %add3A_87, %add3A_88 : i32
      %mul3A_90 = arith.constant 40 : i32
      %mul3A_91 = arith.muli %add3A_89, %mul3A_90 : i32
      "tpu.region"() ({
        %run_scoped3A = tpu.sem_alloc : memref<!tpu.dma_semaphore, #tpu.memory_space<semaphore_mem>>
        %dma_start3A_125 = arith.constant 0 : i32
        %dma_start3A_126 = tpu.memref_slice %arg4[%mul3A_91, %dma_start3A_125] : memref<64000x128xf32, #tpu.memory_space<hbm>> -> memref<40x128xf32, #tpu.memory_space<hbm>>
        %dma_start3A_127 = arith.constant 0 : i32
        %dma_start3A_128 = tpu.memref_slice %arg4[%mul3A_91, %dma_start3A_127] : memref<64000x128xf32, #tpu.memory_space<hbm>> -> memref<40x128xf32, #tpu.memory_space<hbm>>
        tpu.enqueue_dma source(%arg6 : memref<40x128xf32, #tpu.memory_space<vmem>>) target(%dma_start3A_128 : memref<40x128xf32, #tpu.memory_space<hbm>>) target_semaphore(%run_scoped3A : memref<!tpu.dma_semaphore, #tpu.memory_space<semaphore_mem>>)
        %dma_wait3A_129 = arith.constant 0 : i32
        %dma_wait3A_130 = tpu.memref_slice %arg4[%mul3A_91, %dma_wait3A_129] : memref<64000x128xf32, #tpu.memory_space<hbm>> -> memref<40x128xf32, #tpu.memory_space<hbm>>
        %dma_wait3A_131 = arith.constant 0 : i32
        %dma_wait3A_132 = tpu.memref_slice %arg4[%mul3A_91, %dma_wait3A_131] : memref<64000x128xf32, #tpu.memory_space<hbm>> -> memref<40x128xf32, #tpu.memory_space<hbm>>
        tpu.wait_dma2 semaphore(%run_scoped3A : memref<!tpu.dma_semaphore, #tpu.memory_space<semaphore_mem>>) src(%arg6 : memref<40x128xf32, #tpu.memory_space<vmem>>) dst(%dma_wait3A_132 : memref<40x128xf32, #tpu.memory_space<hbm>>)
        tpu.yield
      }) : () -> ()
      %dma_wait3A_92 = arith.constant 0 : i32
      %dma_wait3A_93 = tpu.memref_slice %arg5[%add3A_58, %dma_wait3A_92] : memref<50x40xi32, #tpu.memory_space<vmem>> -> memref<1x40xi32, #tpu.memory_space<vmem>>
      %dma_wait3A_94 = tpu.memref_squeeze %dma_wait3A_93 : memref<1x40xi32, #tpu.memory_space<vmem>> -> memref<40xi32, #tpu.memory_space<vmem>>
      %dma_wait3A_95 = arith.constant 0 : i32
      %dma_wait3A_96 = arith.constant 0 : i32
      %dma_wait3A_97 = tpu.memref_slice %arg2[%dma_wait3A_95, %dma_wait3A_96] : memref<10000x128xf32, #tpu.memory_space<hbm>> -> memref<10000x128xf32, #tpu.memory_space<hbm>>
      tpu.wait_indirect_dma semaphore(%arg11 : memref<!tpu.dma_semaphore, #tpu.memory_space<semaphore_mem>>) src(%dma_wait3A_97 : memref<10000x128xf32, #tpu.memory_space<hbm>>) dst(%arg7 : memref<40x128xf32, #tpu.memory_space<vmem>>)
      %add3A_98 = arith.addi %mul3A_2, %mul3A_48 : i32
      %add3A_99 = arith.constant 1 : i32
      %add3A_100 = arith.addi %add3A_98, %add3A_99 : i32
      %mul3A_101 = arith.constant 40 : i32
      %mul3A_102 = arith.muli %add3A_100, %mul3A_101 : i32
      "tpu.region"() ({
        %run_scoped3A = tpu.sem_alloc : memref<!tpu.dma_semaphore, #tpu.memory_space<semaphore_mem>>
        %dma_start3A_125 = arith.constant 0 : i32
        %dma_start3A_126 = tpu.memref_slice %arg4[%mul3A_102, %dma_start3A_125] : memref<64000x128xf32, #tpu.memory_space<hbm>> -> memref<40x128xf32, #tpu.memory_space<hbm>>
        %dma_start3A_127 = arith.constant 0 : i32
        %dma_start3A_128 = tpu.memref_slice %arg4[%mul3A_102, %dma_start3A_127] : memref<64000x128xf32, #tpu.memory_space<hbm>> -> memref<40x128xf32, #tpu.memory_space<hbm>>
        tpu.enqueue_dma source(%arg7 : memref<40x128xf32, #tpu.memory_space<vmem>>) target(%dma_start3A_128 : memref<40x128xf32, #tpu.memory_space<hbm>>) target_semaphore(%run_scoped3A : memref<!tpu.dma_semaphore, #tpu.memory_space<semaphore_mem>>)
        %dma_wait3A_129 = arith.constant 0 : i32
        %dma_wait3A_130 = tpu.memref_slice %arg4[%mul3A_102, %dma_wait3A_129] : memref<64000x128xf32, #tpu.memory_space<hbm>> -> memref<40x128xf32, #tpu.memory_space<hbm>>
        %dma_wait3A_131 = arith.constant 0 : i32
        %dma_wait3A_132 = tpu.memref_slice %arg4[%mul3A_102, %dma_wait3A_131] : memref<64000x128xf32, #tpu.memory_space<hbm>> -> memref<40x128xf32, #tpu.memory_space<hbm>>
        tpu.wait_dma2 semaphore(%run_scoped3A : memref<!tpu.dma_semaphore, #tpu.memory_space<semaphore_mem>>) src(%arg7 : memref<40x128xf32, #tpu.memory_space<vmem>>) dst(%dma_wait3A_132 : memref<40x128xf32, #tpu.memory_space<hbm>>)
        tpu.yield
      }) : () -> ()
      %dma_wait3A_103 = arith.constant 0 : i32
      %dma_wait3A_104 = tpu.memref_slice %arg5[%add3A_66, %dma_wait3A_103] : memref<50x40xi32, #tpu.memory_space<vmem>> -> memref<1x40xi32, #tpu.memory_space<vmem>>
      %dma_wait3A_105 = tpu.memref_squeeze %dma_wait3A_104 : memref<1x40xi32, #tpu.memory_space<vmem>> -> memref<40xi32, #tpu.memory_space<vmem>>
      %dma_wait3A_106 = arith.constant 0 : i32
      %dma_wait3A_107 = arith.constant 0 : i32
      %dma_wait3A_108 = tpu.memref_slice %arg2[%dma_wait3A_106, %dma_wait3A_107] : memref<10000x128xf32, #tpu.memory_space<hbm>> -> memref<10000x128xf32, #tpu.memory_space<hbm>>
      tpu.wait_indirect_dma semaphore(%arg12 : memref<!tpu.dma_semaphore, #tpu.memory_space<semaphore_mem>>) src(%dma_wait3A_108 : memref<10000x128xf32, #tpu.memory_space<hbm>>) dst(%arg8 : memref<40x128xf32, #tpu.memory_space<vmem>>)
      %add3A_109 = arith.addi %mul3A_2, %mul3A_48 : i32
      %add3A_110 = arith.constant 2 : i32
      %add3A_111 = arith.addi %add3A_109, %add3A_110 : i32
      %mul3A_112 = arith.constant 40 : i32
      %mul3A_113 = arith.muli %add3A_111, %mul3A_112 : i32
      "tpu.region"() ({
        %run_scoped3A = tpu.sem_alloc : memref<!tpu.dma_semaphore, #tpu.memory_space<semaphore_mem>>
        %dma_start3A_125 = arith.constant 0 : i32
        %dma_start3A_126 = tpu.memref_slice %arg4[%mul3A_113, %dma_start3A_125] : memref<64000x128xf32, #tpu.memory_space<hbm>> -> memref<40x128xf32, #tpu.memory_space<hbm>>
        %dma_start3A_127 = arith.constant 0 : i32
        %dma_start3A_128 = tpu.memref_slice %arg4[%mul3A_113, %dma_start3A_127] : memref<64000x128xf32, #tpu.memory_space<hbm>> -> memref<40x128xf32, #tpu.memory_space<hbm>>
        tpu.enqueue_dma source(%arg8 : memref<40x128xf32, #tpu.memory_space<vmem>>) target(%dma_start3A_128 : memref<40x128xf32, #tpu.memory_space<hbm>>) target_semaphore(%run_scoped3A : memref<!tpu.dma_semaphore, #tpu.memory_space<semaphore_mem>>)
        %dma_wait3A_129 = arith.constant 0 : i32
        %dma_wait3A_130 = tpu.memref_slice %arg4[%mul3A_113, %dma_wait3A_129] : memref<64000x128xf32, #tpu.memory_space<hbm>> -> memref<40x128xf32, #tpu.memory_space<hbm>>
        %dma_wait3A_131 = arith.constant 0 : i32
        %dma_wait3A_132 = tpu.memref_slice %arg4[%mul3A_113, %dma_wait3A_131] : memref<64000x128xf32, #tpu.memory_space<hbm>> -> memref<40x128xf32, #tpu.memory_space<hbm>>
        tpu.wait_dma2 semaphore(%run_scoped3A : memref<!tpu.dma_semaphore, #tpu.memory_space<semaphore_mem>>) src(%arg8 : memref<40x128xf32, #tpu.memory_space<vmem>>) dst(%dma_wait3A_132 : memref<40x128xf32, #tpu.memory_space<hbm>>)
        tpu.yield
      }) : () -> ()
      %dma_wait3A_114 = arith.constant 0 : i32
      %dma_wait3A_115 = tpu.memref_slice %arg5[%add3A_74, %dma_wait3A_114] : memref<50x40xi32, #tpu.memory_space<vmem>> -> memref<1x40xi32, #tpu.memory_space<vmem>>
      %dma_wait3A_116 = tpu.memref_squeeze %dma_wait3A_115 : memref<1x40xi32, #tpu.memory_space<vmem>> -> memref<40xi32, #tpu.memory_space<vmem>>
      %dma_wait3A_117 = arith.constant 0 : i32
      %dma_wait3A_118 = arith.constant 0 : i32
      %dma_wait3A_119 = tpu.memref_slice %arg2[%dma_wait3A_117, %dma_wait3A_118] : memref<10000x128xf32, #tpu.memory_space<hbm>> -> memref<10000x128xf32, #tpu.memory_space<hbm>>
      tpu.wait_indirect_dma semaphore(%arg13 : memref<!tpu.dma_semaphore, #tpu.memory_space<semaphore_mem>>) src(%dma_wait3A_119 : memref<10000x128xf32, #tpu.memory_space<hbm>>) dst(%arg9 : memref<40x128xf32, #tpu.memory_space<vmem>>)
      %add3A_120 = arith.addi %mul3A_2, %mul3A_48 : i32
      %add3A_121 = arith.constant 3 : i32
      %add3A_122 = arith.addi %add3A_120, %add3A_121 : i32
      %mul3A_123 = arith.constant 40 : i32
      %mul3A_124 = arith.muli %add3A_122, %mul3A_123 : i32
      "tpu.region"() ({
        %run_scoped3A = tpu.sem_alloc : memref<!tpu.dma_semaphore, #tpu.memory_space<semaphore_mem>>
        %dma_start3A_125 = arith.constant 0 : i32
        %dma_start3A_126 = tpu.memref_slice %arg4[%mul3A_124, %dma_start3A_125] : memref<64000x128xf32, #tpu.memory_space<hbm>> -> memref<40x128xf32, #tpu.memory_space<hbm>>
        %dma_start3A_127 = arith.constant 0 : i32
        %dma_start3A_128 = tpu.memref_slice %arg4[%mul3A_124, %dma_start3A_127] : memref<64000x128xf32, #tpu.memory_space<hbm>> -> memref<40x128xf32, #tpu.memory_space<hbm>>
        tpu.enqueue_dma source(%arg9 : memref<40x128xf32, #tpu.memory_space<vmem>>) target(%dma_start3A_128 : memref<40x128xf32, #tpu.memory_space<hbm>>) target_semaphore(%run_scoped3A : memref<!tpu.dma_semaphore, #tpu.memory_space<semaphore_mem>>)
        %dma_wait3A_129 = arith.constant 0 : i32
        %dma_wait3A_130 = tpu.memref_slice %arg4[%mul3A_124, %dma_wait3A_129] : memref<64000x128xf32, #tpu.memory_space<hbm>> -> memref<40x128xf32, #tpu.memory_space<hbm>>
        %dma_wait3A_131 = arith.constant 0 : i32
        %dma_wait3A_132 = tpu.memref_slice %arg4[%mul3A_124, %dma_wait3A_131] : memref<64000x128xf32, #tpu.memory_space<hbm>> -> memref<40x128xf32, #tpu.memory_space<hbm>>
        tpu.wait_dma2 semaphore(%run_scoped3A : memref<!tpu.dma_semaphore, #tpu.memory_space<semaphore_mem>>) src(%arg9 : memref<40x128xf32, #tpu.memory_space<vmem>>) dst(%dma_wait3A_132 : memref<40x128xf32, #tpu.memory_space<hbm>>)
        tpu.yield
      }) : () -> ()
    }
    %scan3A_7 = arith.constant 12 : i32
    %dma_start3A = arith.constant 48 : i32
    %dma_start3A_8 = arith.constant 0 : i32
    %dma_start3A_9 = tpu.memref_slice %arg5[%dma_start3A, %dma_start3A_8] : memref<50x40xi32, #tpu.memory_space<vmem>> -> memref<1x40xi32, #tpu.memory_space<vmem>>
    %dma_start3A_10 = tpu.memref_squeeze %dma_start3A_9 : memref<1x40xi32, #tpu.memory_space<vmem>> -> memref<40xi32, #tpu.memory_space<vmem>>
    %dma_start3A_11 = arith.constant 0 : i32
    %dma_start3A_12 = arith.constant 0 : i32
    %dma_start3A_13 = tpu.memref_slice %arg2[%dma_start3A_11, %dma_start3A_12] : memref<10000x128xf32, #tpu.memory_space<hbm>> -> memref<10000x128xf32, #tpu.memory_space<hbm>>
    tpu.enqueue_indirect_dma source(%dma_start3A_13 : memref<10000x128xf32, #tpu.memory_space<hbm>>) target(%arg6 : memref<40x128xf32, #tpu.memory_space<vmem>>) offsets(%dma_start3A_10 : memref<40xi32, #tpu.memory_space<vmem>>) semaphore(%arg10 : memref<!tpu.dma_semaphore, #tpu.memory_space<semaphore_mem>>)
    %dma_start3A_14 = arith.constant 49 : i32
    %dma_start3A_15 = arith.constant 0 : i32
    %dma_start3A_16 = tpu.memref_slice %arg5[%dma_start3A_14, %dma_start3A_15] : memref<50x40xi32, #tpu.memory_space<vmem>> -> memref<1x40xi32, #tpu.memory_space<vmem>>
    %dma_start3A_17 = tpu.memref_squeeze %dma_start3A_16 : memref<1x40xi32, #tpu.memory_space<vmem>> -> memref<40xi32, #tpu.memory_space<vmem>>
    %dma_start3A_18 = arith.constant 0 : i32
    %dma_start3A_19 = arith.constant 0 : i32
    %dma_start3A_20 = tpu.memref_slice %arg2[%dma_start3A_18, %dma_start3A_19] : memref<10000x128xf32, #tpu.memory_space<hbm>> -> memref<10000x128xf32, #tpu.memory_space<hbm>>
    tpu.enqueue_indirect_dma source(%dma_start3A_20 : memref<10000x128xf32, #tpu.memory_space<hbm>>) target(%arg7 : memref<40x128xf32, #tpu.memory_space<vmem>>) offsets(%dma_start3A_17 : memref<40xi32, #tpu.memory_space<vmem>>) semaphore(%arg11 : memref<!tpu.dma_semaphore, #tpu.memory_space<semaphore_mem>>)
    %dma_wait3A = arith.constant 48 : i32
    %dma_wait3A_21 = arith.constant 0 : i32
    %dma_wait3A_22 = tpu.memref_slice %arg5[%dma_wait3A, %dma_wait3A_21] : memref<50x40xi32, #tpu.memory_space<vmem>> -> memref<1x40xi32, #tpu.memory_space<vmem>>
    %dma_wait3A_23 = tpu.memref_squeeze %dma_wait3A_22 : memref<1x40xi32, #tpu.memory_space<vmem>> -> memref<40xi32, #tpu.memory_space<vmem>>
    %dma_wait3A_24 = arith.constant 0 : i32
    %dma_wait3A_25 = arith.constant 0 : i32
    %dma_wait3A_26 = tpu.memref_slice %arg2[%dma_wait3A_24, %dma_wait3A_25] : memref<10000x128xf32, #tpu.memory_space<hbm>> -> memref<10000x128xf32, #tpu.memory_space<hbm>>
    tpu.wait_indirect_dma semaphore(%arg10 : memref<!tpu.dma_semaphore, #tpu.memory_space<semaphore_mem>>) src(%dma_wait3A_26 : memref<10000x128xf32, #tpu.memory_space<hbm>>) dst(%arg6 : memref<40x128xf32, #tpu.memory_space<vmem>>)
    %add3A_27 = arith.constant 48 : i32
    %add3A_28 = arith.addi %mul3A_2, %add3A_27 : i32
    %add3A_29 = arith.constant 0 : i32
    %add3A_30 = arith.addi %add3A_28, %add3A_29 : i32
    %mul3A_31 = arith.constant 40 : i32
    %mul3A_32 = arith.muli %add3A_30, %mul3A_31 : i32
    "tpu.region"() ({
      %run_scoped3A = tpu.sem_alloc : memref<!tpu.dma_semaphore, #tpu.memory_space<semaphore_mem>>
      %dma_start3A_46 = arith.constant 0 : i32
      %dma_start3A_47 = tpu.memref_slice %arg4[%mul3A_32, %dma_start3A_46] : memref<64000x128xf32, #tpu.memory_space<hbm>> -> memref<40x128xf32, #tpu.memory_space<hbm>>
      %dma_start3A_48 = arith.constant 0 : i32
      %dma_start3A_49 = tpu.memref_slice %arg4[%mul3A_32, %dma_start3A_48] : memref<64000x128xf32, #tpu.memory_space<hbm>> -> memref<40x128xf32, #tpu.memory_space<hbm>>
      tpu.enqueue_dma source(%arg6 : memref<40x128xf32, #tpu.memory_space<vmem>>) target(%dma_start3A_49 : memref<40x128xf32, #tpu.memory_space<hbm>>) target_semaphore(%run_scoped3A : memref<!tpu.dma_semaphore, #tpu.memory_space<semaphore_mem>>)
      %dma_wait3A_50 = arith.constant 0 : i32
      %dma_wait3A_51 = tpu.memref_slice %arg4[%mul3A_32, %dma_wait3A_50] : memref<64000x128xf32, #tpu.memory_space<hbm>> -> memref<40x128xf32, #tpu.memory_space<hbm>>
      %dma_wait3A_52 = arith.constant 0 : i32
      %dma_wait3A_53 = tpu.memref_slice %arg4[%mul3A_32, %dma_wait3A_52] : memref<64000x128xf32, #tpu.memory_space<hbm>> -> memref<40x128xf32, #tpu.memory_space<hbm>>
      tpu.wait_dma2 semaphore(%run_scoped3A : memref<!tpu.dma_semaphore, #tpu.memory_space<semaphore_mem>>) src(%arg6 : memref<40x128xf32, #tpu.memory_space<vmem>>) dst(%dma_wait3A_53 : memref<40x128xf32, #tpu.memory_space<hbm>>)
      tpu.yield
    }) : () -> ()
    %dma_wait3A_33 = arith.constant 49 : i32
    %dma_wait3A_34 = arith.constant 0 : i32
    %dma_wait3A_35 = tpu.memref_slice %arg5[%dma_wait3A_33, %dma_wait3A_34] : memref<50x40xi32, #tpu.memory_space<vmem>> -> memref<1x40xi32, #tpu.memory_space<vmem>>
    %dma_wait3A_36 = tpu.memref_squeeze %dma_wait3A_35 : memref<1x40xi32, #tpu.memory_space<vmem>> -> memref<40xi32, #tpu.memory_space<vmem>>
    %dma_wait3A_37 = arith.constant 0 : i32
    %dma_wait3A_38 = arith.constant 0 : i32
    %dma_wait3A_39 = tpu.memref_slice %arg2[%dma_wait3A_37, %dma_wait3A_38] : memref<10000x128xf32, #tpu.memory_space<hbm>> -> memref<10000x128xf32, #tpu.memory_space<hbm>>
    tpu.wait_indirect_dma semaphore(%arg11 : memref<!tpu.dma_semaphore, #tpu.memory_space<semaphore_mem>>) src(%dma_wait3A_39 : memref<10000x128xf32, #tpu.memory_space<hbm>>) dst(%arg7 : memref<40x128xf32, #tpu.memory_space<vmem>>)
    %add3A_40 = arith.constant 48 : i32
    %add3A_41 = arith.addi %mul3A_2, %add3A_40 : i32
    %add3A_42 = arith.constant 1 : i32
    %add3A_43 = arith.addi %add3A_41, %add3A_42 : i32
    %mul3A_44 = arith.constant 40 : i32
    %mul3A_45 = arith.muli %add3A_43, %mul3A_44 : i32
    "tpu.region"() ({
      %run_scoped3A = tpu.sem_alloc : memref<!tpu.dma_semaphore, #tpu.memory_space<semaphore_mem>>
      %dma_start3A_46 = arith.constant 0 : i32
      %dma_start3A_47 = tpu.memref_slice %arg4[%mul3A_45, %dma_start3A_46] : memref<64000x128xf32, #tpu.memory_space<hbm>> -> memref<40x128xf32, #tpu.memory_space<hbm>>
      %dma_start3A_48 = arith.constant 0 : i32
      %dma_start3A_49 = tpu.memref_slice %arg4[%mul3A_45, %dma_start3A_48] : memref<64000x128xf32, #tpu.memory_space<hbm>> -> memref<40x128xf32, #tpu.memory_space<hbm>>
      tpu.enqueue_dma source(%arg7 : memref<40x128xf32, #tpu.memory_space<vmem>>) target(%dma_start3A_49 : memref<40x128xf32, #tpu.memory_space<hbm>>) target_semaphore(%run_scoped3A : memref<!tpu.dma_semaphore, #tpu.memory_space<semaphore_mem>>)
      %dma_wait3A_50 = arith.constant 0 : i32
      %dma_wait3A_51 = tpu.memref_slice %arg4[%mul3A_45, %dma_wait3A_50] : memref<64000x128xf32, #tpu.memory_space<hbm>> -> memref<40x128xf32, #tpu.memory_space<hbm>>
      %dma_wait3A_52 = arith.constant 0 : i32
      %dma_wait3A_53 = tpu.memref_slice %arg4[%mul3A_45, %dma_wait3A_52] : memref<64000x128xf32, #tpu.memory_space<hbm>> -> memref<40x128xf32, #tpu.memory_space<hbm>>
      tpu.wait_dma2 semaphore(%run_scoped3A : memref<!tpu.dma_semaphore, #tpu.memory_space<semaphore_mem>>) src(%arg7 : memref<40x128xf32, #tpu.memory_space<vmem>>) dst(%dma_wait3A_53 : memref<40x128xf32, #tpu.memory_space<hbm>>)
      tpu.yield
    }) : () -> ()
    return
  }
}

#map = affine_map<(d0, d1) -> (0, 0)>
#map1 = affine_map<(d0, d1) -> (0, 0, 0)>
module attributes {stable_mosaic.version = 14 : i64} {
  func.func @body(%arg0: i32, %arg1: i32, %arg2: memref<10000x128xf32, #tpu.memory_space<hbm>>, %arg3: memref<32x50x40xi32, #tpu.memory_space<hbm>>, %arg4: memref<64000x128xf32, #tpu.memory_space<hbm>>, %arg5: memref<50x40xi32, #tpu.memory_space<vmem>>, %arg6: memref<40x128xf32, #tpu.memory_space<vmem>>, %arg7: memref<40x128xf32, #tpu.memory_space<vmem>>, %arg8: memref<40x128xf32, #tpu.memory_space<vmem>>, %arg9: memref<40x128xf32, #tpu.memory_space<vmem>>, %arg10: memref<!tpu.dma_semaphore, #tpu.memory_space<semaphore_mem>>, %arg11: memref<!tpu.dma_semaphore, #tpu.memory_space<semaphore_mem>>, %arg12: memref<!tpu.dma_semaphore, #tpu.memory_space<semaphore_mem>>, %arg13: memref<!tpu.dma_semaphore, #tpu.memory_space<semaphore_mem>>) attributes {dimension_semantics = [#tpu.dimension_semantics<core_parallel>, #tpu.dimension_semantics<subcore_parallel>], iteration_bounds = array<i64: 2, 16>, scalar_prefetch = 0 : i64, scratch_operands = 9 : i64, tpu.core_type = #tpu.core_type<sc_vector_subcore>, window_params = [{transform_indices = #map}, {transform_indices = #map1}, {transform_indices = #map}]} {
    %mul3A = arith.constant 16 : i32
    %mul3A_0 = arith.muli %arg0, %mul3A : i32
    %add3A = arith.addi %mul3A_0, %arg1 : i32
    "tpu.region"() ({
      %run_scoped3A = tpu.sem_alloc : memref<!tpu.dma_semaphore, #tpu.memory_space<semaphore_mem>>
      %dma_start3A_46 = arith.constant 0 : i32
      %dma_start3A_47 = arith.constant 0 : i32
      %dma_start3A_48 = tpu.memref_slice %arg3[%add3A, %dma_start3A_46, %dma_start3A_47] : memref<32x50x40xi32, #tpu.memory_space<hbm>> -> memref<1x50x40xi32, #tpu.memory_space<hbm>>
      %dma_start3A_49 = tpu.memref_squeeze %dma_start3A_48 : memref<1x50x40xi32, #tpu.memory_space<hbm>> -> memref<50x40xi32, #tpu.memory_space<hbm>>
      %dma_start3A_50 = arith.constant 0 : i32
      %dma_start3A_51 = arith.constant 0 : i32
      %dma_start3A_52 = tpu.memref_slice %arg3[%add3A, %dma_start3A_50, %dma_start3A_51] : memref<32x50x40xi32, #tpu.memory_space<hbm>> -> memref<1x50x40xi32, #tpu.memory_space<hbm>>
      %dma_start3A_53 = tpu.memref_squeeze %dma_start3A_52 : memref<1x50x40xi32, #tpu.memory_space<hbm>> -> memref<50x40xi32, #tpu.memory_space<hbm>>
      tpu.enqueue_dma source(%dma_start3A_53 : memref<50x40xi32, #tpu.memory_space<hbm>>) target(%arg5 : memref<50x40xi32, #tpu.memory_space<vmem>>) target_semaphore(%run_scoped3A : memref<!tpu.dma_semaphore, #tpu.memory_space<semaphore_mem>>)
      %dma_wait3A_54 = arith.constant 0 : i32
      %dma_wait3A_55 = arith.constant 0 : i32
      %dma_wait3A_56 = tpu.memref_slice %arg3[%add3A, %dma_wait3A_54, %dma_wait3A_55] : memref<32x50x40xi32, #tpu.memory_space<hbm>> -> memref<1x50x40xi32, #tpu.memory_space<hbm>>
      %dma_wait3A_57 = tpu.memref_squeeze %dma_wait3A_56 : memref<1x50x40xi32, #tpu.memory_space<hbm>> -> memref<50x40xi32, #tpu.memory_space<hbm>>
      %dma_wait3A_58 = arith.constant 0 : i32
      %dma_wait3A_59 = arith.constant 0 : i32
      %dma_wait3A_60 = tpu.memref_slice %arg3[%add3A, %dma_wait3A_58, %dma_wait3A_59] : memref<32x50x40xi32, #tpu.memory_space<hbm>> -> memref<1x50x40xi32, #tpu.memory_space<hbm>>
      %dma_wait3A_61 = tpu.memref_squeeze %dma_wait3A_60 : memref<1x50x40xi32, #tpu.memory_space<hbm>> -> memref<50x40xi32, #tpu.memory_space<hbm>>
      tpu.wait_dma2 semaphore(%run_scoped3A : memref<!tpu.dma_semaphore, #tpu.memory_space<semaphore_mem>>) src(%dma_wait3A_61 : memref<50x40xi32, #tpu.memory_space<hbm>>) dst(%arg5 : memref<50x40xi32, #tpu.memory_space<vmem>>)
      tpu.yield
    }) : () -> ()
    %mul3A_1 = arith.constant 50 : i32
    %mul3A_2 = arith.muli %add3A, %mul3A_1 : i32
    %scan3A = arith.constant 0 : i32
    %scan3A_3 = arith.constant 0 : i32
    %scan3A_4 = arith.constant 12 : i32
    %scan3A_5 = arith.addi %scan3A_3, %scan3A_4 : i32
    %scan3A_6 = arith.constant 1 : i32
    scf.for %scan3A_46 = %scan3A_3 to %scan3A_5 step %scan3A_6  : i32 {
      %mul3A_47 = arith.constant 4 : i32
      %mul3A_48 = arith.muli %scan3A_46, %mul3A_47 : i32
      %add3A_49 = arith.constant 0 : i32
      %add3A_50 = arith.addi %mul3A_48, %add3A_49 : i32
      %dma_start3A_51 = arith.constant 0 : i32
      %dma_start3A_52 = tpu.memref_slice %arg5[%add3A_50, %dma_start3A_51] : memref<50x40xi32, #tpu.memory_space<vmem>> -> memref<1x40xi32, #tpu.memory_space<vmem>>
      %dma_start3A_53 = tpu.memref_squeeze %dma_start3A_52 : memref<1x40xi32, #tpu.memory_space<vmem>> -> memref<40xi32, #tpu.memory_space<vmem>>
      %dma_start3A_54 = arith.constant 0 : i32
      %dma_start3A_55 = arith.constant 0 : i32
      %dma_start3A_56 = tpu.memref_slice %arg2[%dma_start3A_54, %dma_start3A_55] : memref<10000x128xf32, #tpu.memory_space<hbm>> -> memref<10000x128xf32, #tpu.memory_space<hbm>>
      tpu.enqueue_indirect_dma source(%dma_start3A_56 : memref<10000x128xf32, #tpu.memory_space<hbm>>) target(%arg6 : memref<40x128xf32, #tpu.memory_space<vmem>>) offsets(%dma_start3A_53 : memref<40xi32, #tpu.memory_space<vmem>>) semaphore(%arg10 : memref<!tpu.dma_semaphore, #tpu.memory_space<semaphore_mem>>)
      %add3A_57 = arith.constant 1 : i32
      %add3A_58 = arith.addi %mul3A_48, %add3A_57 : i32
      %dma_start3A_59 = arith.constant 0 : i32
      %dma_start3A_60 = tpu.memref_slice %arg5[%add3A_58, %dma_start3A_59] : memref<50x40xi32, #tpu.memory_space<vmem>> -> memref<1x40xi32, #tpu.memory_space<vmem>>
      %dma_start3A_61 = tpu.memref_squeeze %dma_start3A_60 : memref<1x40xi32, #tpu.memory_space<vmem>> -> memref<40xi32, #tpu.memory_space<vmem>>
      %dma_start3A_62 = arith.constant 0 : i32
      %dma_start3A_63 = arith.constant 0 : i32
      %dma_start3A_64 = tpu.memref_slice %arg2[%dma_start3A_62, %dma_start3A_63] : memref<10000x128xf32, #tpu.memory_space<hbm>> -> memref<10000x128xf32, #tpu.memory_space<hbm>>
      tpu.enqueue_indirect_dma source(%dma_start3A_64 : memref<10000x128xf32, #tpu.memory_space<hbm>>) target(%arg7 : memref<40x128xf32, #tpu.memory_space<vmem>>) offsets(%dma_start3A_61 : memref<40xi32, #tpu.memory_space<vmem>>) semaphore(%arg11 : memref<!tpu.dma_semaphore, #tpu.memory_space<semaphore_mem>>)
      %add3A_65 = arith.constant 2 : i32
      %add3A_66 = arith.addi %mul3A_48, %add3A_65 : i32
      %dma_start3A_67 = arith.constant 0 : i32
      %dma_start3A_68 = tpu.memref_slice %arg5[%add3A_66, %dma_start3A_67] : memref<50x40xi32, #tpu.memory_space<vmem>> -> memref<1x40xi32, #tpu.memory_space<vmem>>
      %dma_start3A_69 = tpu.memref_squeeze %dma_start3A_68 : memref<1x40xi32, #tpu.memory_space<vmem>> -> memref<40xi32, #tpu.memory_space<vmem>>
      %dma_start3A_70 = arith.constant 0 : i32
      %dma_start3A_71 = arith.constant 0 : i32
      %dma_start3A_72 = tpu.memref_slice %arg2[%dma_start3A_70, %dma_start3A_71] : memref<10000x128xf32, #tpu.memory_space<hbm>> -> memref<10000x128xf32, #tpu.memory_space<hbm>>
      tpu.enqueue_indirect_dma source(%dma_start3A_72 : memref<10000x128xf32, #tpu.memory_space<hbm>>) target(%arg8 : memref<40x128xf32, #tpu.memory_space<vmem>>) offsets(%dma_start3A_69 : memref<40xi32, #tpu.memory_space<vmem>>) semaphore(%arg12 : memref<!tpu.dma_semaphore, #tpu.memory_space<semaphore_mem>>)
      %add3A_73 = arith.constant 3 : i32
      %add3A_74 = arith.addi %mul3A_48, %add3A_73 : i32
      %dma_start3A_75 = arith.constant 0 : i32
      %dma_start3A_76 = tpu.memref_slice %arg5[%add3A_74, %dma_start3A_75] : memref<50x40xi32, #tpu.memory_space<vmem>> -> memref<1x40xi32, #tpu.memory_space<vmem>>
      %dma_start3A_77 = tpu.memref_squeeze %dma_start3A_76 : memref<1x40xi32, #tpu.memory_space<vmem>> -> memref<40xi32, #tpu.memory_space<vmem>>
      %dma_start3A_78 = arith.constant 0 : i32
      %dma_start3A_79 = arith.constant 0 : i32
      %dma_start3A_80 = tpu.memref_slice %arg2[%dma_start3A_78, %dma_start3A_79] : memref<10000x128xf32, #tpu.memory_space<hbm>> -> memref<10000x128xf32, #tpu.memory_space<hbm>>
      tpu.enqueue_indirect_dma source(%dma_start3A_80 : memref<10000x128xf32, #tpu.memory_space<hbm>>) target(%arg9 : memref<40x128xf32, #tpu.memory_space<vmem>>) offsets(%dma_start3A_77 : memref<40xi32, #tpu.memory_space<vmem>>) semaphore(%arg13 : memref<!tpu.dma_semaphore, #tpu.memory_space<semaphore_mem>>)
      %dma_wait3A_81 = arith.constant 0 : i32
      %dma_wait3A_82 = tpu.memref_slice %arg5[%add3A_50, %dma_wait3A_81] : memref<50x40xi32, #tpu.memory_space<vmem>> -> memref<1x40xi32, #tpu.memory_space<vmem>>
      %dma_wait3A_83 = tpu.memref_squeeze %dma_wait3A_82 : memref<1x40xi32, #tpu.memory_space<vmem>> -> memref<40xi32, #tpu.memory_space<vmem>>
      %dma_wait3A_84 = arith.constant 0 : i32
      %dma_wait3A_85 = arith.constant 0 : i32
      %dma_wait3A_86 = tpu.memref_slice %arg2[%dma_wait3A_84, %dma_wait3A_85] : memref<10000x128xf32, #tpu.memory_space<hbm>> -> memref<10000x128xf32, #tpu.memory_space<hbm>>
      tpu.wait_indirect_dma semaphore(%arg10 : memref<!tpu.dma_semaphore, #tpu.memory_space<semaphore_mem>>) src(%dma_wait3A_86 : memref<10000x128xf32, #tpu.memory_space<hbm>>) dst(%arg6 : memref<40x128xf32, #tpu.memory_space<vmem>>)
      %add3A_87 = arith.addi %mul3A_2, %mul3A_48 : i32
      %add3A_88 = arith.constant 0 : i32
      %add3A_89 = arith.addi %add3A_87, %add3A_88 : i32
      %mul3A_90 = arith.constant 40 : i32
      %mul3A_91 = arith.muli %add3A_89, %mul3A_90 : i32
      "tpu.region"() ({
        %run_scoped3A = tpu.sem_alloc : memref<!tpu.dma_semaphore, #tpu.memory_space<semaphore_mem>>
        %dma_start3A_125 = arith.constant 0 : i32
        %dma_start3A_126 = tpu.memref_slice %arg4[%mul3A_91, %dma_start3A_125] : memref<64000x128xf32, #tpu.memory_space<hbm>> -> memref<40x128xf32, #tpu.memory_space<hbm>>
        %dma_start3A_127 = arith.constant 0 : i32
        %dma_start3A_128 = tpu.memref_slice %arg4[%mul3A_91, %dma_start3A_127] : memref<64000x128xf32, #tpu.memory_space<hbm>> -> memref<40x128xf32, #tpu.memory_space<hbm>>
        tpu.enqueue_dma source(%arg6 : memref<40x128xf32, #tpu.memory_space<vmem>>) target(%dma_start3A_128 : memref<40x128xf32, #tpu.memory_space<hbm>>) target_semaphore(%run_scoped3A : memref<!tpu.dma_semaphore, #tpu.memory_space<semaphore_mem>>)
        %dma_wait3A_129 = arith.constant 0 : i32
        %dma_wait3A_130 = tpu.memref_slice %arg4[%mul3A_91, %dma_wait3A_129] : memref<64000x128xf32, #tpu.memory_space<hbm>> -> memref<40x128xf32, #tpu.memory_space<hbm>>
        %dma_wait3A_131 = arith.constant 0 : i32
        %dma_wait3A_132 = tpu.memref_slice %arg4[%mul3A_91, %dma_wait3A_131] : memref<64000x128xf32, #tpu.memory_space<hbm>> -> memref<40x128xf32, #tpu.memory_space<hbm>>
        tpu.wait_dma2 semaphore(%run_scoped3A : memref<!tpu.dma_semaphore, #tpu.memory_space<semaphore_mem>>) src(%arg6 : memref<40x128xf32, #tpu.memory_space<vmem>>) dst(%dma_wait3A_132 : memref<40x128xf32, #tpu.memory_space<hbm>>)
        tpu.yield
      }) : () -> ()
      %dma_wait3A_92 = arith.constant 0 : i32
      %dma_wait3A_93 = tpu.memref_slice %arg5[%add3A_58, %dma_wait3A_92] : memref<50x40xi32, #tpu.memory_space<vmem>> -> memref<1x40xi32, #tpu.memory_space<vmem>>
      %dma_wait3A_94 = tpu.memref_squeeze %dma_wait3A_93 : memref<1x40xi32, #tpu.memory_space<vmem>> -> memref<40xi32, #tpu.memory_space<vmem>>
      %dma_wait3A_95 = arith.constant 0 : i32
      %dma_wait3A_96 = arith.constant 0 : i32
      %dma_wait3A_97 = tpu.memref_slice %arg2[%dma_wait3A_95, %dma_wait3A_96] : memref<10000x128xf32, #tpu.memory_space<hbm>> -> memref<10000x128xf32, #tpu.memory_space<hbm>>
      tpu.wait_indirect_dma semaphore(%arg11 : memref<!tpu.dma_semaphore, #tpu.memory_space<semaphore_mem>>) src(%dma_wait3A_97 : memref<10000x128xf32, #tpu.memory_space<hbm>>) dst(%arg7 : memref<40x128xf32, #tpu.memory_space<vmem>>)
      %add3A_98 = arith.addi %mul3A_2, %mul3A_48 : i32
      %add3A_99 = arith.constant 1 : i32
      %add3A_100 = arith.addi %add3A_98, %add3A_99 : i32
      %mul3A_101 = arith.constant 40 : i32
      %mul3A_102 = arith.muli %add3A_100, %mul3A_101 : i32
      "tpu.region"() ({
        %run_scoped3A = tpu.sem_alloc : memref<!tpu.dma_semaphore, #tpu.memory_space<semaphore_mem>>
        %dma_start3A_125 = arith.constant 0 : i32
        %dma_start3A_126 = tpu.memref_slice %arg4[%mul3A_102, %dma_start3A_125] : memref<64000x128xf32, #tpu.memory_space<hbm>> -> memref<40x128xf32, #tpu.memory_space<hbm>>
        %dma_start3A_127 = arith.constant 0 : i32
        %dma_start3A_128 = tpu.memref_slice %arg4[%mul3A_102, %dma_start3A_127] : memref<64000x128xf32, #tpu.memory_space<hbm>> -> memref<40x128xf32, #tpu.memory_space<hbm>>
        tpu.enqueue_dma source(%arg7 : memref<40x128xf32, #tpu.memory_space<vmem>>) target(%dma_start3A_128 : memref<40x128xf32, #tpu.memory_space<hbm>>) target_semaphore(%run_scoped3A : memref<!tpu.dma_semaphore, #tpu.memory_space<semaphore_mem>>)
        %dma_wait3A_129 = arith.constant 0 : i32
        %dma_wait3A_130 = tpu.memref_slice %arg4[%mul3A_102, %dma_wait3A_129] : memref<64000x128xf32, #tpu.memory_space<hbm>> -> memref<40x128xf32, #tpu.memory_space<hbm>>
        %dma_wait3A_131 = arith.constant 0 : i32
        %dma_wait3A_132 = tpu.memref_slice %arg4[%mul3A_102, %dma_wait3A_131] : memref<64000x128xf32, #tpu.memory_space<hbm>> -> memref<40x128xf32, #tpu.memory_space<hbm>>
        tpu.wait_dma2 semaphore(%run_scoped3A : memref<!tpu.dma_semaphore, #tpu.memory_space<semaphore_mem>>) src(%arg7 : memref<40x128xf32, #tpu.memory_space<vmem>>) dst(%dma_wait3A_132 : memref<40x128xf32, #tpu.memory_space<hbm>>)
        tpu.yield
      }) : () -> ()
      %dma_wait3A_103 = arith.constant 0 : i32
      %dma_wait3A_104 = tpu.memref_slice %arg5[%add3A_66, %dma_wait3A_103] : memref<50x40xi32, #tpu.memory_space<vmem>> -> memref<1x40xi32, #tpu.memory_space<vmem>>
      %dma_wait3A_105 = tpu.memref_squeeze %dma_wait3A_104 : memref<1x40xi32, #tpu.memory_space<vmem>> -> memref<40xi32, #tpu.memory_space<vmem>>
      %dma_wait3A_106 = arith.constant 0 : i32
      %dma_wait3A_107 = arith.constant 0 : i32
      %dma_wait3A_108 = tpu.memref_slice %arg2[%dma_wait3A_106, %dma_wait3A_107] : memref<10000x128xf32, #tpu.memory_space<hbm>> -> memref<10000x128xf32, #tpu.memory_space<hbm>>
      tpu.wait_indirect_dma semaphore(%arg12 : memref<!tpu.dma_semaphore, #tpu.memory_space<semaphore_mem>>) src(%dma_wait3A_108 : memref<10000x128xf32, #tpu.memory_space<hbm>>) dst(%arg8 : memref<40x128xf32, #tpu.memory_space<vmem>>)
      %add3A_109 = arith.addi %mul3A_2, %mul3A_48 : i32
      %add3A_110 = arith.constant 2 : i32
      %add3A_111 = arith.addi %add3A_109, %add3A_110 : i32
      %mul3A_112 = arith.constant 40 : i32
      %mul3A_113 = arith.muli %add3A_111, %mul3A_112 : i32
      "tpu.region"() ({
        %run_scoped3A = tpu.sem_alloc : memref<!tpu.dma_semaphore, #tpu.memory_space<semaphore_mem>>
        %dma_start3A_125 = arith.constant 0 : i32
        %dma_start3A_126 = tpu.memref_slice %arg4[%mul3A_113, %dma_start3A_125] : memref<64000x128xf32, #tpu.memory_space<hbm>> -> memref<40x128xf32, #tpu.memory_space<hbm>>
        %dma_start3A_127 = arith.constant 0 : i32
        %dma_start3A_128 = tpu.memref_slice %arg4[%mul3A_113, %dma_start3A_127] : memref<64000x128xf32, #tpu.memory_space<hbm>> -> memref<40x128xf32, #tpu.memory_space<hbm>>
        tpu.enqueue_dma source(%arg8 : memref<40x128xf32, #tpu.memory_space<vmem>>) target(%dma_start3A_128 : memref<40x128xf32, #tpu.memory_space<hbm>>) target_semaphore(%run_scoped3A : memref<!tpu.dma_semaphore, #tpu.memory_space<semaphore_mem>>)
        %dma_wait3A_129 = arith.constant 0 : i32
        %dma_wait3A_130 = tpu.memref_slice %arg4[%mul3A_113, %dma_wait3A_129] : memref<64000x128xf32, #tpu.memory_space<hbm>> -> memref<40x128xf32, #tpu.memory_space<hbm>>
        %dma_wait3A_131 = arith.constant 0 : i32
        %dma_wait3A_132 = tpu.memref_slice %arg4[%mul3A_113, %dma_wait3A_131] : memref<64000x128xf32, #tpu.memory_space<hbm>> -> memref<40x128xf32, #tpu.memory_space<hbm>>
        tpu.wait_dma2 semaphore(%run_scoped3A : memref<!tpu.dma_semaphore, #tpu.memory_space<semaphore_mem>>) src(%arg8 : memref<40x128xf32, #tpu.memory_space<vmem>>) dst(%dma_wait3A_132 : memref<40x128xf32, #tpu.memory_space<hbm>>)
        tpu.yield
      }) : () -> ()
      %dma_wait3A_114 = arith.constant 0 : i32
      %dma_wait3A_115 = tpu.memref_slice %arg5[%add3A_74, %dma_wait3A_114] : memref<50x40xi32, #tpu.memory_space<vmem>> -> memref<1x40xi32, #tpu.memory_space<vmem>>
      %dma_wait3A_116 = tpu.memref_squeeze %dma_wait3A_115 : memref<1x40xi32, #tpu.memory_space<vmem>> -> memref<40xi32, #tpu.memory_space<vmem>>
      %dma_wait3A_117 = arith.constant 0 : i32
      %dma_wait3A_118 = arith.constant 0 : i32
      %dma_wait3A_119 = tpu.memref_slice %arg2[%dma_wait3A_117, %dma_wait3A_118] : memref<10000x128xf32, #tpu.memory_space<hbm>> -> memref<10000x128xf32, #tpu.memory_space<hbm>>
      tpu.wait_indirect_dma semaphore(%arg13 : memref<!tpu.dma_semaphore, #tpu.memory_space<semaphore_mem>>) src(%dma_wait3A_119 : memref<10000x128xf32, #tpu.memory_space<hbm>>) dst(%arg9 : memref<40x128xf32, #tpu.memory_space<vmem>>)
      %add3A_120 = arith.addi %mul3A_2, %mul3A_48 : i32
      %add3A_121 = arith.constant 3 : i32
      %add3A_122 = arith.addi %add3A_120, %add3A_121 : i32
      %mul3A_123 = arith.constant 40 : i32
      %mul3A_124 = arith.muli %add3A_122, %mul3A_123 : i32
      "tpu.region"() ({
        %run_scoped3A = tpu.sem_alloc : memref<!tpu.dma_semaphore, #tpu.memory_space<semaphore_mem>>
        %dma_start3A_125 = arith.constant 0 : i32
        %dma_start3A_126 = tpu.memref_slice %arg4[%mul3A_124, %dma_start3A_125] : memref<64000x128xf32, #tpu.memory_space<hbm>> -> memref<40x128xf32, #tpu.memory_space<hbm>>
        %dma_start3A_127 = arith.constant 0 : i32
        %dma_start3A_128 = tpu.memref_slice %arg4[%mul3A_124, %dma_start3A_127] : memref<64000x128xf32, #tpu.memory_space<hbm>> -> memref<40x128xf32, #tpu.memory_space<hbm>>
        tpu.enqueue_dma source(%arg9 : memref<40x128xf32, #tpu.memory_space<vmem>>) target(%dma_start3A_128 : memref<40x128xf32, #tpu.memory_space<hbm>>) target_semaphore(%run_scoped3A : memref<!tpu.dma_semaphore, #tpu.memory_space<semaphore_mem>>)
        %dma_wait3A_129 = arith.constant 0 : i32
        %dma_wait3A_130 = tpu.memref_slice %arg4[%mul3A_124, %dma_wait3A_129] : memref<64000x128xf32, #tpu.memory_space<hbm>> -> memref<40x128xf32, #tpu.memory_space<hbm>>
        %dma_wait3A_131 = arith.constant 0 : i32
        %dma_wait3A_132 = tpu.memref_slice %arg4[%mul3A_124, %dma_wait3A_131] : memref<64000x128xf32, #tpu.memory_space<hbm>> -> memref<40x128xf32, #tpu.memory_space<hbm>>
        tpu.wait_dma2 semaphore(%run_scoped3A : memref<!tpu.dma_semaphore, #tpu.memory_space<semaphore_mem>>) src(%arg9 : memref<40x128xf32, #tpu.memory_space<vmem>>) dst(%dma_wait3A_132 : memref<40x128xf32, #tpu.memory_space<hbm>>)
        tpu.yield
      }) : () -> ()
    }
    %scan3A_7 = arith.constant 12 : i32
    %dma_start3A = arith.constant 48 : i32
    %dma_start3A_8 = arith.constant 0 : i32
    %dma_start3A_9 = tpu.memref_slice %arg5[%dma_start3A, %dma_start3A_8] : memref<50x40xi32, #tpu.memory_space<vmem>> -> memref<1x40xi32, #tpu.memory_space<vmem>>
    %dma_start3A_10 = tpu.memref_squeeze %dma_start3A_9 : memref<1x40xi32, #tpu.memory_space<vmem>> -> memref<40xi32, #tpu.memory_space<vmem>>
    %dma_start3A_11 = arith.constant 0 : i32
    %dma_start3A_12 = arith.constant 0 : i32
    %dma_start3A_13 = tpu.memref_slice %arg2[%dma_start3A_11, %dma_start3A_12] : memref<10000x128xf32, #tpu.memory_space<hbm>> -> memref<10000x128xf32, #tpu.memory_space<hbm>>
    tpu.enqueue_indirect_dma source(%dma_start3A_13 : memref<10000x128xf32, #tpu.memory_space<hbm>>) target(%arg6 : memref<40x128xf32, #tpu.memory_space<vmem>>) offsets(%dma_start3A_10 : memref<40xi32, #tpu.memory_space<vmem>>) semaphore(%arg10 : memref<!tpu.dma_semaphore, #tpu.memory_space<semaphore_mem>>)
    %dma_start3A_14 = arith.constant 49 : i32
    %dma_start3A_15 = arith.constant 0 : i32
    %dma_start3A_16 = tpu.memref_slice %arg5[%dma_start3A_14, %dma_start3A_15] : memref<50x40xi32, #tpu.memory_space<vmem>> -> memref<1x40xi32, #tpu.memory_space<vmem>>
    %dma_start3A_17 = tpu.memref_squeeze %dma_start3A_16 : memref<1x40xi32, #tpu.memory_space<vmem>> -> memref<40xi32, #tpu.memory_space<vmem>>
    %dma_start3A_18 = arith.constant 0 : i32
    %dma_start3A_19 = arith.constant 0 : i32
    %dma_start3A_20 = tpu.memref_slice %arg2[%dma_start3A_18, %dma_start3A_19] : memref<10000x128xf32, #tpu.memory_space<hbm>> -> memref<10000x128xf32, #tpu.memory_space<hbm>>
    tpu.enqueue_indirect_dma source(%dma_start3A_20 : memref<10000x128xf32, #tpu.memory_space<hbm>>) target(%arg7 : memref<40x128xf32, #tpu.memory_space<vmem>>) offsets(%dma_start3A_17 : memref<40xi32, #tpu.memory_space<vmem>>) semaphore(%arg11 : memref<!tpu.dma_semaphore, #tpu.memory_space<semaphore_mem>>)
    %dma_wait3A = arith.constant 48 : i32
    %dma_wait3A_21 = arith.constant 0 : i32
    %dma_wait3A_22 = tpu.memref_slice %arg5[%dma_wait3A, %dma_wait3A_21] : memref<50x40xi32, #tpu.memory_space<vmem>> -> memref<1x40xi32, #tpu.memory_space<vmem>>
    %dma_wait3A_23 = tpu.memref_squeeze %dma_wait3A_22 : memref<1x40xi32, #tpu.memory_space<vmem>> -> memref<40xi32, #tpu.memory_space<vmem>>
    %dma_wait3A_24 = arith.constant 0 : i32
    %dma_wait3A_25 = arith.constant 0 : i32
    %dma_wait3A_26 = tpu.memref_slice %arg2[%dma_wait3A_24, %dma_wait3A_25] : memref<10000x128xf32, #tpu.memory_space<hbm>> -> memref<10000x128xf32, #tpu.memory_space<hbm>>
    tpu.wait_indirect_dma semaphore(%arg10 : memref<!tpu.dma_semaphore, #tpu.memory_space<semaphore_mem>>) src(%dma_wait3A_26 : memref<10000x128xf32, #tpu.memory_space<hbm>>) dst(%arg6 : memref<40x128xf32, #tpu.memory_space<vmem>>)
    %add3A_27 = arith.constant 48 : i32
    %add3A_28 = arith.addi %mul3A_2, %add3A_27 : i32
    %add3A_29 = arith.constant 0 : i32
    %add3A_30 = arith.addi %add3A_28, %add3A_29 : i32
    %mul3A_31 = arith.constant 40 : i32
    %mul3A_32 = arith.muli %add3A_30, %mul3A_31 : i32
    "tpu.region"() ({
      %run_scoped3A = tpu.sem_alloc : memref<!tpu.dma_semaphore, #tpu.memory_space<semaphore_mem>>
      %dma_start3A_46 = arith.constant 0 : i32
      %dma_start3A_47 = tpu.memref_slice %arg4[%mul3A_32, %dma_start3A_46] : memref<64000x128xf32, #tpu.memory_space<hbm>> -> memref<40x128xf32, #tpu.memory_space<hbm>>
      %dma_start3A_48 = arith.constant 0 : i32
      %dma_start3A_49 = tpu.memref_slice %arg4[%mul3A_32, %dma_start3A_48] : memref<64000x128xf32, #tpu.memory_space<hbm>> -> memref<40x128xf32, #tpu.memory_space<hbm>>
      tpu.enqueue_dma source(%arg6 : memref<40x128xf32, #tpu.memory_space<vmem>>) target(%dma_start3A_49 : memref<40x128xf32, #tpu.memory_space<hbm>>) target_semaphore(%run_scoped3A : memref<!tpu.dma_semaphore, #tpu.memory_space<semaphore_mem>>)
      %dma_wait3A_50 = arith.constant 0 : i32
      %dma_wait3A_51 = tpu.memref_slice %arg4[%mul3A_32, %dma_wait3A_50] : memref<64000x128xf32, #tpu.memory_space<hbm>> -> memref<40x128xf32, #tpu.memory_space<hbm>>
      %dma_wait3A_52 = arith.constant 0 : i32
      %dma_wait3A_53 = tpu.memref_slice %arg4[%mul3A_32, %dma_wait3A_52] : memref<64000x128xf32, #tpu.memory_space<hbm>> -> memref<40x128xf32, #tpu.memory_space<hbm>>
      tpu.wait_dma2 semaphore(%run_scoped3A : memref<!tpu.dma_semaphore, #tpu.memory_space<semaphore_mem>>) src(%arg6 : memref<40x128xf32, #tpu.memory_space<vmem>>) dst(%dma_wait3A_53 : memref<40x128xf32, #tpu.memory_space<hbm>>)
      tpu.yield
    }) : () -> ()
    %dma_wait3A_33 = arith.constant 49 : i32
    %dma_wait3A_34 = arith.constant 0 : i32
    %dma_wait3A_35 = tpu.memref_slice %arg5[%dma_wait3A_33, %dma_wait3A_34] : memref<50x40xi32, #tpu.memory_space<vmem>> -> memref<1x40xi32, #tpu.memory_space<vmem>>
    %dma_wait3A_36 = tpu.memref_squeeze %dma_wait3A_35 : memref<1x40xi32, #tpu.memory_space<vmem>> -> memref<40xi32, #tpu.memory_space<vmem>>
    %dma_wait3A_37 = arith.constant 0 : i32
    %dma_wait3A_38 = arith.constant 0 : i32
    %dma_wait3A_39 = tpu.memref_slice %arg2[%dma_wait3A_37, %dma_wait3A_38] : memref<10000x128xf32, #tpu.memory_space<hbm>> -> memref<10000x128xf32, #tpu.memory_space<hbm>>
    tpu.wait_indirect_dma semaphore(%arg11 : memref<!tpu.dma_semaphore, #tpu.memory_space<semaphore_mem>>) src(%dma_wait3A_39 : memref<10000x128xf32, #tpu.memory_space<hbm>>) dst(%arg7 : memref<40x128xf32, #tpu.memory_space<vmem>>)
    %add3A_40 = arith.constant 48 : i32
    %add3A_41 = arith.addi %mul3A_2, %add3A_40 : i32
    %add3A_42 = arith.constant 1 : i32
    %add3A_43 = arith.addi %add3A_41, %add3A_42 : i32
    %mul3A_44 = arith.constant 40 : i32
    %mul3A_45 = arith.muli %add3A_43, %mul3A_44 : i32
    "tpu.region"() ({
      %run_scoped3A = tpu.sem_alloc : memref<!tpu.dma_semaphore, #tpu.memory_space<semaphore_mem>>
      %dma_start3A_46 = arith.constant 0 : i32
      %dma_start3A_47 = tpu.memref_slice %arg4[%mul3A_45, %dma_start3A_46] : memref<64000x128xf32, #tpu.memory_space<hbm>> -> memref<40x128xf32, #tpu.memory_space<hbm>>
      %dma_start3A_48 = arith.constant 0 : i32
      %dma_start3A_49 = tpu.memref_slice %arg4[%mul3A_45, %dma_start3A_48] : memref<64000x128xf32, #tpu.memory_space<hbm>> -> memref<40x128xf32, #tpu.memory_space<hbm>>
      tpu.enqueue_dma source(%arg7 : memref<40x128xf32, #tpu.memory_space<vmem>>) target(%dma_start3A_49 : memref<40x128xf32, #tpu.memory_space<hbm>>) target_semaphore(%run_scoped3A : memref<!tpu.dma_semaphore, #tpu.memory_space<semaphore_mem>>)
      %dma_wait3A_50 = arith.constant 0 : i32
      %dma_wait3A_51 = tpu.memref_slice %arg4[%mul3A_45, %dma_wait3A_50] : memref<64000x128xf32, #tpu.memory_space<hbm>> -> memref<40x128xf32, #tpu.memory_space<hbm>>
      %dma_wait3A_52 = arith.constant 0 : i32
      %dma_wait3A_53 = tpu.memref_slice %arg4[%mul3A_45, %dma_wait3A_52] : memref<64000x128xf32, #tpu.memory_space<hbm>> -> memref<40x128xf32, #tpu.memory_space<hbm>>
      tpu.wait_dma2 semaphore(%run_scoped3A : memref<!tpu.dma_semaphore, #tpu.memory_space<semaphore_mem>>) src(%arg7 : memref<40x128xf32, #tpu.memory_space<vmem>>) dst(%dma_wait3A_53 : memref<40x128xf32, #tpu.memory_space<hbm>>)
      tpu.yield
    }) : () -> ()
    return
  }
}

#map = affine_map<(d0, d1) -> (0, 0)>
#map1 = affine_map<(d0, d1) -> (0, 0, 0)>
module attributes {stable_mosaic.version = 14 : i64} {
  func.func @body(%arg0: i32, %arg1: i32, %arg2: memref<10000x128xf32, #tpu.memory_space<hbm>>, %arg3: memref<32x50x40xi32, #tpu.memory_space<hbm>>, %arg4: memref<64000x128xf32, #tpu.memory_space<hbm>>, %arg5: memref<50x40xi32, #tpu.memory_space<vmem>>, %arg6: memref<40x128xf32, #tpu.memory_space<vmem>>, %arg7: memref<40x128xf32, #tpu.memory_space<vmem>>, %arg8: memref<40x128xf32, #tpu.memory_space<vmem>>, %arg9: memref<40x128xf32, #tpu.memory_space<vmem>>, %arg10: memref<!tpu.dma_semaphore, #tpu.memory_space<semaphore_mem>>, %arg11: memref<!tpu.dma_semaphore, #tpu.memory_space<semaphore_mem>>, %arg12: memref<!tpu.dma_semaphore, #tpu.memory_space<semaphore_mem>>, %arg13: memref<!tpu.dma_semaphore, #tpu.memory_space<semaphore_mem>>) attributes {dimension_semantics = [#tpu.dimension_semantics<core_parallel>, #tpu.dimension_semantics<subcore_parallel>], iteration_bounds = array<i64: 2, 16>, scalar_prefetch = 0 : i64, scratch_operands = 9 : i64, tpu.core_type = #tpu.core_type<sc_vector_subcore>, window_params = [{transform_indices = #map}, {transform_indices = #map1}, {transform_indices = #map}]} {
    %mul3A = arith.constant 16 : i32
    %mul3A_0 = arith.muli %arg0, %mul3A : i32
    %add3A = arith.addi %mul3A_0, %arg1 : i32
    "tpu.region"() ({
      %run_scoped3A = tpu.sem_alloc : memref<!tpu.dma_semaphore, #tpu.memory_space<semaphore_mem>>
      %dma_start3A_46 = arith.constant 0 : i32
      %dma_start3A_47 = arith.constant 0 : i32
      %dma_start3A_48 = tpu.memref_slice %arg3[%add3A, %dma_start3A_46, %dma_start3A_47] : memref<32x50x40xi32, #tpu.memory_space<hbm>> -> memref<1x50x40xi32, #tpu.memory_space<hbm>>
      %dma_start3A_49 = tpu.memref_squeeze %dma_start3A_48 : memref<1x50x40xi32, #tpu.memory_space<hbm>> -> memref<50x40xi32, #tpu.memory_space<hbm>>
      %dma_start3A_50 = arith.constant 0 : i32
      %dma_start3A_51 = arith.constant 0 : i32
      %dma_start3A_52 = tpu.memref_slice %arg3[%add3A, %dma_start3A_50, %dma_start3A_51] : memref<32x50x40xi32, #tpu.memory_space<hbm>> -> memref<1x50x40xi32, #tpu.memory_space<hbm>>
      %dma_start3A_53 = tpu.memref_squeeze %dma_start3A_52 : memref<1x50x40xi32, #tpu.memory_space<hbm>> -> memref<50x40xi32, #tpu.memory_space<hbm>>
      tpu.enqueue_dma source(%dma_start3A_53 : memref<50x40xi32, #tpu.memory_space<hbm>>) target(%arg5 : memref<50x40xi32, #tpu.memory_space<vmem>>) target_semaphore(%run_scoped3A : memref<!tpu.dma_semaphore, #tpu.memory_space<semaphore_mem>>)
      %dma_wait3A_54 = arith.constant 0 : i32
      %dma_wait3A_55 = arith.constant 0 : i32
      %dma_wait3A_56 = tpu.memref_slice %arg3[%add3A, %dma_wait3A_54, %dma_wait3A_55] : memref<32x50x40xi32, #tpu.memory_space<hbm>> -> memref<1x50x40xi32, #tpu.memory_space<hbm>>
      %dma_wait3A_57 = tpu.memref_squeeze %dma_wait3A_56 : memref<1x50x40xi32, #tpu.memory_space<hbm>> -> memref<50x40xi32, #tpu.memory_space<hbm>>
      %dma_wait3A_58 = arith.constant 0 : i32
      %dma_wait3A_59 = arith.constant 0 : i32
      %dma_wait3A_60 = tpu.memref_slice %arg3[%add3A, %dma_wait3A_58, %dma_wait3A_59] : memref<32x50x40xi32, #tpu.memory_space<hbm>> -> memref<1x50x40xi32, #tpu.memory_space<hbm>>
      %dma_wait3A_61 = tpu.memref_squeeze %dma_wait3A_60 : memref<1x50x40xi32, #tpu.memory_space<hbm>> -> memref<50x40xi32, #tpu.memory_space<hbm>>
      tpu.wait_dma2 semaphore(%run_scoped3A : memref<!tpu.dma_semaphore, #tpu.memory_space<semaphore_mem>>) src(%dma_wait3A_61 : memref<50x40xi32, #tpu.memory_space<hbm>>) dst(%arg5 : memref<50x40xi32, #tpu.memory_space<vmem>>)
      tpu.yield
    }) : () -> ()
    %mul3A_1 = arith.constant 50 : i32
    %mul3A_2 = arith.muli %add3A, %mul3A_1 : i32
    %scan3A = arith.constant 0 : i32
    %scan3A_3 = arith.constant 0 : i32
    %scan3A_4 = arith.constant 12 : i32
    %scan3A_5 = arith.addi %scan3A_3, %scan3A_4 : i32
    %scan3A_6 = arith.constant 1 : i32
    scf.for %scan3A_46 = %scan3A_3 to %scan3A_5 step %scan3A_6  : i32 {
      %mul3A_47 = arith.constant 4 : i32
      %mul3A_48 = arith.muli %scan3A_46, %mul3A_47 : i32
      %add3A_49 = arith.constant 0 : i32
      %add3A_50 = arith.addi %mul3A_48, %add3A_49 : i32
      %dma_start3A_51 = arith.constant 0 : i32
      %dma_start3A_52 = tpu.memref_slice %arg5[%add3A_50, %dma_start3A_51] : memref<50x40xi32, #tpu.memory_space<vmem>> -> memref<1x40xi32, #tpu.memory_space<vmem>>
      %dma_start3A_53 = tpu.memref_squeeze %dma_start3A_52 : memref<1x40xi32, #tpu.memory_space<vmem>> -> memref<40xi32, #tpu.memory_space<vmem>>
      %dma_start3A_54 = arith.constant 0 : i32
      %dma_start3A_55 = arith.constant 0 : i32
      %dma_start3A_56 = tpu.memref_slice %arg2[%dma_start3A_54, %dma_start3A_55] : memref<10000x128xf32, #tpu.memory_space<hbm>> -> memref<10000x128xf32, #tpu.memory_space<hbm>>
      tpu.enqueue_indirect_dma source(%dma_start3A_56 : memref<10000x128xf32, #tpu.memory_space<hbm>>) target(%arg6 : memref<40x128xf32, #tpu.memory_space<vmem>>) offsets(%dma_start3A_53 : memref<40xi32, #tpu.memory_space<vmem>>) semaphore(%arg10 : memref<!tpu.dma_semaphore, #tpu.memory_space<semaphore_mem>>)
      %add3A_57 = arith.constant 1 : i32
      %add3A_58 = arith.addi %mul3A_48, %add3A_57 : i32
      %dma_start3A_59 = arith.constant 0 : i32
      %dma_start3A_60 = tpu.memref_slice %arg5[%add3A_58, %dma_start3A_59] : memref<50x40xi32, #tpu.memory_space<vmem>> -> memref<1x40xi32, #tpu.memory_space<vmem>>
      %dma_start3A_61 = tpu.memref_squeeze %dma_start3A_60 : memref<1x40xi32, #tpu.memory_space<vmem>> -> memref<40xi32, #tpu.memory_space<vmem>>
      %dma_start3A_62 = arith.constant 0 : i32
      %dma_start3A_63 = arith.constant 0 : i32
      %dma_start3A_64 = tpu.memref_slice %arg2[%dma_start3A_62, %dma_start3A_63] : memref<10000x128xf32, #tpu.memory_space<hbm>> -> memref<10000x128xf32, #tpu.memory_space<hbm>>
      tpu.enqueue_indirect_dma source(%dma_start3A_64 : memref<10000x128xf32, #tpu.memory_space<hbm>>) target(%arg7 : memref<40x128xf32, #tpu.memory_space<vmem>>) offsets(%dma_start3A_61 : memref<40xi32, #tpu.memory_space<vmem>>) semaphore(%arg11 : memref<!tpu.dma_semaphore, #tpu.memory_space<semaphore_mem>>)
      %add3A_65 = arith.constant 2 : i32
      %add3A_66 = arith.addi %mul3A_48, %add3A_65 : i32
      %dma_start3A_67 = arith.constant 0 : i32
      %dma_start3A_68 = tpu.memref_slice %arg5[%add3A_66, %dma_start3A_67] : memref<50x40xi32, #tpu.memory_space<vmem>> -> memref<1x40xi32, #tpu.memory_space<vmem>>
      %dma_start3A_69 = tpu.memref_squeeze %dma_start3A_68 : memref<1x40xi32, #tpu.memory_space<vmem>> -> memref<40xi32, #tpu.memory_space<vmem>>
      %dma_start3A_70 = arith.constant 0 : i32
      %dma_start3A_71 = arith.constant 0 : i32
      %dma_start3A_72 = tpu.memref_slice %arg2[%dma_start3A_70, %dma_start3A_71] : memref<10000x128xf32, #tpu.memory_space<hbm>> -> memref<10000x128xf32, #tpu.memory_space<hbm>>
      tpu.enqueue_indirect_dma source(%dma_start3A_72 : memref<10000x128xf32, #tpu.memory_space<hbm>>) target(%arg8 : memref<40x128xf32, #tpu.memory_space<vmem>>) offsets(%dma_start3A_69 : memref<40xi32, #tpu.memory_space<vmem>>) semaphore(%arg12 : memref<!tpu.dma_semaphore, #tpu.memory_space<semaphore_mem>>)
      %add3A_73 = arith.constant 3 : i32
      %add3A_74 = arith.addi %mul3A_48, %add3A_73 : i32
      %dma_start3A_75 = arith.constant 0 : i32
      %dma_start3A_76 = tpu.memref_slice %arg5[%add3A_74, %dma_start3A_75] : memref<50x40xi32, #tpu.memory_space<vmem>> -> memref<1x40xi32, #tpu.memory_space<vmem>>
      %dma_start3A_77 = tpu.memref_squeeze %dma_start3A_76 : memref<1x40xi32, #tpu.memory_space<vmem>> -> memref<40xi32, #tpu.memory_space<vmem>>
      %dma_start3A_78 = arith.constant 0 : i32
      %dma_start3A_79 = arith.constant 0 : i32
      %dma_start3A_80 = tpu.memref_slice %arg2[%dma_start3A_78, %dma_start3A_79] : memref<10000x128xf32, #tpu.memory_space<hbm>> -> memref<10000x128xf32, #tpu.memory_space<hbm>>
      tpu.enqueue_indirect_dma source(%dma_start3A_80 : memref<10000x128xf32, #tpu.memory_space<hbm>>) target(%arg9 : memref<40x128xf32, #tpu.memory_space<vmem>>) offsets(%dma_start3A_77 : memref<40xi32, #tpu.memory_space<vmem>>) semaphore(%arg13 : memref<!tpu.dma_semaphore, #tpu.memory_space<semaphore_mem>>)
      %dma_wait3A_81 = arith.constant 0 : i32
      %dma_wait3A_82 = tpu.memref_slice %arg5[%add3A_50, %dma_wait3A_81] : memref<50x40xi32, #tpu.memory_space<vmem>> -> memref<1x40xi32, #tpu.memory_space<vmem>>
      %dma_wait3A_83 = tpu.memref_squeeze %dma_wait3A_82 : memref<1x40xi32, #tpu.memory_space<vmem>> -> memref<40xi32, #tpu.memory_space<vmem>>
      %dma_wait3A_84 = arith.constant 0 : i32
      %dma_wait3A_85 = arith.constant 0 : i32
      %dma_wait3A_86 = tpu.memref_slice %arg2[%dma_wait3A_84, %dma_wait3A_85] : memref<10000x128xf32, #tpu.memory_space<hbm>> -> memref<10000x128xf32, #tpu.memory_space<hbm>>
      tpu.wait_indirect_dma semaphore(%arg10 : memref<!tpu.dma_semaphore, #tpu.memory_space<semaphore_mem>>) src(%dma_wait3A_86 : memref<10000x128xf32, #tpu.memory_space<hbm>>) dst(%arg6 : memref<40x128xf32, #tpu.memory_space<vmem>>)
      %add3A_87 = arith.addi %mul3A_2, %mul3A_48 : i32
      %add3A_88 = arith.constant 0 : i32
      %add3A_89 = arith.addi %add3A_87, %add3A_88 : i32
      %mul3A_90 = arith.constant 40 : i32
      %mul3A_91 = arith.muli %add3A_89, %mul3A_90 : i32
      "tpu.region"() ({
        %run_scoped3A = tpu.sem_alloc : memref<!tpu.dma_semaphore, #tpu.memory_space<semaphore_mem>>
        %dma_start3A_125 = arith.constant 0 : i32
        %dma_start3A_126 = tpu.memref_slice %arg4[%mul3A_91, %dma_start3A_125] : memref<64000x128xf32, #tpu.memory_space<hbm>> -> memref<40x128xf32, #tpu.memory_space<hbm>>
        %dma_start3A_127 = arith.constant 0 : i32
        %dma_start3A_128 = tpu.memref_slice %arg4[%mul3A_91, %dma_start3A_127] : memref<64000x128xf32, #tpu.memory_space<hbm>> -> memref<40x128xf32, #tpu.memory_space<hbm>>
        tpu.enqueue_dma source(%arg6 : memref<40x128xf32, #tpu.memory_space<vmem>>) target(%dma_start3A_128 : memref<40x128xf32, #tpu.memory_space<hbm>>) target_semaphore(%run_scoped3A : memref<!tpu.dma_semaphore, #tpu.memory_space<semaphore_mem>>)
        %dma_wait3A_129 = arith.constant 0 : i32
        %dma_wait3A_130 = tpu.memref_slice %arg4[%mul3A_91, %dma_wait3A_129] : memref<64000x128xf32, #tpu.memory_space<hbm>> -> memref<40x128xf32, #tpu.memory_space<hbm>>
        %dma_wait3A_131 = arith.constant 0 : i32
        %dma_wait3A_132 = tpu.memref_slice %arg4[%mul3A_91, %dma_wait3A_131] : memref<64000x128xf32, #tpu.memory_space<hbm>> -> memref<40x128xf32, #tpu.memory_space<hbm>>
        tpu.wait_dma2 semaphore(%run_scoped3A : memref<!tpu.dma_semaphore, #tpu.memory_space<semaphore_mem>>) src(%arg6 : memref<40x128xf32, #tpu.memory_space<vmem>>) dst(%dma_wait3A_132 : memref<40x128xf32, #tpu.memory_space<hbm>>)
        tpu.yield
      }) : () -> ()
      %dma_wait3A_92 = arith.constant 0 : i32
      %dma_wait3A_93 = tpu.memref_slice %arg5[%add3A_58, %dma_wait3A_92] : memref<50x40xi32, #tpu.memory_space<vmem>> -> memref<1x40xi32, #tpu.memory_space<vmem>>
      %dma_wait3A_94 = tpu.memref_squeeze %dma_wait3A_93 : memref<1x40xi32, #tpu.memory_space<vmem>> -> memref<40xi32, #tpu.memory_space<vmem>>
      %dma_wait3A_95 = arith.constant 0 : i32
      %dma_wait3A_96 = arith.constant 0 : i32
      %dma_wait3A_97 = tpu.memref_slice %arg2[%dma_wait3A_95, %dma_wait3A_96] : memref<10000x128xf32, #tpu.memory_space<hbm>> -> memref<10000x128xf32, #tpu.memory_space<hbm>>
      tpu.wait_indirect_dma semaphore(%arg11 : memref<!tpu.dma_semaphore, #tpu.memory_space<semaphore_mem>>) src(%dma_wait3A_97 : memref<10000x128xf32, #tpu.memory_space<hbm>>) dst(%arg7 : memref<40x128xf32, #tpu.memory_space<vmem>>)
      %add3A_98 = arith.addi %mul3A_2, %mul3A_48 : i32
      %add3A_99 = arith.constant 1 : i32
      %add3A_100 = arith.addi %add3A_98, %add3A_99 : i32
      %mul3A_101 = arith.constant 40 : i32
      %mul3A_102 = arith.muli %add3A_100, %mul3A_101 : i32
      "tpu.region"() ({
        %run_scoped3A = tpu.sem_alloc : memref<!tpu.dma_semaphore, #tpu.memory_space<semaphore_mem>>
        %dma_start3A_125 = arith.constant 0 : i32
        %dma_start3A_126 = tpu.memref_slice %arg4[%mul3A_102, %dma_start3A_125] : memref<64000x128xf32, #tpu.memory_space<hbm>> -> memref<40x128xf32, #tpu.memory_space<hbm>>
        %dma_start3A_127 = arith.constant 0 : i32
        %dma_start3A_128 = tpu.memref_slice %arg4[%mul3A_102, %dma_start3A_127] : memref<64000x128xf32, #tpu.memory_space<hbm>> -> memref<40x128xf32, #tpu.memory_space<hbm>>
        tpu.enqueue_dma source(%arg7 : memref<40x128xf32, #tpu.memory_space<vmem>>) target(%dma_start3A_128 : memref<40x128xf32, #tpu.memory_space<hbm>>) target_semaphore(%run_scoped3A : memref<!tpu.dma_semaphore, #tpu.memory_space<semaphore_mem>>)
        %dma_wait3A_129 = arith.constant 0 : i32
        %dma_wait3A_130 = tpu.memref_slice %arg4[%mul3A_102, %dma_wait3A_129] : memref<64000x128xf32, #tpu.memory_space<hbm>> -> memref<40x128xf32, #tpu.memory_space<hbm>>
        %dma_wait3A_131 = arith.constant 0 : i32
        %dma_wait3A_132 = tpu.memref_slice %arg4[%mul3A_102, %dma_wait3A_131] : memref<64000x128xf32, #tpu.memory_space<hbm>> -> memref<40x128xf32, #tpu.memory_space<hbm>>
        tpu.wait_dma2 semaphore(%run_scoped3A : memref<!tpu.dma_semaphore, #tpu.memory_space<semaphore_mem>>) src(%arg7 : memref<40x128xf32, #tpu.memory_space<vmem>>) dst(%dma_wait3A_132 : memref<40x128xf32, #tpu.memory_space<hbm>>)
        tpu.yield
      }) : () -> ()
      %dma_wait3A_103 = arith.constant 0 : i32
      %dma_wait3A_104 = tpu.memref_slice %arg5[%add3A_66, %dma_wait3A_103] : memref<50x40xi32, #tpu.memory_space<vmem>> -> memref<1x40xi32, #tpu.memory_space<vmem>>
      %dma_wait3A_105 = tpu.memref_squeeze %dma_wait3A_104 : memref<1x40xi32, #tpu.memory_space<vmem>> -> memref<40xi32, #tpu.memory_space<vmem>>
      %dma_wait3A_106 = arith.constant 0 : i32
      %dma_wait3A_107 = arith.constant 0 : i32
      %dma_wait3A_108 = tpu.memref_slice %arg2[%dma_wait3A_106, %dma_wait3A_107] : memref<10000x128xf32, #tpu.memory_space<hbm>> -> memref<10000x128xf32, #tpu.memory_space<hbm>>
      tpu.wait_indirect_dma semaphore(%arg12 : memref<!tpu.dma_semaphore, #tpu.memory_space<semaphore_mem>>) src(%dma_wait3A_108 : memref<10000x128xf32, #tpu.memory_space<hbm>>) dst(%arg8 : memref<40x128xf32, #tpu.memory_space<vmem>>)
      %add3A_109 = arith.addi %mul3A_2, %mul3A_48 : i32
      %add3A_110 = arith.constant 2 : i32
      %add3A_111 = arith.addi %add3A_109, %add3A_110 : i32
      %mul3A_112 = arith.constant 40 : i32
      %mul3A_113 = arith.muli %add3A_111, %mul3A_112 : i32
      "tpu.region"() ({
        %run_scoped3A = tpu.sem_alloc : memref<!tpu.dma_semaphore, #tpu.memory_space<semaphore_mem>>
        %dma_start3A_125 = arith.constant 0 : i32
        %dma_start3A_126 = tpu.memref_slice %arg4[%mul3A_113, %dma_start3A_125] : memref<64000x128xf32, #tpu.memory_space<hbm>> -> memref<40x128xf32, #tpu.memory_space<hbm>>
        %dma_start3A_127 = arith.constant 0 : i32
        %dma_start3A_128 = tpu.memref_slice %arg4[%mul3A_113, %dma_start3A_127] : memref<64000x128xf32, #tpu.memory_space<hbm>> -> memref<40x128xf32, #tpu.memory_space<hbm>>
        tpu.enqueue_dma source(%arg8 : memref<40x128xf32, #tpu.memory_space<vmem>>) target(%dma_start3A_128 : memref<40x128xf32, #tpu.memory_space<hbm>>) target_semaphore(%run_scoped3A : memref<!tpu.dma_semaphore, #tpu.memory_space<semaphore_mem>>)
        %dma_wait3A_129 = arith.constant 0 : i32
        %dma_wait3A_130 = tpu.memref_slice %arg4[%mul3A_113, %dma_wait3A_129] : memref<64000x128xf32, #tpu.memory_space<hbm>> -> memref<40x128xf32, #tpu.memory_space<hbm>>
        %dma_wait3A_131 = arith.constant 0 : i32
        %dma_wait3A_132 = tpu.memref_slice %arg4[%mul3A_113, %dma_wait3A_131] : memref<64000x128xf32, #tpu.memory_space<hbm>> -> memref<40x128xf32, #tpu.memory_space<hbm>>
        tpu.wait_dma2 semaphore(%run_scoped3A : memref<!tpu.dma_semaphore, #tpu.memory_space<semaphore_mem>>) src(%arg8 : memref<40x128xf32, #tpu.memory_space<vmem>>) dst(%dma_wait3A_132 : memref<40x128xf32, #tpu.memory_space<hbm>>)
        tpu.yield
      }) : () -> ()
      %dma_wait3A_114 = arith.constant 0 : i32
      %dma_wait3A_115 = tpu.memref_slice %arg5[%add3A_74, %dma_wait3A_114] : memref<50x40xi32, #tpu.memory_space<vmem>> -> memref<1x40xi32, #tpu.memory_space<vmem>>
      %dma_wait3A_116 = tpu.memref_squeeze %dma_wait3A_115 : memref<1x40xi32, #tpu.memory_space<vmem>> -> memref<40xi32, #tpu.memory_space<vmem>>
      %dma_wait3A_117 = arith.constant 0 : i32
      %dma_wait3A_118 = arith.constant 0 : i32
      %dma_wait3A_119 = tpu.memref_slice %arg2[%dma_wait3A_117, %dma_wait3A_118] : memref<10000x128xf32, #tpu.memory_space<hbm>> -> memref<10000x128xf32, #tpu.memory_space<hbm>>
      tpu.wait_indirect_dma semaphore(%arg13 : memref<!tpu.dma_semaphore, #tpu.memory_space<semaphore_mem>>) src(%dma_wait3A_119 : memref<10000x128xf32, #tpu.memory_space<hbm>>) dst(%arg9 : memref<40x128xf32, #tpu.memory_space<vmem>>)
      %add3A_120 = arith.addi %mul3A_2, %mul3A_48 : i32
      %add3A_121 = arith.constant 3 : i32
      %add3A_122 = arith.addi %add3A_120, %add3A_121 : i32
      %mul3A_123 = arith.constant 40 : i32
      %mul3A_124 = arith.muli %add3A_122, %mul3A_123 : i32
      "tpu.region"() ({
        %run_scoped3A = tpu.sem_alloc : memref<!tpu.dma_semaphore, #tpu.memory_space<semaphore_mem>>
        %dma_start3A_125 = arith.constant 0 : i32
        %dma_start3A_126 = tpu.memref_slice %arg4[%mul3A_124, %dma_start3A_125] : memref<64000x128xf32, #tpu.memory_space<hbm>> -> memref<40x128xf32, #tpu.memory_space<hbm>>
        %dma_start3A_127 = arith.constant 0 : i32
        %dma_start3A_128 = tpu.memref_slice %arg4[%mul3A_124, %dma_start3A_127] : memref<64000x128xf32, #tpu.memory_space<hbm>> -> memref<40x128xf32, #tpu.memory_space<hbm>>
        tpu.enqueue_dma source(%arg9 : memref<40x128xf32, #tpu.memory_space<vmem>>) target(%dma_start3A_128 : memref<40x128xf32, #tpu.memory_space<hbm>>) target_semaphore(%run_scoped3A : memref<!tpu.dma_semaphore, #tpu.memory_space<semaphore_mem>>)
        %dma_wait3A_129 = arith.constant 0 : i32
        %dma_wait3A_130 = tpu.memref_slice %arg4[%mul3A_124, %dma_wait3A_129] : memref<64000x128xf32, #tpu.memory_space<hbm>> -> memref<40x128xf32, #tpu.memory_space<hbm>>
        %dma_wait3A_131 = arith.constant 0 : i32
        %dma_wait3A_132 = tpu.memref_slice %arg4[%mul3A_124, %dma_wait3A_131] : memref<64000x128xf32, #tpu.memory_space<hbm>> -> memref<40x128xf32, #tpu.memory_space<hbm>>
        tpu.wait_dma2 semaphore(%run_scoped3A : memref<!tpu.dma_semaphore, #tpu.memory_space<semaphore_mem>>) src(%arg9 : memref<40x128xf32, #tpu.memory_space<vmem>>) dst(%dma_wait3A_132 : memref<40x128xf32, #tpu.memory_space<hbm>>)
        tpu.yield
      }) : () -> ()
    }
    %scan3A_7 = arith.constant 12 : i32
    %dma_start3A = arith.constant 48 : i32
    %dma_start3A_8 = arith.constant 0 : i32
    %dma_start3A_9 = tpu.memref_slice %arg5[%dma_start3A, %dma_start3A_8] : memref<50x40xi32, #tpu.memory_space<vmem>> -> memref<1x40xi32, #tpu.memory_space<vmem>>
    %dma_start3A_10 = tpu.memref_squeeze %dma_start3A_9 : memref<1x40xi32, #tpu.memory_space<vmem>> -> memref<40xi32, #tpu.memory_space<vmem>>
    %dma_start3A_11 = arith.constant 0 : i32
    %dma_start3A_12 = arith.constant 0 : i32
    %dma_start3A_13 = tpu.memref_slice %arg2[%dma_start3A_11, %dma_start3A_12] : memref<10000x128xf32, #tpu.memory_space<hbm>> -> memref<10000x128xf32, #tpu.memory_space<hbm>>
    tpu.enqueue_indirect_dma source(%dma_start3A_13 : memref<10000x128xf32, #tpu.memory_space<hbm>>) target(%arg6 : memref<40x128xf32, #tpu.memory_space<vmem>>) offsets(%dma_start3A_10 : memref<40xi32, #tpu.memory_space<vmem>>) semaphore(%arg10 : memref<!tpu.dma_semaphore, #tpu.memory_space<semaphore_mem>>)
    %dma_start3A_14 = arith.constant 49 : i32
    %dma_start3A_15 = arith.constant 0 : i32
    %dma_start3A_16 = tpu.memref_slice %arg5[%dma_start3A_14, %dma_start3A_15] : memref<50x40xi32, #tpu.memory_space<vmem>> -> memref<1x40xi32, #tpu.memory_space<vmem>>
    %dma_start3A_17 = tpu.memref_squeeze %dma_start3A_16 : memref<1x40xi32, #tpu.memory_space<vmem>> -> memref<40xi32, #tpu.memory_space<vmem>>
    %dma_start3A_18 = arith.constant 0 : i32
    %dma_start3A_19 = arith.constant 0 : i32
    %dma_start3A_20 = tpu.memref_slice %arg2[%dma_start3A_18, %dma_start3A_19] : memref<10000x128xf32, #tpu.memory_space<hbm>> -> memref<10000x128xf32, #tpu.memory_space<hbm>>
    tpu.enqueue_indirect_dma source(%dma_start3A_20 : memref<10000x128xf32, #tpu.memory_space<hbm>>) target(%arg7 : memref<40x128xf32, #tpu.memory_space<vmem>>) offsets(%dma_start3A_17 : memref<40xi32, #tpu.memory_space<vmem>>) semaphore(%arg11 : memref<!tpu.dma_semaphore, #tpu.memory_space<semaphore_mem>>)
    %dma_wait3A = arith.constant 48 : i32
    %dma_wait3A_21 = arith.constant 0 : i32
    %dma_wait3A_22 = tpu.memref_slice %arg5[%dma_wait3A, %dma_wait3A_21] : memref<50x40xi32, #tpu.memory_space<vmem>> -> memref<1x40xi32, #tpu.memory_space<vmem>>
    %dma_wait3A_23 = tpu.memref_squeeze %dma_wait3A_22 : memref<1x40xi32, #tpu.memory_space<vmem>> -> memref<40xi32, #tpu.memory_space<vmem>>
    %dma_wait3A_24 = arith.constant 0 : i32
    %dma_wait3A_25 = arith.constant 0 : i32
    %dma_wait3A_26 = tpu.memref_slice %arg2[%dma_wait3A_24, %dma_wait3A_25] : memref<10000x128xf32, #tpu.memory_space<hbm>> -> memref<10000x128xf32, #tpu.memory_space<hbm>>
    tpu.wait_indirect_dma semaphore(%arg10 : memref<!tpu.dma_semaphore, #tpu.memory_space<semaphore_mem>>) src(%dma_wait3A_26 : memref<10000x128xf32, #tpu.memory_space<hbm>>) dst(%arg6 : memref<40x128xf32, #tpu.memory_space<vmem>>)
    %add3A_27 = arith.constant 48 : i32
    %add3A_28 = arith.addi %mul3A_2, %add3A_27 : i32
    %add3A_29 = arith.constant 0 : i32
    %add3A_30 = arith.addi %add3A_28, %add3A_29 : i32
    %mul3A_31 = arith.constant 40 : i32
    %mul3A_32 = arith.muli %add3A_30, %mul3A_31 : i32
    "tpu.region"() ({
      %run_scoped3A = tpu.sem_alloc : memref<!tpu.dma_semaphore, #tpu.memory_space<semaphore_mem>>
      %dma_start3A_46 = arith.constant 0 : i32
      %dma_start3A_47 = tpu.memref_slice %arg4[%mul3A_32, %dma_start3A_46] : memref<64000x128xf32, #tpu.memory_space<hbm>> -> memref<40x128xf32, #tpu.memory_space<hbm>>
      %dma_start3A_48 = arith.constant 0 : i32
      %dma_start3A_49 = tpu.memref_slice %arg4[%mul3A_32, %dma_start3A_48] : memref<64000x128xf32, #tpu.memory_space<hbm>> -> memref<40x128xf32, #tpu.memory_space<hbm>>
      tpu.enqueue_dma source(%arg6 : memref<40x128xf32, #tpu.memory_space<vmem>>) target(%dma_start3A_49 : memref<40x128xf32, #tpu.memory_space<hbm>>) target_semaphore(%run_scoped3A : memref<!tpu.dma_semaphore, #tpu.memory_space<semaphore_mem>>)
      %dma_wait3A_50 = arith.constant 0 : i32
      %dma_wait3A_51 = tpu.memref_slice %arg4[%mul3A_32, %dma_wait3A_50] : memref<64000x128xf32, #tpu.memory_space<hbm>> -> memref<40x128xf32, #tpu.memory_space<hbm>>
      %dma_wait3A_52 = arith.constant 0 : i32
      %dma_wait3A_53 = tpu.memref_slice %arg4[%mul3A_32, %dma_wait3A_52] : memref<64000x128xf32, #tpu.memory_space<hbm>> -> memref<40x128xf32, #tpu.memory_space<hbm>>
      tpu.wait_dma2 semaphore(%run_scoped3A : memref<!tpu.dma_semaphore, #tpu.memory_space<semaphore_mem>>) src(%arg6 : memref<40x128xf32, #tpu.memory_space<vmem>>) dst(%dma_wait3A_53 : memref<40x128xf32, #tpu.memory_space<hbm>>)
      tpu.yield
    }) : () -> ()
    %dma_wait3A_33 = arith.constant 49 : i32
    %dma_wait3A_34 = arith.constant 0 : i32
    %dma_wait3A_35 = tpu.memref_slice %arg5[%dma_wait3A_33, %dma_wait3A_34] : memref<50x40xi32, #tpu.memory_space<vmem>> -> memref<1x40xi32, #tpu.memory_space<vmem>>
    %dma_wait3A_36 = tpu.memref_squeeze %dma_wait3A_35 : memref<1x40xi32, #tpu.memory_space<vmem>> -> memref<40xi32, #tpu.memory_space<vmem>>
    %dma_wait3A_37 = arith.constant 0 : i32
    %dma_wait3A_38 = arith.constant 0 : i32
    %dma_wait3A_39 = tpu.memref_slice %arg2[%dma_wait3A_37, %dma_wait3A_38] : memref<10000x128xf32, #tpu.memory_space<hbm>> -> memref<10000x128xf32, #tpu.memory_space<hbm>>
    tpu.wait_indirect_dma semaphore(%arg11 : memref<!tpu.dma_semaphore, #tpu.memory_space<semaphore_mem>>) src(%dma_wait3A_39 : memref<10000x128xf32, #tpu.memory_space<hbm>>) dst(%arg7 : memref<40x128xf32, #tpu.memory_space<vmem>>)
    %add3A_40 = arith.constant 48 : i32
    %add3A_41 = arith.addi %mul3A_2, %add3A_40 : i32
    %add3A_42 = arith.constant 1 : i32
    %add3A_43 = arith.addi %add3A_41, %add3A_42 : i32
    %mul3A_44 = arith.constant 40 : i32
    %mul3A_45 = arith.muli %add3A_43, %mul3A_44 : i32
    "tpu.region"() ({
      %run_scoped3A = tpu.sem_alloc : memref<!tpu.dma_semaphore, #tpu.memory_space<semaphore_mem>>
      %dma_start3A_46 = arith.constant 0 : i32
      %dma_start3A_47 = tpu.memref_slice %arg4[%mul3A_45, %dma_start3A_46] : memref<64000x128xf32, #tpu.memory_space<hbm>> -> memref<40x128xf32, #tpu.memory_space<hbm>>
      %dma_start3A_48 = arith.constant 0 : i32
      %dma_start3A_49 = tpu.memref_slice %arg4[%mul3A_45, %dma_start3A_48] : memref<64000x128xf32, #tpu.memory_space<hbm>> -> memref<40x128xf32, #tpu.memory_space<hbm>>
      tpu.enqueue_dma source(%arg7 : memref<40x128xf32, #tpu.memory_space<vmem>>) target(%dma_start3A_49 : memref<40x128xf32, #tpu.memory_space<hbm>>) target_semaphore(%run_scoped3A : memref<!tpu.dma_semaphore, #tpu.memory_space<semaphore_mem>>)
      %dma_wait3A_50 = arith.constant 0 : i32
      %dma_wait3A_51 = tpu.memref_slice %arg4[%mul3A_45, %dma_wait3A_50] : memref<64000x128xf32, #tpu.memory_space<hbm>> -> memref<40x128xf32, #tpu.memory_space<hbm>>
      %dma_wait3A_52 = arith.constant 0 : i32
      %dma_wait3A_53 = tpu.memref_slice %arg4[%mul3A_45, %dma_wait3A_52] : memref<64000x128xf32, #tpu.memory_space<hbm>> -> memref<40x128xf32, #tpu.memory_space<hbm>>
      tpu.wait_dma2 semaphore(%run_scoped3A : memref<!tpu.dma_semaphore, #tpu.memory_space<semaphore_mem>>) src(%arg7 : memref<40x128xf32, #tpu.memory_space<vmem>>) dst(%dma_wait3A_53 : memref<40x128xf32, #tpu.memory_space<hbm>>)
      tpu.yield
    }) : () -> ()
    return
  }
}

#map = affine_map<(d0, d1) -> (0, 0)>
#map1 = affine_map<(d0, d1) -> (0, 0, 0)>
module attributes {stable_mosaic.version = 14 : i64} {
  func.func @body(%arg0: i32, %arg1: i32, %arg2: memref<10000x128xf32, #tpu.memory_space<hbm>>, %arg3: memref<32x25x40xi32, #tpu.memory_space<hbm>>, %arg4: memref<32000x128xf32, #tpu.memory_space<hbm>>, %arg5: memref<25x40xi32, #tpu.memory_space<vmem>>, %arg6: memref<40x128xf32, #tpu.memory_space<vmem>>, %arg7: memref<40x128xf32, #tpu.memory_space<vmem>>, %arg8: memref<40x128xf32, #tpu.memory_space<vmem>>, %arg9: memref<40x128xf32, #tpu.memory_space<vmem>>, %arg10: memref<!tpu.dma_semaphore, #tpu.memory_space<semaphore_mem>>, %arg11: memref<!tpu.dma_semaphore, #tpu.memory_space<semaphore_mem>>, %arg12: memref<!tpu.dma_semaphore, #tpu.memory_space<semaphore_mem>>, %arg13: memref<!tpu.dma_semaphore, #tpu.memory_space<semaphore_mem>>) attributes {dimension_semantics = [#tpu.dimension_semantics<core_parallel>, #tpu.dimension_semantics<subcore_parallel>], iteration_bounds = array<i64: 2, 16>, scalar_prefetch = 0 : i64, scratch_operands = 9 : i64, tpu.core_type = #tpu.core_type<sc_vector_subcore>, window_params = [{transform_indices = #map}, {transform_indices = #map1}, {transform_indices = #map}]} {
    %mul3A = arith.constant 16 : i32
    %mul3A_0 = arith.muli %arg0, %mul3A : i32
    %add3A = arith.addi %mul3A_0, %arg1 : i32
    "tpu.region"() ({
      %run_scoped3A = tpu.sem_alloc : memref<!tpu.dma_semaphore, #tpu.memory_space<semaphore_mem>>
      %dma_start3A_26 = arith.constant 0 : i32
      %dma_start3A_27 = arith.constant 0 : i32
      %dma_start3A_28 = tpu.memref_slice %arg3[%add3A, %dma_start3A_26, %dma_start3A_27] : memref<32x25x40xi32, #tpu.memory_space<hbm>> -> memref<1x25x40xi32, #tpu.memory_space<hbm>>
      %dma_start3A_29 = tpu.memref_squeeze %dma_start3A_28 : memref<1x25x40xi32, #tpu.memory_space<hbm>> -> memref<25x40xi32, #tpu.memory_space<hbm>>
      %dma_start3A_30 = arith.constant 0 : i32
      %dma_start3A_31 = arith.constant 0 : i32
      %dma_start3A_32 = tpu.memref_slice %arg3[%add3A, %dma_start3A_30, %dma_start3A_31] : memref<32x25x40xi32, #tpu.memory_space<hbm>> -> memref<1x25x40xi32, #tpu.memory_space<hbm>>
      %dma_start3A_33 = tpu.memref_squeeze %dma_start3A_32 : memref<1x25x40xi32, #tpu.memory_space<hbm>> -> memref<25x40xi32, #tpu.memory_space<hbm>>
      tpu.enqueue_dma source(%dma_start3A_33 : memref<25x40xi32, #tpu.memory_space<hbm>>) target(%arg5 : memref<25x40xi32, #tpu.memory_space<vmem>>) target_semaphore(%run_scoped3A : memref<!tpu.dma_semaphore, #tpu.memory_space<semaphore_mem>>)
      %dma_wait3A_34 = arith.constant 0 : i32
      %dma_wait3A_35 = arith.constant 0 : i32
      %dma_wait3A_36 = tpu.memref_slice %arg3[%add3A, %dma_wait3A_34, %dma_wait3A_35] : memref<32x25x40xi32, #tpu.memory_space<hbm>> -> memref<1x25x40xi32, #tpu.memory_space<hbm>>
      %dma_wait3A_37 = tpu.memref_squeeze %dma_wait3A_36 : memref<1x25x40xi32, #tpu.memory_space<hbm>> -> memref<25x40xi32, #tpu.memory_space<hbm>>
      %dma_wait3A_38 = arith.constant 0 : i32
      %dma_wait3A_39 = arith.constant 0 : i32
      %dma_wait3A_40 = tpu.memref_slice %arg3[%add3A, %dma_wait3A_38, %dma_wait3A_39] : memref<32x25x40xi32, #tpu.memory_space<hbm>> -> memref<1x25x40xi32, #tpu.memory_space<hbm>>
      %dma_wait3A_41 = tpu.memref_squeeze %dma_wait3A_40 : memref<1x25x40xi32, #tpu.memory_space<hbm>> -> memref<25x40xi32, #tpu.memory_space<hbm>>
      tpu.wait_dma2 semaphore(%run_scoped3A : memref<!tpu.dma_semaphore, #tpu.memory_space<semaphore_mem>>) src(%dma_wait3A_41 : memref<25x40xi32, #tpu.memory_space<hbm>>) dst(%arg5 : memref<25x40xi32, #tpu.memory_space<vmem>>)
      tpu.yield
    }) : () -> ()
    %mul3A_1 = arith.constant 25 : i32
    %mul3A_2 = arith.muli %add3A, %mul3A_1 : i32
    %scan3A = arith.constant 0 : i32
    %scan3A_3 = arith.constant 0 : i32
    %scan3A_4 = arith.constant 6 : i32
    %scan3A_5 = arith.addi %scan3A_3, %scan3A_4 : i32
    %scan3A_6 = arith.constant 1 : i32
    scf.for %scan3A_26 = %scan3A_3 to %scan3A_5 step %scan3A_6  : i32 {
      %mul3A_27 = arith.constant 4 : i32
      %mul3A_28 = arith.muli %scan3A_26, %mul3A_27 : i32
      %add3A_29 = arith.constant 0 : i32
      %add3A_30 = arith.addi %mul3A_28, %add3A_29 : i32
      %dma_start3A_31 = arith.constant 0 : i32
      %dma_start3A_32 = tpu.memref_slice %arg5[%add3A_30, %dma_start3A_31] : memref<25x40xi32, #tpu.memory_space<vmem>> -> memref<1x40xi32, #tpu.memory_space<vmem>>
      %dma_start3A_33 = tpu.memref_squeeze %dma_start3A_32 : memref<1x40xi32, #tpu.memory_space<vmem>> -> memref<40xi32, #tpu.memory_space<vmem>>
      %dma_start3A_34 = arith.constant 0 : i32
      %dma_start3A_35 = arith.constant 0 : i32
      %dma_start3A_36 = tpu.memref_slice %arg2[%dma_start3A_34, %dma_start3A_35] : memref<10000x128xf32, #tpu.memory_space<hbm>> -> memref<10000x128xf32, #tpu.memory_space<hbm>>
      tpu.enqueue_indirect_dma source(%dma_start3A_36 : memref<10000x128xf32, #tpu.memory_space<hbm>>) target(%arg6 : memref<40x128xf32, #tpu.memory_space<vmem>>) offsets(%dma_start3A_33 : memref<40xi32, #tpu.memory_space<vmem>>) semaphore(%arg10 : memref<!tpu.dma_semaphore, #tpu.memory_space<semaphore_mem>>)
      %add3A_37 = arith.constant 1 : i32
      %add3A_38 = arith.addi %mul3A_28, %add3A_37 : i32
      %dma_start3A_39 = arith.constant 0 : i32
      %dma_start3A_40 = tpu.memref_slice %arg5[%add3A_38, %dma_start3A_39] : memref<25x40xi32, #tpu.memory_space<vmem>> -> memref<1x40xi32, #tpu.memory_space<vmem>>
      %dma_start3A_41 = tpu.memref_squeeze %dma_start3A_40 : memref<1x40xi32, #tpu.memory_space<vmem>> -> memref<40xi32, #tpu.memory_space<vmem>>
      %dma_start3A_42 = arith.constant 0 : i32
      %dma_start3A_43 = arith.constant 0 : i32
      %dma_start3A_44 = tpu.memref_slice %arg2[%dma_start3A_42, %dma_start3A_43] : memref<10000x128xf32, #tpu.memory_space<hbm>> -> memref<10000x128xf32, #tpu.memory_space<hbm>>
      tpu.enqueue_indirect_dma source(%dma_start3A_44 : memref<10000x128xf32, #tpu.memory_space<hbm>>) target(%arg7 : memref<40x128xf32, #tpu.memory_space<vmem>>) offsets(%dma_start3A_41 : memref<40xi32, #tpu.memory_space<vmem>>) semaphore(%arg11 : memref<!tpu.dma_semaphore, #tpu.memory_space<semaphore_mem>>)
      %add3A_45 = arith.constant 2 : i32
      %add3A_46 = arith.addi %mul3A_28, %add3A_45 : i32
      %dma_start3A_47 = arith.constant 0 : i32
      %dma_start3A_48 = tpu.memref_slice %arg5[%add3A_46, %dma_start3A_47] : memref<25x40xi32, #tpu.memory_space<vmem>> -> memref<1x40xi32, #tpu.memory_space<vmem>>
      %dma_start3A_49 = tpu.memref_squeeze %dma_start3A_48 : memref<1x40xi32, #tpu.memory_space<vmem>> -> memref<40xi32, #tpu.memory_space<vmem>>
      %dma_start3A_50 = arith.constant 0 : i32
      %dma_start3A_51 = arith.constant 0 : i32
      %dma_start3A_52 = tpu.memref_slice %arg2[%dma_start3A_50, %dma_start3A_51] : memref<10000x128xf32, #tpu.memory_space<hbm>> -> memref<10000x128xf32, #tpu.memory_space<hbm>>
      tpu.enqueue_indirect_dma source(%dma_start3A_52 : memref<10000x128xf32, #tpu.memory_space<hbm>>) target(%arg8 : memref<40x128xf32, #tpu.memory_space<vmem>>) offsets(%dma_start3A_49 : memref<40xi32, #tpu.memory_space<vmem>>) semaphore(%arg12 : memref<!tpu.dma_semaphore, #tpu.memory_space<semaphore_mem>>)
      %add3A_53 = arith.constant 3 : i32
      %add3A_54 = arith.addi %mul3A_28, %add3A_53 : i32
      %dma_start3A_55 = arith.constant 0 : i32
      %dma_start3A_56 = tpu.memref_slice %arg5[%add3A_54, %dma_start3A_55] : memref<25x40xi32, #tpu.memory_space<vmem>> -> memref<1x40xi32, #tpu.memory_space<vmem>>
      %dma_start3A_57 = tpu.memref_squeeze %dma_start3A_56 : memref<1x40xi32, #tpu.memory_space<vmem>> -> memref<40xi32, #tpu.memory_space<vmem>>
      %dma_start3A_58 = arith.constant 0 : i32
      %dma_start3A_59 = arith.constant 0 : i32
      %dma_start3A_60 = tpu.memref_slice %arg2[%dma_start3A_58, %dma_start3A_59] : memref<10000x128xf32, #tpu.memory_space<hbm>> -> memref<10000x128xf32, #tpu.memory_space<hbm>>
      tpu.enqueue_indirect_dma source(%dma_start3A_60 : memref<10000x128xf32, #tpu.memory_space<hbm>>) target(%arg9 : memref<40x128xf32, #tpu.memory_space<vmem>>) offsets(%dma_start3A_57 : memref<40xi32, #tpu.memory_space<vmem>>) semaphore(%arg13 : memref<!tpu.dma_semaphore, #tpu.memory_space<semaphore_mem>>)
      %dma_wait3A_61 = arith.constant 0 : i32
      %dma_wait3A_62 = tpu.memref_slice %arg5[%add3A_30, %dma_wait3A_61] : memref<25x40xi32, #tpu.memory_space<vmem>> -> memref<1x40xi32, #tpu.memory_space<vmem>>
      %dma_wait3A_63 = tpu.memref_squeeze %dma_wait3A_62 : memref<1x40xi32, #tpu.memory_space<vmem>> -> memref<40xi32, #tpu.memory_space<vmem>>
      %dma_wait3A_64 = arith.constant 0 : i32
      %dma_wait3A_65 = arith.constant 0 : i32
      %dma_wait3A_66 = tpu.memref_slice %arg2[%dma_wait3A_64, %dma_wait3A_65] : memref<10000x128xf32, #tpu.memory_space<hbm>> -> memref<10000x128xf32, #tpu.memory_space<hbm>>
      tpu.wait_indirect_dma semaphore(%arg10 : memref<!tpu.dma_semaphore, #tpu.memory_space<semaphore_mem>>) src(%dma_wait3A_66 : memref<10000x128xf32, #tpu.memory_space<hbm>>) dst(%arg6 : memref<40x128xf32, #tpu.memory_space<vmem>>)
      %add3A_67 = arith.addi %mul3A_2, %mul3A_28 : i32
      %add3A_68 = arith.constant 0 : i32
      %add3A_69 = arith.addi %add3A_67, %add3A_68 : i32
      %mul3A_70 = arith.constant 40 : i32
      %mul3A_71 = arith.muli %add3A_69, %mul3A_70 : i32
      "tpu.region"() ({
        %run_scoped3A = tpu.sem_alloc : memref<!tpu.dma_semaphore, #tpu.memory_space<semaphore_mem>>
        %dma_start3A_105 = arith.constant 0 : i32
        %dma_start3A_106 = tpu.memref_slice %arg4[%mul3A_71, %dma_start3A_105] : memref<32000x128xf32, #tpu.memory_space<hbm>> -> memref<40x128xf32, #tpu.memory_space<hbm>>
        %dma_start3A_107 = arith.constant 0 : i32
        %dma_start3A_108 = tpu.memref_slice %arg4[%mul3A_71, %dma_start3A_107] : memref<32000x128xf32, #tpu.memory_space<hbm>> -> memref<40x128xf32, #tpu.memory_space<hbm>>
        tpu.enqueue_dma source(%arg6 : memref<40x128xf32, #tpu.memory_space<vmem>>) target(%dma_start3A_108 : memref<40x128xf32, #tpu.memory_space<hbm>>) target_semaphore(%run_scoped3A : memref<!tpu.dma_semaphore, #tpu.memory_space<semaphore_mem>>)
        %dma_wait3A_109 = arith.constant 0 : i32
        %dma_wait3A_110 = tpu.memref_slice %arg4[%mul3A_71, %dma_wait3A_109] : memref<32000x128xf32, #tpu.memory_space<hbm>> -> memref<40x128xf32, #tpu.memory_space<hbm>>
        %dma_wait3A_111 = arith.constant 0 : i32
        %dma_wait3A_112 = tpu.memref_slice %arg4[%mul3A_71, %dma_wait3A_111] : memref<32000x128xf32, #tpu.memory_space<hbm>> -> memref<40x128xf32, #tpu.memory_space<hbm>>
        tpu.wait_dma2 semaphore(%run_scoped3A : memref<!tpu.dma_semaphore, #tpu.memory_space<semaphore_mem>>) src(%arg6 : memref<40x128xf32, #tpu.memory_space<vmem>>) dst(%dma_wait3A_112 : memref<40x128xf32, #tpu.memory_space<hbm>>)
        tpu.yield
      }) : () -> ()
      %dma_wait3A_72 = arith.constant 0 : i32
      %dma_wait3A_73 = tpu.memref_slice %arg5[%add3A_38, %dma_wait3A_72] : memref<25x40xi32, #tpu.memory_space<vmem>> -> memref<1x40xi32, #tpu.memory_space<vmem>>
      %dma_wait3A_74 = tpu.memref_squeeze %dma_wait3A_73 : memref<1x40xi32, #tpu.memory_space<vmem>> -> memref<40xi32, #tpu.memory_space<vmem>>
      %dma_wait3A_75 = arith.constant 0 : i32
      %dma_wait3A_76 = arith.constant 0 : i32
      %dma_wait3A_77 = tpu.memref_slice %arg2[%dma_wait3A_75, %dma_wait3A_76] : memref<10000x128xf32, #tpu.memory_space<hbm>> -> memref<10000x128xf32, #tpu.memory_space<hbm>>
      tpu.wait_indirect_dma semaphore(%arg11 : memref<!tpu.dma_semaphore, #tpu.memory_space<semaphore_mem>>) src(%dma_wait3A_77 : memref<10000x128xf32, #tpu.memory_space<hbm>>) dst(%arg7 : memref<40x128xf32, #tpu.memory_space<vmem>>)
      %add3A_78 = arith.addi %mul3A_2, %mul3A_28 : i32
      %add3A_79 = arith.constant 1 : i32
      %add3A_80 = arith.addi %add3A_78, %add3A_79 : i32
      %mul3A_81 = arith.constant 40 : i32
      %mul3A_82 = arith.muli %add3A_80, %mul3A_81 : i32
      "tpu.region"() ({
        %run_scoped3A = tpu.sem_alloc : memref<!tpu.dma_semaphore, #tpu.memory_space<semaphore_mem>>
        %dma_start3A_105 = arith.constant 0 : i32
        %dma_start3A_106 = tpu.memref_slice %arg4[%mul3A_82, %dma_start3A_105] : memref<32000x128xf32, #tpu.memory_space<hbm>> -> memref<40x128xf32, #tpu.memory_space<hbm>>
        %dma_start3A_107 = arith.constant 0 : i32
        %dma_start3A_108 = tpu.memref_slice %arg4[%mul3A_82, %dma_start3A_107] : memref<32000x128xf32, #tpu.memory_space<hbm>> -> memref<40x128xf32, #tpu.memory_space<hbm>>
        tpu.enqueue_dma source(%arg7 : memref<40x128xf32, #tpu.memory_space<vmem>>) target(%dma_start3A_108 : memref<40x128xf32, #tpu.memory_space<hbm>>) target_semaphore(%run_scoped3A : memref<!tpu.dma_semaphore, #tpu.memory_space<semaphore_mem>>)
        %dma_wait3A_109 = arith.constant 0 : i32
        %dma_wait3A_110 = tpu.memref_slice %arg4[%mul3A_82, %dma_wait3A_109] : memref<32000x128xf32, #tpu.memory_space<hbm>> -> memref<40x128xf32, #tpu.memory_space<hbm>>
        %dma_wait3A_111 = arith.constant 0 : i32
        %dma_wait3A_112 = tpu.memref_slice %arg4[%mul3A_82, %dma_wait3A_111] : memref<32000x128xf32, #tpu.memory_space<hbm>> -> memref<40x128xf32, #tpu.memory_space<hbm>>
        tpu.wait_dma2 semaphore(%run_scoped3A : memref<!tpu.dma_semaphore, #tpu.memory_space<semaphore_mem>>) src(%arg7 : memref<40x128xf32, #tpu.memory_space<vmem>>) dst(%dma_wait3A_112 : memref<40x128xf32, #tpu.memory_space<hbm>>)
        tpu.yield
      }) : () -> ()
      %dma_wait3A_83 = arith.constant 0 : i32
      %dma_wait3A_84 = tpu.memref_slice %arg5[%add3A_46, %dma_wait3A_83] : memref<25x40xi32, #tpu.memory_space<vmem>> -> memref<1x40xi32, #tpu.memory_space<vmem>>
      %dma_wait3A_85 = tpu.memref_squeeze %dma_wait3A_84 : memref<1x40xi32, #tpu.memory_space<vmem>> -> memref<40xi32, #tpu.memory_space<vmem>>
      %dma_wait3A_86 = arith.constant 0 : i32
      %dma_wait3A_87 = arith.constant 0 : i32
      %dma_wait3A_88 = tpu.memref_slice %arg2[%dma_wait3A_86, %dma_wait3A_87] : memref<10000x128xf32, #tpu.memory_space<hbm>> -> memref<10000x128xf32, #tpu.memory_space<hbm>>
      tpu.wait_indirect_dma semaphore(%arg12 : memref<!tpu.dma_semaphore, #tpu.memory_space<semaphore_mem>>) src(%dma_wait3A_88 : memref<10000x128xf32, #tpu.memory_space<hbm>>) dst(%arg8 : memref<40x128xf32, #tpu.memory_space<vmem>>)
      %add3A_89 = arith.addi %mul3A_2, %mul3A_28 : i32
      %add3A_90 = arith.constant 2 : i32
      %add3A_91 = arith.addi %add3A_89, %add3A_90 : i32
      %mul3A_92 = arith.constant 40 : i32
      %mul3A_93 = arith.muli %add3A_91, %mul3A_92 : i32
      "tpu.region"() ({
        %run_scoped3A = tpu.sem_alloc : memref<!tpu.dma_semaphore, #tpu.memory_space<semaphore_mem>>
        %dma_start3A_105 = arith.constant 0 : i32
        %dma_start3A_106 = tpu.memref_slice %arg4[%mul3A_93, %dma_start3A_105] : memref<32000x128xf32, #tpu.memory_space<hbm>> -> memref<40x128xf32, #tpu.memory_space<hbm>>
        %dma_start3A_107 = arith.constant 0 : i32
        %dma_start3A_108 = tpu.memref_slice %arg4[%mul3A_93, %dma_start3A_107] : memref<32000x128xf32, #tpu.memory_space<hbm>> -> memref<40x128xf32, #tpu.memory_space<hbm>>
        tpu.enqueue_dma source(%arg8 : memref<40x128xf32, #tpu.memory_space<vmem>>) target(%dma_start3A_108 : memref<40x128xf32, #tpu.memory_space<hbm>>) target_semaphore(%run_scoped3A : memref<!tpu.dma_semaphore, #tpu.memory_space<semaphore_mem>>)
        %dma_wait3A_109 = arith.constant 0 : i32
        %dma_wait3A_110 = tpu.memref_slice %arg4[%mul3A_93, %dma_wait3A_109] : memref<32000x128xf32, #tpu.memory_space<hbm>> -> memref<40x128xf32, #tpu.memory_space<hbm>>
        %dma_wait3A_111 = arith.constant 0 : i32
        %dma_wait3A_112 = tpu.memref_slice %arg4[%mul3A_93, %dma_wait3A_111] : memref<32000x128xf32, #tpu.memory_space<hbm>> -> memref<40x128xf32, #tpu.memory_space<hbm>>
        tpu.wait_dma2 semaphore(%run_scoped3A : memref<!tpu.dma_semaphore, #tpu.memory_space<semaphore_mem>>) src(%arg8 : memref<40x128xf32, #tpu.memory_space<vmem>>) dst(%dma_wait3A_112 : memref<40x128xf32, #tpu.memory_space<hbm>>)
        tpu.yield
      }) : () -> ()
      %dma_wait3A_94 = arith.constant 0 : i32
      %dma_wait3A_95 = tpu.memref_slice %arg5[%add3A_54, %dma_wait3A_94] : memref<25x40xi32, #tpu.memory_space<vmem>> -> memref<1x40xi32, #tpu.memory_space<vmem>>
      %dma_wait3A_96 = tpu.memref_squeeze %dma_wait3A_95 : memref<1x40xi32, #tpu.memory_space<vmem>> -> memref<40xi32, #tpu.memory_space<vmem>>
      %dma_wait3A_97 = arith.constant 0 : i32
      %dma_wait3A_98 = arith.constant 0 : i32
      %dma_wait3A_99 = tpu.memref_slice %arg2[%dma_wait3A_97, %dma_wait3A_98] : memref<10000x128xf32, #tpu.memory_space<hbm>> -> memref<10000x128xf32, #tpu.memory_space<hbm>>
      tpu.wait_indirect_dma semaphore(%arg13 : memref<!tpu.dma_semaphore, #tpu.memory_space<semaphore_mem>>) src(%dma_wait3A_99 : memref<10000x128xf32, #tpu.memory_space<hbm>>) dst(%arg9 : memref<40x128xf32, #tpu.memory_space<vmem>>)
      %add3A_100 = arith.addi %mul3A_2, %mul3A_28 : i32
      %add3A_101 = arith.constant 3 : i32
      %add3A_102 = arith.addi %add3A_100, %add3A_101 : i32
      %mul3A_103 = arith.constant 40 : i32
      %mul3A_104 = arith.muli %add3A_102, %mul3A_103 : i32
      "tpu.region"() ({
        %run_scoped3A = tpu.sem_alloc : memref<!tpu.dma_semaphore, #tpu.memory_space<semaphore_mem>>
        %dma_start3A_105 = arith.constant 0 : i32
        %dma_start3A_106 = tpu.memref_slice %arg4[%mul3A_104, %dma_start3A_105] : memref<32000x128xf32, #tpu.memory_space<hbm>> -> memref<40x128xf32, #tpu.memory_space<hbm>>
        %dma_start3A_107 = arith.constant 0 : i32
        %dma_start3A_108 = tpu.memref_slice %arg4[%mul3A_104, %dma_start3A_107] : memref<32000x128xf32, #tpu.memory_space<hbm>> -> memref<40x128xf32, #tpu.memory_space<hbm>>
        tpu.enqueue_dma source(%arg9 : memref<40x128xf32, #tpu.memory_space<vmem>>) target(%dma_start3A_108 : memref<40x128xf32, #tpu.memory_space<hbm>>) target_semaphore(%run_scoped3A : memref<!tpu.dma_semaphore, #tpu.memory_space<semaphore_mem>>)
        %dma_wait3A_109 = arith.constant 0 : i32
        %dma_wait3A_110 = tpu.memref_slice %arg4[%mul3A_104, %dma_wait3A_109] : memref<32000x128xf32, #tpu.memory_space<hbm>> -> memref<40x128xf32, #tpu.memory_space<hbm>>
        %dma_wait3A_111 = arith.constant 0 : i32
        %dma_wait3A_112 = tpu.memref_slice %arg4[%mul3A_104, %dma_wait3A_111] : memref<32000x128xf32, #tpu.memory_space<hbm>> -> memref<40x128xf32, #tpu.memory_space<hbm>>
        tpu.wait_dma2 semaphore(%run_scoped3A : memref<!tpu.dma_semaphore, #tpu.memory_space<semaphore_mem>>) src(%arg9 : memref<40x128xf32, #tpu.memory_space<vmem>>) dst(%dma_wait3A_112 : memref<40x128xf32, #tpu.memory_space<hbm>>)
        tpu.yield
      }) : () -> ()
    }
    %scan3A_7 = arith.constant 6 : i32
    %dma_start3A = arith.constant 24 : i32
    %dma_start3A_8 = arith.constant 0 : i32
    %dma_start3A_9 = tpu.memref_slice %arg5[%dma_start3A, %dma_start3A_8] : memref<25x40xi32, #tpu.memory_space<vmem>> -> memref<1x40xi32, #tpu.memory_space<vmem>>
    %dma_start3A_10 = tpu.memref_squeeze %dma_start3A_9 : memref<1x40xi32, #tpu.memory_space<vmem>> -> memref<40xi32, #tpu.memory_space<vmem>>
    %dma_start3A_11 = arith.constant 0 : i32
    %dma_start3A_12 = arith.constant 0 : i32
    %dma_start3A_13 = tpu.memref_slice %arg2[%dma_start3A_11, %dma_start3A_12] : memref<10000x128xf32, #tpu.memory_space<hbm>> -> memref<10000x128xf32, #tpu.memory_space<hbm>>
    tpu.enqueue_indirect_dma source(%dma_start3A_13 : memref<10000x128xf32, #tpu.memory_space<hbm>>) target(%arg6 : memref<40x128xf32, #tpu.memory_space<vmem>>) offsets(%dma_start3A_10 : memref<40xi32, #tpu.memory_space<vmem>>) semaphore(%arg10 : memref<!tpu.dma_semaphore, #tpu.memory_space<semaphore_mem>>)
    %dma_wait3A = arith.constant 24 : i32
    %dma_wait3A_14 = arith.constant 0 : i32
    %dma_wait3A_15 = tpu.memref_slice %arg5[%dma_wait3A, %dma_wait3A_14] : memref<25x40xi32, #tpu.memory_space<vmem>> -> memref<1x40xi32, #tpu.memory_space<vmem>>
    %dma_wait3A_16 = tpu.memref_squeeze %dma_wait3A_15 : memref<1x40xi32, #tpu.memory_space<vmem>> -> memref<40xi32, #tpu.memory_space<vmem>>
    %dma_wait3A_17 = arith.constant 0 : i32
    %dma_wait3A_18 = arith.constant 0 : i32
    %dma_wait3A_19 = tpu.memref_slice %arg2[%dma_wait3A_17, %dma_wait3A_18] : memref<10000x128xf32, #tpu.memory_space<hbm>> -> memref<10000x128xf32, #tpu.memory_space<hbm>>
    tpu.wait_indirect_dma semaphore(%arg10 : memref<!tpu.dma_semaphore, #tpu.memory_space<semaphore_mem>>) src(%dma_wait3A_19 : memref<10000x128xf32, #tpu.memory_space<hbm>>) dst(%arg6 : memref<40x128xf32, #tpu.memory_space<vmem>>)
    %add3A_20 = arith.constant 24 : i32
    %add3A_21 = arith.addi %mul3A_2, %add3A_20 : i32
    %add3A_22 = arith.constant 0 : i32
    %add3A_23 = arith.addi %add3A_21, %add3A_22 : i32
    %mul3A_24 = arith.constant 40 : i32
    %mul3A_25 = arith.muli %add3A_23, %mul3A_24 : i32
    "tpu.region"() ({
      %run_scoped3A = tpu.sem_alloc : memref<!tpu.dma_semaphore, #tpu.memory_space<semaphore_mem>>
      %dma_start3A_26 = arith.constant 0 : i32
      %dma_start3A_27 = tpu.memref_slice %arg4[%mul3A_25, %dma_start3A_26] : memref<32000x128xf32, #tpu.memory_space<hbm>> -> memref<40x128xf32, #tpu.memory_space<hbm>>
      %dma_start3A_28 = arith.constant 0 : i32
      %dma_start3A_29 = tpu.memref_slice %arg4[%mul3A_25, %dma_start3A_28] : memref<32000x128xf32, #tpu.memory_space<hbm>> -> memref<40x128xf32, #tpu.memory_space<hbm>>
      tpu.enqueue_dma source(%arg6 : memref<40x128xf32, #tpu.memory_space<vmem>>) target(%dma_start3A_29 : memref<40x128xf32, #tpu.memory_space<hbm>>) target_semaphore(%run_scoped3A : memref<!tpu.dma_semaphore, #tpu.memory_space<semaphore_mem>>)
      %dma_wait3A_30 = arith.constant 0 : i32
      %dma_wait3A_31 = tpu.memref_slice %arg4[%mul3A_25, %dma_wait3A_30] : memref<32000x128xf32, #tpu.memory_space<hbm>> -> memref<40x128xf32, #tpu.memory_space<hbm>>
      %dma_wait3A_32 = arith.constant 0 : i32
      %dma_wait3A_33 = tpu.memref_slice %arg4[%mul3A_25, %dma_wait3A_32] : memref<32000x128xf32, #tpu.memory_space<hbm>> -> memref<40x128xf32, #tpu.memory_space<hbm>>
      tpu.wait_dma2 semaphore(%run_scoped3A : memref<!tpu.dma_semaphore, #tpu.memory_space<semaphore_mem>>) src(%arg6 : memref<40x128xf32, #tpu.memory_space<vmem>>) dst(%dma_wait3A_33 : memref<40x128xf32, #tpu.memory_space<hbm>>)
      tpu.yield
    }) : () -> ()
    return
  }
}

#map = affine_map<(d0, d1) -> (0, 0)>
#map1 = affine_map<(d0, d1) -> (0, 0, 0)>
module attributes {stable_mosaic.version = 14 : i64} {
  func.func @body(%arg0: i32, %arg1: i32, %arg2: memref<10000x128xf32, #tpu.memory_space<hbm>>, %arg3: memref<32x25x40xi32, #tpu.memory_space<hbm>>, %arg4: memref<32000x128xf32, #tpu.memory_space<hbm>>, %arg5: memref<25x40xi32, #tpu.memory_space<vmem>>, %arg6: memref<40x128xf32, #tpu.memory_space<vmem>>, %arg7: memref<40x128xf32, #tpu.memory_space<vmem>>, %arg8: memref<40x128xf32, #tpu.memory_space<vmem>>, %arg9: memref<40x128xf32, #tpu.memory_space<vmem>>, %arg10: memref<!tpu.dma_semaphore, #tpu.memory_space<semaphore_mem>>, %arg11: memref<!tpu.dma_semaphore, #tpu.memory_space<semaphore_mem>>, %arg12: memref<!tpu.dma_semaphore, #tpu.memory_space<semaphore_mem>>, %arg13: memref<!tpu.dma_semaphore, #tpu.memory_space<semaphore_mem>>) attributes {dimension_semantics = [#tpu.dimension_semantics<core_parallel>, #tpu.dimension_semantics<subcore_parallel>], iteration_bounds = array<i64: 2, 16>, scalar_prefetch = 0 : i64, scratch_operands = 9 : i64, tpu.core_type = #tpu.core_type<sc_vector_subcore>, window_params = [{transform_indices = #map}, {transform_indices = #map1}, {transform_indices = #map}]} {
    %mul3A = arith.constant 16 : i32
    %mul3A_0 = arith.muli %arg0, %mul3A : i32
    %add3A = arith.addi %mul3A_0, %arg1 : i32
    "tpu.region"() ({
      %run_scoped3A = tpu.sem_alloc : memref<!tpu.dma_semaphore, #tpu.memory_space<semaphore_mem>>
      %dma_start3A_26 = arith.constant 0 : i32
      %dma_start3A_27 = arith.constant 0 : i32
      %dma_start3A_28 = tpu.memref_slice %arg3[%add3A, %dma_start3A_26, %dma_start3A_27] : memref<32x25x40xi32, #tpu.memory_space<hbm>> -> memref<1x25x40xi32, #tpu.memory_space<hbm>>
      %dma_start3A_29 = tpu.memref_squeeze %dma_start3A_28 : memref<1x25x40xi32, #tpu.memory_space<hbm>> -> memref<25x40xi32, #tpu.memory_space<hbm>>
      %dma_start3A_30 = arith.constant 0 : i32
      %dma_start3A_31 = arith.constant 0 : i32
      %dma_start3A_32 = tpu.memref_slice %arg3[%add3A, %dma_start3A_30, %dma_start3A_31] : memref<32x25x40xi32, #tpu.memory_space<hbm>> -> memref<1x25x40xi32, #tpu.memory_space<hbm>>
      %dma_start3A_33 = tpu.memref_squeeze %dma_start3A_32 : memref<1x25x40xi32, #tpu.memory_space<hbm>> -> memref<25x40xi32, #tpu.memory_space<hbm>>
      tpu.enqueue_dma source(%dma_start3A_33 : memref<25x40xi32, #tpu.memory_space<hbm>>) target(%arg5 : memref<25x40xi32, #tpu.memory_space<vmem>>) target_semaphore(%run_scoped3A : memref<!tpu.dma_semaphore, #tpu.memory_space<semaphore_mem>>)
      %dma_wait3A_34 = arith.constant 0 : i32
      %dma_wait3A_35 = arith.constant 0 : i32
      %dma_wait3A_36 = tpu.memref_slice %arg3[%add3A, %dma_wait3A_34, %dma_wait3A_35] : memref<32x25x40xi32, #tpu.memory_space<hbm>> -> memref<1x25x40xi32, #tpu.memory_space<hbm>>
      %dma_wait3A_37 = tpu.memref_squeeze %dma_wait3A_36 : memref<1x25x40xi32, #tpu.memory_space<hbm>> -> memref<25x40xi32, #tpu.memory_space<hbm>>
      %dma_wait3A_38 = arith.constant 0 : i32
      %dma_wait3A_39 = arith.constant 0 : i32
      %dma_wait3A_40 = tpu.memref_slice %arg3[%add3A, %dma_wait3A_38, %dma_wait3A_39] : memref<32x25x40xi32, #tpu.memory_space<hbm>> -> memref<1x25x40xi32, #tpu.memory_space<hbm>>
      %dma_wait3A_41 = tpu.memref_squeeze %dma_wait3A_40 : memref<1x25x40xi32, #tpu.memory_space<hbm>> -> memref<25x40xi32, #tpu.memory_space<hbm>>
      tpu.wait_dma2 semaphore(%run_scoped3A : memref<!tpu.dma_semaphore, #tpu.memory_space<semaphore_mem>>) src(%dma_wait3A_41 : memref<25x40xi32, #tpu.memory_space<hbm>>) dst(%arg5 : memref<25x40xi32, #tpu.memory_space<vmem>>)
      tpu.yield
    }) : () -> ()
    %mul3A_1 = arith.constant 25 : i32
    %mul3A_2 = arith.muli %add3A, %mul3A_1 : i32
    %scan3A = arith.constant 0 : i32
    %scan3A_3 = arith.constant 0 : i32
    %scan3A_4 = arith.constant 6 : i32
    %scan3A_5 = arith.addi %scan3A_3, %scan3A_4 : i32
    %scan3A_6 = arith.constant 1 : i32
    scf.for %scan3A_26 = %scan3A_3 to %scan3A_5 step %scan3A_6  : i32 {
      %mul3A_27 = arith.constant 4 : i32
      %mul3A_28 = arith.muli %scan3A_26, %mul3A_27 : i32
      %add3A_29 = arith.constant 0 : i32
      %add3A_30 = arith.addi %mul3A_28, %add3A_29 : i32
      %dma_start3A_31 = arith.constant 0 : i32
      %dma_start3A_32 = tpu.memref_slice %arg5[%add3A_30, %dma_start3A_31] : memref<25x40xi32, #tpu.memory_space<vmem>> -> memref<1x40xi32, #tpu.memory_space<vmem>>
      %dma_start3A_33 = tpu.memref_squeeze %dma_start3A_32 : memref<1x40xi32, #tpu.memory_space<vmem>> -> memref<40xi32, #tpu.memory_space<vmem>>
      %dma_start3A_34 = arith.constant 0 : i32
      %dma_start3A_35 = arith.constant 0 : i32
      %dma_start3A_36 = tpu.memref_slice %arg2[%dma_start3A_34, %dma_start3A_35] : memref<10000x128xf32, #tpu.memory_space<hbm>> -> memref<10000x128xf32, #tpu.memory_space<hbm>>
      tpu.enqueue_indirect_dma source(%dma_start3A_36 : memref<10000x128xf32, #tpu.memory_space<hbm>>) target(%arg6 : memref<40x128xf32, #tpu.memory_space<vmem>>) offsets(%dma_start3A_33 : memref<40xi32, #tpu.memory_space<vmem>>) semaphore(%arg10 : memref<!tpu.dma_semaphore, #tpu.memory_space<semaphore_mem>>)
      %add3A_37 = arith.constant 1 : i32
      %add3A_38 = arith.addi %mul3A_28, %add3A_37 : i32
      %dma_start3A_39 = arith.constant 0 : i32
      %dma_start3A_40 = tpu.memref_slice %arg5[%add3A_38, %dma_start3A_39] : memref<25x40xi32, #tpu.memory_space<vmem>> -> memref<1x40xi32, #tpu.memory_space<vmem>>
      %dma_start3A_41 = tpu.memref_squeeze %dma_start3A_40 : memref<1x40xi32, #tpu.memory_space<vmem>> -> memref<40xi32, #tpu.memory_space<vmem>>
      %dma_start3A_42 = arith.constant 0 : i32
      %dma_start3A_43 = arith.constant 0 : i32
      %dma_start3A_44 = tpu.memref_slice %arg2[%dma_start3A_42, %dma_start3A_43] : memref<10000x128xf32, #tpu.memory_space<hbm>> -> memref<10000x128xf32, #tpu.memory_space<hbm>>
      tpu.enqueue_indirect_dma source(%dma_start3A_44 : memref<10000x128xf32, #tpu.memory_space<hbm>>) target(%arg7 : memref<40x128xf32, #tpu.memory_space<vmem>>) offsets(%dma_start3A_41 : memref<40xi32, #tpu.memory_space<vmem>>) semaphore(%arg11 : memref<!tpu.dma_semaphore, #tpu.memory_space<semaphore_mem>>)
      %add3A_45 = arith.constant 2 : i32
      %add3A_46 = arith.addi %mul3A_28, %add3A_45 : i32
      %dma_start3A_47 = arith.constant 0 : i32
      %dma_start3A_48 = tpu.memref_slice %arg5[%add3A_46, %dma_start3A_47] : memref<25x40xi32, #tpu.memory_space<vmem>> -> memref<1x40xi32, #tpu.memory_space<vmem>>
      %dma_start3A_49 = tpu.memref_squeeze %dma_start3A_48 : memref<1x40xi32, #tpu.memory_space<vmem>> -> memref<40xi32, #tpu.memory_space<vmem>>
      %dma_start3A_50 = arith.constant 0 : i32
      %dma_start3A_51 = arith.constant 0 : i32
      %dma_start3A_52 = tpu.memref_slice %arg2[%dma_start3A_50, %dma_start3A_51] : memref<10000x128xf32, #tpu.memory_space<hbm>> -> memref<10000x128xf32, #tpu.memory_space<hbm>>
      tpu.enqueue_indirect_dma source(%dma_start3A_52 : memref<10000x128xf32, #tpu.memory_space<hbm>>) target(%arg8 : memref<40x128xf32, #tpu.memory_space<vmem>>) offsets(%dma_start3A_49 : memref<40xi32, #tpu.memory_space<vmem>>) semaphore(%arg12 : memref<!tpu.dma_semaphore, #tpu.memory_space<semaphore_mem>>)
      %add3A_53 = arith.constant 3 : i32
      %add3A_54 = arith.addi %mul3A_28, %add3A_53 : i32
      %dma_start3A_55 = arith.constant 0 : i32
      %dma_start3A_56 = tpu.memref_slice %arg5[%add3A_54, %dma_start3A_55] : memref<25x40xi32, #tpu.memory_space<vmem>> -> memref<1x40xi32, #tpu.memory_space<vmem>>
      %dma_start3A_57 = tpu.memref_squeeze %dma_start3A_56 : memref<1x40xi32, #tpu.memory_space<vmem>> -> memref<40xi32, #tpu.memory_space<vmem>>
      %dma_start3A_58 = arith.constant 0 : i32
      %dma_start3A_59 = arith.constant 0 : i32
      %dma_start3A_60 = tpu.memref_slice %arg2[%dma_start3A_58, %dma_start3A_59] : memref<10000x128xf32, #tpu.memory_space<hbm>> -> memref<10000x128xf32, #tpu.memory_space<hbm>>
      tpu.enqueue_indirect_dma source(%dma_start3A_60 : memref<10000x128xf32, #tpu.memory_space<hbm>>) target(%arg9 : memref<40x128xf32, #tpu.memory_space<vmem>>) offsets(%dma_start3A_57 : memref<40xi32, #tpu.memory_space<vmem>>) semaphore(%arg13 : memref<!tpu.dma_semaphore, #tpu.memory_space<semaphore_mem>>)
      %dma_wait3A_61 = arith.constant 0 : i32
      %dma_wait3A_62 = tpu.memref_slice %arg5[%add3A_30, %dma_wait3A_61] : memref<25x40xi32, #tpu.memory_space<vmem>> -> memref<1x40xi32, #tpu.memory_space<vmem>>
      %dma_wait3A_63 = tpu.memref_squeeze %dma_wait3A_62 : memref<1x40xi32, #tpu.memory_space<vmem>> -> memref<40xi32, #tpu.memory_space<vmem>>
      %dma_wait3A_64 = arith.constant 0 : i32
      %dma_wait3A_65 = arith.constant 0 : i32
      %dma_wait3A_66 = tpu.memref_slice %arg2[%dma_wait3A_64, %dma_wait3A_65] : memref<10000x128xf32, #tpu.memory_space<hbm>> -> memref<10000x128xf32, #tpu.memory_space<hbm>>
      tpu.wait_indirect_dma semaphore(%arg10 : memref<!tpu.dma_semaphore, #tpu.memory_space<semaphore_mem>>) src(%dma_wait3A_66 : memref<10000x128xf32, #tpu.memory_space<hbm>>) dst(%arg6 : memref<40x128xf32, #tpu.memory_space<vmem>>)
      %add3A_67 = arith.addi %mul3A_2, %mul3A_28 : i32
      %add3A_68 = arith.constant 0 : i32
      %add3A_69 = arith.addi %add3A_67, %add3A_68 : i32
      %mul3A_70 = arith.constant 40 : i32
      %mul3A_71 = arith.muli %add3A_69, %mul3A_70 : i32
      "tpu.region"() ({
        %run_scoped3A = tpu.sem_alloc : memref<!tpu.dma_semaphore, #tpu.memory_space<semaphore_mem>>
        %dma_start3A_105 = arith.constant 0 : i32
        %dma_start3A_106 = tpu.memref_slice %arg4[%mul3A_71, %dma_start3A_105] : memref<32000x128xf32, #tpu.memory_space<hbm>> -> memref<40x128xf32, #tpu.memory_space<hbm>>
        %dma_start3A_107 = arith.constant 0 : i32
        %dma_start3A_108 = tpu.memref_slice %arg4[%mul3A_71, %dma_start3A_107] : memref<32000x128xf32, #tpu.memory_space<hbm>> -> memref<40x128xf32, #tpu.memory_space<hbm>>
        tpu.enqueue_dma source(%arg6 : memref<40x128xf32, #tpu.memory_space<vmem>>) target(%dma_start3A_108 : memref<40x128xf32, #tpu.memory_space<hbm>>) target_semaphore(%run_scoped3A : memref<!tpu.dma_semaphore, #tpu.memory_space<semaphore_mem>>)
        %dma_wait3A_109 = arith.constant 0 : i32
        %dma_wait3A_110 = tpu.memref_slice %arg4[%mul3A_71, %dma_wait3A_109] : memref<32000x128xf32, #tpu.memory_space<hbm>> -> memref<40x128xf32, #tpu.memory_space<hbm>>
        %dma_wait3A_111 = arith.constant 0 : i32
        %dma_wait3A_112 = tpu.memref_slice %arg4[%mul3A_71, %dma_wait3A_111] : memref<32000x128xf32, #tpu.memory_space<hbm>> -> memref<40x128xf32, #tpu.memory_space<hbm>>
        tpu.wait_dma2 semaphore(%run_scoped3A : memref<!tpu.dma_semaphore, #tpu.memory_space<semaphore_mem>>) src(%arg6 : memref<40x128xf32, #tpu.memory_space<vmem>>) dst(%dma_wait3A_112 : memref<40x128xf32, #tpu.memory_space<hbm>>)
        tpu.yield
      }) : () -> ()
      %dma_wait3A_72 = arith.constant 0 : i32
      %dma_wait3A_73 = tpu.memref_slice %arg5[%add3A_38, %dma_wait3A_72] : memref<25x40xi32, #tpu.memory_space<vmem>> -> memref<1x40xi32, #tpu.memory_space<vmem>>
      %dma_wait3A_74 = tpu.memref_squeeze %dma_wait3A_73 : memref<1x40xi32, #tpu.memory_space<vmem>> -> memref<40xi32, #tpu.memory_space<vmem>>
      %dma_wait3A_75 = arith.constant 0 : i32
      %dma_wait3A_76 = arith.constant 0 : i32
      %dma_wait3A_77 = tpu.memref_slice %arg2[%dma_wait3A_75, %dma_wait3A_76] : memref<10000x128xf32, #tpu.memory_space<hbm>> -> memref<10000x128xf32, #tpu.memory_space<hbm>>
      tpu.wait_indirect_dma semaphore(%arg11 : memref<!tpu.dma_semaphore, #tpu.memory_space<semaphore_mem>>) src(%dma_wait3A_77 : memref<10000x128xf32, #tpu.memory_space<hbm>>) dst(%arg7 : memref<40x128xf32, #tpu.memory_space<vmem>>)
      %add3A_78 = arith.addi %mul3A_2, %mul3A_28 : i32
      %add3A_79 = arith.constant 1 : i32
      %add3A_80 = arith.addi %add3A_78, %add3A_79 : i32
      %mul3A_81 = arith.constant 40 : i32
      %mul3A_82 = arith.muli %add3A_80, %mul3A_81 : i32
      "tpu.region"() ({
        %run_scoped3A = tpu.sem_alloc : memref<!tpu.dma_semaphore, #tpu.memory_space<semaphore_mem>>
        %dma_start3A_105 = arith.constant 0 : i32
        %dma_start3A_106 = tpu.memref_slice %arg4[%mul3A_82, %dma_start3A_105] : memref<32000x128xf32, #tpu.memory_space<hbm>> -> memref<40x128xf32, #tpu.memory_space<hbm>>
        %dma_start3A_107 = arith.constant 0 : i32
        %dma_start3A_108 = tpu.memref_slice %arg4[%mul3A_82, %dma_start3A_107] : memref<32000x128xf32, #tpu.memory_space<hbm>> -> memref<40x128xf32, #tpu.memory_space<hbm>>
        tpu.enqueue_dma source(%arg7 : memref<40x128xf32, #tpu.memory_space<vmem>>) target(%dma_start3A_108 : memref<40x128xf32, #tpu.memory_space<hbm>>) target_semaphore(%run_scoped3A : memref<!tpu.dma_semaphore, #tpu.memory_space<semaphore_mem>>)
        %dma_wait3A_109 = arith.constant 0 : i32
        %dma_wait3A_110 = tpu.memref_slice %arg4[%mul3A_82, %dma_wait3A_109] : memref<32000x128xf32, #tpu.memory_space<hbm>> -> memref<40x128xf32, #tpu.memory_space<hbm>>
        %dma_wait3A_111 = arith.constant 0 : i32
        %dma_wait3A_112 = tpu.memref_slice %arg4[%mul3A_82, %dma_wait3A_111] : memref<32000x128xf32, #tpu.memory_space<hbm>> -> memref<40x128xf32, #tpu.memory_space<hbm>>
        tpu.wait_dma2 semaphore(%run_scoped3A : memref<!tpu.dma_semaphore, #tpu.memory_space<semaphore_mem>>) src(%arg7 : memref<40x128xf32, #tpu.memory_space<vmem>>) dst(%dma_wait3A_112 : memref<40x128xf32, #tpu.memory_space<hbm>>)
        tpu.yield
      }) : () -> ()
      %dma_wait3A_83 = arith.constant 0 : i32
      %dma_wait3A_84 = tpu.memref_slice %arg5[%add3A_46, %dma_wait3A_83] : memref<25x40xi32, #tpu.memory_space<vmem>> -> memref<1x40xi32, #tpu.memory_space<vmem>>
      %dma_wait3A_85 = tpu.memref_squeeze %dma_wait3A_84 : memref<1x40xi32, #tpu.memory_space<vmem>> -> memref<40xi32, #tpu.memory_space<vmem>>
      %dma_wait3A_86 = arith.constant 0 : i32
      %dma_wait3A_87 = arith.constant 0 : i32
      %dma_wait3A_88 = tpu.memref_slice %arg2[%dma_wait3A_86, %dma_wait3A_87] : memref<10000x128xf32, #tpu.memory_space<hbm>> -> memref<10000x128xf32, #tpu.memory_space<hbm>>
      tpu.wait_indirect_dma semaphore(%arg12 : memref<!tpu.dma_semaphore, #tpu.memory_space<semaphore_mem>>) src(%dma_wait3A_88 : memref<10000x128xf32, #tpu.memory_space<hbm>>) dst(%arg8 : memref<40x128xf32, #tpu.memory_space<vmem>>)
      %add3A_89 = arith.addi %mul3A_2, %mul3A_28 : i32
      %add3A_90 = arith.constant 2 : i32
      %add3A_91 = arith.addi %add3A_89, %add3A_90 : i32
      %mul3A_92 = arith.constant 40 : i32
      %mul3A_93 = arith.muli %add3A_91, %mul3A_92 : i32
      "tpu.region"() ({
        %run_scoped3A = tpu.sem_alloc : memref<!tpu.dma_semaphore, #tpu.memory_space<semaphore_mem>>
        %dma_start3A_105 = arith.constant 0 : i32
        %dma_start3A_106 = tpu.memref_slice %arg4[%mul3A_93, %dma_start3A_105] : memref<32000x128xf32, #tpu.memory_space<hbm>> -> memref<40x128xf32, #tpu.memory_space<hbm>>
        %dma_start3A_107 = arith.constant 0 : i32
        %dma_start3A_108 = tpu.memref_slice %arg4[%mul3A_93, %dma_start3A_107] : memref<32000x128xf32, #tpu.memory_space<hbm>> -> memref<40x128xf32, #tpu.memory_space<hbm>>
        tpu.enqueue_dma source(%arg8 : memref<40x128xf32, #tpu.memory_space<vmem>>) target(%dma_start3A_108 : memref<40x128xf32, #tpu.memory_space<hbm>>) target_semaphore(%run_scoped3A : memref<!tpu.dma_semaphore, #tpu.memory_space<semaphore_mem>>)
        %dma_wait3A_109 = arith.constant 0 : i32
        %dma_wait3A_110 = tpu.memref_slice %arg4[%mul3A_93, %dma_wait3A_109] : memref<32000x128xf32, #tpu.memory_space<hbm>> -> memref<40x128xf32, #tpu.memory_space<hbm>>
        %dma_wait3A_111 = arith.constant 0 : i32
        %dma_wait3A_112 = tpu.memref_slice %arg4[%mul3A_93, %dma_wait3A_111] : memref<32000x128xf32, #tpu.memory_space<hbm>> -> memref<40x128xf32, #tpu.memory_space<hbm>>
        tpu.wait_dma2 semaphore(%run_scoped3A : memref<!tpu.dma_semaphore, #tpu.memory_space<semaphore_mem>>) src(%arg8 : memref<40x128xf32, #tpu.memory_space<vmem>>) dst(%dma_wait3A_112 : memref<40x128xf32, #tpu.memory_space<hbm>>)
        tpu.yield
      }) : () -> ()
      %dma_wait3A_94 = arith.constant 0 : i32
      %dma_wait3A_95 = tpu.memref_slice %arg5[%add3A_54, %dma_wait3A_94] : memref<25x40xi32, #tpu.memory_space<vmem>> -> memref<1x40xi32, #tpu.memory_space<vmem>>
      %dma_wait3A_96 = tpu.memref_squeeze %dma_wait3A_95 : memref<1x40xi32, #tpu.memory_space<vmem>> -> memref<40xi32, #tpu.memory_space<vmem>>
      %dma_wait3A_97 = arith.constant 0 : i32
      %dma_wait3A_98 = arith.constant 0 : i32
      %dma_wait3A_99 = tpu.memref_slice %arg2[%dma_wait3A_97, %dma_wait3A_98] : memref<10000x128xf32, #tpu.memory_space<hbm>> -> memref<10000x128xf32, #tpu.memory_space<hbm>>
      tpu.wait_indirect_dma semaphore(%arg13 : memref<!tpu.dma_semaphore, #tpu.memory_space<semaphore_mem>>) src(%dma_wait3A_99 : memref<10000x128xf32, #tpu.memory_space<hbm>>) dst(%arg9 : memref<40x128xf32, #tpu.memory_space<vmem>>)
      %add3A_100 = arith.addi %mul3A_2, %mul3A_28 : i32
      %add3A_101 = arith.constant 3 : i32
      %add3A_102 = arith.addi %add3A_100, %add3A_101 : i32
      %mul3A_103 = arith.constant 40 : i32
      %mul3A_104 = arith.muli %add3A_102, %mul3A_103 : i32
      "tpu.region"() ({
        %run_scoped3A = tpu.sem_alloc : memref<!tpu.dma_semaphore, #tpu.memory_space<semaphore_mem>>
        %dma_start3A_105 = arith.constant 0 : i32
        %dma_start3A_106 = tpu.memref_slice %arg4[%mul3A_104, %dma_start3A_105] : memref<32000x128xf32, #tpu.memory_space<hbm>> -> memref<40x128xf32, #tpu.memory_space<hbm>>
        %dma_start3A_107 = arith.constant 0 : i32
        %dma_start3A_108 = tpu.memref_slice %arg4[%mul3A_104, %dma_start3A_107] : memref<32000x128xf32, #tpu.memory_space<hbm>> -> memref<40x128xf32, #tpu.memory_space<hbm>>
        tpu.enqueue_dma source(%arg9 : memref<40x128xf32, #tpu.memory_space<vmem>>) target(%dma_start3A_108 : memref<40x128xf32, #tpu.memory_space<hbm>>) target_semaphore(%run_scoped3A : memref<!tpu.dma_semaphore, #tpu.memory_space<semaphore_mem>>)
        %dma_wait3A_109 = arith.constant 0 : i32
        %dma_wait3A_110 = tpu.memref_slice %arg4[%mul3A_104, %dma_wait3A_109] : memref<32000x128xf32, #tpu.memory_space<hbm>> -> memref<40x128xf32, #tpu.memory_space<hbm>>
        %dma_wait3A_111 = arith.constant 0 : i32
        %dma_wait3A_112 = tpu.memref_slice %arg4[%mul3A_104, %dma_wait3A_111] : memref<32000x128xf32, #tpu.memory_space<hbm>> -> memref<40x128xf32, #tpu.memory_space<hbm>>
        tpu.wait_dma2 semaphore(%run_scoped3A : memref<!tpu.dma_semaphore, #tpu.memory_space<semaphore_mem>>) src(%arg9 : memref<40x128xf32, #tpu.memory_space<vmem>>) dst(%dma_wait3A_112 : memref<40x128xf32, #tpu.memory_space<hbm>>)
        tpu.yield
      }) : () -> ()
    }
    %scan3A_7 = arith.constant 6 : i32
    %dma_start3A = arith.constant 24 : i32
    %dma_start3A_8 = arith.constant 0 : i32
    %dma_start3A_9 = tpu.memref_slice %arg5[%dma_start3A, %dma_start3A_8] : memref<25x40xi32, #tpu.memory_space<vmem>> -> memref<1x40xi32, #tpu.memory_space<vmem>>
    %dma_start3A_10 = tpu.memref_squeeze %dma_start3A_9 : memref<1x40xi32, #tpu.memory_space<vmem>> -> memref<40xi32, #tpu.memory_space<vmem>>
    %dma_start3A_11 = arith.constant 0 : i32
    %dma_start3A_12 = arith.constant 0 : i32
    %dma_start3A_13 = tpu.memref_slice %arg2[%dma_start3A_11, %dma_start3A_12] : memref<10000x128xf32, #tpu.memory_space<hbm>> -> memref<10000x128xf32, #tpu.memory_space<hbm>>
    tpu.enqueue_indirect_dma source(%dma_start3A_13 : memref<10000x128xf32, #tpu.memory_space<hbm>>) target(%arg6 : memref<40x128xf32, #tpu.memory_space<vmem>>) offsets(%dma_start3A_10 : memref<40xi32, #tpu.memory_space<vmem>>) semaphore(%arg10 : memref<!tpu.dma_semaphore, #tpu.memory_space<semaphore_mem>>)
    %dma_wait3A = arith.constant 24 : i32
    %dma_wait3A_14 = arith.constant 0 : i32
    %dma_wait3A_15 = tpu.memref_slice %arg5[%dma_wait3A, %dma_wait3A_14] : memref<25x40xi32, #tpu.memory_space<vmem>> -> memref<1x40xi32, #tpu.memory_space<vmem>>
    %dma_wait3A_16 = tpu.memref_squeeze %dma_wait3A_15 : memref<1x40xi32, #tpu.memory_space<vmem>> -> memref<40xi32, #tpu.memory_space<vmem>>
    %dma_wait3A_17 = arith.constant 0 : i32
    %dma_wait3A_18 = arith.constant 0 : i32
    %dma_wait3A_19 = tpu.memref_slice %arg2[%dma_wait3A_17, %dma_wait3A_18] : memref<10000x128xf32, #tpu.memory_space<hbm>> -> memref<10000x128xf32, #tpu.memory_space<hbm>>
    tpu.wait_indirect_dma semaphore(%arg10 : memref<!tpu.dma_semaphore, #tpu.memory_space<semaphore_mem>>) src(%dma_wait3A_19 : memref<10000x128xf32, #tpu.memory_space<hbm>>) dst(%arg6 : memref<40x128xf32, #tpu.memory_space<vmem>>)
    %add3A_20 = arith.constant 24 : i32
    %add3A_21 = arith.addi %mul3A_2, %add3A_20 : i32
    %add3A_22 = arith.constant 0 : i32
    %add3A_23 = arith.addi %add3A_21, %add3A_22 : i32
    %mul3A_24 = arith.constant 40 : i32
    %mul3A_25 = arith.muli %add3A_23, %mul3A_24 : i32
    "tpu.region"() ({
      %run_scoped3A = tpu.sem_alloc : memref<!tpu.dma_semaphore, #tpu.memory_space<semaphore_mem>>
      %dma_start3A_26 = arith.constant 0 : i32
      %dma_start3A_27 = tpu.memref_slice %arg4[%mul3A_25, %dma_start3A_26] : memref<32000x128xf32, #tpu.memory_space<hbm>> -> memref<40x128xf32, #tpu.memory_space<hbm>>
      %dma_start3A_28 = arith.constant 0 : i32
      %dma_start3A_29 = tpu.memref_slice %arg4[%mul3A_25, %dma_start3A_28] : memref<32000x128xf32, #tpu.memory_space<hbm>> -> memref<40x128xf32, #tpu.memory_space<hbm>>
      tpu.enqueue_dma source(%arg6 : memref<40x128xf32, #tpu.memory_space<vmem>>) target(%dma_start3A_29 : memref<40x128xf32, #tpu.memory_space<hbm>>) target_semaphore(%run_scoped3A : memref<!tpu.dma_semaphore, #tpu.memory_space<semaphore_mem>>)
      %dma_wait3A_30 = arith.constant 0 : i32
      %dma_wait3A_31 = tpu.memref_slice %arg4[%mul3A_25, %dma_wait3A_30] : memref<32000x128xf32, #tpu.memory_space<hbm>> -> memref<40x128xf32, #tpu.memory_space<hbm>>
      %dma_wait3A_32 = arith.constant 0 : i32
      %dma_wait3A_33 = tpu.memref_slice %arg4[%mul3A_25, %dma_wait3A_32] : memref<32000x128xf32, #tpu.memory_space<hbm>> -> memref<40x128xf32, #tpu.memory_space<hbm>>
      tpu.wait_dma2 semaphore(%run_scoped3A : memref<!tpu.dma_semaphore, #tpu.memory_space<semaphore_mem>>) src(%arg6 : memref<40x128xf32, #tpu.memory_space<vmem>>) dst(%dma_wait3A_33 : memref<40x128xf32, #tpu.memory_space<hbm>>)
      tpu.yield
    }) : () -> ()
    return
  }
}

#map = affine_map<(d0, d1) -> (0, 0, 0)>
#map1 = affine_map<(d0, d1) -> (0, 0)>
module attributes {stable_mosaic.version = 14 : i64} {
  func.func @body(%arg0: i32, %arg1: i32, %arg2: memref<2x64000x128xf32, #tpu.memory_space<hbm>>, %arg3: memref<16x100x40xi32, #tpu.memory_space<hbm>>, %arg4: memref<10240x128xf32, #tpu.memory_space<hbm>>, %arg5: memref<2x10240x128xf32, #tpu.memory_space<hbm>>, %arg6: memref<100x40xi32, #tpu.memory_space<vmem>>, %arg7: memref<40x128xf32, #tpu.memory_space<vmem>>, %arg8: memref<40x128xf32, #tpu.memory_space<vmem>>, %arg9: memref<!tpu.dma_semaphore, #tpu.memory_space<semaphore_mem>>, %arg10: memref<!tpu.dma_semaphore, #tpu.memory_space<semaphore_mem>>, %arg11: memref<10240x128xf32, #tpu.memory_space<vmem_shared>>) attributes {dimension_semantics = [#tpu.dimension_semantics<core_parallel>, #tpu.dimension_semantics<subcore_parallel>], iteration_bounds = array<i64: 2, 16>, scalar_prefetch = 0 : i64, scratch_operands = 6 : i64, tpu.core_type = #tpu.core_type<sc_vector_subcore>, window_params = [{transform_indices = #map}, {transform_indices = #map}, {transform_indices = #map1}, {transform_indices = #map}]} {
    %mul3A = arith.constant 640 : i32
    %mul3A_0 = arith.muli %arg1, %mul3A : i32
    %mul3A_1 = arith.constant 640 : i32
    %mul3A_2 = arith.muli %arg1, %mul3A_1 : i32
    "tpu.region"() ({
      %run_scoped3A = tpu.sem_alloc : memref<!tpu.dma_semaphore, #tpu.memory_space<semaphore_mem>>
      %dma_start3A = arith.constant 0 : i32
      %dma_start3A_15 = tpu.memref_slice %arg11[%mul3A_2, %dma_start3A] : memref<10240x128xf32, #tpu.memory_space<vmem_shared>> -> memref<640x128xf32, #tpu.memory_space<vmem_shared>>
      %dma_start3A_16 = arith.constant 0 : i32
      %dma_start3A_17 = tpu.memref_slice %arg4[%mul3A_0, %dma_start3A_16] : memref<10240x128xf32, #tpu.memory_space<hbm>> -> memref<640x128xf32, #tpu.memory_space<hbm>>
      tpu.enqueue_dma source(%dma_start3A_17 : memref<640x128xf32, #tpu.memory_space<hbm>>) target(%dma_start3A_15 : memref<640x128xf32, #tpu.memory_space<vmem_shared>>) target_semaphore(%run_scoped3A : memref<!tpu.dma_semaphore, #tpu.memory_space<semaphore_mem>>)
      %dma_wait3A = arith.constant 0 : i32
      %dma_wait3A_18 = tpu.memref_slice %arg11[%mul3A_2, %dma_wait3A] : memref<10240x128xf32, #tpu.memory_space<vmem_shared>> -> memref<640x128xf32, #tpu.memory_space<vmem_shared>>
      %dma_wait3A_19 = arith.constant 0 : i32
      %dma_wait3A_20 = tpu.memref_slice %arg4[%mul3A_0, %dma_wait3A_19] : memref<10240x128xf32, #tpu.memory_space<hbm>> -> memref<640x128xf32, #tpu.memory_space<hbm>>
      tpu.wait_dma2 semaphore(%run_scoped3A : memref<!tpu.dma_semaphore, #tpu.memory_space<semaphore_mem>>) src(%dma_wait3A_20 : memref<640x128xf32, #tpu.memory_space<hbm>>) dst(%dma_wait3A_18 : memref<640x128xf32, #tpu.memory_space<vmem_shared>>)
      tpu.yield
    }) : () -> ()
    "tpu.region"() ({
      %run_scoped3A = tpu.sem_alloc : memref<!tpu.dma_semaphore, #tpu.memory_space<semaphore_mem>>
      %dma_start3A = arith.constant 0 : i32
      %dma_start3A_15 = arith.constant 0 : i32
      %dma_start3A_16 = tpu.memref_slice %arg3[%arg1, %dma_start3A, %dma_start3A_15] : memref<16x100x40xi32, #tpu.memory_space<hbm>> -> memref<1x100x40xi32, #tpu.memory_space<hbm>>
      %dma_start3A_17 = tpu.memref_squeeze %dma_start3A_16 : memref<1x100x40xi32, #tpu.memory_space<hbm>> -> memref<100x40xi32, #tpu.memory_space<hbm>>
      %dma_start3A_18 = arith.constant 0 : i32
      %dma_start3A_19 = arith.constant 0 : i32
      %dma_start3A_20 = tpu.memref_slice %arg3[%arg1, %dma_start3A_18, %dma_start3A_19] : memref<16x100x40xi32, #tpu.memory_space<hbm>> -> memref<1x100x40xi32, #tpu.memory_space<hbm>>
      %dma_start3A_21 = tpu.memref_squeeze %dma_start3A_20 : memref<1x100x40xi32, #tpu.memory_space<hbm>> -> memref<100x40xi32, #tpu.memory_space<hbm>>
      tpu.enqueue_dma source(%dma_start3A_21 : memref<100x40xi32, #tpu.memory_space<hbm>>) target(%arg6 : memref<100x40xi32, #tpu.memory_space<vmem>>) target_semaphore(%run_scoped3A : memref<!tpu.dma_semaphore, #tpu.memory_space<semaphore_mem>>)
      %dma_wait3A = arith.constant 0 : i32
      %dma_wait3A_22 = arith.constant 0 : i32
      %dma_wait3A_23 = tpu.memref_slice %arg3[%arg1, %dma_wait3A, %dma_wait3A_22] : memref<16x100x40xi32, #tpu.memory_space<hbm>> -> memref<1x100x40xi32, #tpu.memory_space<hbm>>
      %dma_wait3A_24 = tpu.memref_squeeze %dma_wait3A_23 : memref<1x100x40xi32, #tpu.memory_space<hbm>> -> memref<100x40xi32, #tpu.memory_space<hbm>>
      %dma_wait3A_25 = arith.constant 0 : i32
      %dma_wait3A_26 = arith.constant 0 : i32
      %dma_wait3A_27 = tpu.memref_slice %arg3[%arg1, %dma_wait3A_25, %dma_wait3A_26] : memref<16x100x40xi32, #tpu.memory_space<hbm>> -> memref<1x100x40xi32, #tpu.memory_space<hbm>>
      %dma_wait3A_28 = tpu.memref_squeeze %dma_wait3A_27 : memref<1x100x40xi32, #tpu.memory_space<hbm>> -> memref<100x40xi32, #tpu.memory_space<hbm>>
      tpu.wait_dma2 semaphore(%run_scoped3A : memref<!tpu.dma_semaphore, #tpu.memory_space<semaphore_mem>>) src(%dma_wait3A_28 : memref<100x40xi32, #tpu.memory_space<hbm>>) dst(%arg6 : memref<100x40xi32, #tpu.memory_space<vmem>>)
      tpu.yield
    }) : () -> ()
    %barrier3A = arith.constant 0 : index
    tpu.barrier barrier_id(%barrier3A)
    %mul3A_3 = arith.constant 100 : i32
    %mul3A_4 = arith.muli %arg1, %mul3A_3 : i32
    %scan3A = arith.constant 0 : i32
    %scan3A_5 = arith.constant 0 : i32
    %scan3A_6 = arith.constant 50 : i32
    %scan3A_7 = arith.addi %scan3A_5, %scan3A_6 : i32
    %scan3A_8 = arith.constant 1 : i32
    scf.for %scan3A_15 = %scan3A_5 to %scan3A_7 step %scan3A_8  : i32 {
      %mul3A_16 = arith.constant 2 : i32
      %mul3A_17 = arith.muli %scan3A_15, %mul3A_16 : i32
      %add3A = arith.addi %mul3A_4, %mul3A_17 : i32
      %mul3A_18 = arith.constant 40 : i32
      %mul3A_19 = arith.muli %add3A, %mul3A_18 : i32
      %dma_start3A = arith.constant 0 : i32
      %dma_start3A_20 = tpu.memref_slice %arg2[%arg0, %mul3A_19, %dma_start3A] : memref<2x64000x128xf32, #tpu.memory_space<hbm>> -> memref<1x40x128xf32, #tpu.memory_space<hbm>>
      %dma_start3A_21 = tpu.memref_squeeze %dma_start3A_20 : memref<1x40x128xf32, #tpu.memory_space<hbm>> -> memref<40x128xf32, #tpu.memory_space<hbm>>
      %dma_start3A_22 = arith.constant 0 : i32
      %dma_start3A_23 = tpu.memref_slice %arg2[%arg0, %mul3A_19, %dma_start3A_22] : memref<2x64000x128xf32, #tpu.memory_space<hbm>> -> memref<1x40x128xf32, #tpu.memory_space<hbm>>
      %dma_start3A_24 = tpu.memref_squeeze %dma_start3A_23 : memref<1x40x128xf32, #tpu.memory_space<hbm>> -> memref<40x128xf32, #tpu.memory_space<hbm>>
      tpu.enqueue_dma source(%dma_start3A_24 : memref<40x128xf32, #tpu.memory_space<hbm>>) target(%arg7 : memref<40x128xf32, #tpu.memory_space<vmem>>) target_semaphore(%arg9 : memref<!tpu.dma_semaphore, #tpu.memory_space<semaphore_mem>>)
      %add3A_25 = arith.addi %mul3A_4, %mul3A_17 : i32
      %add3A_26 = arith.constant 1 : i32
      %add3A_27 = arith.addi %add3A_25, %add3A_26 : i32
      %mul3A_28 = arith.constant 40 : i32
      %mul3A_29 = arith.muli %add3A_27, %mul3A_28 : i32
      %dma_start3A_30 = arith.constant 0 : i32
      %dma_start3A_31 = tpu.memref_slice %arg2[%arg0, %mul3A_29, %dma_start3A_30] : memref<2x64000x128xf32, #tpu.memory_space<hbm>> -> memref<1x40x128xf32, #tpu.memory_space<hbm>>
      %dma_start3A_32 = tpu.memref_squeeze %dma_start3A_31 : memref<1x40x128xf32, #tpu.memory_space<hbm>> -> memref<40x128xf32, #tpu.memory_space<hbm>>
      %dma_start3A_33 = arith.constant 0 : i32
      %dma_start3A_34 = tpu.memref_slice %arg2[%arg0, %mul3A_29, %dma_start3A_33] : memref<2x64000x128xf32, #tpu.memory_space<hbm>> -> memref<1x40x128xf32, #tpu.memory_space<hbm>>
      %dma_start3A_35 = tpu.memref_squeeze %dma_start3A_34 : memref<1x40x128xf32, #tpu.memory_space<hbm>> -> memref<40x128xf32, #tpu.memory_space<hbm>>
      tpu.enqueue_dma source(%dma_start3A_35 : memref<40x128xf32, #tpu.memory_space<hbm>>) target(%arg8 : memref<40x128xf32, #tpu.memory_space<vmem>>) target_semaphore(%arg10 : memref<!tpu.dma_semaphore, #tpu.memory_space<semaphore_mem>>)
      %dma_wait3A = arith.constant 0 : i32
      %dma_wait3A_36 = tpu.memref_slice %arg2[%arg0, %mul3A_19, %dma_wait3A] : memref<2x64000x128xf32, #tpu.memory_space<hbm>> -> memref<1x40x128xf32, #tpu.memory_space<hbm>>
      %dma_wait3A_37 = tpu.memref_squeeze %dma_wait3A_36 : memref<1x40x128xf32, #tpu.memory_space<hbm>> -> memref<40x128xf32, #tpu.memory_space<hbm>>
      %dma_wait3A_38 = arith.constant 0 : i32
      %dma_wait3A_39 = tpu.memref_slice %arg2[%arg0, %mul3A_19, %dma_wait3A_38] : memref<2x64000x128xf32, #tpu.memory_space<hbm>> -> memref<1x40x128xf32, #tpu.memory_space<hbm>>
      %dma_wait3A_40 = tpu.memref_squeeze %dma_wait3A_39 : memref<1x40x128xf32, #tpu.memory_space<hbm>> -> memref<40x128xf32, #tpu.memory_space<hbm>>
      tpu.wait_dma2 semaphore(%arg9 : memref<!tpu.dma_semaphore, #tpu.memory_space<semaphore_mem>>) src(%dma_wait3A_40 : memref<40x128xf32, #tpu.memory_space<hbm>>) dst(%arg7 : memref<40x128xf32, #tpu.memory_space<vmem>>)
      "tpu.region"() ({
        %run_scoped3A = tpu.sem_alloc : memref<!tpu.dma_semaphore, #tpu.memory_space<semaphore_mem>>
        %dma_start3A_49 = arith.constant 0 : i32
        %dma_start3A_50 = tpu.memref_slice %arg6[%mul3A_17, %dma_start3A_49] : memref<100x40xi32, #tpu.memory_space<vmem>> -> memref<1x40xi32, #tpu.memory_space<vmem>>
        %dma_start3A_51 = tpu.memref_squeeze %dma_start3A_50 : memref<1x40xi32, #tpu.memory_space<vmem>> -> memref<40xi32, #tpu.memory_space<vmem>>
        %dma_start3A_52 = arith.constant 0 : i32
        %dma_start3A_53 = arith.constant 0 : i32
        %dma_start3A_54 = tpu.memref_slice %arg11[%dma_start3A_52, %dma_start3A_53] : memref<10240x128xf32, #tpu.memory_space<vmem_shared>> -> memref<10240x128xf32, #tpu.memory_space<vmem_shared>>
        tpu.enqueue_indirect_dma source(%arg7 : memref<40x128xf32, #tpu.memory_space<vmem>>) target(%dma_start3A_54 : memref<10240x128xf32, #tpu.memory_space<vmem_shared>>) offsets(%dma_start3A_51 : memref<40xi32, #tpu.memory_space<vmem>>) semaphore(%run_scoped3A : memref<!tpu.dma_semaphore, #tpu.memory_space<semaphore_mem>>) {add = true}
        %dma_wait3A_55 = arith.constant 0 : i32
        %dma_wait3A_56 = tpu.memref_slice %arg6[%mul3A_17, %dma_wait3A_55] : memref<100x40xi32, #tpu.memory_space<vmem>> -> memref<1x40xi32, #tpu.memory_space<vmem>>
        %dma_wait3A_57 = tpu.memref_squeeze %dma_wait3A_56 : memref<1x40xi32, #tpu.memory_space<vmem>> -> memref<40xi32, #tpu.memory_space<vmem>>
        %dma_wait3A_58 = arith.constant 0 : i32
        %dma_wait3A_59 = arith.constant 0 : i32
        %dma_wait3A_60 = tpu.memref_slice %arg11[%dma_wait3A_58, %dma_wait3A_59] : memref<10240x128xf32, #tpu.memory_space<vmem_shared>> -> memref<10240x128xf32, #tpu.memory_space<vmem_shared>>
        tpu.wait_indirect_dma semaphore(%run_scoped3A : memref<!tpu.dma_semaphore, #tpu.memory_space<semaphore_mem>>) src(%arg7 : memref<40x128xf32, #tpu.memory_space<vmem>>) dst(%dma_wait3A_60 : memref<10240x128xf32, #tpu.memory_space<vmem_shared>>)
        tpu.yield
      }) : () -> ()
      %dma_wait3A_41 = arith.constant 0 : i32
      %dma_wait3A_42 = tpu.memref_slice %arg2[%arg0, %mul3A_29, %dma_wait3A_41] : memref<2x64000x128xf32, #tpu.memory_space<hbm>> -> memref<1x40x128xf32, #tpu.memory_space<hbm>>
      %dma_wait3A_43 = tpu.memref_squeeze %dma_wait3A_42 : memref<1x40x128xf32, #tpu.memory_space<hbm>> -> memref<40x128xf32, #tpu.memory_space<hbm>>
      %dma_wait3A_44 = arith.constant 0 : i32
      %dma_wait3A_45 = tpu.memref_slice %arg2[%arg0, %mul3A_29, %dma_wait3A_44] : memref<2x64000x128xf32, #tpu.memory_space<hbm>> -> memref<1x40x128xf32, #tpu.memory_space<hbm>>
      %dma_wait3A_46 = tpu.memref_squeeze %dma_wait3A_45 : memref<1x40x128xf32, #tpu.memory_space<hbm>> -> memref<40x128xf32, #tpu.memory_space<hbm>>
      tpu.wait_dma2 semaphore(%arg10 : memref<!tpu.dma_semaphore, #tpu.memory_space<semaphore_mem>>) src(%dma_wait3A_46 : memref<40x128xf32, #tpu.memory_space<hbm>>) dst(%arg8 : memref<40x128xf32, #tpu.memory_space<vmem>>)
      %add3A_47 = arith.constant 1 : i32
      %add3A_48 = arith.addi %mul3A_17, %add3A_47 : i32
      "tpu.region"() ({
        %run_scoped3A = tpu.sem_alloc : memref<!tpu.dma_semaphore, #tpu.memory_space<semaphore_mem>>
        %dma_start3A_49 = arith.constant 0 : i32
        %dma_start3A_50 = tpu.memref_slice %arg6[%add3A_48, %dma_start3A_49] : memref<100x40xi32, #tpu.memory_space<vmem>> -> memref<1x40xi32, #tpu.memory_space<vmem>>
        %dma_start3A_51 = tpu.memref_squeeze %dma_start3A_50 : memref<1x40xi32, #tpu.memory_space<vmem>> -> memref<40xi32, #tpu.memory_space<vmem>>
        %dma_start3A_52 = arith.constant 0 : i32
        %dma_start3A_53 = arith.constant 0 : i32
        %dma_start3A_54 = tpu.memref_slice %arg11[%dma_start3A_52, %dma_start3A_53] : memref<10240x128xf32, #tpu.memory_space<vmem_shared>> -> memref<10240x128xf32, #tpu.memory_space<vmem_shared>>
        tpu.enqueue_indirect_dma source(%arg8 : memref<40x128xf32, #tpu.memory_space<vmem>>) target(%dma_start3A_54 : memref<10240x128xf32, #tpu.memory_space<vmem_shared>>) offsets(%dma_start3A_51 : memref<40xi32, #tpu.memory_space<vmem>>) semaphore(%run_scoped3A : memref<!tpu.dma_semaphore, #tpu.memory_space<semaphore_mem>>) {add = true}
        %dma_wait3A_55 = arith.constant 0 : i32
        %dma_wait3A_56 = tpu.memref_slice %arg6[%add3A_48, %dma_wait3A_55] : memref<100x40xi32, #tpu.memory_space<vmem>> -> memref<1x40xi32, #tpu.memory_space<vmem>>
        %dma_wait3A_57 = tpu.memref_squeeze %dma_wait3A_56 : memref<1x40xi32, #tpu.memory_space<vmem>> -> memref<40xi32, #tpu.memory_space<vmem>>
        %dma_wait3A_58 = arith.constant 0 : i32
        %dma_wait3A_59 = arith.constant 0 : i32
        %dma_wait3A_60 = tpu.memref_slice %arg11[%dma_wait3A_58, %dma_wait3A_59] : memref<10240x128xf32, #tpu.memory_space<vmem_shared>> -> memref<10240x128xf32, #tpu.memory_space<vmem_shared>>
        tpu.wait_indirect_dma semaphore(%run_scoped3A : memref<!tpu.dma_semaphore, #tpu.memory_space<semaphore_mem>>) src(%arg8 : memref<40x128xf32, #tpu.memory_space<vmem>>) dst(%dma_wait3A_60 : memref<10240x128xf32, #tpu.memory_space<vmem_shared>>)
        tpu.yield
      }) : () -> ()
    }
    %scan3A_9 = arith.constant 50 : i32
    %barrier3A_10 = arith.constant 0 : index
    tpu.barrier barrier_id(%barrier3A_10)
    %mul3A_11 = arith.constant 640 : i32
    %mul3A_12 = arith.muli %arg1, %mul3A_11 : i32
    %mul3A_13 = arith.constant 640 : i32
    %mul3A_14 = arith.muli %arg1, %mul3A_13 : i32
    "tpu.region"() ({
      %run_scoped3A = tpu.sem_alloc : memref<!tpu.dma_semaphore, #tpu.memory_space<semaphore_mem>>
      %dma_start3A = arith.constant 0 : i32
      %dma_start3A_15 = tpu.memref_slice %arg5[%arg0, %mul3A_14, %dma_start3A] : memref<2x10240x128xf32, #tpu.memory_space<hbm>> -> memref<1x640x128xf32, #tpu.memory_space<hbm>>
      %dma_start3A_16 = tpu.memref_squeeze %dma_start3A_15 : memref<1x640x128xf32, #tpu.memory_space<hbm>> -> memref<640x128xf32, #tpu.memory_space<hbm>>
      %dma_start3A_17 = arith.constant 0 : i32
      %dma_start3A_18 = tpu.memref_slice %arg11[%mul3A_12, %dma_start3A_17] : memref<10240x128xf32, #tpu.memory_space<vmem_shared>> -> memref<640x128xf32, #tpu.memory_space<vmem_shared>>
      tpu.enqueue_dma source(%dma_start3A_18 : memref<640x128xf32, #tpu.memory_space<vmem_shared>>) target(%dma_start3A_16 : memref<640x128xf32, #tpu.memory_space<hbm>>) target_semaphore(%run_scoped3A : memref<!tpu.dma_semaphore, #tpu.memory_space<semaphore_mem>>)
      %dma_wait3A = arith.constant 0 : i32
      %dma_wait3A_19 = tpu.memref_slice %arg5[%arg0, %mul3A_14, %dma_wait3A] : memref<2x10240x128xf32, #tpu.memory_space<hbm>> -> memref<1x640x128xf32, #tpu.memory_space<hbm>>
      %dma_wait3A_20 = tpu.memref_squeeze %dma_wait3A_19 : memref<1x640x128xf32, #tpu.memory_space<hbm>> -> memref<640x128xf32, #tpu.memory_space<hbm>>
      %dma_wait3A_21 = arith.constant 0 : i32
      %dma_wait3A_22 = tpu.memref_slice %arg11[%mul3A_12, %dma_wait3A_21] : memref<10240x128xf32, #tpu.memory_space<vmem_shared>> -> memref<640x128xf32, #tpu.memory_space<vmem_shared>>
      tpu.wait_dma2 semaphore(%run_scoped3A : memref<!tpu.dma_semaphore, #tpu.memory_space<semaphore_mem>>) src(%dma_wait3A_22 : memref<640x128xf32, #tpu.memory_space<vmem_shared>>) dst(%dma_wait3A_20 : memref<640x128xf32, #tpu.memory_space<hbm>>)
      tpu.yield
    }) : () -> ()
    return
  }
}

#map = affine_map<(d0, d1) -> (0, 0, 0)>
#map1 = affine_map<(d0, d1) -> (0, 0)>
module attributes {stable_mosaic.version = 14 : i64} {
  func.func @body(%arg0: i32, %arg1: i32, %arg2: memref<2x64000x128xf32, #tpu.memory_space<hbm>>, %arg3: memref<16x100x40xi32, #tpu.memory_space<hbm>>, %arg4: memref<10240x128xf32, #tpu.memory_space<hbm>>, %arg5: memref<2x10240x128xf32, #tpu.memory_space<hbm>>, %arg6: memref<100x40xi32, #tpu.memory_space<vmem>>, %arg7: memref<40x128xf32, #tpu.memory_space<vmem>>, %arg8: memref<40x128xf32, #tpu.memory_space<vmem>>, %arg9: memref<!tpu.dma_semaphore, #tpu.memory_space<semaphore_mem>>, %arg10: memref<!tpu.dma_semaphore, #tpu.memory_space<semaphore_mem>>, %arg11: memref<10240x128xf32, #tpu.memory_space<vmem_shared>>) attributes {dimension_semantics = [#tpu.dimension_semantics<core_parallel>, #tpu.dimension_semantics<subcore_parallel>], iteration_bounds = array<i64: 2, 16>, scalar_prefetch = 0 : i64, scratch_operands = 6 : i64, tpu.core_type = #tpu.core_type<sc_vector_subcore>, window_params = [{transform_indices = #map}, {transform_indices = #map}, {transform_indices = #map1}, {transform_indices = #map}]} {
    %mul3A = arith.constant 640 : i32
    %mul3A_0 = arith.muli %arg1, %mul3A : i32
    %mul3A_1 = arith.constant 640 : i32
    %mul3A_2 = arith.muli %arg1, %mul3A_1 : i32
    "tpu.region"() ({
      %run_scoped3A = tpu.sem_alloc : memref<!tpu.dma_semaphore, #tpu.memory_space<semaphore_mem>>
      %dma_start3A = arith.constant 0 : i32
      %dma_start3A_15 = tpu.memref_slice %arg11[%mul3A_2, %dma_start3A] : memref<10240x128xf32, #tpu.memory_space<vmem_shared>> -> memref<640x128xf32, #tpu.memory_space<vmem_shared>>
      %dma_start3A_16 = arith.constant 0 : i32
      %dma_start3A_17 = tpu.memref_slice %arg4[%mul3A_0, %dma_start3A_16] : memref<10240x128xf32, #tpu.memory_space<hbm>> -> memref<640x128xf32, #tpu.memory_space<hbm>>
      tpu.enqueue_dma source(%dma_start3A_17 : memref<640x128xf32, #tpu.memory_space<hbm>>) target(%dma_start3A_15 : memref<640x128xf32, #tpu.memory_space<vmem_shared>>) target_semaphore(%run_scoped3A : memref<!tpu.dma_semaphore, #tpu.memory_space<semaphore_mem>>)
      %dma_wait3A = arith.constant 0 : i32
      %dma_wait3A_18 = tpu.memref_slice %arg11[%mul3A_2, %dma_wait3A] : memref<10240x128xf32, #tpu.memory_space<vmem_shared>> -> memref<640x128xf32, #tpu.memory_space<vmem_shared>>
      %dma_wait3A_19 = arith.constant 0 : i32
      %dma_wait3A_20 = tpu.memref_slice %arg4[%mul3A_0, %dma_wait3A_19] : memref<10240x128xf32, #tpu.memory_space<hbm>> -> memref<640x128xf32, #tpu.memory_space<hbm>>
      tpu.wait_dma2 semaphore(%run_scoped3A : memref<!tpu.dma_semaphore, #tpu.memory_space<semaphore_mem>>) src(%dma_wait3A_20 : memref<640x128xf32, #tpu.memory_space<hbm>>) dst(%dma_wait3A_18 : memref<640x128xf32, #tpu.memory_space<vmem_shared>>)
      tpu.yield
    }) : () -> ()
    "tpu.region"() ({
      %run_scoped3A = tpu.sem_alloc : memref<!tpu.dma_semaphore, #tpu.memory_space<semaphore_mem>>
      %dma_start3A = arith.constant 0 : i32
      %dma_start3A_15 = arith.constant 0 : i32
      %dma_start3A_16 = tpu.memref_slice %arg3[%arg1, %dma_start3A, %dma_start3A_15] : memref<16x100x40xi32, #tpu.memory_space<hbm>> -> memref<1x100x40xi32, #tpu.memory_space<hbm>>
      %dma_start3A_17 = tpu.memref_squeeze %dma_start3A_16 : memref<1x100x40xi32, #tpu.memory_space<hbm>> -> memref<100x40xi32, #tpu.memory_space<hbm>>
      %dma_start3A_18 = arith.constant 0 : i32
      %dma_start3A_19 = arith.constant 0 : i32
      %dma_start3A_20 = tpu.memref_slice %arg3[%arg1, %dma_start3A_18, %dma_start3A_19] : memref<16x100x40xi32, #tpu.memory_space<hbm>> -> memref<1x100x40xi32, #tpu.memory_space<hbm>>
      %dma_start3A_21 = tpu.memref_squeeze %dma_start3A_20 : memref<1x100x40xi32, #tpu.memory_space<hbm>> -> memref<100x40xi32, #tpu.memory_space<hbm>>
      tpu.enqueue_dma source(%dma_start3A_21 : memref<100x40xi32, #tpu.memory_space<hbm>>) target(%arg6 : memref<100x40xi32, #tpu.memory_space<vmem>>) target_semaphore(%run_scoped3A : memref<!tpu.dma_semaphore, #tpu.memory_space<semaphore_mem>>)
      %dma_wait3A = arith.constant 0 : i32
      %dma_wait3A_22 = arith.constant 0 : i32
      %dma_wait3A_23 = tpu.memref_slice %arg3[%arg1, %dma_wait3A, %dma_wait3A_22] : memref<16x100x40xi32, #tpu.memory_space<hbm>> -> memref<1x100x40xi32, #tpu.memory_space<hbm>>
      %dma_wait3A_24 = tpu.memref_squeeze %dma_wait3A_23 : memref<1x100x40xi32, #tpu.memory_space<hbm>> -> memref<100x40xi32, #tpu.memory_space<hbm>>
      %dma_wait3A_25 = arith.constant 0 : i32
      %dma_wait3A_26 = arith.constant 0 : i32
      %dma_wait3A_27 = tpu.memref_slice %arg3[%arg1, %dma_wait3A_25, %dma_wait3A_26] : memref<16x100x40xi32, #tpu.memory_space<hbm>> -> memref<1x100x40xi32, #tpu.memory_space<hbm>>
      %dma_wait3A_28 = tpu.memref_squeeze %dma_wait3A_27 : memref<1x100x40xi32, #tpu.memory_space<hbm>> -> memref<100x40xi32, #tpu.memory_space<hbm>>
      tpu.wait_dma2 semaphore(%run_scoped3A : memref<!tpu.dma_semaphore, #tpu.memory_space<semaphore_mem>>) src(%dma_wait3A_28 : memref<100x40xi32, #tpu.memory_space<hbm>>) dst(%arg6 : memref<100x40xi32, #tpu.memory_space<vmem>>)
      tpu.yield
    }) : () -> ()
    %barrier3A = arith.constant 0 : index
    tpu.barrier barrier_id(%barrier3A)
    %mul3A_3 = arith.constant 100 : i32
    %mul3A_4 = arith.muli %arg1, %mul3A_3 : i32
    %scan3A = arith.constant 0 : i32
    %scan3A_5 = arith.constant 0 : i32
    %scan3A_6 = arith.constant 50 : i32
    %scan3A_7 = arith.addi %scan3A_5, %scan3A_6 : i32
    %scan3A_8 = arith.constant 1 : i32
    scf.for %scan3A_15 = %scan3A_5 to %scan3A_7 step %scan3A_8  : i32 {
      %mul3A_16 = arith.constant 2 : i32
      %mul3A_17 = arith.muli %scan3A_15, %mul3A_16 : i32
      %add3A = arith.addi %mul3A_4, %mul3A_17 : i32
      %mul3A_18 = arith.constant 40 : i32
      %mul3A_19 = arith.muli %add3A, %mul3A_18 : i32
      %dma_start3A = arith.constant 0 : i32
      %dma_start3A_20 = tpu.memref_slice %arg2[%arg0, %mul3A_19, %dma_start3A] : memref<2x64000x128xf32, #tpu.memory_space<hbm>> -> memref<1x40x128xf32, #tpu.memory_space<hbm>>
      %dma_start3A_21 = tpu.memref_squeeze %dma_start3A_20 : memref<1x40x128xf32, #tpu.memory_space<hbm>> -> memref<40x128xf32, #tpu.memory_space<hbm>>
      %dma_start3A_22 = arith.constant 0 : i32
      %dma_start3A_23 = tpu.memref_slice %arg2[%arg0, %mul3A_19, %dma_start3A_22] : memref<2x64000x128xf32, #tpu.memory_space<hbm>> -> memref<1x40x128xf32, #tpu.memory_space<hbm>>
      %dma_start3A_24 = tpu.memref_squeeze %dma_start3A_23 : memref<1x40x128xf32, #tpu.memory_space<hbm>> -> memref<40x128xf32, #tpu.memory_space<hbm>>
      tpu.enqueue_dma source(%dma_start3A_24 : memref<40x128xf32, #tpu.memory_space<hbm>>) target(%arg7 : memref<40x128xf32, #tpu.memory_space<vmem>>) target_semaphore(%arg9 : memref<!tpu.dma_semaphore, #tpu.memory_space<semaphore_mem>>)
      %add3A_25 = arith.addi %mul3A_4, %mul3A_17 : i32
      %add3A_26 = arith.constant 1 : i32
      %add3A_27 = arith.addi %add3A_25, %add3A_26 : i32
      %mul3A_28 = arith.constant 40 : i32
      %mul3A_29 = arith.muli %add3A_27, %mul3A_28 : i32
      %dma_start3A_30 = arith.constant 0 : i32
      %dma_start3A_31 = tpu.memref_slice %arg2[%arg0, %mul3A_29, %dma_start3A_30] : memref<2x64000x128xf32, #tpu.memory_space<hbm>> -> memref<1x40x128xf32, #tpu.memory_space<hbm>>
      %dma_start3A_32 = tpu.memref_squeeze %dma_start3A_31 : memref<1x40x128xf32, #tpu.memory_space<hbm>> -> memref<40x128xf32, #tpu.memory_space<hbm>>
      %dma_start3A_33 = arith.constant 0 : i32
      %dma_start3A_34 = tpu.memref_slice %arg2[%arg0, %mul3A_29, %dma_start3A_33] : memref<2x64000x128xf32, #tpu.memory_space<hbm>> -> memref<1x40x128xf32, #tpu.memory_space<hbm>>
      %dma_start3A_35 = tpu.memref_squeeze %dma_start3A_34 : memref<1x40x128xf32, #tpu.memory_space<hbm>> -> memref<40x128xf32, #tpu.memory_space<hbm>>
      tpu.enqueue_dma source(%dma_start3A_35 : memref<40x128xf32, #tpu.memory_space<hbm>>) target(%arg8 : memref<40x128xf32, #tpu.memory_space<vmem>>) target_semaphore(%arg10 : memref<!tpu.dma_semaphore, #tpu.memory_space<semaphore_mem>>)
      %dma_wait3A = arith.constant 0 : i32
      %dma_wait3A_36 = tpu.memref_slice %arg2[%arg0, %mul3A_19, %dma_wait3A] : memref<2x64000x128xf32, #tpu.memory_space<hbm>> -> memref<1x40x128xf32, #tpu.memory_space<hbm>>
      %dma_wait3A_37 = tpu.memref_squeeze %dma_wait3A_36 : memref<1x40x128xf32, #tpu.memory_space<hbm>> -> memref<40x128xf32, #tpu.memory_space<hbm>>
      %dma_wait3A_38 = arith.constant 0 : i32
      %dma_wait3A_39 = tpu.memref_slice %arg2[%arg0, %mul3A_19, %dma_wait3A_38] : memref<2x64000x128xf32, #tpu.memory_space<hbm>> -> memref<1x40x128xf32, #tpu.memory_space<hbm>>
      %dma_wait3A_40 = tpu.memref_squeeze %dma_wait3A_39 : memref<1x40x128xf32, #tpu.memory_space<hbm>> -> memref<40x128xf32, #tpu.memory_space<hbm>>
      tpu.wait_dma2 semaphore(%arg9 : memref<!tpu.dma_semaphore, #tpu.memory_space<semaphore_mem>>) src(%dma_wait3A_40 : memref<40x128xf32, #tpu.memory_space<hbm>>) dst(%arg7 : memref<40x128xf32, #tpu.memory_space<vmem>>)
      "tpu.region"() ({
        %run_scoped3A = tpu.sem_alloc : memref<!tpu.dma_semaphore, #tpu.memory_space<semaphore_mem>>
        %dma_start3A_49 = arith.constant 0 : i32
        %dma_start3A_50 = tpu.memref_slice %arg6[%mul3A_17, %dma_start3A_49] : memref<100x40xi32, #tpu.memory_space<vmem>> -> memref<1x40xi32, #tpu.memory_space<vmem>>
        %dma_start3A_51 = tpu.memref_squeeze %dma_start3A_50 : memref<1x40xi32, #tpu.memory_space<vmem>> -> memref<40xi32, #tpu.memory_space<vmem>>
        %dma_start3A_52 = arith.constant 0 : i32
        %dma_start3A_53 = arith.constant 0 : i32
        %dma_start3A_54 = tpu.memref_slice %arg11[%dma_start3A_52, %dma_start3A_53] : memref<10240x128xf32, #tpu.memory_space<vmem_shared>> -> memref<10240x128xf32, #tpu.memory_space<vmem_shared>>
        tpu.enqueue_indirect_dma source(%arg7 : memref<40x128xf32, #tpu.memory_space<vmem>>) target(%dma_start3A_54 : memref<10240x128xf32, #tpu.memory_space<vmem_shared>>) offsets(%dma_start3A_51 : memref<40xi32, #tpu.memory_space<vmem>>) semaphore(%run_scoped3A : memref<!tpu.dma_semaphore, #tpu.memory_space<semaphore_mem>>) {add = true}
        %dma_wait3A_55 = arith.constant 0 : i32
        %dma_wait3A_56 = tpu.memref_slice %arg6[%mul3A_17, %dma_wait3A_55] : memref<100x40xi32, #tpu.memory_space<vmem>> -> memref<1x40xi32, #tpu.memory_space<vmem>>
        %dma_wait3A_57 = tpu.memref_squeeze %dma_wait3A_56 : memref<1x40xi32, #tpu.memory_space<vmem>> -> memref<40xi32, #tpu.memory_space<vmem>>
        %dma_wait3A_58 = arith.constant 0 : i32
        %dma_wait3A_59 = arith.constant 0 : i32
        %dma_wait3A_60 = tpu.memref_slice %arg11[%dma_wait3A_58, %dma_wait3A_59] : memref<10240x128xf32, #tpu.memory_space<vmem_shared>> -> memref<10240x128xf32, #tpu.memory_space<vmem_shared>>
        tpu.wait_indirect_dma semaphore(%run_scoped3A : memref<!tpu.dma_semaphore, #tpu.memory_space<semaphore_mem>>) src(%arg7 : memref<40x128xf32, #tpu.memory_space<vmem>>) dst(%dma_wait3A_60 : memref<10240x128xf32, #tpu.memory_space<vmem_shared>>)
        tpu.yield
      }) : () -> ()
      %dma_wait3A_41 = arith.constant 0 : i32
      %dma_wait3A_42 = tpu.memref_slice %arg2[%arg0, %mul3A_29, %dma_wait3A_41] : memref<2x64000x128xf32, #tpu.memory_space<hbm>> -> memref<1x40x128xf32, #tpu.memory_space<hbm>>
      %dma_wait3A_43 = tpu.memref_squeeze %dma_wait3A_42 : memref<1x40x128xf32, #tpu.memory_space<hbm>> -> memref<40x128xf32, #tpu.memory_space<hbm>>
      %dma_wait3A_44 = arith.constant 0 : i32
      %dma_wait3A_45 = tpu.memref_slice %arg2[%arg0, %mul3A_29, %dma_wait3A_44] : memref<2x64000x128xf32, #tpu.memory_space<hbm>> -> memref<1x40x128xf32, #tpu.memory_space<hbm>>
      %dma_wait3A_46 = tpu.memref_squeeze %dma_wait3A_45 : memref<1x40x128xf32, #tpu.memory_space<hbm>> -> memref<40x128xf32, #tpu.memory_space<hbm>>
      tpu.wait_dma2 semaphore(%arg10 : memref<!tpu.dma_semaphore, #tpu.memory_space<semaphore_mem>>) src(%dma_wait3A_46 : memref<40x128xf32, #tpu.memory_space<hbm>>) dst(%arg8 : memref<40x128xf32, #tpu.memory_space<vmem>>)
      %add3A_47 = arith.constant 1 : i32
      %add3A_48 = arith.addi %mul3A_17, %add3A_47 : i32
      "tpu.region"() ({
        %run_scoped3A = tpu.sem_alloc : memref<!tpu.dma_semaphore, #tpu.memory_space<semaphore_mem>>
        %dma_start3A_49 = arith.constant 0 : i32
        %dma_start3A_50 = tpu.memref_slice %arg6[%add3A_48, %dma_start3A_49] : memref<100x40xi32, #tpu.memory_space<vmem>> -> memref<1x40xi32, #tpu.memory_space<vmem>>
        %dma_start3A_51 = tpu.memref_squeeze %dma_start3A_50 : memref<1x40xi32, #tpu.memory_space<vmem>> -> memref<40xi32, #tpu.memory_space<vmem>>
        %dma_start3A_52 = arith.constant 0 : i32
        %dma_start3A_53 = arith.constant 0 : i32
        %dma_start3A_54 = tpu.memref_slice %arg11[%dma_start3A_52, %dma_start3A_53] : memref<10240x128xf32, #tpu.memory_space<vmem_shared>> -> memref<10240x128xf32, #tpu.memory_space<vmem_shared>>
        tpu.enqueue_indirect_dma source(%arg8 : memref<40x128xf32, #tpu.memory_space<vmem>>) target(%dma_start3A_54 : memref<10240x128xf32, #tpu.memory_space<vmem_shared>>) offsets(%dma_start3A_51 : memref<40xi32, #tpu.memory_space<vmem>>) semaphore(%run_scoped3A : memref<!tpu.dma_semaphore, #tpu.memory_space<semaphore_mem>>) {add = true}
        %dma_wait3A_55 = arith.constant 0 : i32
        %dma_wait3A_56 = tpu.memref_slice %arg6[%add3A_48, %dma_wait3A_55] : memref<100x40xi32, #tpu.memory_space<vmem>> -> memref<1x40xi32, #tpu.memory_space<vmem>>
        %dma_wait3A_57 = tpu.memref_squeeze %dma_wait3A_56 : memref<1x40xi32, #tpu.memory_space<vmem>> -> memref<40xi32, #tpu.memory_space<vmem>>
        %dma_wait3A_58 = arith.constant 0 : i32
        %dma_wait3A_59 = arith.constant 0 : i32
        %dma_wait3A_60 = tpu.memref_slice %arg11[%dma_wait3A_58, %dma_wait3A_59] : memref<10240x128xf32, #tpu.memory_space<vmem_shared>> -> memref<10240x128xf32, #tpu.memory_space<vmem_shared>>
        tpu.wait_indirect_dma semaphore(%run_scoped3A : memref<!tpu.dma_semaphore, #tpu.memory_space<semaphore_mem>>) src(%arg8 : memref<40x128xf32, #tpu.memory_space<vmem>>) dst(%dma_wait3A_60 : memref<10240x128xf32, #tpu.memory_space<vmem_shared>>)
        tpu.yield
      }) : () -> ()
    }
    %scan3A_9 = arith.constant 50 : i32
    %barrier3A_10 = arith.constant 0 : index
    tpu.barrier barrier_id(%barrier3A_10)
    %mul3A_11 = arith.constant 640 : i32
    %mul3A_12 = arith.muli %arg1, %mul3A_11 : i32
    %mul3A_13 = arith.constant 640 : i32
    %mul3A_14 = arith.muli %arg1, %mul3A_13 : i32
    "tpu.region"() ({
      %run_scoped3A = tpu.sem_alloc : memref<!tpu.dma_semaphore, #tpu.memory_space<semaphore_mem>>
      %dma_start3A = arith.constant 0 : i32
      %dma_start3A_15 = tpu.memref_slice %arg5[%arg0, %mul3A_14, %dma_start3A] : memref<2x10240x128xf32, #tpu.memory_space<hbm>> -> memref<1x640x128xf32, #tpu.memory_space<hbm>>
      %dma_start3A_16 = tpu.memref_squeeze %dma_start3A_15 : memref<1x640x128xf32, #tpu.memory_space<hbm>> -> memref<640x128xf32, #tpu.memory_space<hbm>>
      %dma_start3A_17 = arith.constant 0 : i32
      %dma_start3A_18 = tpu.memref_slice %arg11[%mul3A_12, %dma_start3A_17] : memref<10240x128xf32, #tpu.memory_space<vmem_shared>> -> memref<640x128xf32, #tpu.memory_space<vmem_shared>>
      tpu.enqueue_dma source(%dma_start3A_18 : memref<640x128xf32, #tpu.memory_space<vmem_shared>>) target(%dma_start3A_16 : memref<640x128xf32, #tpu.memory_space<hbm>>) target_semaphore(%run_scoped3A : memref<!tpu.dma_semaphore, #tpu.memory_space<semaphore_mem>>)
      %dma_wait3A = arith.constant 0 : i32
      %dma_wait3A_19 = tpu.memref_slice %arg5[%arg0, %mul3A_14, %dma_wait3A] : memref<2x10240x128xf32, #tpu.memory_space<hbm>> -> memref<1x640x128xf32, #tpu.memory_space<hbm>>
      %dma_wait3A_20 = tpu.memref_squeeze %dma_wait3A_19 : memref<1x640x128xf32, #tpu.memory_space<hbm>> -> memref<640x128xf32, #tpu.memory_space<hbm>>
      %dma_wait3A_21 = arith.constant 0 : i32
      %dma_wait3A_22 = tpu.memref_slice %arg11[%mul3A_12, %dma_wait3A_21] : memref<10240x128xf32, #tpu.memory_space<vmem_shared>> -> memref<640x128xf32, #tpu.memory_space<vmem_shared>>
      tpu.wait_dma2 semaphore(%run_scoped3A : memref<!tpu.dma_semaphore, #tpu.memory_space<semaphore_mem>>) src(%dma_wait3A_22 : memref<640x128xf32, #tpu.memory_space<vmem_shared>>) dst(%dma_wait3A_20 : memref<640x128xf32, #tpu.memory_space<hbm>>)
      tpu.yield
    }) : () -> ()
    return
  }
}

#map = affine_map<(d0, d1) -> (0, 0, 0)>
#map1 = affine_map<(d0, d1) -> (0, 0)>
module attributes {stable_mosaic.version = 14 : i64} {
  func.func @body(%arg0: i32, %arg1: i32, %arg2: memref<2x32000x128xf32, #tpu.memory_space<hbm>>, %arg3: memref<16x50x40xi32, #tpu.memory_space<hbm>>, %arg4: memref<10240x128xf32, #tpu.memory_space<hbm>>, %arg5: memref<2x10240x128xf32, #tpu.memory_space<hbm>>, %arg6: memref<50x40xi32, #tpu.memory_space<vmem>>, %arg7: memref<40x128xf32, #tpu.memory_space<vmem>>, %arg8: memref<40x128xf32, #tpu.memory_space<vmem>>, %arg9: memref<!tpu.dma_semaphore, #tpu.memory_space<semaphore_mem>>, %arg10: memref<!tpu.dma_semaphore, #tpu.memory_space<semaphore_mem>>, %arg11: memref<10240x128xf32, #tpu.memory_space<vmem_shared>>) attributes {dimension_semantics = [#tpu.dimension_semantics<core_parallel>, #tpu.dimension_semantics<subcore_parallel>], iteration_bounds = array<i64: 2, 16>, scalar_prefetch = 0 : i64, scratch_operands = 6 : i64, tpu.core_type = #tpu.core_type<sc_vector_subcore>, window_params = [{transform_indices = #map}, {transform_indices = #map}, {transform_indices = #map1}, {transform_indices = #map}]} {
    %mul3A = arith.constant 640 : i32
    %mul3A_0 = arith.muli %arg1, %mul3A : i32
    %mul3A_1 = arith.constant 640 : i32
    %mul3A_2 = arith.muli %arg1, %mul3A_1 : i32
    "tpu.region"() ({
      %run_scoped3A = tpu.sem_alloc : memref<!tpu.dma_semaphore, #tpu.memory_space<semaphore_mem>>
      %dma_start3A = arith.constant 0 : i32
      %dma_start3A_15 = tpu.memref_slice %arg11[%mul3A_2, %dma_start3A] : memref<10240x128xf32, #tpu.memory_space<vmem_shared>> -> memref<640x128xf32, #tpu.memory_space<vmem_shared>>
      %dma_start3A_16 = arith.constant 0 : i32
      %dma_start3A_17 = tpu.memref_slice %arg4[%mul3A_0, %dma_start3A_16] : memref<10240x128xf32, #tpu.memory_space<hbm>> -> memref<640x128xf32, #tpu.memory_space<hbm>>
      tpu.enqueue_dma source(%dma_start3A_17 : memref<640x128xf32, #tpu.memory_space<hbm>>) target(%dma_start3A_15 : memref<640x128xf32, #tpu.memory_space<vmem_shared>>) target_semaphore(%run_scoped3A : memref<!tpu.dma_semaphore, #tpu.memory_space<semaphore_mem>>)
      %dma_wait3A = arith.constant 0 : i32
      %dma_wait3A_18 = tpu.memref_slice %arg11[%mul3A_2, %dma_wait3A] : memref<10240x128xf32, #tpu.memory_space<vmem_shared>> -> memref<640x128xf32, #tpu.memory_space<vmem_shared>>
      %dma_wait3A_19 = arith.constant 0 : i32
      %dma_wait3A_20 = tpu.memref_slice %arg4[%mul3A_0, %dma_wait3A_19] : memref<10240x128xf32, #tpu.memory_space<hbm>> -> memref<640x128xf32, #tpu.memory_space<hbm>>
      tpu.wait_dma2 semaphore(%run_scoped3A : memref<!tpu.dma_semaphore, #tpu.memory_space<semaphore_mem>>) src(%dma_wait3A_20 : memref<640x128xf32, #tpu.memory_space<hbm>>) dst(%dma_wait3A_18 : memref<640x128xf32, #tpu.memory_space<vmem_shared>>)
      tpu.yield
    }) : () -> ()
    "tpu.region"() ({
      %run_scoped3A = tpu.sem_alloc : memref<!tpu.dma_semaphore, #tpu.memory_space<semaphore_mem>>
      %dma_start3A = arith.constant 0 : i32
      %dma_start3A_15 = arith.constant 0 : i32
      %dma_start3A_16 = tpu.memref_slice %arg3[%arg1, %dma_start3A, %dma_start3A_15] : memref<16x50x40xi32, #tpu.memory_space<hbm>> -> memref<1x50x40xi32, #tpu.memory_space<hbm>>
      %dma_start3A_17 = tpu.memref_squeeze %dma_start3A_16 : memref<1x50x40xi32, #tpu.memory_space<hbm>> -> memref<50x40xi32, #tpu.memory_space<hbm>>
      %dma_start3A_18 = arith.constant 0 : i32
      %dma_start3A_19 = arith.constant 0 : i32
      %dma_start3A_20 = tpu.memref_slice %arg3[%arg1, %dma_start3A_18, %dma_start3A_19] : memref<16x50x40xi32, #tpu.memory_space<hbm>> -> memref<1x50x40xi32, #tpu.memory_space<hbm>>
      %dma_start3A_21 = tpu.memref_squeeze %dma_start3A_20 : memref<1x50x40xi32, #tpu.memory_space<hbm>> -> memref<50x40xi32, #tpu.memory_space<hbm>>
      tpu.enqueue_dma source(%dma_start3A_21 : memref<50x40xi32, #tpu.memory_space<hbm>>) target(%arg6 : memref<50x40xi32, #tpu.memory_space<vmem>>) target_semaphore(%run_scoped3A : memref<!tpu.dma_semaphore, #tpu.memory_space<semaphore_mem>>)
      %dma_wait3A = arith.constant 0 : i32
      %dma_wait3A_22 = arith.constant 0 : i32
      %dma_wait3A_23 = tpu.memref_slice %arg3[%arg1, %dma_wait3A, %dma_wait3A_22] : memref<16x50x40xi32, #tpu.memory_space<hbm>> -> memref<1x50x40xi32, #tpu.memory_space<hbm>>
      %dma_wait3A_24 = tpu.memref_squeeze %dma_wait3A_23 : memref<1x50x40xi32, #tpu.memory_space<hbm>> -> memref<50x40xi32, #tpu.memory_space<hbm>>
      %dma_wait3A_25 = arith.constant 0 : i32
      %dma_wait3A_26 = arith.constant 0 : i32
      %dma_wait3A_27 = tpu.memref_slice %arg3[%arg1, %dma_wait3A_25, %dma_wait3A_26] : memref<16x50x40xi32, #tpu.memory_space<hbm>> -> memref<1x50x40xi32, #tpu.memory_space<hbm>>
      %dma_wait3A_28 = tpu.memref_squeeze %dma_wait3A_27 : memref<1x50x40xi32, #tpu.memory_space<hbm>> -> memref<50x40xi32, #tpu.memory_space<hbm>>
      tpu.wait_dma2 semaphore(%run_scoped3A : memref<!tpu.dma_semaphore, #tpu.memory_space<semaphore_mem>>) src(%dma_wait3A_28 : memref<50x40xi32, #tpu.memory_space<hbm>>) dst(%arg6 : memref<50x40xi32, #tpu.memory_space<vmem>>)
      tpu.yield
    }) : () -> ()
    %barrier3A = arith.constant 0 : index
    tpu.barrier barrier_id(%barrier3A)
    %mul3A_3 = arith.constant 50 : i32
    %mul3A_4 = arith.muli %arg1, %mul3A_3 : i32
    %scan3A = arith.constant 0 : i32
    %scan3A_5 = arith.constant 0 : i32
    %scan3A_6 = arith.constant 25 : i32
    %scan3A_7 = arith.addi %scan3A_5, %scan3A_6 : i32
    %scan3A_8 = arith.constant 1 : i32
    scf.for %scan3A_15 = %scan3A_5 to %scan3A_7 step %scan3A_8  : i32 {
      %mul3A_16 = arith.constant 2 : i32
      %mul3A_17 = arith.muli %scan3A_15, %mul3A_16 : i32
      %add3A = arith.addi %mul3A_4, %mul3A_17 : i32
      %mul3A_18 = arith.constant 40 : i32
      %mul3A_19 = arith.muli %add3A, %mul3A_18 : i32
      %dma_start3A = arith.constant 0 : i32
      %dma_start3A_20 = tpu.memref_slice %arg2[%arg0, %mul3A_19, %dma_start3A] : memref<2x32000x128xf32, #tpu.memory_space<hbm>> -> memref<1x40x128xf32, #tpu.memory_space<hbm>>
      %dma_start3A_21 = tpu.memref_squeeze %dma_start3A_20 : memref<1x40x128xf32, #tpu.memory_space<hbm>> -> memref<40x128xf32, #tpu.memory_space<hbm>>
      %dma_start3A_22 = arith.constant 0 : i32
      %dma_start3A_23 = tpu.memref_slice %arg2[%arg0, %mul3A_19, %dma_start3A_22] : memref<2x32000x128xf32, #tpu.memory_space<hbm>> -> memref<1x40x128xf32, #tpu.memory_space<hbm>>
      %dma_start3A_24 = tpu.memref_squeeze %dma_start3A_23 : memref<1x40x128xf32, #tpu.memory_space<hbm>> -> memref<40x128xf32, #tpu.memory_space<hbm>>
      tpu.enqueue_dma source(%dma_start3A_24 : memref<40x128xf32, #tpu.memory_space<hbm>>) target(%arg7 : memref<40x128xf32, #tpu.memory_space<vmem>>) target_semaphore(%arg9 : memref<!tpu.dma_semaphore, #tpu.memory_space<semaphore_mem>>)
      %add3A_25 = arith.addi %mul3A_4, %mul3A_17 : i32
      %add3A_26 = arith.constant 1 : i32
      %add3A_27 = arith.addi %add3A_25, %add3A_26 : i32
      %mul3A_28 = arith.constant 40 : i32
      %mul3A_29 = arith.muli %add3A_27, %mul3A_28 : i32
      %dma_start3A_30 = arith.constant 0 : i32
      %dma_start3A_31 = tpu.memref_slice %arg2[%arg0, %mul3A_29, %dma_start3A_30] : memref<2x32000x128xf32, #tpu.memory_space<hbm>> -> memref<1x40x128xf32, #tpu.memory_space<hbm>>
      %dma_start3A_32 = tpu.memref_squeeze %dma_start3A_31 : memref<1x40x128xf32, #tpu.memory_space<hbm>> -> memref<40x128xf32, #tpu.memory_space<hbm>>
      %dma_start3A_33 = arith.constant 0 : i32
      %dma_start3A_34 = tpu.memref_slice %arg2[%arg0, %mul3A_29, %dma_start3A_33] : memref<2x32000x128xf32, #tpu.memory_space<hbm>> -> memref<1x40x128xf32, #tpu.memory_space<hbm>>
      %dma_start3A_35 = tpu.memref_squeeze %dma_start3A_34 : memref<1x40x128xf32, #tpu.memory_space<hbm>> -> memref<40x128xf32, #tpu.memory_space<hbm>>
      tpu.enqueue_dma source(%dma_start3A_35 : memref<40x128xf32, #tpu.memory_space<hbm>>) target(%arg8 : memref<40x128xf32, #tpu.memory_space<vmem>>) target_semaphore(%arg10 : memref<!tpu.dma_semaphore, #tpu.memory_space<semaphore_mem>>)
      %dma_wait3A = arith.constant 0 : i32
      %dma_wait3A_36 = tpu.memref_slice %arg2[%arg0, %mul3A_19, %dma_wait3A] : memref<2x32000x128xf32, #tpu.memory_space<hbm>> -> memref<1x40x128xf32, #tpu.memory_space<hbm>>
      %dma_wait3A_37 = tpu.memref_squeeze %dma_wait3A_36 : memref<1x40x128xf32, #tpu.memory_space<hbm>> -> memref<40x128xf32, #tpu.memory_space<hbm>>
      %dma_wait3A_38 = arith.constant 0 : i32
      %dma_wait3A_39 = tpu.memref_slice %arg2[%arg0, %mul3A_19, %dma_wait3A_38] : memref<2x32000x128xf32, #tpu.memory_space<hbm>> -> memref<1x40x128xf32, #tpu.memory_space<hbm>>
      %dma_wait3A_40 = tpu.memref_squeeze %dma_wait3A_39 : memref<1x40x128xf32, #tpu.memory_space<hbm>> -> memref<40x128xf32, #tpu.memory_space<hbm>>
      tpu.wait_dma2 semaphore(%arg9 : memref<!tpu.dma_semaphore, #tpu.memory_space<semaphore_mem>>) src(%dma_wait3A_40 : memref<40x128xf32, #tpu.memory_space<hbm>>) dst(%arg7 : memref<40x128xf32, #tpu.memory_space<vmem>>)
      "tpu.region"() ({
        %run_scoped3A = tpu.sem_alloc : memref<!tpu.dma_semaphore, #tpu.memory_space<semaphore_mem>>
        %dma_start3A_49 = arith.constant 0 : i32
        %dma_start3A_50 = tpu.memref_slice %arg6[%mul3A_17, %dma_start3A_49] : memref<50x40xi32, #tpu.memory_space<vmem>> -> memref<1x40xi32, #tpu.memory_space<vmem>>
        %dma_start3A_51 = tpu.memref_squeeze %dma_start3A_50 : memref<1x40xi32, #tpu.memory_space<vmem>> -> memref<40xi32, #tpu.memory_space<vmem>>
        %dma_start3A_52 = arith.constant 0 : i32
        %dma_start3A_53 = arith.constant 0 : i32
        %dma_start3A_54 = tpu.memref_slice %arg11[%dma_start3A_52, %dma_start3A_53] : memref<10240x128xf32, #tpu.memory_space<vmem_shared>> -> memref<10240x128xf32, #tpu.memory_space<vmem_shared>>
        tpu.enqueue_indirect_dma source(%arg7 : memref<40x128xf32, #tpu.memory_space<vmem>>) target(%dma_start3A_54 : memref<10240x128xf32, #tpu.memory_space<vmem_shared>>) offsets(%dma_start3A_51 : memref<40xi32, #tpu.memory_space<vmem>>) semaphore(%run_scoped3A : memref<!tpu.dma_semaphore, #tpu.memory_space<semaphore_mem>>) {add = true}
        %dma_wait3A_55 = arith.constant 0 : i32
        %dma_wait3A_56 = tpu.memref_slice %arg6[%mul3A_17, %dma_wait3A_55] : memref<50x40xi32, #tpu.memory_space<vmem>> -> memref<1x40xi32, #tpu.memory_space<vmem>>
        %dma_wait3A_57 = tpu.memref_squeeze %dma_wait3A_56 : memref<1x40xi32, #tpu.memory_space<vmem>> -> memref<40xi32, #tpu.memory_space<vmem>>
        %dma_wait3A_58 = arith.constant 0 : i32
        %dma_wait3A_59 = arith.constant 0 : i32
        %dma_wait3A_60 = tpu.memref_slice %arg11[%dma_wait3A_58, %dma_wait3A_59] : memref<10240x128xf32, #tpu.memory_space<vmem_shared>> -> memref<10240x128xf32, #tpu.memory_space<vmem_shared>>
        tpu.wait_indirect_dma semaphore(%run_scoped3A : memref<!tpu.dma_semaphore, #tpu.memory_space<semaphore_mem>>) src(%arg7 : memref<40x128xf32, #tpu.memory_space<vmem>>) dst(%dma_wait3A_60 : memref<10240x128xf32, #tpu.memory_space<vmem_shared>>)
        tpu.yield
      }) : () -> ()
      %dma_wait3A_41 = arith.constant 0 : i32
      %dma_wait3A_42 = tpu.memref_slice %arg2[%arg0, %mul3A_29, %dma_wait3A_41] : memref<2x32000x128xf32, #tpu.memory_space<hbm>> -> memref<1x40x128xf32, #tpu.memory_space<hbm>>
      %dma_wait3A_43 = tpu.memref_squeeze %dma_wait3A_42 : memref<1x40x128xf32, #tpu.memory_space<hbm>> -> memref<40x128xf32, #tpu.memory_space<hbm>>
      %dma_wait3A_44 = arith.constant 0 : i32
      %dma_wait3A_45 = tpu.memref_slice %arg2[%arg0, %mul3A_29, %dma_wait3A_44] : memref<2x32000x128xf32, #tpu.memory_space<hbm>> -> memref<1x40x128xf32, #tpu.memory_space<hbm>>
      %dma_wait3A_46 = tpu.memref_squeeze %dma_wait3A_45 : memref<1x40x128xf32, #tpu.memory_space<hbm>> -> memref<40x128xf32, #tpu.memory_space<hbm>>
      tpu.wait_dma2 semaphore(%arg10 : memref<!tpu.dma_semaphore, #tpu.memory_space<semaphore_mem>>) src(%dma_wait3A_46 : memref<40x128xf32, #tpu.memory_space<hbm>>) dst(%arg8 : memref<40x128xf32, #tpu.memory_space<vmem>>)
      %add3A_47 = arith.constant 1 : i32
      %add3A_48 = arith.addi %mul3A_17, %add3A_47 : i32
      "tpu.region"() ({
        %run_scoped3A = tpu.sem_alloc : memref<!tpu.dma_semaphore, #tpu.memory_space<semaphore_mem>>
        %dma_start3A_49 = arith.constant 0 : i32
        %dma_start3A_50 = tpu.memref_slice %arg6[%add3A_48, %dma_start3A_49] : memref<50x40xi32, #tpu.memory_space<vmem>> -> memref<1x40xi32, #tpu.memory_space<vmem>>
        %dma_start3A_51 = tpu.memref_squeeze %dma_start3A_50 : memref<1x40xi32, #tpu.memory_space<vmem>> -> memref<40xi32, #tpu.memory_space<vmem>>
        %dma_start3A_52 = arith.constant 0 : i32
        %dma_start3A_53 = arith.constant 0 : i32
        %dma_start3A_54 = tpu.memref_slice %arg11[%dma_start3A_52, %dma_start3A_53] : memref<10240x128xf32, #tpu.memory_space<vmem_shared>> -> memref<10240x128xf32, #tpu.memory_space<vmem_shared>>
        tpu.enqueue_indirect_dma source(%arg8 : memref<40x128xf32, #tpu.memory_space<vmem>>) target(%dma_start3A_54 : memref<10240x128xf32, #tpu.memory_space<vmem_shared>>) offsets(%dma_start3A_51 : memref<40xi32, #tpu.memory_space<vmem>>) semaphore(%run_scoped3A : memref<!tpu.dma_semaphore, #tpu.memory_space<semaphore_mem>>) {add = true}
        %dma_wait3A_55 = arith.constant 0 : i32
        %dma_wait3A_56 = tpu.memref_slice %arg6[%add3A_48, %dma_wait3A_55] : memref<50x40xi32, #tpu.memory_space<vmem>> -> memref<1x40xi32, #tpu.memory_space<vmem>>
        %dma_wait3A_57 = tpu.memref_squeeze %dma_wait3A_56 : memref<1x40xi32, #tpu.memory_space<vmem>> -> memref<40xi32, #tpu.memory_space<vmem>>
        %dma_wait3A_58 = arith.constant 0 : i32
        %dma_wait3A_59 = arith.constant 0 : i32
        %dma_wait3A_60 = tpu.memref_slice %arg11[%dma_wait3A_58, %dma_wait3A_59] : memref<10240x128xf32, #tpu.memory_space<vmem_shared>> -> memref<10240x128xf32, #tpu.memory_space<vmem_shared>>
        tpu.wait_indirect_dma semaphore(%run_scoped3A : memref<!tpu.dma_semaphore, #tpu.memory_space<semaphore_mem>>) src(%arg8 : memref<40x128xf32, #tpu.memory_space<vmem>>) dst(%dma_wait3A_60 : memref<10240x128xf32, #tpu.memory_space<vmem_shared>>)
        tpu.yield
      }) : () -> ()
    }
    %scan3A_9 = arith.constant 25 : i32
    %barrier3A_10 = arith.constant 0 : index
    tpu.barrier barrier_id(%barrier3A_10)
    %mul3A_11 = arith.constant 640 : i32
    %mul3A_12 = arith.muli %arg1, %mul3A_11 : i32
    %mul3A_13 = arith.constant 640 : i32
    %mul3A_14 = arith.muli %arg1, %mul3A_13 : i32
    "tpu.region"() ({
      %run_scoped3A = tpu.sem_alloc : memref<!tpu.dma_semaphore, #tpu.memory_space<semaphore_mem>>
      %dma_start3A = arith.constant 0 : i32
      %dma_start3A_15 = tpu.memref_slice %arg5[%arg0, %mul3A_14, %dma_start3A] : memref<2x10240x128xf32, #tpu.memory_space<hbm>> -> memref<1x640x128xf32, #tpu.memory_space<hbm>>
      %dma_start3A_16 = tpu.memref_squeeze %dma_start3A_15 : memref<1x640x128xf32, #tpu.memory_space<hbm>> -> memref<640x128xf32, #tpu.memory_space<hbm>>
      %dma_start3A_17 = arith.constant 0 : i32
      %dma_start3A_18 = tpu.memref_slice %arg11[%mul3A_12, %dma_start3A_17] : memref<10240x128xf32, #tpu.memory_space<vmem_shared>> -> memref<640x128xf32, #tpu.memory_space<vmem_shared>>
      tpu.enqueue_dma source(%dma_start3A_18 : memref<640x128xf32, #tpu.memory_space<vmem_shared>>) target(%dma_start3A_16 : memref<640x128xf32, #tpu.memory_space<hbm>>) target_semaphore(%run_scoped3A : memref<!tpu.dma_semaphore, #tpu.memory_space<semaphore_mem>>)
      %dma_wait3A = arith.constant 0 : i32
      %dma_wait3A_19 = tpu.memref_slice %arg5[%arg0, %mul3A_14, %dma_wait3A] : memref<2x10240x128xf32, #tpu.memory_space<hbm>> -> memref<1x640x128xf32, #tpu.memory_space<hbm>>
      %dma_wait3A_20 = tpu.memref_squeeze %dma_wait3A_19 : memref<1x640x128xf32, #tpu.memory_space<hbm>> -> memref<640x128xf32, #tpu.memory_space<hbm>>
      %dma_wait3A_21 = arith.constant 0 : i32
      %dma_wait3A_22 = tpu.memref_slice %arg11[%mul3A_12, %dma_wait3A_21] : memref<10240x128xf32, #tpu.memory_space<vmem_shared>> -> memref<640x128xf32, #tpu.memory_space<vmem_shared>>
      tpu.wait_dma2 semaphore(%run_scoped3A : memref<!tpu.dma_semaphore, #tpu.memory_space<semaphore_mem>>) src(%dma_wait3A_22 : memref<640x128xf32, #tpu.memory_space<vmem_shared>>) dst(%dma_wait3A_20 : memref<640x128xf32, #tpu.memory_space<hbm>>)
      tpu.yield
    }) : () -> ()
    return
  }
}

module attributes {stable_mosaic.version = 14 : i64} {
  func.func @_node_kernel(%arg0: i32, %arg1: memref<1000x128xf32, #tpu.memory_space<vmem>>, %arg2: memref<1000x1xf32, #tpu.memory_space<vmem>>, %arg3: memref<128x128xf32, #tpu.memory_space<vmem>>, %arg4: memref<1x128xf32, #tpu.memory_space<vmem>>, %arg5: memref<128x128xf32, #tpu.memory_space<vmem>>, %arg6: memref<1x128xf32, #tpu.memory_space<vmem>>, %arg7: memref<1000x128xf32, #tpu.memory_space<vmem>>, %arg8: memref<1000x128xf32, #tpu.memory_space<vmem>>) attributes {dimension_semantics = [#tpu.dimension_semantics<arbitrary>], iteration_bounds = array<i64: 10>, scalar_prefetch = 0 : i64, scratch_operands = 0 : i64, tpu.core_type = #tpu.core_type<tc>, window_params = [{transform_indices = @transform_0, window_bounds = array<i64: 1000, 128>}, {transform_indices = @transform_1, window_bounds = array<i64: 1000, 1>}, {pipeline_mode = #tpu.pipeline_mode<synchronous>, transform_indices = @transform_2, window_bounds = array<i64: 128, 128>}, {pipeline_mode = #tpu.pipeline_mode<synchronous>, transform_indices = @transform_3, window_bounds = array<i64: 1, 128>}, {pipeline_mode = #tpu.pipeline_mode<synchronous>, transform_indices = @transform_4, window_bounds = array<i64: 128, 128>}, {pipeline_mode = #tpu.pipeline_mode<synchronous>, transform_indices = @transform_5, window_bounds = array<i64: 1, 128>}, {transform_indices = @transform_6, window_bounds = array<i64: 1000, 128>}, {transform_indices = @transform_7, window_bounds = array<i64: 1000, 128>}]} {
    %get3A = arith.constant 0 : index
    %get3A_0 = arith.constant 0 : index
    %get3A_1 = vector.load %arg1[%get3A, %get3A_0] : memref<1000x128xf32, #tpu.memory_space<vmem>>, vector<1000x128xf32>
    %get3A_2 = arith.constant 0 : index
    %get3A_3 = arith.constant 0 : index
    %get3A_4 = vector.load %arg2[%get3A_2, %get3A_3] : memref<1000x1xf32, #tpu.memory_space<vmem>>, vector<1000x1xf32>
    %mul3A = vector.broadcast %get3A_4 : vector<1000x1xf32> to vector<1000x128xf32>
    %mul3A_5 = arith.mulf %get3A_1, %mul3A : vector<1000x128xf32>
    %get3A_6 = arith.constant 0 : index
    %get3A_7 = arith.constant 0 : index
    %get3A_8 = vector.load %arg3[%get3A_6, %get3A_7] : memref<128x128xf32, #tpu.memory_space<vmem>>, vector<128x128xf32>
    %dot_general3A = arith.constant dense<0.000000e+00> : vector<1000x128xf32>
    %dot_general3A_9 = tpu.matmul %mul3A_5, %get3A_8, %dot_general3A {dimension_numbers = #tpu.dot_dimension_numbers<[1], [0], [0], [1], [0, 0, 1, 1], [], []>, transpose_lhs_hint = false} : vector<1000x128xf32>, vector<128x128xf32>, vector<1000x128xf32> -> vector<1000x128xf32>
    %get3A_10 = arith.constant 0 : index
    %get3A_11 = arith.constant 0 : index
    %get3A_12 = vector.load %arg4[%get3A_10, %get3A_11] : memref<1x128xf32, #tpu.memory_space<vmem>>, vector<1x128xf32>
    %add3A = vector.broadcast %get3A_12 : vector<1x128xf32> to vector<1000x128xf32>
    %add3A_13 = arith.addf %dot_general3A_9, %add3A : vector<1000x128xf32>
    %swap3A = arith.constant 0 : index
    %swap3A_14 = arith.constant 0 : index
    %swap3A_15 = vector.load %arg7[%swap3A, %swap3A_14] : memref<1000x128xf32, #tpu.memory_space<vmem>>, vector<1000x128xf32>
    tpu.vector_store %arg7[%swap3A, %swap3A_14], %add3A_13 {strides = array<i32>} : memref<1000x128xf32, #tpu.memory_space<vmem>>, vector<1000x128xf32>,
    %get3A_16 = arith.constant 0 : index
    %get3A_17 = arith.constant 0 : index
    %get3A_18 = vector.load %arg5[%get3A_16, %get3A_17] : memref<128x128xf32, #tpu.memory_space<vmem>>, vector<128x128xf32>
    %dot_general3A_19 = arith.constant dense<0.000000e+00> : vector<1000x128xf32>
    %dot_general3A_20 = tpu.matmul %mul3A_5, %get3A_18, %dot_general3A_19 {dimension_numbers = #tpu.dot_dimension_numbers<[1], [0], [0], [1], [0, 0, 1, 1], [], []>, transpose_lhs_hint = false} : vector<1000x128xf32>, vector<128x128xf32>, vector<1000x128xf32> -> vector<1000x128xf32>
    %get3A_21 = arith.constant 0 : index
    %get3A_22 = arith.constant 0 : index
    %get3A_23 = vector.load %arg6[%get3A_21, %get3A_22] : memref<1x128xf32, #tpu.memory_space<vmem>>, vector<1x128xf32>
    %add3A_24 = vector.broadcast %get3A_23 : vector<1x128xf32> to vector<1000x128xf32>
    %add3A_25 = arith.addf %dot_general3A_20, %add3A_24 : vector<1000x128xf32>
    %swap3A_26 = arith.constant 0 : index
    %swap3A_27 = arith.constant 0 : index
    %swap3A_28 = vector.load %arg8[%swap3A_26, %swap3A_27] : memref<1000x128xf32, #tpu.memory_space<vmem>>, vector<1000x128xf32>
    tpu.vector_store %arg8[%swap3A_26, %swap3A_27], %add3A_25 {strides = array<i32>} : memref<1000x128xf32, #tpu.memory_space<vmem>>, vector<1000x128xf32>,
    return
  }
  func.func @transform_0(%arg0: i32) -> (i32, i32) {
    %c0_i32 = arith.constant 0 : i32
    %c0_i32_0 = arith.constant 0 : i32
    return %arg0, %c0_i32 : i32, i32
  }
  func.func @transform_1(%arg0: i32) -> (i32, i32) {
    %c0_i32 = arith.constant 0 : i32
    %c0_i32_0 = arith.constant 0 : i32
    return %arg0, %c0_i32 : i32, i32
  }
  func.func @transform_2(%arg0: i32) -> (i32, i32) {
    %c0_i32 = arith.constant 0 : i32
    %c0_i32_0 = arith.constant 0 : i32
    %c0_i32_1 = arith.constant 0 : i32
    return %c0_i32, %c0_i32_0 : i32, i32
  }
  func.func @transform_3(%arg0: i32) -> (i32, i32) {
    %c0_i32 = arith.constant 0 : i32
    %c0_i32_0 = arith.constant 0 : i32
    %c0_i32_1 = arith.constant 0 : i32
    return %c0_i32, %c0_i32_0 : i32, i32
  }
  func.func @transform_4(%arg0: i32) -> (i32, i32) {
    %c0_i32 = arith.constant 0 : i32
    %c0_i32_0 = arith.constant 0 : i32
    %c0_i32_1 = arith.constant 0 : i32
    return %c0_i32, %c0_i32_0 : i32, i32
  }
  func.func @transform_5(%arg0: i32) -> (i32, i32) {
    %c0_i32 = arith.constant 0 : i32
    %c0_i32_0 = arith.constant 0 : i32
    %c0_i32_1 = arith.constant 0 : i32
    return %c0_i32, %c0_i32_0 : i32, i32
  }
  func.func @transform_6(%arg0: i32) -> (i32, i32) {
    %c0_i32 = arith.constant 0 : i32
    %c0_i32_0 = arith.constant 0 : i32
    return %arg0, %c0_i32 : i32, i32
  }
  func.func @transform_7(%arg0: i32) -> (i32, i32) {
    %c0_i32 = arith.constant 0 : i32
    %c0_i32_0 = arith.constant 0 : i32
    return %arg0, %c0_i32 : i32, i32
  }
}

module attributes {stable_mosaic.version = 14 : i64} {
  func.func @_edge_kernel(%arg0: i32, %arg1: memref<2000x128xf32, #tpu.memory_space<vmem>>, %arg2: memref<2000x128xf32, #tpu.memory_space<vmem>>, %arg3: memref<2000x64xf32, #tpu.memory_space<vmem>>, %arg4: memref<2000x4xf32, #tpu.memory_space<vmem>>, %arg5: memref<64x64xf32, #tpu.memory_space<vmem>>, %arg6: memref<1x64xf32, #tpu.memory_space<vmem>>, %arg7: memref<64x64xf32, #tpu.memory_space<vmem>>, %arg8: memref<1x64xf32, #tpu.memory_space<vmem>>, %arg9: memref<64x512xf32, #tpu.memory_space<vmem>>, %arg10: memref<1x512xf32, #tpu.memory_space<vmem>>, %arg11: memref<512x32xf32, #tpu.memory_space<vmem>>, %arg12: memref<512x128xf32, #tpu.memory_space<vmem>>, %arg13: memref<1x32xf32, #tpu.memory_space<vmem>>, %arg14: memref<1x128xf32, #tpu.memory_space<vmem>>, %arg15: memref<32x4xf32, #tpu.memory_space<vmem>>, %arg16: memref<2x2000x128xf32, #tpu.memory_space<vmem>>) attributes {dimension_semantics = [#tpu.dimension_semantics<arbitrary>], iteration_bounds = array<i64: 32>, scalar_prefetch = 0 : i64, scratch_operands = 0 : i64, tpu.core_type = #tpu.core_type<tc>, window_params = [{transform_indices = @transform_0, window_bounds = array<i64: 2000, 128>}, {transform_indices = @transform_1, window_bounds = array<i64: 2000, 128>}, {transform_indices = @transform_2, window_bounds = array<i64: 2000, 64>}, {transform_indices = @transform_3, window_bounds = array<i64: 2000, 4>}, {pipeline_mode = #tpu.pipeline_mode<synchronous>, transform_indices = @transform_4, window_bounds = array<i64: 64, 64>}, {pipeline_mode = #tpu.pipeline_mode<synchronous>, transform_indices = @transform_5, window_bounds = array<i64: 1, 64>}, {pipeline_mode = #tpu.pipeline_mode<synchronous>, transform_indices = @transform_6, window_bounds = array<i64: 64, 64>}, {pipeline_mode = #tpu.pipeline_mode<synchronous>, transform_indices = @transform_7, window_bounds = array<i64: 1, 64>}, {pipeline_mode = #tpu.pipeline_mode<synchronous>, transform_indices = @transform_8, window_bounds = array<i64: 64, 512>}, {pipeline_mode = #tpu.pipeline_mode<synchronous>, transform_indices = @transform_9, window_bounds = array<i64: 1, 512>}, {pipeline_mode = #tpu.pipeline_mode<synchronous>, transform_indices = @transform_10, window_bounds = array<i64: 512, 32>}, {pipeline_mode = #tpu.pipeline_mode<synchronous>, transform_indices = @transform_11, window_bounds = array<i64: 512, 128>}, {pipeline_mode = #tpu.pipeline_mode<synchronous>, transform_indices = @transform_12, window_bounds = array<i64: 1, 32>}, {pipeline_mode = #tpu.pipeline_mode<synchronous>, transform_indices = @transform_13, window_bounds = array<i64: 1, 128>}, {pipeline_mode = #tpu.pipeline_mode<synchronous>, transform_indices = @transform_14, window_bounds = array<i64: 32, 4>}, {transform_indices = @transform_15, window_bounds = array<i64: 2, 2000, 128>}]} {
    %get3A = arith.constant 0 : index
    %get3A_0 = arith.constant 0 : index
    %get3A_1 = vector.load %arg3[%get3A, %get3A_0] : memref<2000x64xf32, #tpu.memory_space<vmem>>, vector<2000x64xf32>
    %get3A_2 = arith.constant 0 : index
    %get3A_3 = arith.constant 0 : index
    %get3A_4 = vector.load %arg5[%get3A_2, %get3A_3] : memref<64x64xf32, #tpu.memory_space<vmem>>, vector<64x64xf32>
    %dot_general3A = arith.constant dense<0.000000e+00> : vector<2000x64xf32>
    %dot_general3A_5 = tpu.matmul %get3A_1, %get3A_4, %dot_general3A {dimension_numbers = #tpu.dot_dimension_numbers<[1], [0], [0], [1], [0, 0, 1, 1], [], []>, transpose_lhs_hint = false} : vector<2000x64xf32>, vector<64x64xf32>, vector<2000x64xf32> -> vector<2000x64xf32>
    %get3A_6 = arith.constant 0 : index
    %get3A_7 = arith.constant 0 : index
    %get3A_8 = vector.load %arg6[%get3A_6, %get3A_7] : memref<1x64xf32, #tpu.memory_space<vmem>>, vector<1x64xf32>
    %add3A = vector.broadcast %get3A_8 : vector<1x64xf32> to vector<2000x64xf32>
    %add3A_9 = arith.addf %dot_general3A_5, %add3A : vector<2000x64xf32>
    %neg3A = arith.constant 0.000000e+00 : f32
    %neg3A_10 = vector.broadcast %neg3A : f32 to vector<2000x64xf32>
    %neg3A_11 = arith.subf %neg3A_10, %add3A_9 : vector<2000x64xf32>
    %exp3A = math.exp %neg3A_11 : vector<2000x64xf32>
    %add3A_12 = arith.constant 1.000000e+00 : f32
    %add3A_13 = vector.broadcast %add3A_12 : f32 to vector<2000x64xf32>
    %add3A_14 = arith.addf %add3A_13, %exp3A : vector<2000x64xf32>
    %div3A = arith.constant 1.000000e+00 : f32
    %div3A_15 = vector.broadcast %div3A : f32 to vector<2000x64xf32>
    %div3A_16 = arith.divf %div3A_15, %add3A_14 : vector<2000x64xf32>
    %mul3A = arith.mulf %add3A_9, %div3A_16 : vector<2000x64xf32>
    %get3A_17 = arith.constant 0 : index
    %get3A_18 = arith.constant 0 : index
    %get3A_19 = vector.load %arg7[%get3A_17, %get3A_18] : memref<64x64xf32, #tpu.memory_space<vmem>>, vector<64x64xf32>
    %dot_general3A_20 = arith.constant dense<0.000000e+00> : vector<2000x64xf32>
    %dot_general3A_21 = tpu.matmul %mul3A, %get3A_19, %dot_general3A_20 {dimension_numbers = #tpu.dot_dimension_numbers<[1], [0], [0], [1], [0, 0, 1, 1], [], []>, transpose_lhs_hint = false} : vector<2000x64xf32>, vector<64x64xf32>, vector<2000x64xf32> -> vector<2000x64xf32>
    %get3A_22 = arith.constant 0 : index
    %get3A_23 = arith.constant 0 : index
    %get3A_24 = vector.load %arg8[%get3A_22, %get3A_23] : memref<1x64xf32, #tpu.memory_space<vmem>>, vector<1x64xf32>
    %add3A_25 = vector.broadcast %get3A_24 : vector<1x64xf32> to vector<2000x64xf32>
    %add3A_26 = arith.addf %dot_general3A_21, %add3A_25 : vector<2000x64xf32>
    %neg3A_27 = arith.constant 0.000000e+00 : f32
    %neg3A_28 = vector.broadcast %neg3A_27 : f32 to vector<2000x64xf32>
    %neg3A_29 = arith.subf %neg3A_28, %add3A_26 : vector<2000x64xf32>
    %exp3A_30 = math.exp %neg3A_29 : vector<2000x64xf32>
    %add3A_31 = arith.constant 1.000000e+00 : f32
    %add3A_32 = vector.broadcast %add3A_31 : f32 to vector<2000x64xf32>
    %add3A_33 = arith.addf %add3A_32, %exp3A_30 : vector<2000x64xf32>
    %div3A_34 = arith.constant 1.000000e+00 : f32
    %div3A_35 = vector.broadcast %div3A_34 : f32 to vector<2000x64xf32>
    %div3A_36 = arith.divf %div3A_35, %add3A_33 : vector<2000x64xf32>
    %mul3A_37 = arith.mulf %add3A_26, %div3A_36 : vector<2000x64xf32>
    %get3A_38 = arith.constant 0 : index
    %get3A_39 = arith.constant 0 : index
    %get3A_40 = vector.load %arg1[%get3A_38, %get3A_39] : memref<2000x128xf32, #tpu.memory_space<vmem>>, vector<2000x128xf32>
    %get3A_41 = arith.constant 0 : index
    %get3A_42 = arith.constant 0 : index
    %get3A_43 = vector.load %arg2[%get3A_41, %get3A_42] : memref<2000x128xf32, #tpu.memory_space<vmem>>, vector<2000x128xf32>
    %add3A_44 = arith.addf %get3A_40, %get3A_43 : vector<2000x128xf32>
    %get3A_45 = arith.constant 0 : index
    %get3A_46 = arith.constant 0 : index
    %get3A_47 = vector.load %arg4[%get3A_45, %get3A_46] : memref<2000x4xf32, #tpu.memory_space<vmem>>, vector<2000x4xf32>
    %get3A_48 = arith.constant 0 : index
    %get3A_49 = arith.constant 0 : index
    %get3A_50 = vector.load %arg9[%get3A_48, %get3A_49] : memref<64x512xf32, #tpu.memory_space<vmem>>, vector<64x512xf32>
    %get3A_51 = arith.constant 0 : index
    %get3A_52 = arith.constant 0 : index
    %get3A_53 = vector.load %arg10[%get3A_51, %get3A_52] : memref<1x512xf32, #tpu.memory_space<vmem>>, vector<1x512xf32>
    %get3A_54 = arith.constant 0 : index
    %get3A_55 = arith.constant 0 : index
    %get3A_56 = vector.load %arg11[%get3A_54, %get3A_55] : memref<512x32xf32, #tpu.memory_space<vmem>>, vector<512x32xf32>
    %get3A_57 = arith.constant 0 : index
    %get3A_58 = arith.constant 0 : index
    %get3A_59 = vector.load %arg12[%get3A_57, %get3A_58] : memref<512x128xf32, #tpu.memory_space<vmem>>, vector<512x128xf32>
    %get3A_60 = arith.constant 0 : index
    %get3A_61 = arith.constant 0 : index
    %get3A_62 = vector.load %arg13[%get3A_60, %get3A_61] : memref<1x32xf32, #tpu.memory_space<vmem>>, vector<1x32xf32>
    %broadcast_in_dim3A = vector.shape_cast %get3A_62 : vector<1x32xf32> to vector<1x32xf32>
    %broadcast_in_dim3A_63 = vector.broadcast %broadcast_in_dim3A : vector<1x32xf32> to vector<2000x32xf32>
    %get3A_64 = arith.constant 0 : index
    %get3A_65 = arith.constant 0 : index
    %get3A_66 = vector.load %arg14[%get3A_64, %get3A_65] : memref<1x128xf32, #tpu.memory_space<vmem>>, vector<1x128xf32>
    %broadcast_in_dim3A_67 = vector.shape_cast %get3A_66 : vector<1x128xf32> to vector<1x128xf32>
    %broadcast_in_dim3A_68 = vector.broadcast %broadcast_in_dim3A_67 : vector<1x128xf32> to vector<2000x128xf32>
    %slice3A = vector.extract_strided_slice %get3A_50 {offsets = [0, 0], sizes = [64, 128], strides = [1, 1]} : vector<64x512xf32> to vector<64x128xf32>
    %dot_general3A_69 = arith.constant dense<0.000000e+00> : vector<2000x128xf32>
    %dot_general3A_70 = tpu.matmul %mul3A_37, %slice3A, %dot_general3A_69 {dimension_numbers = #tpu.dot_dimension_numbers<[1], [0], [0], [1], [0, 0, 1, 1], [], []>, transpose_lhs_hint = false} : vector<2000x64xf32>, vector<64x128xf32>, vector<2000x128xf32> -> vector<2000x128xf32>
    %slice3A_71 = vector.extract_strided_slice %get3A_53 {offsets = [0, 0], sizes = [1, 128], strides = [1, 1]} : vector<1x512xf32> to vector<1x128xf32>
    %add3A_72 = vector.broadcast %slice3A_71 : vector<1x128xf32> to vector<2000x128xf32>
    %add3A_73 = arith.addf %dot_general3A_70, %add3A_72 : vector<2000x128xf32>
    %slice3A_74 = vector.extract_strided_slice %get3A_47 {offsets = [0, 0], sizes = [2000, 1], strides = [1, 1]} : vector<2000x4xf32> to vector<2000x1xf32>
    %mul3A_75 = vector.broadcast %slice3A_74 : vector<2000x1xf32> to vector<2000x128xf32>
    %mul3A_76 = arith.mulf %add3A_44, %mul3A_75 : vector<2000x128xf32>
    %mul3A_77 = arith.mulf %mul3A_76, %add3A_73 : vector<2000x128xf32>
    %slice3A_78 = vector.extract_strided_slice %get3A_56 {offsets = [0, 0], sizes = [128, 32], strides = [1, 1]} : vector<512x32xf32> to vector<128x32xf32>
    %dot_general3A_79 = arith.constant dense<0.000000e+00> : vector<2000x32xf32>
    %dot_general3A_80 = tpu.matmul %mul3A_77, %slice3A_78, %dot_general3A_79 {dimension_numbers = #tpu.dot_dimension_numbers<[1], [0], [0], [1], [0, 0, 1, 1], [], []>, transpose_lhs_hint = false} : vector<2000x128xf32>, vector<128x32xf32>, vector<2000x32xf32> -> vector<2000x32xf32>
    %add3A_81 = arith.addf %broadcast_in_dim3A_63, %dot_general3A_80 : vector<2000x32xf32>
    %slice3A_82 = vector.extract_strided_slice %get3A_59 {offsets = [0, 0], sizes = [128, 128], strides = [1, 1]} : vector<512x128xf32> to vector<128x128xf32>
    %dot_general3A_83 = arith.constant dense<0.000000e+00> : vector<2000x128xf32>
    %dot_general3A_84 = tpu.matmul %mul3A_77, %slice3A_82, %dot_general3A_83 {dimension_numbers = #tpu.dot_dimension_numbers<[1], [0], [0], [1], [0, 0, 1, 1], [], []>, transpose_lhs_hint = false} : vector<2000x128xf32>, vector<128x128xf32>, vector<2000x128xf32> -> vector<2000x128xf32>
    %add3A_85 = arith.addf %broadcast_in_dim3A_68, %dot_general3A_84 : vector<2000x128xf32>
    %slice3A_86 = vector.extract_strided_slice %get3A_50 {offsets = [0, 128], sizes = [64, 128], strides = [1, 1]} : vector<64x512xf32> to vector<64x128xf32>
    %dot_general3A_87 = arith.constant dense<0.000000e+00> : vector<2000x128xf32>
    %dot_general3A_88 = tpu.matmul %mul3A_37, %slice3A_86, %dot_general3A_87 {dimension_numbers = #tpu.dot_dimension_numbers<[1], [0], [0], [1], [0, 0, 1, 1], [], []>, transpose_lhs_hint = false} : vector<2000x64xf32>, vector<64x128xf32>, vector<2000x128xf32> -> vector<2000x128xf32>
    %slice3A_89 = vector.extract_strided_slice %get3A_53 {offsets = [0, 128], sizes = [1, 128], strides = [1, 1]} : vector<1x512xf32> to vector<1x128xf32>
    %add3A_90 = vector.broadcast %slice3A_89 : vector<1x128xf32> to vector<2000x128xf32>
    %add3A_91 = arith.addf %dot_general3A_88, %add3A_90 : vector<2000x128xf32>
    %slice3A_92 = vector.extract_strided_slice %get3A_47 {offsets = [0, 1], sizes = [2000, 1], strides = [1, 1]} : vector<2000x4xf32> to vector<2000x1xf32>
    %mul3A_93 = vector.broadcast %slice3A_92 : vector<2000x1xf32> to vector<2000x128xf32>
    %mul3A_94 = arith.mulf %add3A_44, %mul3A_93 : vector<2000x128xf32>
    %mul3A_95 = arith.mulf %mul3A_94, %add3A_91 : vector<2000x128xf32>
    %slice3A_96 = vector.extract_strided_slice %get3A_56 {offsets = [128, 0], sizes = [128, 32], strides = [1, 1]} : vector<512x32xf32> to vector<128x32xf32>
    %dot_general3A_97 = arith.constant dense<0.000000e+00> : vector<2000x32xf32>
    %dot_general3A_98 = tpu.matmul %mul3A_95, %slice3A_96, %dot_general3A_97 {dimension_numbers = #tpu.dot_dimension_numbers<[1], [0], [0], [1], [0, 0, 1, 1], [], []>, transpose_lhs_hint = false} : vector<2000x128xf32>, vector<128x32xf32>, vector<2000x32xf32> -> vector<2000x32xf32>
    %add3A_99 = arith.addf %add3A_81, %dot_general3A_98 : vector<2000x32xf32>
    %slice3A_100 = vector.extract_strided_slice %get3A_59 {offsets = [128, 0], sizes = [128, 128], strides = [1, 1]} : vector<512x128xf32> to vector<128x128xf32>
    %dot_general3A_101 = arith.constant dense<0.000000e+00> : vector<2000x128xf32>
    %dot_general3A_102 = tpu.matmul %mul3A_95, %slice3A_100, %dot_general3A_101 {dimension_numbers = #tpu.dot_dimension_numbers<[1], [0], [0], [1], [0, 0, 1, 1], [], []>, transpose_lhs_hint = false} : vector<2000x128xf32>, vector<128x128xf32>, vector<2000x128xf32> -> vector<2000x128xf32>
    %add3A_103 = arith.addf %add3A_85, %dot_general3A_102 : vector<2000x128xf32>
    %slice3A_104 = vector.extract_strided_slice %get3A_50 {offsets = [0, 256], sizes = [64, 128], strides = [1, 1]} : vector<64x512xf32> to vector<64x128xf32>
    %dot_general3A_105 = arith.constant dense<0.000000e+00> : vector<2000x128xf32>
    %dot_general3A_106 = tpu.matmul %mul3A_37, %slice3A_104, %dot_general3A_105 {dimension_numbers = #tpu.dot_dimension_numbers<[1], [0], [0], [1], [0, 0, 1, 1], [], []>, transpose_lhs_hint = false} : vector<2000x64xf32>, vector<64x128xf32>, vector<2000x128xf32> -> vector<2000x128xf32>
    %slice3A_107 = vector.extract_strided_slice %get3A_53 {offsets = [0, 256], sizes = [1, 128], strides = [1, 1]} : vector<1x512xf32> to vector<1x128xf32>
    %add3A_108 = vector.broadcast %slice3A_107 : vector<1x128xf32> to vector<2000x128xf32>
    %add3A_109 = arith.addf %dot_general3A_106, %add3A_108 : vector<2000x128xf32>
    %slice3A_110 = vector.extract_strided_slice %get3A_47 {offsets = [0, 2], sizes = [2000, 1], strides = [1, 1]} : vector<2000x4xf32> to vector<2000x1xf32>
    %mul3A_111 = vector.broadcast %slice3A_110 : vector<2000x1xf32> to vector<2000x128xf32>
    %mul3A_112 = arith.mulf %add3A_44, %mul3A_111 : vector<2000x128xf32>
    %mul3A_113 = arith.mulf %mul3A_112, %add3A_109 : vector<2000x128xf32>
    %slice3A_114 = vector.extract_strided_slice %get3A_56 {offsets = [256, 0], sizes = [128, 32], strides = [1, 1]} : vector<512x32xf32> to vector<128x32xf32>
    %dot_general3A_115 = arith.constant dense<0.000000e+00> : vector<2000x32xf32>
    %dot_general3A_116 = tpu.matmul %mul3A_113, %slice3A_114, %dot_general3A_115 {dimension_numbers = #tpu.dot_dimension_numbers<[1], [0], [0], [1], [0, 0, 1, 1], [], []>, transpose_lhs_hint = false} : vector<2000x128xf32>, vector<128x32xf32>, vector<2000x32xf32> -> vector<2000x32xf32>
    %add3A_117 = arith.addf %add3A_99, %dot_general3A_116 : vector<2000x32xf32>
    %slice3A_118 = vector.extract_strided_slice %get3A_59 {offsets = [256, 0], sizes = [128, 128], strides = [1, 1]} : vector<512x128xf32> to vector<128x128xf32>
    %dot_general3A_119 = arith.constant dense<0.000000e+00> : vector<2000x128xf32>
    %dot_general3A_120 = tpu.matmul %mul3A_113, %slice3A_118, %dot_general3A_119 {dimension_numbers = #tpu.dot_dimension_numbers<[1], [0], [0], [1], [0, 0, 1, 1], [], []>, transpose_lhs_hint = false} : vector<2000x128xf32>, vector<128x128xf32>, vector<2000x128xf32> -> vector<2000x128xf32>
    %add3A_121 = arith.addf %add3A_103, %dot_general3A_120 : vector<2000x128xf32>
    %slice3A_122 = vector.extract_strided_slice %get3A_50 {offsets = [0, 384], sizes = [64, 128], strides = [1, 1]} : vector<64x512xf32> to vector<64x128xf32>
    %dot_general3A_123 = arith.constant dense<0.000000e+00> : vector<2000x128xf32>
    %dot_general3A_124 = tpu.matmul %mul3A_37, %slice3A_122, %dot_general3A_123 {dimension_numbers = #tpu.dot_dimension_numbers<[1], [0], [0], [1], [0, 0, 1, 1], [], []>, transpose_lhs_hint = false} : vector<2000x64xf32>, vector<64x128xf32>, vector<2000x128xf32> -> vector<2000x128xf32>
    %slice3A_125 = vector.extract_strided_slice %get3A_53 {offsets = [0, 384], sizes = [1, 128], strides = [1, 1]} : vector<1x512xf32> to vector<1x128xf32>
    %add3A_126 = vector.broadcast %slice3A_125 : vector<1x128xf32> to vector<2000x128xf32>
    %add3A_127 = arith.addf %dot_general3A_124, %add3A_126 : vector<2000x128xf32>
    %slice3A_128 = vector.extract_strided_slice %get3A_47 {offsets = [0, 3], sizes = [2000, 1], strides = [1, 1]} : vector<2000x4xf32> to vector<2000x1xf32>
    %mul3A_129 = vector.broadcast %slice3A_128 : vector<2000x1xf32> to vector<2000x128xf32>
    %mul3A_130 = arith.mulf %add3A_44, %mul3A_129 : vector<2000x128xf32>
    %mul3A_131 = arith.mulf %mul3A_130, %add3A_127 : vector<2000x128xf32>
    %slice3A_132 = vector.extract_strided_slice %get3A_56 {offsets = [384, 0], sizes = [128, 32], strides = [1, 1]} : vector<512x32xf32> to vector<128x32xf32>
    %dot_general3A_133 = arith.constant dense<0.000000e+00> : vector<2000x32xf32>
    %dot_general3A_134 = tpu.matmul %mul3A_131, %slice3A_132, %dot_general3A_133 {dimension_numbers = #tpu.dot_dimension_numbers<[1], [0], [0], [1], [0, 0, 1, 1], [], []>, transpose_lhs_hint = false} : vector<2000x128xf32>, vector<128x32xf32>, vector<2000x32xf32> -> vector<2000x32xf32>
    %add3A_135 = arith.addf %add3A_117, %dot_general3A_134 : vector<2000x32xf32>
    %slice3A_136 = vector.extract_strided_slice %get3A_59 {offsets = [384, 0], sizes = [128, 128], strides = [1, 1]} : vector<512x128xf32> to vector<128x128xf32>
    %dot_general3A_137 = arith.constant dense<0.000000e+00> : vector<2000x128xf32>
    %dot_general3A_138 = tpu.matmul %mul3A_131, %slice3A_136, %dot_general3A_137 {dimension_numbers = #tpu.dot_dimension_numbers<[1], [0], [0], [1], [0, 0, 1, 1], [], []>, transpose_lhs_hint = false} : vector<2000x128xf32>, vector<128x128xf32>, vector<2000x128xf32> -> vector<2000x128xf32>
    %add3A_139 = arith.addf %add3A_121, %dot_general3A_138 : vector<2000x128xf32>
    %mul3A_140 = arith.constant 6.000000e-01 : f32
    %mul3A_141 = vector.broadcast %mul3A_140 : f32 to vector<2000x32xf32>
    %mul3A_142 = arith.mulf %mul3A_141, %add3A_135 : vector<2000x32xf32>
    %mul3A_143 = arith.constant 4.000000e-01 : f32
    %mul3A_144 = vector.broadcast %mul3A_143 : f32 to vector<2000x32xf32>
    %mul3A_145 = arith.mulf %mul3A_144, %add3A_135 : vector<2000x32xf32>
    %logistic3A = arith.negf %add3A_135 : vector<2000x32xf32>
    %logistic3A_146 = math.exp %logistic3A : vector<2000x32xf32>
    %logistic3A_147 = arith.constant 1.000000e+00 : f32
    %logistic3A_148 = vector.broadcast %logistic3A_147 : f32 to vector<2000x32xf32>
    %logistic3A_149 = arith.addf %logistic3A_148, %logistic3A_146 : vector<2000x32xf32>
    %logistic3A_150 = arith.divf %logistic3A_148, %logistic3A_149 : vector<2000x32xf32>
    %mul3A_151 = arith.constant 2.000000e+00 : f32
    %mul3A_152 = vector.broadcast %mul3A_151 : f32 to vector<2000x32xf32>
    %mul3A_153 = arith.mulf %mul3A_152, %logistic3A_150 : vector<2000x32xf32>
    %sub3A = arith.constant 1.000000e+00 : f32
    %sub3A_154 = vector.broadcast %sub3A : f32 to vector<2000x32xf32>
    %sub3A_155 = arith.subf %mul3A_153, %sub3A_154 : vector<2000x32xf32>
    %mul3A_156 = arith.mulf %mul3A_145, %sub3A_155 : vector<2000x32xf32>
    %add3A_157 = arith.addf %mul3A_142, %mul3A_156 : vector<2000x32xf32>
    %get3A_158 = arith.constant 0 : index
    %get3A_159 = arith.constant 0 : index
    %get3A_160 = vector.load %arg15[%get3A_158, %get3A_159] : memref<32x4xf32, #tpu.memory_space<vmem>>, vector<32x4xf32>
    %dot_general3A_161 = arith.constant dense<0.000000e+00> : vector<2000x4xf32>
    %dot_general3A_162 = tpu.matmul %add3A_157, %get3A_160, %dot_general3A_161 {dimension_numbers = #tpu.dot_dimension_numbers<[1], [0], [0], [1], [0, 0, 1, 1], [], []>, transpose_lhs_hint = false} : vector<2000x32xf32>, vector<32x4xf32>, vector<2000x4xf32> -> vector<2000x4xf32>
    %exp3A_163 = math.exp %dot_general3A_162 : vector<2000x4xf32>
    %neg3A_164 = arith.constant 0.000000e+00 : f32
    %neg3A_165 = vector.broadcast %neg3A_164 : f32 to vector<2000x128xf32>
    %neg3A_166 = arith.subf %neg3A_165, %add3A_139 : vector<2000x128xf32>
    %exp3A_167 = math.exp %neg3A_166 : vector<2000x128xf32>
    %add3A_168 = arith.constant 1.000000e+00 : f32
    %add3A_169 = vector.broadcast %add3A_168 : f32 to vector<2000x128xf32>
    %add3A_170 = arith.addf %add3A_169, %exp3A_167 : vector<2000x128xf32>
    %div3A_171 = arith.constant 1.000000e+00 : f32
    %div3A_172 = vector.broadcast %div3A_171 : f32 to vector<2000x128xf32>
    %div3A_173 = arith.divf %div3A_172, %add3A_170 : vector<2000x128xf32>
    %mul3A_174 = arith.mulf %add3A_139, %div3A_173 : vector<2000x128xf32>
    %iota3A = tpu.iota {dimensions = array<i32: 0>} : vector<4x128xi32>
    %iota3A_175 = tpu.iota {dimensions = array<i32: 1>} : vector<4x128xi32>
    %jit3A = arith.constant 32 : i32
    %div3A_176 = vector.broadcast %jit3A : i32 to vector<4x128xi32>
    %div3A_177 = arith.divsi %iota3A_175, %div3A_176 : vector<4x128xi32>
    %sign3A = arith.constant 0 : i32
    %sign3A_178 = vector.broadcast %sign3A : i32 to vector<4x128xi32>
    %sign3A_179 = arith.cmpi sgt, %iota3A_175, %sign3A_178 : vector<4x128xi32>
    %sign3A_180 = arith.extui %sign3A_179 : vector<4x128xi1> to vector<4x128xi32>
    %sign3A_181 = arith.constant 0 : i32
    %sign3A_182 = vector.broadcast %sign3A_181 : i32 to vector<4x128xi32>
    %sign3A_183 = arith.cmpi slt, %iota3A_175, %sign3A_182 : vector<4x128xi32>
    %sign3A_184 = arith.extui %sign3A_183 : vector<4x128xi1> to vector<4x128xi32>
    %sign3A_185 = arith.subi %sign3A_180, %sign3A_184 : vector<4x128xi32>
    %sign3A_186 = arith.constant 0 : i32
    %sign3A_187 = arith.cmpi sgt, %jit3A, %sign3A_186 : i32
    %sign3A_188 = arith.extui %sign3A_187 : i1 to i32
    %sign3A_189 = arith.constant 0 : i32
    %sign3A_190 = arith.cmpi slt, %jit3A, %sign3A_189 : i32
    %sign3A_191 = arith.extui %sign3A_190 : i1 to i32
    %sign3A_192 = arith.subi %sign3A_188, %sign3A_191 : i32
    %ne3A = vector.broadcast %sign3A_192 : i32 to vector<4x128xi32>
    %ne3A_193 = arith.cmpi ne, %sign3A_185, %ne3A : vector<4x128xi32>
    %rem3A = vector.broadcast %jit3A : i32 to vector<4x128xi32>
    %rem3A_194 = arith.remsi %iota3A_175, %rem3A : vector<4x128xi32>
    %ne3A_195 = arith.constant 0 : i32
    %ne3A_196 = vector.broadcast %ne3A_195 : i32 to vector<4x128xi32>
    %ne3A_197 = arith.cmpi ne, %rem3A_194, %ne3A_196 : vector<4x128xi32>
    %and3A = arith.andi %ne3A_193, %ne3A_197 : vector<4x128xi1>
    %sub3A_198 = arith.constant 1 : i32
    %sub3A_199 = vector.broadcast %sub3A_198 : i32 to vector<4x128xi32>
    %sub3A_200 = arith.subi %div3A_177, %sub3A_199 : vector<4x128xi32>
    %select_n3A = arith.select %and3A, %sub3A_200, %div3A_177 : vector<4x128xi1>, vector<4x128xi32>
    %eq3A = arith.cmpi eq, %iota3A, %select_n3A : vector<4x128xi32>
    %convert_element_type3A = arith.extui %eq3A : vector<4x128xi1> to vector<4x128xi32>
    %convert_element_type3A_201 = arith.sitofp %convert_element_type3A : vector<4x128xi32> to vector<4x128xf32>
    %dot_general3A_202 = arith.constant dense<0.000000e+00> : vector<2000x128xf32>
    %dot_general3A_203 = tpu.matmul %exp3A_163, %convert_element_type3A_201, %dot_general3A_202 {dimension_numbers = #tpu.dot_dimension_numbers<[1], [0], [0], [1], [0, 0, 1, 1], [], []>, transpose_lhs_hint = false} : vector<2000x4xf32>, vector<4x128xf32>, vector<2000x128xf32> -> vector<2000x128xf32>
    %mul3A_204 = arith.mulf %mul3A_174, %dot_general3A_203 : vector<2000x128xf32>
    %swap3A = arith.constant 0 : index
    %swap3A_205 = arith.constant 0 : index
    %swap3A_206 = arith.constant 0 : index
    %swap3A_207 = vector.load %arg16[%swap3A, %swap3A_205, %swap3A_206] : memref<2x2000x128xf32, #tpu.memory_space<vmem>>, vector<1x2000x128xf32>
    %swap3A_208 = vector.shape_cast %swap3A_207 : vector<1x2000x128xf32> to vector<2000x128xf32>
    %swap3A_209 = vector.shape_cast %mul3A_204 : vector<2000x128xf32> to vector<1x2000x128xf32>
    tpu.vector_store %arg16[%swap3A, %swap3A_205, %swap3A_206], %swap3A_209 {strides = array<i32>} : memref<2x2000x128xf32, #tpu.memory_space<vmem>>, vector<1x2000x128xf32>,
    %swap3A_210 = arith.constant 1 : index
    %swap3A_211 = arith.constant 0 : index
    %swap3A_212 = arith.constant 0 : index
    %swap3A_213 = vector.load %arg16[%swap3A_210, %swap3A_211, %swap3A_212] : memref<2x2000x128xf32, #tpu.memory_space<vmem>>, vector<1x2000x128xf32>
    %swap3A_214 = vector.shape_cast %swap3A_213 : vector<1x2000x128xf32> to vector<2000x128xf32>
    %swap3A_215 = vector.shape_cast %dot_general3A_203 : vector<2000x128xf32> to vector<1x2000x128xf32>
    tpu.vector_store %arg16[%swap3A_210, %swap3A_211, %swap3A_212], %swap3A_215 {strides = array<i32>} : memref<2x2000x128xf32, #tpu.memory_space<vmem>>, vector<1x2000x128xf32>,
    return
  }
  func.func @transform_0(%arg0: i32) -> (i32, i32) {
    %c0_i32 = arith.constant 0 : i32
    %c0_i32_0 = arith.constant 0 : i32
    return %arg0, %c0_i32 : i32, i32
  }
  func.func @transform_1(%arg0: i32) -> (i32, i32) {
    %c0_i32 = arith.constant 0 : i32
    %c0_i32_0 = arith.constant 0 : i32
    return %arg0, %c0_i32 : i32, i32
  }
  func.func @transform_2(%arg0: i32) -> (i32, i32) {
    %c0_i32 = arith.constant 0 : i32
    %c0_i32_0 = arith.constant 0 : i32
    return %arg0, %c0_i32 : i32, i32
  }
  func.func @transform_3(%arg0: i32) -> (i32, i32) {
    %c0_i32 = arith.constant 0 : i32
    %c0_i32_0 = arith.constant 0 : i32
    return %arg0, %c0_i32 : i32, i32
  }
  func.func @transform_4(%arg0: i32) -> (i32, i32) {
    %c0_i32 = arith.constant 0 : i32
    %c0_i32_0 = arith.constant 0 : i32
    %c0_i32_1 = arith.constant 0 : i32
    return %c0_i32, %c0_i32_0 : i32, i32
  }
  func.func @transform_5(%arg0: i32) -> (i32, i32) {
    %c0_i32 = arith.constant 0 : i32
    %c0_i32_0 = arith.constant 0 : i32
    %c0_i32_1 = arith.constant 0 : i32
    return %c0_i32, %c0_i32_0 : i32, i32
  }
  func.func @transform_6(%arg0: i32) -> (i32, i32) {
    %c0_i32 = arith.constant 0 : i32
    %c0_i32_0 = arith.constant 0 : i32
    %c0_i32_1 = arith.constant 0 : i32
    return %c0_i32, %c0_i32_0 : i32, i32
  }
  func.func @transform_7(%arg0: i32) -> (i32, i32) {
    %c0_i32 = arith.constant 0 : i32
    %c0_i32_0 = arith.constant 0 : i32
    %c0_i32_1 = arith.constant 0 : i32
    return %c0_i32, %c0_i32_0 : i32, i32
  }
  func.func @transform_8(%arg0: i32) -> (i32, i32) {
    %c0_i32 = arith.constant 0 : i32
    %c0_i32_0 = arith.constant 0 : i32
    %c0_i32_1 = arith.constant 0 : i32
    return %c0_i32, %c0_i32_0 : i32, i32
  }
  func.func @transform_9(%arg0: i32) -> (i32, i32) {
    %c0_i32 = arith.constant 0 : i32
    %c0_i32_0 = arith.constant 0 : i32
    %c0_i32_1 = arith.constant 0 : i32
    return %c0_i32, %c0_i32_0 : i32, i32
  }
  func.func @transform_10(%arg0: i32) -> (i32, i32) {
    %c0_i32 = arith.constant 0 : i32
    %c0_i32_0 = arith.constant 0 : i32
    %c0_i32_1 = arith.constant 0 : i32
    return %c0_i32, %c0_i32_0 : i32, i32
  }
  func.func @transform_11(%arg0: i32) -> (i32, i32) {
    %c0_i32 = arith.constant 0 : i32
    %c0_i32_0 = arith.constant 0 : i32
    %c0_i32_1 = arith.constant 0 : i32
    return %c0_i32, %c0_i32_0 : i32, i32
  }
  func.func @transform_12(%arg0: i32) -> (i32, i32) {
    %c0_i32 = arith.constant 0 : i32
    %c0_i32_0 = arith.constant 0 : i32
    %c0_i32_1 = arith.constant 0 : i32
    return %c0_i32, %c0_i32_0 : i32, i32
  }
  func.func @transform_13(%arg0: i32) -> (i32, i32) {
    %c0_i32 = arith.constant 0 : i32
    %c0_i32_0 = arith.constant 0 : i32
    %c0_i32_1 = arith.constant 0 : i32
    return %c0_i32, %c0_i32_0 : i32, i32
  }
  func.func @transform_14(%arg0: i32) -> (i32, i32) {
    %c0_i32 = arith.constant 0 : i32
    %c0_i32_0 = arith.constant 0 : i32
    %c0_i32_1 = arith.constant 0 : i32
    return %c0_i32, %c0_i32_0 : i32, i32
  }
  func.func @transform_15(%arg0: i32) -> (i32, i32, i32) {
    %c0_i32 = arith.constant 0 : i32
    %c0_i32_0 = arith.constant 0 : i32
    %c0_i32_1 = arith.constant 0 : i32
    return %c0_i32, %arg0, %c0_i32_0 : i32, i32, i32
  }
}

module attributes {stable_mosaic.version = 14 : i64} {
  func.func @_edge_kernel(%arg0: i32, %arg1: memref<2000x128xf32, #tpu.memory_space<vmem>>, %arg2: memref<2000x128xf32, #tpu.memory_space<vmem>>, %arg3: memref<2000x64xf32, #tpu.memory_space<vmem>>, %arg4: memref<2000x4xf32, #tpu.memory_space<vmem>>, %arg5: memref<64x64xf32, #tpu.memory_space<vmem>>, %arg6: memref<1x64xf32, #tpu.memory_space<vmem>>, %arg7: memref<64x64xf32, #tpu.memory_space<vmem>>, %arg8: memref<1x64xf32, #tpu.memory_space<vmem>>, %arg9: memref<64x512xf32, #tpu.memory_space<vmem>>, %arg10: memref<1x512xf32, #tpu.memory_space<vmem>>, %arg11: memref<512x32xf32, #tpu.memory_space<vmem>>, %arg12: memref<512x128xf32, #tpu.memory_space<vmem>>, %arg13: memref<1x32xf32, #tpu.memory_space<vmem>>, %arg14: memref<1x128xf32, #tpu.memory_space<vmem>>, %arg15: memref<32x4xf32, #tpu.memory_space<vmem>>, %arg16: memref<2x2000x128xf32, #tpu.memory_space<vmem>>) attributes {dimension_semantics = [#tpu.dimension_semantics<arbitrary>], iteration_bounds = array<i64: 16>, scalar_prefetch = 0 : i64, scratch_operands = 0 : i64, tpu.core_type = #tpu.core_type<tc>, window_params = [{transform_indices = @transform_0, window_bounds = array<i64: 2000, 128>}, {transform_indices = @transform_1, window_bounds = array<i64: 2000, 128>}, {transform_indices = @transform_2, window_bounds = array<i64: 2000, 64>}, {transform_indices = @transform_3, window_bounds = array<i64: 2000, 4>}, {pipeline_mode = #tpu.pipeline_mode<synchronous>, transform_indices = @transform_4, window_bounds = array<i64: 64, 64>}, {pipeline_mode = #tpu.pipeline_mode<synchronous>, transform_indices = @transform_5, window_bounds = array<i64: 1, 64>}, {pipeline_mode = #tpu.pipeline_mode<synchronous>, transform_indices = @transform_6, window_bounds = array<i64: 64, 64>}, {pipeline_mode = #tpu.pipeline_mode<synchronous>, transform_indices = @transform_7, window_bounds = array<i64: 1, 64>}, {pipeline_mode = #tpu.pipeline_mode<synchronous>, transform_indices = @transform_8, window_bounds = array<i64: 64, 512>}, {pipeline_mode = #tpu.pipeline_mode<synchronous>, transform_indices = @transform_9, window_bounds = array<i64: 1, 512>}, {pipeline_mode = #tpu.pipeline_mode<synchronous>, transform_indices = @transform_10, window_bounds = array<i64: 512, 32>}, {pipeline_mode = #tpu.pipeline_mode<synchronous>, transform_indices = @transform_11, window_bounds = array<i64: 512, 128>}, {pipeline_mode = #tpu.pipeline_mode<synchronous>, transform_indices = @transform_12, window_bounds = array<i64: 1, 32>}, {pipeline_mode = #tpu.pipeline_mode<synchronous>, transform_indices = @transform_13, window_bounds = array<i64: 1, 128>}, {pipeline_mode = #tpu.pipeline_mode<synchronous>, transform_indices = @transform_14, window_bounds = array<i64: 32, 4>}, {transform_indices = @transform_15, window_bounds = array<i64: 2, 2000, 128>}]} {
    %get3A = arith.constant 0 : index
    %get3A_0 = arith.constant 0 : index
    %get3A_1 = vector.load %arg3[%get3A, %get3A_0] : memref<2000x64xf32, #tpu.memory_space<vmem>>, vector<2000x64xf32>
    %get3A_2 = arith.constant 0 : index
    %get3A_3 = arith.constant 0 : index
    %get3A_4 = vector.load %arg5[%get3A_2, %get3A_3] : memref<64x64xf32, #tpu.memory_space<vmem>>, vector<64x64xf32>
    %dot_general3A = arith.constant dense<0.000000e+00> : vector<2000x64xf32>
    %dot_general3A_5 = tpu.matmul %get3A_1, %get3A_4, %dot_general3A {dimension_numbers = #tpu.dot_dimension_numbers<[1], [0], [0], [1], [0, 0, 1, 1], [], []>, transpose_lhs_hint = false} : vector<2000x64xf32>, vector<64x64xf32>, vector<2000x64xf32> -> vector<2000x64xf32>
    %get3A_6 = arith.constant 0 : index
    %get3A_7 = arith.constant 0 : index
    %get3A_8 = vector.load %arg6[%get3A_6, %get3A_7] : memref<1x64xf32, #tpu.memory_space<vmem>>, vector<1x64xf32>
    %add3A = vector.broadcast %get3A_8 : vector<1x64xf32> to vector<2000x64xf32>
    %add3A_9 = arith.addf %dot_general3A_5, %add3A : vector<2000x64xf32>
    %neg3A = arith.constant 0.000000e+00 : f32
    %neg3A_10 = vector.broadcast %neg3A : f32 to vector<2000x64xf32>
    %neg3A_11 = arith.subf %neg3A_10, %add3A_9 : vector<2000x64xf32>
    %exp3A = math.exp %neg3A_11 : vector<2000x64xf32>
    %add3A_12 = arith.constant 1.000000e+00 : f32
    %add3A_13 = vector.broadcast %add3A_12 : f32 to vector<2000x64xf32>
    %add3A_14 = arith.addf %add3A_13, %exp3A : vector<2000x64xf32>
    %div3A = arith.constant 1.000000e+00 : f32
    %div3A_15 = vector.broadcast %div3A : f32 to vector<2000x64xf32>
    %div3A_16 = arith.divf %div3A_15, %add3A_14 : vector<2000x64xf32>
    %mul3A = arith.mulf %add3A_9, %div3A_16 : vector<2000x64xf32>
    %get3A_17 = arith.constant 0 : index
    %get3A_18 = arith.constant 0 : index
    %get3A_19 = vector.load %arg7[%get3A_17, %get3A_18] : memref<64x64xf32, #tpu.memory_space<vmem>>, vector<64x64xf32>
    %dot_general3A_20 = arith.constant dense<0.000000e+00> : vector<2000x64xf32>
    %dot_general3A_21 = tpu.matmul %mul3A, %get3A_19, %dot_general3A_20 {dimension_numbers = #tpu.dot_dimension_numbers<[1], [0], [0], [1], [0, 0, 1, 1], [], []>, transpose_lhs_hint = false} : vector<2000x64xf32>, vector<64x64xf32>, vector<2000x64xf32> -> vector<2000x64xf32>
    %get3A_22 = arith.constant 0 : index
    %get3A_23 = arith.constant 0 : index
    %get3A_24 = vector.load %arg8[%get3A_22, %get3A_23] : memref<1x64xf32, #tpu.memory_space<vmem>>, vector<1x64xf32>
    %add3A_25 = vector.broadcast %get3A_24 : vector<1x64xf32> to vector<2000x64xf32>
    %add3A_26 = arith.addf %dot_general3A_21, %add3A_25 : vector<2000x64xf32>
    %neg3A_27 = arith.constant 0.000000e+00 : f32
    %neg3A_28 = vector.broadcast %neg3A_27 : f32 to vector<2000x64xf32>
    %neg3A_29 = arith.subf %neg3A_28, %add3A_26 : vector<2000x64xf32>
    %exp3A_30 = math.exp %neg3A_29 : vector<2000x64xf32>
    %add3A_31 = arith.constant 1.000000e+00 : f32
    %add3A_32 = vector.broadcast %add3A_31 : f32 to vector<2000x64xf32>
    %add3A_33 = arith.addf %add3A_32, %exp3A_30 : vector<2000x64xf32>
    %div3A_34 = arith.constant 1.000000e+00 : f32
    %div3A_35 = vector.broadcast %div3A_34 : f32 to vector<2000x64xf32>
    %div3A_36 = arith.divf %div3A_35, %add3A_33 : vector<2000x64xf32>
    %mul3A_37 = arith.mulf %add3A_26, %div3A_36 : vector<2000x64xf32>
    %get3A_38 = arith.constant 0 : index
    %get3A_39 = arith.constant 0 : index
    %get3A_40 = vector.load %arg1[%get3A_38, %get3A_39] : memref<2000x128xf32, #tpu.memory_space<vmem>>, vector<2000x128xf32>
    %get3A_41 = arith.constant 0 : index
    %get3A_42 = arith.constant 0 : index
    %get3A_43 = vector.load %arg2[%get3A_41, %get3A_42] : memref<2000x128xf32, #tpu.memory_space<vmem>>, vector<2000x128xf32>
    %add3A_44 = arith.addf %get3A_40, %get3A_43 : vector<2000x128xf32>
    %get3A_45 = arith.constant 0 : index
    %get3A_46 = arith.constant 0 : index
    %get3A_47 = vector.load %arg4[%get3A_45, %get3A_46] : memref<2000x4xf32, #tpu.memory_space<vmem>>, vector<2000x4xf32>
    %get3A_48 = arith.constant 0 : index
    %get3A_49 = arith.constant 0 : index
    %get3A_50 = vector.load %arg9[%get3A_48, %get3A_49] : memref<64x512xf32, #tpu.memory_space<vmem>>, vector<64x512xf32>
    %get3A_51 = arith.constant 0 : index
    %get3A_52 = arith.constant 0 : index
    %get3A_53 = vector.load %arg10[%get3A_51, %get3A_52] : memref<1x512xf32, #tpu.memory_space<vmem>>, vector<1x512xf32>
    %get3A_54 = arith.constant 0 : index
    %get3A_55 = arith.constant 0 : index
    %get3A_56 = vector.load %arg11[%get3A_54, %get3A_55] : memref<512x32xf32, #tpu.memory_space<vmem>>, vector<512x32xf32>
    %get3A_57 = arith.constant 0 : index
    %get3A_58 = arith.constant 0 : index
    %get3A_59 = vector.load %arg12[%get3A_57, %get3A_58] : memref<512x128xf32, #tpu.memory_space<vmem>>, vector<512x128xf32>
    %get3A_60 = arith.constant 0 : index
    %get3A_61 = arith.constant 0 : index
    %get3A_62 = vector.load %arg13[%get3A_60, %get3A_61] : memref<1x32xf32, #tpu.memory_space<vmem>>, vector<1x32xf32>
    %broadcast_in_dim3A = vector.shape_cast %get3A_62 : vector<1x32xf32> to vector<1x32xf32>
    %broadcast_in_dim3A_63 = vector.broadcast %broadcast_in_dim3A : vector<1x32xf32> to vector<2000x32xf32>
    %get3A_64 = arith.constant 0 : index
    %get3A_65 = arith.constant 0 : index
    %get3A_66 = vector.load %arg14[%get3A_64, %get3A_65] : memref<1x128xf32, #tpu.memory_space<vmem>>, vector<1x128xf32>
    %broadcast_in_dim3A_67 = vector.shape_cast %get3A_66 : vector<1x128xf32> to vector<1x128xf32>
    %broadcast_in_dim3A_68 = vector.broadcast %broadcast_in_dim3A_67 : vector<1x128xf32> to vector<2000x128xf32>
    %slice3A = vector.extract_strided_slice %get3A_50 {offsets = [0, 0], sizes = [64, 128], strides = [1, 1]} : vector<64x512xf32> to vector<64x128xf32>
    %dot_general3A_69 = arith.constant dense<0.000000e+00> : vector<2000x128xf32>
    %dot_general3A_70 = tpu.matmul %mul3A_37, %slice3A, %dot_general3A_69 {dimension_numbers = #tpu.dot_dimension_numbers<[1], [0], [0], [1], [0, 0, 1, 1], [], []>, transpose_lhs_hint = false} : vector<2000x64xf32>, vector<64x128xf32>, vector<2000x128xf32> -> vector<2000x128xf32>
    %slice3A_71 = vector.extract_strided_slice %get3A_53 {offsets = [0, 0], sizes = [1, 128], strides = [1, 1]} : vector<1x512xf32> to vector<1x128xf32>
    %add3A_72 = vector.broadcast %slice3A_71 : vector<1x128xf32> to vector<2000x128xf32>
    %add3A_73 = arith.addf %dot_general3A_70, %add3A_72 : vector<2000x128xf32>
    %slice3A_74 = vector.extract_strided_slice %get3A_47 {offsets = [0, 0], sizes = [2000, 1], strides = [1, 1]} : vector<2000x4xf32> to vector<2000x1xf32>
    %mul3A_75 = vector.broadcast %slice3A_74 : vector<2000x1xf32> to vector<2000x128xf32>
    %mul3A_76 = arith.mulf %add3A_44, %mul3A_75 : vector<2000x128xf32>
    %mul3A_77 = arith.mulf %mul3A_76, %add3A_73 : vector<2000x128xf32>
    %slice3A_78 = vector.extract_strided_slice %get3A_56 {offsets = [0, 0], sizes = [128, 32], strides = [1, 1]} : vector<512x32xf32> to vector<128x32xf32>
    %dot_general3A_79 = arith.constant dense<0.000000e+00> : vector<2000x32xf32>
    %dot_general3A_80 = tpu.matmul %mul3A_77, %slice3A_78, %dot_general3A_79 {dimension_numbers = #tpu.dot_dimension_numbers<[1], [0], [0], [1], [0, 0, 1, 1], [], []>, transpose_lhs_hint = false} : vector<2000x128xf32>, vector<128x32xf32>, vector<2000x32xf32> -> vector<2000x32xf32>
    %add3A_81 = arith.addf %broadcast_in_dim3A_63, %dot_general3A_80 : vector<2000x32xf32>
    %slice3A_82 = vector.extract_strided_slice %get3A_59 {offsets = [0, 0], sizes = [128, 128], strides = [1, 1]} : vector<512x128xf32> to vector<128x128xf32>
    %dot_general3A_83 = arith.constant dense<0.000000e+00> : vector<2000x128xf32>
    %dot_general3A_84 = tpu.matmul %mul3A_77, %slice3A_82, %dot_general3A_83 {dimension_numbers = #tpu.dot_dimension_numbers<[1], [0], [0], [1], [0, 0, 1, 1], [], []>, transpose_lhs_hint = false} : vector<2000x128xf32>, vector<128x128xf32>, vector<2000x128xf32> -> vector<2000x128xf32>
    %add3A_85 = arith.addf %broadcast_in_dim3A_68, %dot_general3A_84 : vector<2000x128xf32>
    %slice3A_86 = vector.extract_strided_slice %get3A_50 {offsets = [0, 128], sizes = [64, 128], strides = [1, 1]} : vector<64x512xf32> to vector<64x128xf32>
    %dot_general3A_87 = arith.constant dense<0.000000e+00> : vector<2000x128xf32>
    %dot_general3A_88 = tpu.matmul %mul3A_37, %slice3A_86, %dot_general3A_87 {dimension_numbers = #tpu.dot_dimension_numbers<[1], [0], [0], [1], [0, 0, 1, 1], [], []>, transpose_lhs_hint = false} : vector<2000x64xf32>, vector<64x128xf32>, vector<2000x128xf32> -> vector<2000x128xf32>
    %slice3A_89 = vector.extract_strided_slice %get3A_53 {offsets = [0, 128], sizes = [1, 128], strides = [1, 1]} : vector<1x512xf32> to vector<1x128xf32>
    %add3A_90 = vector.broadcast %slice3A_89 : vector<1x128xf32> to vector<2000x128xf32>
    %add3A_91 = arith.addf %dot_general3A_88, %add3A_90 : vector<2000x128xf32>
    %slice3A_92 = vector.extract_strided_slice %get3A_47 {offsets = [0, 1], sizes = [2000, 1], strides = [1, 1]} : vector<2000x4xf32> to vector<2000x1xf32>
    %mul3A_93 = vector.broadcast %slice3A_92 : vector<2000x1xf32> to vector<2000x128xf32>
    %mul3A_94 = arith.mulf %add3A_44, %mul3A_93 : vector<2000x128xf32>
    %mul3A_95 = arith.mulf %mul3A_94, %add3A_91 : vector<2000x128xf32>
    %slice3A_96 = vector.extract_strided_slice %get3A_56 {offsets = [128, 0], sizes = [128, 32], strides = [1, 1]} : vector<512x32xf32> to vector<128x32xf32>
    %dot_general3A_97 = arith.constant dense<0.000000e+00> : vector<2000x32xf32>
    %dot_general3A_98 = tpu.matmul %mul3A_95, %slice3A_96, %dot_general3A_97 {dimension_numbers = #tpu.dot_dimension_numbers<[1], [0], [0], [1], [0, 0, 1, 1], [], []>, transpose_lhs_hint = false} : vector<2000x128xf32>, vector<128x32xf32>, vector<2000x32xf32> -> vector<2000x32xf32>
    %add3A_99 = arith.addf %add3A_81, %dot_general3A_98 : vector<2000x32xf32>
    %slice3A_100 = vector.extract_strided_slice %get3A_59 {offsets = [128, 0], sizes = [128, 128], strides = [1, 1]} : vector<512x128xf32> to vector<128x128xf32>
    %dot_general3A_101 = arith.constant dense<0.000000e+00> : vector<2000x128xf32>
    %dot_general3A_102 = tpu.matmul %mul3A_95, %slice3A_100, %dot_general3A_101 {dimension_numbers = #tpu.dot_dimension_numbers<[1], [0], [0], [1], [0, 0, 1, 1], [], []>, transpose_lhs_hint = false} : vector<2000x128xf32>, vector<128x128xf32>, vector<2000x128xf32> -> vector<2000x128xf32>
    %add3A_103 = arith.addf %add3A_85, %dot_general3A_102 : vector<2000x128xf32>
    %slice3A_104 = vector.extract_strided_slice %get3A_50 {offsets = [0, 256], sizes = [64, 128], strides = [1, 1]} : vector<64x512xf32> to vector<64x128xf32>
    %dot_general3A_105 = arith.constant dense<0.000000e+00> : vector<2000x128xf32>
    %dot_general3A_106 = tpu.matmul %mul3A_37, %slice3A_104, %dot_general3A_105 {dimension_numbers = #tpu.dot_dimension_numbers<[1], [0], [0], [1], [0, 0, 1, 1], [], []>, transpose_lhs_hint = false} : vector<2000x64xf32>, vector<64x128xf32>, vector<2000x128xf32> -> vector<2000x128xf32>
    %slice3A_107 = vector.extract_strided_slice %get3A_53 {offsets = [0, 256], sizes = [1, 128], strides = [1, 1]} : vector<1x512xf32> to vector<1x128xf32>
    %add3A_108 = vector.broadcast %slice3A_107 : vector<1x128xf32> to vector<2000x128xf32>
    %add3A_109 = arith.addf %dot_general3A_106, %add3A_108 : vector<2000x128xf32>
    %slice3A_110 = vector.extract_strided_slice %get3A_47 {offsets = [0, 2], sizes = [2000, 1], strides = [1, 1]} : vector<2000x4xf32> to vector<2000x1xf32>
    %mul3A_111 = vector.broadcast %slice3A_110 : vector<2000x1xf32> to vector<2000x128xf32>
    %mul3A_112 = arith.mulf %add3A_44, %mul3A_111 : vector<2000x128xf32>
    %mul3A_113 = arith.mulf %mul3A_112, %add3A_109 : vector<2000x128xf32>
    %slice3A_114 = vector.extract_strided_slice %get3A_56 {offsets = [256, 0], sizes = [128, 32], strides = [1, 1]} : vector<512x32xf32> to vector<128x32xf32>
    %dot_general3A_115 = arith.constant dense<0.000000e+00> : vector<2000x32xf32>
    %dot_general3A_116 = tpu.matmul %mul3A_113, %slice3A_114, %dot_general3A_115 {dimension_numbers = #tpu.dot_dimension_numbers<[1], [0], [0], [1], [0, 0, 1, 1], [], []>, transpose_lhs_hint = false} : vector<2000x128xf32>, vector<128x32xf32>, vector<2000x32xf32> -> vector<2000x32xf32>
    %add3A_117 = arith.addf %add3A_99, %dot_general3A_116 : vector<2000x32xf32>
    %slice3A_118 = vector.extract_strided_slice %get3A_59 {offsets = [256, 0], sizes = [128, 128], strides = [1, 1]} : vector<512x128xf32> to vector<128x128xf32>
    %dot_general3A_119 = arith.constant dense<0.000000e+00> : vector<2000x128xf32>
    %dot_general3A_120 = tpu.matmul %mul3A_113, %slice3A_118, %dot_general3A_119 {dimension_numbers = #tpu.dot_dimension_numbers<[1], [0], [0], [1], [0, 0, 1, 1], [], []>, transpose_lhs_hint = false} : vector<2000x128xf32>, vector<128x128xf32>, vector<2000x128xf32> -> vector<2000x128xf32>
    %add3A_121 = arith.addf %add3A_103, %dot_general3A_120 : vector<2000x128xf32>
    %slice3A_122 = vector.extract_strided_slice %get3A_50 {offsets = [0, 384], sizes = [64, 128], strides = [1, 1]} : vector<64x512xf32> to vector<64x128xf32>
    %dot_general3A_123 = arith.constant dense<0.000000e+00> : vector<2000x128xf32>
    %dot_general3A_124 = tpu.matmul %mul3A_37, %slice3A_122, %dot_general3A_123 {dimension_numbers = #tpu.dot_dimension_numbers<[1], [0], [0], [1], [0, 0, 1, 1], [], []>, transpose_lhs_hint = false} : vector<2000x64xf32>, vector<64x128xf32>, vector<2000x128xf32> -> vector<2000x128xf32>
    %slice3A_125 = vector.extract_strided_slice %get3A_53 {offsets = [0, 384], sizes = [1, 128], strides = [1, 1]} : vector<1x512xf32> to vector<1x128xf32>
    %add3A_126 = vector.broadcast %slice3A_125 : vector<1x128xf32> to vector<2000x128xf32>
    %add3A_127 = arith.addf %dot_general3A_124, %add3A_126 : vector<2000x128xf32>
    %slice3A_128 = vector.extract_strided_slice %get3A_47 {offsets = [0, 3], sizes = [2000, 1], strides = [1, 1]} : vector<2000x4xf32> to vector<2000x1xf32>
    %mul3A_129 = vector.broadcast %slice3A_128 : vector<2000x1xf32> to vector<2000x128xf32>
    %mul3A_130 = arith.mulf %add3A_44, %mul3A_129 : vector<2000x128xf32>
    %mul3A_131 = arith.mulf %mul3A_130, %add3A_127 : vector<2000x128xf32>
    %slice3A_132 = vector.extract_strided_slice %get3A_56 {offsets = [384, 0], sizes = [128, 32], strides = [1, 1]} : vector<512x32xf32> to vector<128x32xf32>
    %dot_general3A_133 = arith.constant dense<0.000000e+00> : vector<2000x32xf32>
    %dot_general3A_134 = tpu.matmul %mul3A_131, %slice3A_132, %dot_general3A_133 {dimension_numbers = #tpu.dot_dimension_numbers<[1], [0], [0], [1], [0, 0, 1, 1], [], []>, transpose_lhs_hint = false} : vector<2000x128xf32>, vector<128x32xf32>, vector<2000x32xf32> -> vector<2000x32xf32>
    %add3A_135 = arith.addf %add3A_117, %dot_general3A_134 : vector<2000x32xf32>
    %slice3A_136 = vector.extract_strided_slice %get3A_59 {offsets = [384, 0], sizes = [128, 128], strides = [1, 1]} : vector<512x128xf32> to vector<128x128xf32>
    %dot_general3A_137 = arith.constant dense<0.000000e+00> : vector<2000x128xf32>
    %dot_general3A_138 = tpu.matmul %mul3A_131, %slice3A_136, %dot_general3A_137 {dimension_numbers = #tpu.dot_dimension_numbers<[1], [0], [0], [1], [0, 0, 1, 1], [], []>, transpose_lhs_hint = false} : vector<2000x128xf32>, vector<128x128xf32>, vector<2000x128xf32> -> vector<2000x128xf32>
    %add3A_139 = arith.addf %add3A_121, %dot_general3A_138 : vector<2000x128xf32>
    %mul3A_140 = arith.constant 6.000000e-01 : f32
    %mul3A_141 = vector.broadcast %mul3A_140 : f32 to vector<2000x32xf32>
    %mul3A_142 = arith.mulf %mul3A_141, %add3A_135 : vector<2000x32xf32>
    %mul3A_143 = arith.constant 4.000000e-01 : f32
    %mul3A_144 = vector.broadcast %mul3A_143 : f32 to vector<2000x32xf32>
    %mul3A_145 = arith.mulf %mul3A_144, %add3A_135 : vector<2000x32xf32>
    %logistic3A = arith.negf %add3A_135 : vector<2000x32xf32>
    %logistic3A_146 = math.exp %logistic3A : vector<2000x32xf32>
    %logistic3A_147 = arith.constant 1.000000e+00 : f32
    %logistic3A_148 = vector.broadcast %logistic3A_147 : f32 to vector<2000x32xf32>
    %logistic3A_149 = arith.addf %logistic3A_148, %logistic3A_146 : vector<2000x32xf32>
    %logistic3A_150 = arith.divf %logistic3A_148, %logistic3A_149 : vector<2000x32xf32>
    %mul3A_151 = arith.constant 2.000000e+00 : f32
    %mul3A_152 = vector.broadcast %mul3A_151 : f32 to vector<2000x32xf32>
    %mul3A_153 = arith.mulf %mul3A_152, %logistic3A_150 : vector<2000x32xf32>
    %sub3A = arith.constant 1.000000e+00 : f32
    %sub3A_154 = vector.broadcast %sub3A : f32 to vector<2000x32xf32>
    %sub3A_155 = arith.subf %mul3A_153, %sub3A_154 : vector<2000x32xf32>
    %mul3A_156 = arith.mulf %mul3A_145, %sub3A_155 : vector<2000x32xf32>
    %add3A_157 = arith.addf %mul3A_142, %mul3A_156 : vector<2000x32xf32>
    %get3A_158 = arith.constant 0 : index
    %get3A_159 = arith.constant 0 : index
    %get3A_160 = vector.load %arg15[%get3A_158, %get3A_159] : memref<32x4xf32, #tpu.memory_space<vmem>>, vector<32x4xf32>
    %dot_general3A_161 = arith.constant dense<0.000000e+00> : vector<2000x4xf32>
    %dot_general3A_162 = tpu.matmul %add3A_157, %get3A_160, %dot_general3A_161 {dimension_numbers = #tpu.dot_dimension_numbers<[1], [0], [0], [1], [0, 0, 1, 1], [], []>, transpose_lhs_hint = false} : vector<2000x32xf32>, vector<32x4xf32>, vector<2000x4xf32> -> vector<2000x4xf32>
    %exp3A_163 = math.exp %dot_general3A_162 : vector<2000x4xf32>
    %neg3A_164 = arith.constant 0.000000e+00 : f32
    %neg3A_165 = vector.broadcast %neg3A_164 : f32 to vector<2000x128xf32>
    %neg3A_166 = arith.subf %neg3A_165, %add3A_139 : vector<2000x128xf32>
    %exp3A_167 = math.exp %neg3A_166 : vector<2000x128xf32>
    %add3A_168 = arith.constant 1.000000e+00 : f32
    %add3A_169 = vector.broadcast %add3A_168 : f32 to vector<2000x128xf32>
    %add3A_170 = arith.addf %add3A_169, %exp3A_167 : vector<2000x128xf32>
    %div3A_171 = arith.constant 1.000000e+00 : f32
    %div3A_172 = vector.broadcast %div3A_171 : f32 to vector<2000x128xf32>
    %div3A_173 = arith.divf %div3A_172, %add3A_170 : vector<2000x128xf32>
    %mul3A_174 = arith.mulf %add3A_139, %div3A_173 : vector<2000x128xf32>
    %iota3A = tpu.iota {dimensions = array<i32: 0>} : vector<4x128xi32>
    %iota3A_175 = tpu.iota {dimensions = array<i32: 1>} : vector<4x128xi32>
    %jit3A = arith.constant 32 : i32
    %div3A_176 = vector.broadcast %jit3A : i32 to vector<4x128xi32>
    %div3A_177 = arith.divsi %iota3A_175, %div3A_176 : vector<4x128xi32>
    %sign3A = arith.constant 0 : i32
    %sign3A_178 = vector.broadcast %sign3A : i32 to vector<4x128xi32>
    %sign3A_179 = arith.cmpi sgt, %iota3A_175, %sign3A_178 : vector<4x128xi32>
    %sign3A_180 = arith.extui %sign3A_179 : vector<4x128xi1> to vector<4x128xi32>
    %sign3A_181 = arith.constant 0 : i32
    %sign3A_182 = vector.broadcast %sign3A_181 : i32 to vector<4x128xi32>
    %sign3A_183 = arith.cmpi slt, %iota3A_175, %sign3A_182 : vector<4x128xi32>
    %sign3A_184 = arith.extui %sign3A_183 : vector<4x128xi1> to vector<4x128xi32>
    %sign3A_185 = arith.subi %sign3A_180, %sign3A_184 : vector<4x128xi32>
    %sign3A_186 = arith.constant 0 : i32
    %sign3A_187 = arith.cmpi sgt, %jit3A, %sign3A_186 : i32
    %sign3A_188 = arith.extui %sign3A_187 : i1 to i32
    %sign3A_189 = arith.constant 0 : i32
    %sign3A_190 = arith.cmpi slt, %jit3A, %sign3A_189 : i32
    %sign3A_191 = arith.extui %sign3A_190 : i1 to i32
    %sign3A_192 = arith.subi %sign3A_188, %sign3A_191 : i32
    %ne3A = vector.broadcast %sign3A_192 : i32 to vector<4x128xi32>
    %ne3A_193 = arith.cmpi ne, %sign3A_185, %ne3A : vector<4x128xi32>
    %rem3A = vector.broadcast %jit3A : i32 to vector<4x128xi32>
    %rem3A_194 = arith.remsi %iota3A_175, %rem3A : vector<4x128xi32>
    %ne3A_195 = arith.constant 0 : i32
    %ne3A_196 = vector.broadcast %ne3A_195 : i32 to vector<4x128xi32>
    %ne3A_197 = arith.cmpi ne, %rem3A_194, %ne3A_196 : vector<4x128xi32>
    %and3A = arith.andi %ne3A_193, %ne3A_197 : vector<4x128xi1>
    %sub3A_198 = arith.constant 1 : i32
    %sub3A_199 = vector.broadcast %sub3A_198 : i32 to vector<4x128xi32>
    %sub3A_200 = arith.subi %div3A_177, %sub3A_199 : vector<4x128xi32>
    %select_n3A = arith.select %and3A, %sub3A_200, %div3A_177 : vector<4x128xi1>, vector<4x128xi32>
    %eq3A = arith.cmpi eq, %iota3A, %select_n3A : vector<4x128xi32>
    %convert_element_type3A = arith.extui %eq3A : vector<4x128xi1> to vector<4x128xi32>
    %convert_element_type3A_201 = arith.sitofp %convert_element_type3A : vector<4x128xi32> to vector<4x128xf32>
    %dot_general3A_202 = arith.constant dense<0.000000e+00> : vector<2000x128xf32>
    %dot_general3A_203 = tpu.matmul %exp3A_163, %convert_element_type3A_201, %dot_general3A_202 {dimension_numbers = #tpu.dot_dimension_numbers<[1], [0], [0], [1], [0, 0, 1, 1], [], []>, transpose_lhs_hint = false} : vector<2000x4xf32>, vector<4x128xf32>, vector<2000x128xf32> -> vector<2000x128xf32>
    %mul3A_204 = arith.mulf %mul3A_174, %dot_general3A_203 : vector<2000x128xf32>
    %swap3A = arith.constant 0 : index
    %swap3A_205 = arith.constant 0 : index
    %swap3A_206 = arith.constant 0 : index
    %swap3A_207 = vector.load %arg16[%swap3A, %swap3A_205, %swap3A_206] : memref<2x2000x128xf32, #tpu.memory_space<vmem>>, vector<1x2000x128xf32>
    %swap3A_208 = vector.shape_cast %swap3A_207 : vector<1x2000x128xf32> to vector<2000x128xf32>
    %swap3A_209 = vector.shape_cast %mul3A_204 : vector<2000x128xf32> to vector<1x2000x128xf32>
    tpu.vector_store %arg16[%swap3A, %swap3A_205, %swap3A_206], %swap3A_209 {strides = array<i32>} : memref<2x2000x128xf32, #tpu.memory_space<vmem>>, vector<1x2000x128xf32>,
    %swap3A_210 = arith.constant 1 : index
    %swap3A_211 = arith.constant 0 : index
    %swap3A_212 = arith.constant 0 : index
    %swap3A_213 = vector.load %arg16[%swap3A_210, %swap3A_211, %swap3A_212] : memref<2x2000x128xf32, #tpu.memory_space<vmem>>, vector<1x2000x128xf32>
    %swap3A_214 = vector.shape_cast %swap3A_213 : vector<1x2000x128xf32> to vector<2000x128xf32>
    %swap3A_215 = vector.shape_cast %dot_general3A_203 : vector<2000x128xf32> to vector<1x2000x128xf32>
    tpu.vector_store %arg16[%swap3A_210, %swap3A_211, %swap3A_212], %swap3A_215 {strides = array<i32>} : memref<2x2000x128xf32, #tpu.memory_space<vmem>>, vector<1x2000x128xf32>,
    return
  }
  func.func @transform_0(%arg0: i32) -> (i32, i32) {
    %c0_i32 = arith.constant 0 : i32
    %c0_i32_0 = arith.constant 0 : i32
    return %arg0, %c0_i32 : i32, i32
  }
  func.func @transform_1(%arg0: i32) -> (i32, i32) {
    %c0_i32 = arith.constant 0 : i32
    %c0_i32_0 = arith.constant 0 : i32
    return %arg0, %c0_i32 : i32, i32
  }
  func.func @transform_2(%arg0: i32) -> (i32, i32) {
    %c0_i32 = arith.constant 0 : i32
    %c0_i32_0 = arith.constant 0 : i32
    return %arg0, %c0_i32 : i32, i32
  }
  func.func @transform_3(%arg0: i32) -> (i32, i32) {
    %c0_i32 = arith.constant 0 : i32
    %c0_i32_0 = arith.constant 0 : i32
    return %arg0, %c0_i32 : i32, i32
  }
  func.func @transform_4(%arg0: i32) -> (i32, i32) {
    %c0_i32 = arith.constant 0 : i32
    %c0_i32_0 = arith.constant 0 : i32
    %c0_i32_1 = arith.constant 0 : i32
    return %c0_i32, %c0_i32_0 : i32, i32
  }
  func.func @transform_5(%arg0: i32) -> (i32, i32) {
    %c0_i32 = arith.constant 0 : i32
    %c0_i32_0 = arith.constant 0 : i32
    %c0_i32_1 = arith.constant 0 : i32
    return %c0_i32, %c0_i32_0 : i32, i32
  }
  func.func @transform_6(%arg0: i32) -> (i32, i32) {
    %c0_i32 = arith.constant 0 : i32
    %c0_i32_0 = arith.constant 0 : i32
    %c0_i32_1 = arith.constant 0 : i32
    return %c0_i32, %c0_i32_0 : i32, i32
  }
  func.func @transform_7(%arg0: i32) -> (i32, i32) {
    %c0_i32 = arith.constant 0 : i32
    %c0_i32_0 = arith.constant 0 : i32
    %c0_i32_1 = arith.constant 0 : i32
    return %c0_i32, %c0_i32_0 : i32, i32
  }
  func.func @transform_8(%arg0: i32) -> (i32, i32) {
    %c0_i32 = arith.constant 0 : i32
    %c0_i32_0 = arith.constant 0 : i32
    %c0_i32_1 = arith.constant 0 : i32
    return %c0_i32, %c0_i32_0 : i32, i32
  }
  func.func @transform_9(%arg0: i32) -> (i32, i32) {
    %c0_i32 = arith.constant 0 : i32
    %c0_i32_0 = arith.constant 0 : i32
    %c0_i32_1 = arith.constant 0 : i32
    return %c0_i32, %c0_i32_0 : i32, i32
  }
  func.func @transform_10(%arg0: i32) -> (i32, i32) {
    %c0_i32 = arith.constant 0 : i32
    %c0_i32_0 = arith.constant 0 : i32
    %c0_i32_1 = arith.constant 0 : i32
    return %c0_i32, %c0_i32_0 : i32, i32
  }
  func.func @transform_11(%arg0: i32) -> (i32, i32) {
    %c0_i32 = arith.constant 0 : i32
    %c0_i32_0 = arith.constant 0 : i32
    %c0_i32_1 = arith.constant 0 : i32
    return %c0_i32, %c0_i32_0 : i32, i32
  }
  func.func @transform_12(%arg0: i32) -> (i32, i32) {
    %c0_i32 = arith.constant 0 : i32
    %c0_i32_0 = arith.constant 0 : i32
    %c0_i32_1 = arith.constant 0 : i32
    return %c0_i32, %c0_i32_0 : i32, i32
  }
  func.func @transform_13(%arg0: i32) -> (i32, i32) {
    %c0_i32 = arith.constant 0 : i32
    %c0_i32_0 = arith.constant 0 : i32
    %c0_i32_1 = arith.constant 0 : i32
    return %c0_i32, %c0_i32_0 : i32, i32
  }
  func.func @transform_14(%arg0: i32) -> (i32, i32) {
    %c0_i32 = arith.constant 0 : i32
    %c0_i32_0 = arith.constant 0 : i32
    %c0_i32_1 = arith.constant 0 : i32
    return %c0_i32, %c0_i32_0 : i32, i32
  }
  func.func @transform_15(%arg0: i32) -> (i32, i32, i32) {
    %c0_i32 = arith.constant 0 : i32
    %c0_i32_0 = arith.constant 0 : i32
    %c0_i32_1 = arith.constant 0 : i32
    return %c0_i32, %arg0, %c0_i32_0 : i32, i32, i32
  }
}

module attributes {stable_mosaic.version = 14 : i64} {
  func.func @_proj_kernel(%arg0: i32, %arg1: memref<1x1000x128xf32, #tpu.memory_space<vmem>>, %arg2: memref<1x1000x128xf32, #tpu.memory_space<vmem>>, %arg3: memref<1x1000x128xf32, #tpu.memory_space<vmem>>, %arg4: memref<1x1000x128xf32, #tpu.memory_space<vmem>>, %arg5: memref<1x1000x128xf32, #tpu.memory_space<vmem>>, %arg6: memref<1x1000x128xf32, #tpu.memory_space<vmem>>, %arg7: memref<128x128xf32, #tpu.memory_space<vmem>>, %arg8: memref<1x128xf32, #tpu.memory_space<vmem>>, %arg9: memref<1000x128xf32, #tpu.memory_space<vmem>>) attributes {dimension_semantics = [#tpu.dimension_semantics<arbitrary>], iteration_bounds = array<i64: 10>, scalar_prefetch = 0 : i64, scratch_operands = 0 : i64, tpu.core_type = #tpu.core_type<tc>, window_params = [{transform_indices = @transform_0, window_bounds = array<i64: 1, 1000, 128>}, {transform_indices = @transform_1, window_bounds = array<i64: 1, 1000, 128>}, {transform_indices = @transform_2, window_bounds = array<i64: 1, 1000, 128>}, {transform_indices = @transform_3, window_bounds = array<i64: 1, 1000, 128>}, {transform_indices = @transform_4, window_bounds = array<i64: 1, 1000, 128>}, {transform_indices = @transform_5, window_bounds = array<i64: 1, 1000, 128>}, {pipeline_mode = #tpu.pipeline_mode<synchronous>, transform_indices = @transform_6, window_bounds = array<i64: 128, 128>}, {pipeline_mode = #tpu.pipeline_mode<synchronous>, transform_indices = @transform_7, window_bounds = array<i64: 1, 128>}, {transform_indices = @transform_8, window_bounds = array<i64: 1000, 128>}]} {
    %get3A = arith.constant 0 : index
    %get3A_0 = arith.constant 0 : index
    %get3A_1 = arith.constant 0 : index
    %get3A_2 = vector.load %arg1[%get3A, %get3A_0, %get3A_1] : memref<1x1000x128xf32, #tpu.memory_space<vmem>>, vector<1x1000x128xf32>
    %get3A_3 = vector.shape_cast %get3A_2 : vector<1x1000x128xf32> to vector<1000x128xf32>
    %get3A_4 = arith.constant 0 : index
    %get3A_5 = arith.constant 0 : index
    %get3A_6 = arith.constant 0 : index
    %get3A_7 = vector.load %arg3[%get3A_4, %get3A_5, %get3A_6] : memref<1x1000x128xf32, #tpu.memory_space<vmem>>, vector<1x1000x128xf32>
    %get3A_8 = vector.shape_cast %get3A_7 : vector<1x1000x128xf32> to vector<1000x128xf32>
    %add3A = arith.addf %get3A_3, %get3A_8 : vector<1000x128xf32>
    %get3A_9 = arith.constant 0 : index
    %get3A_10 = arith.constant 0 : index
    %get3A_11 = arith.constant 0 : index
    %get3A_12 = vector.load %arg5[%get3A_9, %get3A_10, %get3A_11] : memref<1x1000x128xf32, #tpu.memory_space<vmem>>, vector<1x1000x128xf32>
    %get3A_13 = vector.shape_cast %get3A_12 : vector<1x1000x128xf32> to vector<1000x128xf32>
    %add3A_14 = arith.addf %add3A, %get3A_13 : vector<1000x128xf32>
    %get3A_15 = arith.constant 0 : index
    %get3A_16 = arith.constant 0 : index
    %get3A_17 = arith.constant 0 : index
    %get3A_18 = vector.load %arg2[%get3A_15, %get3A_16, %get3A_17] : memref<1x1000x128xf32, #tpu.memory_space<vmem>>, vector<1x1000x128xf32>
    %get3A_19 = vector.shape_cast %get3A_18 : vector<1x1000x128xf32> to vector<1000x128xf32>
    %get3A_20 = arith.constant 0 : index
    %get3A_21 = arith.constant 0 : index
    %get3A_22 = arith.constant 0 : index
    %get3A_23 = vector.load %arg4[%get3A_20, %get3A_21, %get3A_22] : memref<1x1000x128xf32, #tpu.memory_space<vmem>>, vector<1x1000x128xf32>
    %get3A_24 = vector.shape_cast %get3A_23 : vector<1x1000x128xf32> to vector<1000x128xf32>
    %add3A_25 = arith.addf %get3A_19, %get3A_24 : vector<1000x128xf32>
    %get3A_26 = arith.constant 0 : index
    %get3A_27 = arith.constant 0 : index
    %get3A_28 = arith.constant 0 : index
    %get3A_29 = vector.load %arg6[%get3A_26, %get3A_27, %get3A_28] : memref<1x1000x128xf32, #tpu.memory_space<vmem>>, vector<1x1000x128xf32>
    %get3A_30 = vector.shape_cast %get3A_29 : vector<1x1000x128xf32> to vector<1000x128xf32>
    %add3A_31 = arith.addf %add3A_25, %get3A_30 : vector<1000x128xf32>
    %add3A_32 = arith.constant 9.99999971E-10 : f32
    %add3A_33 = vector.broadcast %add3A_32 : f32 to vector<1000x128xf32>
    %add3A_34 = arith.addf %add3A_31, %add3A_33 : vector<1000x128xf32>
    %div3A = arith.divf %add3A_14, %add3A_34 : vector<1000x128xf32>
    %get3A_35 = arith.constant 0 : index
    %get3A_36 = arith.constant 0 : index
    %get3A_37 = vector.load %arg7[%get3A_35, %get3A_36] : memref<128x128xf32, #tpu.memory_space<vmem>>, vector<128x128xf32>
    %dot_general3A = arith.constant dense<0.000000e+00> : vector<1000x128xf32>
    %dot_general3A_38 = tpu.matmul %div3A, %get3A_37, %dot_general3A {dimension_numbers = #tpu.dot_dimension_numbers<[1], [0], [0], [1], [0, 0, 1, 1], [], []>, transpose_lhs_hint = false} : vector<1000x128xf32>, vector<128x128xf32>, vector<1000x128xf32> -> vector<1000x128xf32>
    %get3A_39 = arith.constant 0 : index
    %get3A_40 = arith.constant 0 : index
    %get3A_41 = vector.load %arg8[%get3A_39, %get3A_40] : memref<1x128xf32, #tpu.memory_space<vmem>>, vector<1x128xf32>
    %add3A_42 = vector.broadcast %get3A_41 : vector<1x128xf32> to vector<1000x128xf32>
    %add3A_43 = arith.addf %dot_general3A_38, %add3A_42 : vector<1000x128xf32>
    %swap3A = arith.constant 0 : index
    %swap3A_44 = arith.constant 0 : index
    %swap3A_45 = vector.load %arg9[%swap3A, %swap3A_44] : memref<1000x128xf32, #tpu.memory_space<vmem>>, vector<1000x128xf32>
    tpu.vector_store %arg9[%swap3A, %swap3A_44], %add3A_43 {strides = array<i32>} : memref<1000x128xf32, #tpu.memory_space<vmem>>, vector<1000x128xf32>,
    return
  }
  func.func @transform_0(%arg0: i32) -> (i32, i32, i32) {
    %c0_i32 = arith.constant 0 : i32
    %c0_i32_0 = arith.constant 0 : i32
    %c0_i32_1 = arith.constant 0 : i32
    return %c0_i32, %arg0, %c0_i32_0 : i32, i32, i32
  }
  func.func @transform_1(%arg0: i32) -> (i32, i32, i32) {
    %c1_i32 = arith.constant 1 : i32
    %c0_i32 = arith.constant 0 : i32
    %c0_i32_0 = arith.constant 0 : i32
    return %c1_i32, %arg0, %c0_i32 : i32, i32, i32
  }
  func.func @transform_2(%arg0: i32) -> (i32, i32, i32) {
    %c0_i32 = arith.constant 0 : i32
    %c0_i32_0 = arith.constant 0 : i32
    %c0_i32_1 = arith.constant 0 : i32
    return %c0_i32, %arg0, %c0_i32_0 : i32, i32, i32
  }
  func.func @transform_3(%arg0: i32) -> (i32, i32, i32) {
    %c1_i32 = arith.constant 1 : i32
    %c0_i32 = arith.constant 0 : i32
    %c0_i32_0 = arith.constant 0 : i32
    return %c1_i32, %arg0, %c0_i32 : i32, i32, i32
  }
  func.func @transform_4(%arg0: i32) -> (i32, i32, i32) {
    %c0_i32 = arith.constant 0 : i32
    %c0_i32_0 = arith.constant 0 : i32
    %c0_i32_1 = arith.constant 0 : i32
    return %c0_i32, %arg0, %c0_i32_0 : i32, i32, i32
  }
  func.func @transform_5(%arg0: i32) -> (i32, i32, i32) {
    %c1_i32 = arith.constant 1 : i32
    %c0_i32 = arith.constant 0 : i32
    %c0_i32_0 = arith.constant 0 : i32
    return %c1_i32, %arg0, %c0_i32 : i32, i32, i32
  }
  func.func @transform_6(%arg0: i32) -> (i32, i32) {
    %c0_i32 = arith.constant 0 : i32
    %c0_i32_0 = arith.constant 0 : i32
    %c0_i32_1 = arith.constant 0 : i32
    return %c0_i32, %c0_i32_0 : i32, i32
  }
  func.func @transform_7(%arg0: i32) -> (i32, i32) {
    %c0_i32 = arith.constant 0 : i32
    %c0_i32_0 = arith.constant 0 : i32
    %c0_i32_1 = arith.constant 0 : i32
    return %c0_i32, %c0_i32_0 : i32, i32
  }
  func.func @transform_8(%arg0: i32) -> (i32, i32) {
    %c0_i32 = arith.constant 0 : i32
    %c0_i32_0 = arith.constant 0 : i32
    return %arg0, %c0_i32 : i32, i32
  }
}

</mosaic_0001>

<sc_bundles>
// kernel: kernel.16.cloned.1.call-start
scs
__scs_entry_jumppad:
0x0: {  	(pc) =	sbr.rel $0x88, $3  }
0x1: {  	(tag) =	ssettag $0x0;
	lr =	simm.s32 $0x1  }
0x2: {  	[smem:$0x3F8C] =	sst lr;
	_ =	strace $0xD0000000  }
0x3: {  	_ = 	snop  }
0x4: {  	_ = 	snop  }
0x5: {  	_ = 	snop  }
0x6: {  	_ = 	snop  }
0x7: {  	_ = 	snop  }
__scs_overlays_trampoline_lowered:
0x8: {  	[smem:$0x3F9B] =	sst s0  }
0x9: {  	[smem:$0x3F9C] =	sst s1  }
0xa: {  	[smem:$0x3F9D] =	sst s2  }
0xb: {  	[smem:$0x3F9E] =	sst s3  }
0xc: {  	[smem:$0x3F9F] =	sst s4  }
0xd: {  	[smem:$0x3FA0] =	sst s5  }
0xe: {  	[smem:$0x3FA1] =	sst s6  }
0xf: {  	[smem:$0x3FA2] =	sst s7  }
0x10: {  	[smem:$0x3FA3] =	sst s8  }
0x11: {  	[smem:$0x3FA4] =	sst s9;
	s0 =	simm.s32 @!p0 $0x0  }
0x12: {  	s1 =	sld [smem:$0x3F8A];
	s0 =	simm.s32 @p0 $0x1  }
0x13: {  	[smem:$0x3FA5] =	sst s0;
	s0 =	simm.s32 @!p1 $0x0  }
0x14: {  	s2 =	sld [smem:$0x3F89];
	s0 =	simm.s32 @p1 $0x1  }
0x15: {  	[smem:$0x3FA6] =	sst s0;
	s0 =	simm.s32 @!p2 $0x0  }
0x16: {  	s3 =	sld [smem:$0x3FDB];
	s0 =	simm.s32 @p2 $0x1  }
0x17: {  	s4 =	simm.s32 $0x1BF5;
	[smem:$0x3FA8] =	sst s0  }
0x18: {  	s0 =	sld [smem:$0x3F8B];
	_ =	swait.ge [sflag:s4], $0x0  }
0x19: {  	s7 =	sld [smem:$0x3F8C]  }
0x1a: {  	s8 =	sadd.s32 $0xFFFFE003, lr  }
0x1b: {  	s9 =	sadd.s32 $0xFFFFFEF7, lr;
	s5 =	simm.s32 $0xFFFFFFFF;
	p2 =	slt.u32 s8, $0xFFFFF086  }
0x1c: {  	p1 =	slt.u32 s9, $0xF7A;
	s5 =	simm.s32 @!p2 $0x0  }
0x1d: {  	s5 =	simm.s32 @p1 $0x1;
	p0 =	seq.s32 s7, s2  }
0x1e: {  	s7 =	smul.u32 @!p0 $0xF7A, s2;
	p2 =	seq.s32 @!p0 s5, $0x0  }
0x1f: {  	s9 =	smul.u32 $0xF7A, s1;
	s8 =	simm.s32 @!p0 $0x1BF5;
	p2 =	por !p2, p0  }
0x20: {  	[sflag:s8] =	ssyncset.s32 @!p0 $0xFFFFF086;
	s6 =	sadd.s32 @!p0 s3, s7;
	s7 =	simm.s32 @!p0 $0x108  }
0x21: {  	s3 =	sadd.s32 s3, s9;
	s6 =	sadd.s32 @!p0 $0x88, s6;
	s7 =	simm.s32 @p2 $0x1082  }
0x22: {  	[simem:s7], [sflag:s8] =	dma.local @!p0 [hbm:s6], $0xF7A  }
0x23: {  	s9 =	sor.u32 $0xD0000000, s2;
	s6 =	simm.s32 $0x108;
	_ =	swait.ge @!p0 [sflag:s8], $0x0  }
0x24: {  	s3 =	sadd.s32 $0x88, s3;
	s6 =	simm.s32 @!p1 $0x1082;
	[sflag:s4] =	ssyncset.s32 $0xFFFFF086  }
0x25: {  	[simem:s6], [sflag:s4] =	dma.local [hbm:s3], $0xF7A  }
0x26: {  	[smem:$0x3F8C] =	sst s1;
	(tag) =	ssettag s2;
	_ =	strace s9  }
0x27: {  	s1 =	sld [smem:$0x3F9C]  }
0x28: {  	s2 =	sld [smem:$0x3F9D]  }
0x29: {  	s4 =	sld [smem:$0x3F9F]  }
0x2a: {  	p0 =	seq.s32 s5, $0x0;
	s5 =	sld [smem:$0x3FA0]  }
0x2b: {  	s6 =	sld [smem:$0x3FA1]  }
0x2c: {  	s7 =	sld [smem:$0x3FA2]  }
0x2d: {  	s3 =	simm.s32 $0x108;
	s8 =	sld [smem:$0x3FA3]  }
0x2e: {  	s3 =	simm.s32 @!p0 $0x1082;
	s9 =	sld [smem:$0x3FA4]  }
0x2f: {  	lr =	sadd.s32 s0, s3;
	s0 =	sld [smem:$0x3F9B]  }
0x30: {  	s3 =	sld [smem:$0x3F9E]  }
0x31: {  	[smem:$0x3FA7] =	sst s10  }
0x32: {  	s10 =	sld [smem:$0x3FA5];
	_ =	sdelay $0x3  }
0x33: {  	p0 =	seq.s32 s10, $0x1;
	s10 =	sld [smem:$0x3FA7];
	_ =	sdelay $0x3  }
0x34: {  	[smem:$0x3FA7] =	sst s10  }
0x35: {  	s10 =	sld [smem:$0x3FA6];
	_ =	sdelay $0x3  }
0x36: {  	p1 =	seq.s32 s10, $0x1;
	s10 =	sld [smem:$0x3FA7];
	_ =	sdelay $0x3  }
0x37: {  	[smem:$0x3FA7] =	sst s10  }
0x38: {  	s10 =	sld [smem:$0x3FA8]  }
0x39: {  	_ = 	snop;
	(pc) =	sbr.ind lr, $3  }
0x3a: {  	_ = 	snop  }
0x3b: {  	_ = 	snop  }
0x3c: {  	p2 =	seq.s32 s10, $0x1;
	s10 =	sld [smem:$0x3FA7]  }
0x3d: {  	_ =	shalt  }
0x3e: {  	_ =	shalt  }
0x3f: {  	_ =	shalt  }
0x40: {  	_ =	shalt  }
0x41: {  	_ =	shalt  }
0x42: {  	_ =	shalt  }
0x43: {  	_ =	shalt  }
0x44: {  	_ =	shalt  }
0x45: {  	_ =	shalt  }
0x46: {  	_ =	shalt  }
0x47: {  	_ =	shalt  }
0x48: {  	_ =	shalt  }
0x49: {  	_ =	shalt  }
0x4a: {  	_ =	shalt  }
0x4b: {  	_ =	shalt  }
0x4c: {  	_ =	shalt  }
0x4d: {  	_ =	shalt  }
0x4e: {  	_ =	shalt  }
0x4f: {  	_ =	shalt  }
0x50: {  	_ =	shalt  }
0x51: {  	_ =	shalt  }
0x52: {  	_ =	shalt  }
0x53: {  	_ =	shalt  }
0x54: {  	_ =	shalt  }
0x55: {  	_ =	shalt  }
0x56: {  	_ =	shalt  }
0x57: {  	_ =	shalt  }
0x58: {  	_ =	shalt  }
0x59: {  	_ =	shalt  }
0x5a: {  	_ =	shalt  }
0x5b: {  	_ =	shalt  }
0x5c: {  	_ =	shalt  }
0x5d: {  	_ =	shalt  }
0x5e: {  	_ =	shalt  }
0x5f: {  	_ =	shalt  }
0x60: {  	_ =	shalt  }
0x61: {  	_ =	shalt  }
0x62: {  	_ =	shalt  }
0x63: {  	_ =	shalt  }
0x64: {  	_ =	shalt  }
0x65: {  	_ =	shalt  }
0x66: {  	_ =	shalt  }
0x67: {  	_ =	shalt  }
0x68: {  	_ =	shalt  }
0x69: {  	_ =	shalt  }
0x6a: {  	_ =	shalt  }
0x6b: {  	_ =	shalt  }
0x6c: {  	_ =	shalt  }
0x6d: {  	_ =	shalt  }
0x6e: {  	_ =	shalt  }
0x6f: {  	_ =	shalt  }
0x70: {  	_ =	shalt  }
0x71: {  	_ =	shalt  }
0x72: {  	_ =	shalt  }
0x73: {  	_ =	shalt  }
0x74: {  	_ =	shalt  }
0x75: {  	_ =	shalt  }
0x76: {  	_ =	shalt  }
0x77: {  	_ =	shalt  }
0x78: {  	_ =	shalt  }
0x79: {  	_ =	shalt  }
0x7a: {  	_ =	shalt  }
0x7b: {  	_ =	shalt  }
0x7c: {  	_ =	shalt  }
0x7d: {  	_ =	shalt  }
0x7e: {  	_ =	shalt  }
0x7f: {  	_ =	shalt  }
0x80: {  	_ =	shalt  }
0x81: {  	_ =	shalt  }
0x82: {  	_ =	shalt  }
0x83: {  	_ =	shalt  }
0x84: {  	_ =	shalt  }
0x85: {  	_ =	shalt  }
0x86: {  	_ =	shalt  }
0x87: {  	_ =	shalt  }
.Lfunc_end0:
.L_simem_size_0:
called_computation_lowered:
.L_overlay_start_0:
0x88: {  	s2 =	sld [smem:$0x3FD9]  }
0x89: {  	s3 =	sld [smem:$0x3FFE];
	_ =	sdelay $0x1  }
0x8a: {  	s1 =	srdreg.scid  }
0x8b: {  	s0 =	sand.u32 $0x1, s1  }
0x8c: {  	s17 =	sshll.u32 s0, $0xA;
	s2 =	sadd.s32 s3, s2  }
0x8d: {  	s2 =	sadd.s32 s2, s17  }
0x8e: {  	[smem:$0x3FB3] =	sst s2  }
0x8f: {  	_ = 	snop  }
0x90: {  	s18 =	sld [smem:$0x3FD0];
	(tm) =	ssettm $0x1  }
0x91: {  	s19 =	sld [smem:$0x3FFB];
	_ =	sdelay $0x3  }
0x92: {  	_ =	strace s19  }
0x93: {  	s2 =	sld [smem:$0x3FFC];
	_ =	sdelay $0x3  }
0x94: {  	_ =	strace s2  }
0x95: {  	s2 =	sld [smem:$0x3FFD];
	_ =	sdelay $0x3  }
0x96: {  	_ =	strace s2  }
0x97: {  	_ =	strace $0x8FFFFFFF  }
0x98: {  	s20 =	sld [smem:$0x3FDB];
	_ =	sdelay $0x1  }
0x99: {  	s4 =	simm.s32 $_scs_section_size  }
0x9a: {  	s5 =	simm.s32 $_size__tile_overlayer_lowered;
	s6 =	simm.s32 $_tile_overlayer_lowered  }
0x9b: {  	s7 =	simm.s32 $0x1BFF;
	s21 =	sshll.u32 s6, $0x1;
	s4 =	sadd.s32 s4, s20  }
0x9c: {  	s22 =	simm.s32 $0x0;
	s5 =	sshll.u32 s5, $0x1;
	s6 =	sadd.s32 s21, s4  }
0x9d: {  	[timem:s22], [sflag:s7] =	dma.local [hbm:s6], s5  }
0x9e: {  	_ =	swait.ge [sflag:s7], s5  }
0x9f: {  	s5 =	ssub.s32 $0x0, s5;
	[sflag:s7] =	ssyncset.done $0x0  }
0xa0: {  	[sflag:s7] =	ssyncadd.s32 s5;
	_ =	sdelay $0x1  }
0xa1: {  	s23 =	simm.s32 $0x1B8B  }
0xa2: {  	_ =	swait.ge [sflag:s23], $0x1  }
0xa3: {  	[sflag:s23] =	ssyncset.done $0x0  }
0xa4: {  	[sflag:s23] =	ssyncadd.s32 $0xFFFFFFFF  }
0xa5: {  	s5 =	sld [smem:$0x0]  }
0xa6: {  	s6 =	sand.u32 $0xFFFFFFFE, s1  }
0xa7: {  	p0 =	sne.s32 s1, s6  }
0xa8: {  	s6 =	sshll.u32 @p0 s6, $0xE  }
0xa9: {  	s6 =	sadd.s32 @p0 $0x11B8D, s6;
	s7 =	sshll.u32 @p0 s5, $0x11  }
0xaa: {  	s6 =	sor.u32 @p0 s7, s6  }
0xab: {  	[sflag:s6] =	ssyncadd.remote.s32 @p0 $0x1;
	_ =	sdelay $0x1  }
0xac: {  	s6 =	simm.s32 @p0 $0x1B8D  }
0xad: {  	_ =	swait.eq @p0 [sflag:s6], $0x1  }
0xae: {  	[sflag:s6] =	ssyncadd.s32 @p0 $0xFFFFFFFF  }
0xaf: {  	s7 =	sshll.u32 @!p0 s1, $0xE  }
0xb0: {  	s7 =	sor.u32 @!p0 $0x4000, s7;
	s6 =	simm.s32 @!p0 $0x1B8D  }
0xb1: {  	s5 =	sshll.u32 @!p0 s5, $0x11;
	s7 =	sadd.s32 @!p0 $0x11B8D, s7;
	_ =	swait.eq @!p0 [sflag:s6], $0x1  }
0xb2: {  	s5 =	sor.u32 @!p0 s5, s7;
	[sflag:s6] =	ssyncadd.s32 @!p0 $0xFFFFFFFF  }
0xb3: {  	s25 =	simm.s32 $0x1B8E;
	s24 =	sld [smem:$0x3FFE];
	[sflag:s5] =	ssyncadd.remote.s32 @!p0 $0x1  }
0xb4: {  	s26 =	simm.s32 $execute0_lowered;
	[smem:$0x3FD2] =	sst s25  }
0xb5: {  	s6 =	sshll.u32 s26, $0x1;
	_ =	strace $0x80000055;
	[dreg:$0x1] =	wrdreg $0xFFFFFFFF  }
0xb6: {  	s28 =	simm.s32 $_size_execute0_lowered;
	s4 =	sadd.s32 s4, s6;
	[dreg:$0x0] =	wrdreg $0x0  }
0xb7: {  	s6 =	sshll.u32 s28, $0x1;
	[dreg:$0x2] =	wrdreg s4  }
0xb8: {  	[dreg:$0x3] =	wrdreg s6  }
0xb9: {  	[dreg:$0x4] =	wrdreg $0xC0  }
0xba: {  	_ =	task [dreg:s22], $0x5FFFF  }
0xbb: {  	[dreg:$0x1] =	wrdreg $0xFFFFFFFF  }
0xbc: {  	[dreg:$0x0] =	wrdreg $0x60  }
0xbd: {  	[dreg:$0x2] =	wrdreg s18  }
0xbe: {  	[dreg:$0x3] =	wrdreg s24  }
0xbf: {  	[dreg:$0x4] =	wrdreg $0x9  }
0xc0: {  	_ =	task.clear_ibuf [dreg:s22], $0x5FFFF;
	_ =	strace $0x90000055  }
0xc1: {  	s29 =	simm.s32 $0x9;
	_ =	strace $0x80000057  }
0xc2: {  	_ =	swait.ge [sflag:s29], $0x1  }
0xc3: {  	[sflag:s29] =	ssyncadd.s32 $0xFFFFFFFF  }
0xc4: {  	_ =	strace $0x90000057  }
0xc5: {  	_ =	sfence  }
0xc6: {  	s30 =	sld [smem:$0x0];
	_ =	sdelay $0x2  }
0xc7: {  	s31 =	sshll.u32 s1, $0xD;
	s1 =	sshrl.u32 s1, $0x2  }
0xc8: {  	s4 =	sand.u32 $0x4000, s31;
	s1 =	sadd.s32 s1, s30  }
0xc9: {  	s0 =	sor.u32 s4, s0;
	s1 =	sshll.u32 s1, $0x11  }
0xca: {  	s0 =	sor.u32 s1, s0  }
0xcb: {  	s0 =	sadd.s32 $0x8F2B, s0  }
0xcc: {  	[sflag:s0] =	ssyncadd.remote.s32 $0x1  }
0xcd: {  	_ =	sfence.sel $0xFFFF  }
0xce: {  	[dreg:$0x0] =	wrdreg $0xFFFFFFFF;
	(pc) =	sbr.abs _section_cstart, $3  }
0xcf: {  	[dreg:$0x1] =	wrdreg $0xFFFFFFFF  }
0xd0: {  	_ =	task.clear_ibuf [dreg:s22], $0x2FFFF;
	_ =	strace $0x9FFFFFFF  }
0xd1: {  	(tm) =	ssettm $0x7FFFFFFF  }
tec
execute0_lowered:
.L_overlay_start_1:
0x0: {  	(tag) =	ssettag $0x1  }
0x1: {  	s2 =	rddreg [dreg:$0x0]  }
0x2: {  	s0 =	srdreg.scid;
	s5 =	rddreg [dreg:$0x1]  }
0x3: {  	s1 =	stileid.u32;
	s3 =	simm.s32 $0x0;
	s14 =	simm.s32 $0x2400  }
0x4: {  	s15 =	simm.s32 $0x3800;
	s16 =	simm.s32 $0x4C00;
	s17 =	simm.s32 $0x1  }
0x5: {  	s18 =	simm.s32 $0x2;
	s19 =	simm.s32 $0x3;
	s20 =	simm.s32 $0x4  }
0x6: {  	s21 =	simm.s32 $0xC00;
	s4 =	sand.u32 $0x1, s0;
	s0 =	rddreg [dreg:$0x2]  }
0x7: {  	s22 =	simm.s32 $0x0;
	[smem:$0x7FF] =	sst s3;
	s9 =	smul.u32 $0x3E80, s1  }
0x8: {  	s10 =	sadd.s32 $0x4BD600, s5;
	s13 =	smul.u32 $0x1F400, s1;
	s6 =	sshll.u32 s4, $0x4  }
0x9: {  	_ =	strace $0x80000056;
	s8 =	smul.u32 $0x3E800, s4;
	s24 =	ssub.s32 $0x2, s4  }
0xa: {  	s12 =	smul.u32 $0x1F4000, s4;
	s6 =	sor.u32 s1, s6;
	s11 =	sshrl.u32 s24, $0x1  }
0xb: {  	s7 =	sshll.u32 s6, $0x9;
	s6 =	smul.u32 $0x1F400, s6;
	s11 =	ssub.s32 s24, s11  }
0xc: {  	s26 =	sadd.s32 s8, s10;
	s28 =	sadd.s32 s13, s12;
	s12 =	simm.s32 $0x28  }
0xd: {  	s13 =	simm.s32 $0x1000;
	s7 =	sadd.s32 s7, s5;
	s29 =	sadd.s32 $0x3C00, s28  }
0xe: {  	s30 =	sadd.s32 $0x2800, s28;
	s8 =	sadd.s32 $0x1400, s28;
	s6 =	sshrl.u32 s6, $0x3  }
0xf: {  	s4 =	sadd.s32 $0x4B9600, s7;
	s7 =	sadd.s32 s9, s26;
	s9 =	sshrl.u32 s29, $0x3  }
0x10: {  	s31 =	sshrl.u32 s8, $0x3;
	s25 =	sadd.s32 s10, s6;
	s6 =	smax.u32 s11, $0x1  }
0x11: {  	s11 =	sshrl.u32 s30, $0x3;
	s8 =	sadd.s32 s9, s10;
	s5 =	sadd.s32 $0x3C00, s25  }
0x12: {  	s9 =	sadd.s32 s11, s10;
	s10 =	sadd.s32 s31, s10;
	s11 =	simm.s32 $0x5  }
.LBB2_1:
0x13: {  	[tilespmem:s3], [sflag:$0x5] =	stream.linear.gather [hbm4b:s4+s3], $0xC80, $0x38;
	[tilespmem:$0x6000] =	vst v63  }
0x14: {  	_ =	swait.ge [sflag:s11], $0xC80  }
0x15: {  	[sflag:s11] =	ssyncset.done $0x0  }
0x16: {  	s23 =	simm.s32 $0x0;
	[sflag:s11] =	ssyncadd.s32 $0xFFFFF380  }
0x17: {  	[tilespmem:s13], [sflag:$0x1] =	stream.indirect.gather [hbm4b:s2+s12], $0x80, s23, s12, $0xb8;
	[tilespmem:$0x6000] =	vst v63  }
0x18: {  	s26 =	simm.s32 $0x80  }
0x19: {  	[tilespmem:s14], [sflag:$0x2] =	stream.indirect.gather [hbm4b:s2+s12], $0x80, s26, s12, $0xb8;
	[tilespmem:$0x6000] =	vst v63  }
0x1a: {  	s29 =	simm.s32 $0x100  }
0x1b: {  	[tilespmem:s15], [sflag:$0x3] =	stream.indirect.gather [hbm4b:s2+s12], $0x80, s29, s12, $0xb8;
	[tilespmem:$0x6000] =	vst v63  }
0x1c: {  	s31 =	simm.s32 $0x180  }
0x1d: {  	[tilespmem:s16], [sflag:$0x4] =	stream.indirect.gather [hbm4b:s2+s12], $0x80, s31, s12, $0xb8;
	[tilespmem:$0x6000] =	vst v63  }
0x1e: {  	_ =	swait.ge [sflag:s17], $0x1400  }
0x1f: {  	[sflag:s17] =	ssyncset.done $0x0  }
0x20: {  	[sflag:s17] =	ssyncadd.s32 $0xFFFFEC00  }
0x21: {  	[hbm4b:s7+s3] =	stream.linear.scatter [tilespmem:s13], [sflag:$0x5], $0x1400, $0x38;
	[tilespmem:$0x6000] =	vst v63  }
0x22: {  	_ =	swait.ge [sflag:s11], $0x1400  }
0x23: {  	[sflag:s11] =	ssyncset.done $0x0  }
0x24: {  	[sflag:s11] =	ssyncadd.s32 $0xFFFFEC00  }
0x25: {  	_ =	swait.ge [sflag:s18], $0x1400  }
0x26: {  	[sflag:s18] =	ssyncset.done $0x0  }
0x27: {  	[sflag:s18] =	ssyncadd.s32 $0xFFFFEC00  }
0x28: {  	[hbm4b:s10+s3] =	stream.linear.scatter [tilespmem:s14], [sflag:$0x5], $0x1400, $0x38;
	[tilespmem:$0x6000] =	vst v63  }
0x29: {  	_ =	swait.ge [sflag:s11], $0x1400  }
0x2a: {  	[sflag:s11] =	ssyncset.done $0x0  }
0x2b: {  	[sflag:s11] =	ssyncadd.s32 $0xFFFFEC00  }
0x2c: {  	_ =	swait.ge [sflag:s19], $0x1400  }
0x2d: {  	[sflag:s19] =	ssyncset.done $0x0  }
0x2e: {  	[sflag:s19] =	ssyncadd.s32 $0xFFFFEC00  }
0x2f: {  	[hbm4b:s9+s3] =	stream.linear.scatter [tilespmem:s15], [sflag:$0x5], $0x1400, $0x38;
	[tilespmem:$0x6000] =	vst v63  }
0x30: {  	_ =	swait.ge [sflag:s11], $0x1400  }
0x31: {  	[sflag:s11] =	ssyncset.done $0x0  }
0x32: {  	[sflag:s11] =	ssyncadd.s32 $0xFFFFEC00  }
0x33: {  	_ =	swait.ge [sflag:s20], $0x1400  }
0x34: {  	[sflag:s20] =	ssyncset.done $0x0  }
0x35: {  	s28 =	simm.s32 $0x800;
	s30 =	simm.s32 $0x1000;
	[sflag:s20] =	ssyncadd.s32 $0xFFFFEC00  }
0x36: {  	[hbm4b:s8+s3] =	stream.linear.scatter [tilespmem:s16], [sflag:$0x5], $0x1400, $0x38;
	[tilespmem:$0x6000] =	vst v63  }
0x37: {  	s24 =	sadd.s32 $0xA00, s9;
	s25 =	sadd.s32 $0xA00, s10;
	_ =	swait.ge [sflag:s11], $0x1400  }
0x38: {  	s23 =	sadd.s32 $0xA00, s8;
	s26 =	sadd.s32 $0xA00, s7;
	[sflag:s11] =	ssyncset.done $0x0  }
.LBB2_2:
0x39: {  	s31 =	sshra.s32 s28, $0x2  }
0x3a: {  	[sflag:s11] =	ssyncadd.s32 $0xFFFFEC00;
	s28 =	smov.u32 s30;
	s29 =	sadd.s32 $0x800, s30  }
0x3b: {  	[tilespmem:s13], [sflag:$0x1] =	stream.indirect.gather [hbm4b:s2+s12], $0x80, s31, s12, $0xb8;
	[tilespmem:$0x6000] =	vst v63  }
0x3c: {  	p0 =	sne.s32 s30, $0x2800;
	s30 =	sadd.s32 $0x80, s31  }
0x3d: {  	[tilespmem:s14], [sflag:$0x2] =	stream.indirect.gather [hbm4b:s2+s12], $0x80, s30, s12, $0xb8;
	[tilespmem:$0x6000] =	vst v63  }
0x3e: {  	s30 =	sadd.s32 $0x100, s31  }
0x3f: {  	[tilespmem:s15], [sflag:$0x3] =	stream.indirect.gather [hbm4b:s2+s12], $0x80, s30, s12, $0xb8;
	[tilespmem:$0x6000] =	vst v63  }
0x40: {  	s30 =	sadd.s32 $0x180, s31  }
0x41: {  	[tilespmem:s16], [sflag:$0x4] =	stream.indirect.gather [hbm4b:s2+s12], $0x80, s30, s12, $0xb8;
	[tilespmem:$0x6000] =	vst v63  }
0x42: {  	_ =	swait.ge [sflag:s17], $0x1400  }
0x43: {  	[sflag:s17] =	ssyncset.done $0x0  }
0x44: {  	[sflag:s17] =	ssyncadd.s32 $0xFFFFEC00  }
0x45: {  	[hbm4b:s26+s3] =	stream.linear.scatter [tilespmem:s13], [sflag:$0x5], $0x1400, $0x38;
	[tilespmem:$0x6000] =	vst v63  }
0x46: {  	_ =	swait.ge [sflag:s11], $0x1400  }
0x47: {  	[sflag:s11] =	ssyncset.done $0x0  }
0x48: {  	[sflag:s11] =	ssyncadd.s32 $0xFFFFEC00  }
0x49: {  	_ =	swait.ge [sflag:s18], $0x1400  }
0x4a: {  	[sflag:s18] =	ssyncset.done $0x0  }
0x4b: {  	[sflag:s18] =	ssyncadd.s32 $0xFFFFEC00  }
0x4c: {  	[hbm4b:s25+s3] =	stream.linear.scatter [tilespmem:s14], [sflag:$0x5], $0x1400, $0x38;
	[tilespmem:$0x6000] =	vst v63  }
0x4d: {  	_ =	swait.ge [sflag:s11], $0x1400  }
0x4e: {  	[sflag:s11] =	ssyncset.done $0x0  }
0x4f: {  	[sflag:s11] =	ssyncadd.s32 $0xFFFFEC00  }
0x50: {  	_ =	swait.ge [sflag:s19], $0x1400  }
0x51: {  	[sflag:s19] =	ssyncset.done $0x0  }
0x52: {  	[sflag:s19] =	ssyncadd.s32 $0xFFFFEC00  }
0x53: {  	[hbm4b:s24+s3] =	stream.linear.scatter [tilespmem:s15], [sflag:$0x5], $0x1400, $0x38;
	[tilespmem:$0x6000] =	vst v63  }
0x54: {  	_ =	swait.ge [sflag:s11], $0x1400  }
0x55: {  	[sflag:s11] =	ssyncset.done $0x0  }
0x56: {  	[sflag:s11] =	ssyncadd.s32 $0xFFFFEC00  }
0x57: {  	_ =	swait.ge [sflag:s20], $0x1400  }
.Ltmp0:
0x58: {  	[sflag:s20] =	ssyncset.done $0x0;
	(pc) =	sbr.rel @p0 .LBB2_2-.Ltmp0, $4  }
0x59: {  	s30 =	smov.u32 s29;
	[sflag:s20] =	ssyncadd.s32 $0xFFFFEC00  }
0x5a: {  	[hbm4b:s23+s3] =	stream.linear.scatter [tilespmem:s16], [sflag:$0x5], $0x1400, $0x38;
	[tilespmem:$0x6000] =	vst v63  }
0x5b: {  	s25 =	sadd.s32 $0xA00, s25;
	s24 =	sadd.s32 $0xA00, s24;
	_ =	swait.ge [sflag:s11], $0x1400  }
0x5c: {  	s26 =	sadd.s32 $0xA00, s26;
	s23 =	sadd.s32 $0xA00, s23;
	[sflag:s11] =	ssyncset.done $0x0  }
0x5d: {  	s28 =	sshra.s32 s28, $0x2;
	[sflag:s11] =	ssyncadd.s32 $0xFFFFEC00  }
0x5e: {  	[tilespmem:s13], [sflag:$0x1] =	stream.indirect.gather [hbm4b:s2+s12], $0x80, s28, s12, $0xb8;
	[tilespmem:$0x6000] =	vst v63  }
0x5f: {  	s29 =	sadd.s32 $0x80, s28  }
0x60: {  	[tilespmem:s14], [sflag:$0x2] =	stream.indirect.gather [hbm4b:s2+s12], $0x80, s29, s12, $0xb8;
	[tilespmem:$0x6000] =	vst v63  }
0x61: {  	s31 =	sadd.s32 $0x100, s28  }
0x62: {  	[tilespmem:s15], [sflag:$0x3] =	stream.indirect.gather [hbm4b:s2+s12], $0x80, s31, s12, $0xb8;
	[tilespmem:$0x6000] =	vst v63  }
0x63: {  	s28 =	sadd.s32 $0x180, s28  }
0x64: {  	[tilespmem:s16], [sflag:$0x4] =	stream.indirect.gather [hbm4b:s2+s12], $0x80, s28, s12, $0xb8;
	[tilespmem:$0x6000] =	vst v63  }
0x65: {  	_ =	swait.ge [sflag:s17], $0x1400  }
0x66: {  	[sflag:s17] =	ssyncset.done $0x0  }
0x67: {  	[sflag:s17] =	ssyncadd.s32 $0xFFFFEC00  }
0x68: {  	[hbm4b:s26+s3] =	stream.linear.scatter [tilespmem:s13], [sflag:$0x5], $0x1400, $0x38;
	[tilespmem:$0x6000] =	vst v63  }
0x69: {  	_ =	swait.ge [sflag:s11], $0x1400  }
0x6a: {  	[sflag:s11] =	ssyncset.done $0x0  }
0x6b: {  	[sflag:s11] =	ssyncadd.s32 $0xFFFFEC00  }
0x6c: {  	_ =	swait.ge [sflag:s18], $0x1400  }
0x6d: {  	[sflag:s18] =	ssyncset.done $0x0  }
0x6e: {  	[sflag:s18] =	ssyncadd.s32 $0xFFFFEC00  }
0x6f: {  	[hbm4b:s25+s3] =	stream.linear.scatter [tilespmem:s14], [sflag:$0x5], $0x1400, $0x38;
	[tilespmem:$0x6000] =	vst v63  }
0x70: {  	_ =	swait.ge [sflag:s11], $0x1400  }
0x71: {  	[sflag:s11] =	ssyncset.done $0x0  }
0x72: {  	[sflag:s11] =	ssyncadd.s32 $0xFFFFEC00  }
0x73: {  	_ =	swait.ge [sflag:s19], $0x1400  }
0x74: {  	[sflag:s19] =	ssyncset.done $0x0  }
0x75: {  	[sflag:s19] =	ssyncadd.s32 $0xFFFFEC00  }
0x76: {  	[hbm4b:s24+s3] =	stream.linear.scatter [tilespmem:s15], [sflag:$0x5], $0x1400, $0x38;
	[tilespmem:$0x6000] =	vst v63  }
0x77: {  	_ =	swait.ge [sflag:s11], $0x1400  }
0x78: {  	[sflag:s11] =	ssyncset.done $0x0  }
0x79: {  	[sflag:s11] =	ssyncadd.s32 $0xFFFFEC00  }
0x7a: {  	_ =	swait.ge [sflag:s20], $0x1400  }
0x7b: {  	[sflag:s20] =	ssyncset.done $0x0  }
0x7c: {  	[sflag:s20] =	ssyncadd.s32 $0xFFFFEC00  }
0x7d: {  	[hbm4b:s23+s3] =	stream.linear.scatter [tilespmem:s16], [sflag:$0x5], $0x1400, $0x38;
	[tilespmem:$0x6000] =	vst v63  }
0x7e: {  	_ =	swait.ge [sflag:s11], $0x1400  }
0x7f: {  	[sflag:s11] =	ssyncset.done $0x0  }
0x80: {  	[sflag:s11] =	ssyncadd.s32 $0xFFFFEC00  }
0x81: {  	[tilespmem:s13], [sflag:$0x1] =	stream.indirect.gather [hbm4b:s2+s12], $0x80, s21, s12, $0xb8;
	[tilespmem:$0x6000] =	vst v63  }
0x82: {  	s22 =	sadd.s32 $0x1, s22;
	_ =	swait.ge [sflag:s17], $0x1400  }
0x83: {  	p0 =	sne.s32 s22, s6;
	[sflag:s17] =	ssyncset.done $0x0  }
.Ltmp1:
0x84: {  	[sflag:s17] =	ssyncadd.s32 $0xFFFFEC00;
	(pc) =	sbr.rel @p0 .LBB2_1-.Ltmp1, $4  }
0x85: {  	[hbm4b:s5+s3] =	stream.linear.scatter [tilespmem:s13], [sflag:$0x5], $0x1400, $0x38;
	[tilespmem:$0x6000] =	vst v63  }
0x86: {  	_ =	swait.ge [sflag:s11], $0x1400  }
0x87: {  	[sflag:s11] =	ssyncset.done $0x0  }
0x88: {  	[sflag:s11] =	ssyncadd.s32 $0xFFFFEC00  }
0x89: {  	_ =	sfence.sel $0x180000  }
0x8a: {  	[bflag:$0x0] =	sbarrier.arrive $0xFFFF  }
0x8b: {  	p0 =	sne.s32 s1, $0x0;
	_ =	strace $0x90000056  }
0x8c: {  	s0 =	sadd.s32 @!p0 $0x100000, s0;
	[bflag:$0x2] =	sbarrier.arrive $0xFFFF  }
0x8d: {  	[sflag:s0] =	ssyncadd.tile.s32 @!p0 $0x1;
	_ =	shalt  }
.Lfunc_end2:
_tile_overlayer_lowered:
.L_overlay_start_2:
0x8e: {  	(tag) =	ssettag $0x2  }
0x8f: {  	s0 =	rddreg [dreg:$0x0];
	s2 =	stileid.u32  }
0x90: {  	s1 =	rddreg [dreg:$0x1];
	p0 =	sne.s32 s2, $0x0  }
0x91: {  	s3 =	rddreg [dreg:$0x2];
	[bflag:$0x3] =	sbarrier.arrive $0xFFFF;
	s2 =	simm.s32 @!p0 $0x1C05  }
0x92: {  	[timem:s3], [sflag:s2] =	dma.local @!p0 [hbm:s0], s1  }
0x93: {  	s0 =	simm.s32 @!p0 $0x5  }
0x94: {  	_ =	swait.ge @!p0 [sflag:s0], s1  }
0x95: {  	s1 =	ssub.s32 @!p0 $0x0, s1;
	[sflag:s0] =	ssyncset.done @!p0 $0x0  }
0x96: {  	[sflag:s0] =	ssyncadd.s32 @!p0 s1  }
0x97: {  	[bflag:$0x3] =	sbarrier.arrive $0xFFFF  }
0x98: {  	_ =	shalt  }

// kernel: kernel.19.cloned.1.call-start
scs
__scs_entry_jumppad:
0x0: {  	(pc) =	sbr.rel $0x88, $3  }
0x1: {  	(tag) =	ssettag $0x0;
	lr =	simm.s32 $0x1  }
0x2: {  	[smem:$0x3F8C] =	sst lr;
	_ =	strace $0xD0000000  }
0x3: {  	_ = 	snop  }
0x4: {  	_ = 	snop  }
0x5: {  	_ = 	snop  }
0x6: {  	_ = 	snop  }
0x7: {  	_ = 	snop  }
__scs_overlays_trampoline_lowered:
0x8: {  	[smem:$0x3F9B] =	sst s0  }
0x9: {  	[smem:$0x3F9C] =	sst s1  }
0xa: {  	[smem:$0x3F9D] =	sst s2  }
0xb: {  	[smem:$0x3F9E] =	sst s3  }
0xc: {  	[smem:$0x3F9F] =	sst s4  }
0xd: {  	[smem:$0x3FA0] =	sst s5  }
0xe: {  	[smem:$0x3FA1] =	sst s6  }
0xf: {  	[smem:$0x3FA2] =	sst s7  }
0x10: {  	[smem:$0x3FA3] =	sst s8  }
0x11: {  	[smem:$0x3FA4] =	sst s9;
	s0 =	simm.s32 @!p0 $0x0  }
0x12: {  	s1 =	sld [smem:$0x3F8A];
	s0 =	simm.s32 @p0 $0x1  }
0x13: {  	[smem:$0x3FA5] =	sst s0;
	s0 =	simm.s32 @!p1 $0x0  }
0x14: {  	s2 =	sld [smem:$0x3F89];
	s0 =	simm.s32 @p1 $0x1  }
0x15: {  	[smem:$0x3FA6] =	sst s0;
	s0 =	simm.s32 @!p2 $0x0  }
0x16: {  	s3 =	sld [smem:$0x3FDB];
	s0 =	simm.s32 @p2 $0x1  }
0x17: {  	s4 =	simm.s32 $0x1BF5;
	[smem:$0x3FA8] =	sst s0  }
0x18: {  	s0 =	sld [smem:$0x3F8B];
	_ =	swait.ge [sflag:s4], $0x0  }
0x19: {  	s7 =	sld [smem:$0x3F8C]  }
0x1a: {  	s8 =	sadd.s32 $0xFFFFE003, lr  }
0x1b: {  	s9 =	sadd.s32 $0xFFFFFEF7, lr;
	s5 =	simm.s32 $0xFFFFFFFF;
	p2 =	slt.u32 s8, $0xFFFFF086  }
0x1c: {  	p1 =	slt.u32 s9, $0xF7A;
	s5 =	simm.s32 @!p2 $0x0  }
0x1d: {  	s5 =	simm.s32 @p1 $0x1;
	p0 =	seq.s32 s7, s2  }
0x1e: {  	s7 =	smul.u32 @!p0 $0xF7A, s2;
	p2 =	seq.s32 @!p0 s5, $0x0  }
0x1f: {  	s9 =	smul.u32 $0xF7A, s1;
	s8 =	simm.s32 @!p0 $0x1BF5;
	p2 =	por !p2, p0  }
0x20: {  	[sflag:s8] =	ssyncset.s32 @!p0 $0xFFFFF086;
	s6 =	sadd.s32 @!p0 s3, s7;
	s7 =	simm.s32 @!p0 $0x108  }
0x21: {  	s3 =	sadd.s32 s3, s9;
	s6 =	sadd.s32 @!p0 $0x88, s6;
	s7 =	simm.s32 @p2 $0x1082  }
0x22: {  	[simem:s7], [sflag:s8] =	dma.local @!p0 [hbm:s6], $0xF7A  }
0x23: {  	s9 =	sor.u32 $0xD0000000, s2;
	s6 =	simm.s32 $0x108;
	_ =	swait.ge @!p0 [sflag:s8], $0x0  }
0x24: {  	s3 =	sadd.s32 $0x88, s3;
	s6 =	simm.s32 @!p1 $0x1082;
	[sflag:s4] =	ssyncset.s32 $0xFFFFF086  }
0x25: {  	[simem:s6], [sflag:s4] =	dma.local [hbm:s3], $0xF7A  }
0x26: {  	[smem:$0x3F8C] =	sst s1;
	(tag) =	ssettag s2;
	_ =	strace s9  }
0x27: {  	s1 =	sld [smem:$0x3F9C]  }
0x28: {  	s2 =	sld [smem:$0x3F9D]  }
0x29: {  	s4 =	sld [smem:$0x3F9F]  }
0x2a: {  	p0 =	seq.s32 s5, $0x0;
	s5 =	sld [smem:$0x3FA0]  }
0x2b: {  	s6 =	sld [smem:$0x3FA1]  }
0x2c: {  	s7 =	sld [smem:$0x3FA2]  }
0x2d: {  	s3 =	simm.s32 $0x108;
	s8 =	sld [smem:$0x3FA3]  }
0x2e: {  	s3 =	simm.s32 @!p0 $0x1082;
	s9 =	sld [smem:$0x3FA4]  }
0x2f: {  	lr =	sadd.s32 s0, s3;
	s0 =	sld [smem:$0x3F9B]  }
0x30: {  	s3 =	sld [smem:$0x3F9E]  }
0x31: {  	[smem:$0x3FA7] =	sst s10  }
0x32: {  	s10 =	sld [smem:$0x3FA5];
	_ =	sdelay $0x3  }
0x33: {  	p0 =	seq.s32 s10, $0x1;
	s10 =	sld [smem:$0x3FA7];
	_ =	sdelay $0x3  }
0x34: {  	[smem:$0x3FA7] =	sst s10  }
0x35: {  	s10 =	sld [smem:$0x3FA6];
	_ =	sdelay $0x3  }
0x36: {  	p1 =	seq.s32 s10, $0x1;
	s10 =	sld [smem:$0x3FA7];
	_ =	sdelay $0x3  }
0x37: {  	[smem:$0x3FA7] =	sst s10  }
0x38: {  	s10 =	sld [smem:$0x3FA8]  }
0x39: {  	_ = 	snop;
	(pc) =	sbr.ind lr, $3  }
0x3a: {  	_ = 	snop  }
0x3b: {  	_ = 	snop  }
0x3c: {  	p2 =	seq.s32 s10, $0x1;
	s10 =	sld [smem:$0x3FA7]  }
0x3d: {  	_ =	shalt  }
0x3e: {  	_ =	shalt  }
0x3f: {  	_ =	shalt  }
0x40: {  	_ =	shalt  }
0x41: {  	_ =	shalt  }
0x42: {  	_ =	shalt  }
0x43: {  	_ =	shalt  }
0x44: {  	_ =	shalt  }
0x45: {  	_ =	shalt  }
0x46: {  	_ =	shalt  }
0x47: {  	_ =	shalt  }
0x48: {  	_ =	shalt  }
0x49: {  	_ =	shalt  }
0x4a: {  	_ =	shalt  }
0x4b: {  	_ =	shalt  }
0x4c: {  	_ =	shalt  }
0x4d: {  	_ =	shalt  }
0x4e: {  	_ =	shalt  }
0x4f: {  	_ =	shalt  }
0x50: {  	_ =	shalt  }
0x51: {  	_ =	shalt  }
0x52: {  	_ =	shalt  }
0x53: {  	_ =	shalt  }
0x54: {  	_ =	shalt  }
0x55: {  	_ =	shalt  }
0x56: {  	_ =	shalt  }
0x57: {  	_ =	shalt  }
0x58: {  	_ =	shalt  }
0x59: {  	_ =	shalt  }
0x5a: {  	_ =	shalt  }
0x5b: {  	_ =	shalt  }
0x5c: {  	_ =	shalt  }
0x5d: {  	_ =	shalt  }
0x5e: {  	_ =	shalt  }
0x5f: {  	_ =	shalt  }
0x60: {  	_ =	shalt  }
0x61: {  	_ =	shalt  }
0x62: {  	_ =	shalt  }
0x63: {  	_ =	shalt  }
0x64: {  	_ =	shalt  }
0x65: {  	_ =	shalt  }
0x66: {  	_ =	shalt  }
0x67: {  	_ =	shalt  }
0x68: {  	_ =	shalt  }
0x69: {  	_ =	shalt  }
0x6a: {  	_ =	shalt  }
0x6b: {  	_ =	shalt  }
0x6c: {  	_ =	shalt  }
0x6d: {  	_ =	shalt  }
0x6e: {  	_ =	shalt  }
0x6f: {  	_ =	shalt  }
0x70: {  	_ =	shalt  }
0x71: {  	_ =	shalt  }
0x72: {  	_ =	shalt  }
0x73: {  	_ =	shalt  }
0x74: {  	_ =	shalt  }
0x75: {  	_ =	shalt  }
0x76: {  	_ =	shalt  }
0x77: {  	_ =	shalt  }
0x78: {  	_ =	shalt  }
0x79: {  	_ =	shalt  }
0x7a: {  	_ =	shalt  }
0x7b: {  	_ =	shalt  }
0x7c: {  	_ =	shalt  }
0x7d: {  	_ =	shalt  }
0x7e: {  	_ =	shalt  }
0x7f: {  	_ =	shalt  }
0x80: {  	_ =	shalt  }
0x81: {  	_ =	shalt  }
0x82: {  	_ =	shalt  }
0x83: {  	_ =	shalt  }
0x84: {  	_ =	shalt  }
0x85: {  	_ =	shalt  }
0x86: {  	_ =	shalt  }
0x87: {  	_ =	shalt  }
.Lfunc_end0:
.L_simem_size_0:
called_computation.1_lowered:
.L_overlay_start_0:
0x88: {  	s2 =	sld [smem:$0x3FD9]  }
0x89: {  	s3 =	sld [smem:$0x3FFE];
	_ =	sdelay $0x1  }
0x8a: {  	s1 =	srdreg.scid  }
0x8b: {  	s0 =	sand.u32 $0x1, s1  }
0x8c: {  	s17 =	sshll.u32 s0, $0xA;
	s2 =	sadd.s32 s3, s2  }
0x8d: {  	s2 =	sadd.s32 s2, s17  }
0x8e: {  	[smem:$0x3FB3] =	sst s2  }
0x8f: {  	_ = 	snop  }
0x90: {  	(tm) =	ssettm $0x1  }
0x91: {  	s18 =	sld [smem:$0x3FFB];
	_ =	sdelay $0x3  }
0x92: {  	_ =	strace s18  }
0x93: {  	s2 =	sld [smem:$0x3FFC];
	_ =	sdelay $0x3  }
0x94: {  	_ =	strace s2  }
0x95: {  	s2 =	sld [smem:$0x3FFD];
	_ =	sdelay $0x3  }
0x96: {  	_ =	strace s2  }
0x97: {  	_ =	strace $0x8FFFFFFF  }
0x98: {  	s19 =	sld [smem:$0x3FDB];
	_ =	sdelay $0x1  }
0x99: {  	s20 =	simm.s32 $_scs_section_size  }
0x9a: {  	s4 =	simm.s32 $_size__tile_overlayer_lowered;
	s5 =	simm.s32 $_tile_overlayer_lowered  }
0x9b: {  	s6 =	simm.s32 $0x1BFF;
	s21 =	sshll.u32 s5, $0x1;
	s3 =	sadd.s32 s20, s19  }
0x9c: {  	s22 =	simm.s32 $0x0;
	s4 =	sshll.u32 s4, $0x1;
	s5 =	sadd.s32 s21, s3  }
0x9d: {  	[timem:s22], [sflag:s6] =	dma.local [hbm:s5], s4  }
0x9e: {  	_ =	swait.ge [sflag:s6], s4  }
0x9f: {  	s4 =	ssub.s32 $0x0, s4;
	[sflag:s6] =	ssyncset.done $0x0  }
0xa0: {  	[sflag:s6] =	ssyncadd.s32 s4;
	_ =	sdelay $0x1  }
0xa1: {  	s23 =	simm.s32 $0x1B8B  }
0xa2: {  	_ =	swait.ge [sflag:s23], $0x1  }
0xa3: {  	[sflag:s23] =	ssyncset.done $0x0  }
0xa4: {  	[sflag:s23] =	ssyncadd.s32 $0xFFFFFFFF  }
0xa5: {  	s4 =	sld [smem:$0x0]  }
0xa6: {  	s5 =	sand.u32 $0xFFFFFFFE, s1  }
0xa7: {  	p0 =	sne.s32 s1, s5  }
0xa8: {  	s5 =	sshll.u32 @p0 s5, $0xE  }
0xa9: {  	s5 =	sadd.s32 @p0 $0x11B8D, s5;
	s6 =	sshll.u32 @p0 s4, $0x11  }
0xaa: {  	s5 =	sor.u32 @p0 s6, s5  }
0xab: {  	[sflag:s5] =	ssyncadd.remote.s32 @p0 $0x1;
	_ =	sdelay $0x1  }
0xac: {  	s5 =	simm.s32 @p0 $0x1B8D  }
0xad: {  	_ =	swait.eq @p0 [sflag:s5], $0x1  }
0xae: {  	[sflag:s5] =	ssyncadd.s32 @p0 $0xFFFFFFFF  }
0xaf: {  	s6 =	sshll.u32 @!p0 s1, $0xE  }
0xb0: {  	s6 =	sor.u32 @!p0 $0x4000, s6;
	s5 =	simm.s32 @!p0 $0x1B8D  }
0xb1: {  	s4 =	sshll.u32 @!p0 s4, $0x11;
	s6 =	sadd.s32 @!p0 $0x11B8D, s6;
	_ =	swait.eq @!p0 [sflag:s5], $0x1  }
0xb2: {  	s4 =	sor.u32 @!p0 s4, s6;
	[sflag:s5] =	ssyncadd.s32 @!p0 $0xFFFFFFFF  }
0xb3: {  	s25 =	simm.s32 $0x1B8E;
	s24 =	sld [smem:$0x3FFE];
	[sflag:s4] =	ssyncadd.remote.s32 @!p0 $0x1  }
0xb4: {  	s26 =	simm.s32 $execute0_lowered;
	[smem:$0x3FD2] =	sst s25  }
0xb5: {  	s5 =	sshll.u32 s26, $0x1;
	_ =	strace $0x80000052;
	[dreg:$0x1] =	wrdreg $0xFFFFFFFF  }
0xb6: {  	s28 =	simm.s32 $_size_execute0_lowered;
	s3 =	sadd.s32 s3, s5;
	[dreg:$0x0] =	wrdreg $0x0  }
0xb7: {  	s5 =	sshll.u32 s28, $0x1;
	[dreg:$0x2] =	wrdreg s3  }
0xb8: {  	[dreg:$0x3] =	wrdreg s5  }
0xb9: {  	[dreg:$0x4] =	wrdreg $0xC0  }
0xba: {  	_ =	task [dreg:s22], $0x5FFFF  }
0xbb: {  	[dreg:$0x1] =	wrdreg $0xFFFFFFFF  }
0xbc: {  	[dreg:$0x0] =	wrdreg $0x60  }
0xbd: {  	[dreg:$0x2] =	wrdreg s24  }
0xbe: {  	[dreg:$0x3] =	wrdreg $0xA  }
0xbf: {  	_ =	task.clear_ibuf [dreg:s22], $0x4FFFF;
	_ =	strace $0x90000052  }
0xc0: {  	s29 =	simm.s32 $0xA;
	_ =	strace $0x80000054  }
0xc1: {  	_ =	swait.ge [sflag:s29], $0x1  }
0xc2: {  	[sflag:s29] =	ssyncadd.s32 $0xFFFFFFFF  }
0xc3: {  	_ =	strace $0x90000054  }
0xc4: {  	_ =	sfence  }
0xc5: {  	s30 =	sld [smem:$0x0];
	_ =	sdelay $0x2  }
0xc6: {  	s31 =	sshll.u32 s1, $0xD;
	s1 =	sshrl.u32 s1, $0x2  }
0xc7: {  	s4 =	sand.u32 $0x4000, s31;
	s1 =	sadd.s32 s1, s30  }
0xc8: {  	s0 =	sor.u32 s4, s0;
	s1 =	sshll.u32 s1, $0x11  }
0xc9: {  	s0 =	sor.u32 s1, s0  }
0xca: {  	s0 =	sadd.s32 $0x8F2B, s0  }
0xcb: {  	[sflag:s0] =	ssyncadd.remote.s32 $0x1  }
0xcc: {  	_ =	sfence.sel $0xFFFF  }
0xcd: {  	[dreg:$0x0] =	wrdreg $0xFFFFFFFF;
	(pc) =	sbr.abs _section_cstart, $3  }
0xce: {  	[dreg:$0x1] =	wrdreg $0xFFFFFFFF  }
0xcf: {  	_ =	task.clear_ibuf [dreg:s22], $0x2FFFF;
	_ =	strace $0x9FFFFFFF  }
0xd0: {  	(tm) =	ssettm $0x7FFFFFFF  }
0xd1: {  	_ =	shalt  }
tec
execute0_lowered:
.L_overlay_start_1:
0x0: {  	(tag) =	ssettag $0x1  }
0x1: {  	s4 =	rddreg [dreg:$0x0]  }
0x2: {  	s1 =	srdreg.scid;
	s0 =	rddreg [dreg:$0x1]  }
0x3: {  	s2 =	simm.s32 $0x0;
	s14 =	simm.s32 $0x2400;
	s15 =	simm.s32 $0x3800  }
0x4: {  	s16 =	simm.s32 $0x4C00;
	s17 =	simm.s32 $0x1;
	s18 =	simm.s32 $0x2  }
0x5: {  	s19 =	simm.s32 $0x3;
	s20 =	simm.s32 $0x4;
	s21 =	simm.s32 $0xC00  }
0x6: {  	s22 =	simm.s32 $0x0;
	s5 =	sand.u32 $0x1, s1;
	s1 =	stileid.u32  }
0x7: {  	[smem:$0x7FF] =	sst s2;
	s10 =	sadd.s32 $0x43C600, s4;
	s8 =	smul.u32 $0x3E800, s5  }
0x8: {  	s3 =	sshll.u32 s5, $0x4;
	_ =	strace $0x80000053;
	s9 =	smul.u32 $0x3E80, s1  }
0x9: {  	s24 =	ssub.s32 $0x2, s5;
	s12 =	smul.u32 $0x1F4000, s5;
	s3 =	sor.u32 s1, s3  }
0xa: {  	s13 =	smul.u32 $0x1F400, s1;
	s11 =	sshrl.u32 s24, $0x1;
	s6 =	sshll.u32 s3, $0x9  }
0xb: {  	s7 =	smul.u32 $0x1F400, s3;
	s3 =	sadd.s32 $0x13400, s4;
	s11 =	ssub.s32 s24, s11  }
0xc: {  	s26 =	sadd.s32 s8, s10;
	s28 =	sadd.s32 s13, s12;
	s12 =	simm.s32 $0x28  }
0xd: {  	s13 =	simm.s32 $0x1000;
	s6 =	sadd.s32 s6, s4;
	s29 =	sadd.s32 $0x3C00, s28  }
0xe: {  	s30 =	sadd.s32 $0x2800, s28;
	s8 =	sadd.s32 $0x1400, s28;
	s7 =	sshrl.u32 s7, $0x3  }
0xf: {  	s4 =	sadd.s32 $0x438600, s6;
	s6 =	smax.u32 s11, $0x1;
	s11 =	sshrl.u32 s30, $0x3  }
0x10: {  	s25 =	sadd.s32 s10, s7;
	s7 =	sadd.s32 s9, s26;
	s9 =	sshrl.u32 s29, $0x3  }
0x11: {  	s31 =	sshrl.u32 s8, $0x3;
	s5 =	sadd.s32 $0x3C00, s25;
	s8 =	sadd.s32 s9, s10  }
0x12: {  	s9 =	sadd.s32 s11, s10;
	s10 =	sadd.s32 s31, s10;
	s11 =	simm.s32 $0x5  }
.LBB2_1:
0x13: {  	[tilespmem:s2], [sflag:$0x5] =	stream.linear.gather [hbm4b:s4+s2], $0xC80, $0x38;
	[tilespmem:$0x6000] =	vst v63  }
0x14: {  	_ =	swait.ge [sflag:s11], $0xC80  }
0x15: {  	[sflag:s11] =	ssyncset.done $0x0  }
0x16: {  	s23 =	simm.s32 $0x0;
	[sflag:s11] =	ssyncadd.s32 $0xFFFFF380  }
0x17: {  	[tilespmem:s13], [sflag:$0x1] =	stream.indirect.gather [hbm4b:s3+s12], $0x80, s23, s12, $0xb8;
	[tilespmem:$0x6000] =	vst v63  }
0x18: {  	s26 =	simm.s32 $0x80  }
0x19: {  	[tilespmem:s14], [sflag:$0x2] =	stream.indirect.gather [hbm4b:s3+s12], $0x80, s26, s12, $0xb8;
	[tilespmem:$0x6000] =	vst v63  }
0x1a: {  	s29 =	simm.s32 $0x100  }
0x1b: {  	[tilespmem:s15], [sflag:$0x3] =	stream.indirect.gather [hbm4b:s3+s12], $0x80, s29, s12, $0xb8;
	[tilespmem:$0x6000] =	vst v63  }
0x1c: {  	s31 =	simm.s32 $0x180  }
0x1d: {  	[tilespmem:s16], [sflag:$0x4] =	stream.indirect.gather [hbm4b:s3+s12], $0x80, s31, s12, $0xb8;
	[tilespmem:$0x6000] =	vst v63  }
0x1e: {  	_ =	swait.ge [sflag:s17], $0x1400  }
0x1f: {  	[sflag:s17] =	ssyncset.done $0x0  }
0x20: {  	[sflag:s17] =	ssyncadd.s32 $0xFFFFEC00  }
0x21: {  	[hbm4b:s7+s2] =	stream.linear.scatter [tilespmem:s13], [sflag:$0x5], $0x1400, $0x38;
	[tilespmem:$0x6000] =	vst v63  }
0x22: {  	_ =	swait.ge [sflag:s11], $0x1400  }
0x23: {  	[sflag:s11] =	ssyncset.done $0x0  }
0x24: {  	[sflag:s11] =	ssyncadd.s32 $0xFFFFEC00  }
0x25: {  	_ =	swait.ge [sflag:s18], $0x1400  }
0x26: {  	[sflag:s18] =	ssyncset.done $0x0  }
0x27: {  	[sflag:s18] =	ssyncadd.s32 $0xFFFFEC00  }
0x28: {  	[hbm4b:s10+s2] =	stream.linear.scatter [tilespmem:s14], [sflag:$0x5], $0x1400, $0x38;
	[tilespmem:$0x6000] =	vst v63  }
0x29: {  	_ =	swait.ge [sflag:s11], $0x1400  }
0x2a: {  	[sflag:s11] =	ssyncset.done $0x0  }
0x2b: {  	[sflag:s11] =	ssyncadd.s32 $0xFFFFEC00  }
0x2c: {  	_ =	swait.ge [sflag:s19], $0x1400  }
0x2d: {  	[sflag:s19] =	ssyncset.done $0x0  }
0x2e: {  	[sflag:s19] =	ssyncadd.s32 $0xFFFFEC00  }
0x2f: {  	[hbm4b:s9+s2] =	stream.linear.scatter [tilespmem:s15], [sflag:$0x5], $0x1400, $0x38;
	[tilespmem:$0x6000] =	vst v63  }
0x30: {  	_ =	swait.ge [sflag:s11], $0x1400  }
0x31: {  	[sflag:s11] =	ssyncset.done $0x0  }
0x32: {  	[sflag:s11] =	ssyncadd.s32 $0xFFFFEC00  }
0x33: {  	_ =	swait.ge [sflag:s20], $0x1400  }
0x34: {  	[sflag:s20] =	ssyncset.done $0x0  }
0x35: {  	s28 =	simm.s32 $0x800;
	s30 =	simm.s32 $0x1000;
	[sflag:s20] =	ssyncadd.s32 $0xFFFFEC00  }
0x36: {  	[hbm4b:s8+s2] =	stream.linear.scatter [tilespmem:s16], [sflag:$0x5], $0x1400, $0x38;
	[tilespmem:$0x6000] =	vst v63  }
0x37: {  	s24 =	sadd.s32 $0xA00, s9;
	s25 =	sadd.s32 $0xA00, s10;
	_ =	swait.ge [sflag:s11], $0x1400  }
0x38: {  	s23 =	sadd.s32 $0xA00, s8;
	s26 =	sadd.s32 $0xA00, s7;
	[sflag:s11] =	ssyncset.done $0x0  }
.LBB2_2:
0x39: {  	s31 =	sshra.s32 s28, $0x2  }
0x3a: {  	[sflag:s11] =	ssyncadd.s32 $0xFFFFEC00;
	s28 =	smov.u32 s30;
	s29 =	sadd.s32 $0x800, s30  }
0x3b: {  	[tilespmem:s13], [sflag:$0x1] =	stream.indirect.gather [hbm4b:s3+s12], $0x80, s31, s12, $0xb8;
	[tilespmem:$0x6000] =	vst v63  }
0x3c: {  	p0 =	sne.s32 s30, $0x2800;
	s30 =	sadd.s32 $0x80, s31  }
0x3d: {  	[tilespmem:s14], [sflag:$0x2] =	stream.indirect.gather [hbm4b:s3+s12], $0x80, s30, s12, $0xb8;
	[tilespmem:$0x6000] =	vst v63  }
0x3e: {  	s30 =	sadd.s32 $0x100, s31  }
0x3f: {  	[tilespmem:s15], [sflag:$0x3] =	stream.indirect.gather [hbm4b:s3+s12], $0x80, s30, s12, $0xb8;
	[tilespmem:$0x6000] =	vst v63  }
0x40: {  	s30 =	sadd.s32 $0x180, s31  }
0x41: {  	[tilespmem:s16], [sflag:$0x4] =	stream.indirect.gather [hbm4b:s3+s12], $0x80, s30, s12, $0xb8;
	[tilespmem:$0x6000] =	vst v63  }
0x42: {  	_ =	swait.ge [sflag:s17], $0x1400  }
0x43: {  	[sflag:s17] =	ssyncset.done $0x0  }
0x44: {  	[sflag:s17] =	ssyncadd.s32 $0xFFFFEC00  }
0x45: {  	[hbm4b:s26+s2] =	stream.linear.scatter [tilespmem:s13], [sflag:$0x5], $0x1400, $0x38;
	[tilespmem:$0x6000] =	vst v63  }
0x46: {  	_ =	swait.ge [sflag:s11], $0x1400  }
0x47: {  	[sflag:s11] =	ssyncset.done $0x0  }
0x48: {  	[sflag:s11] =	ssyncadd.s32 $0xFFFFEC00  }
0x49: {  	_ =	swait.ge [sflag:s18], $0x1400  }
0x4a: {  	[sflag:s18] =	ssyncset.done $0x0  }
0x4b: {  	[sflag:s18] =	ssyncadd.s32 $0xFFFFEC00  }
0x4c: {  	[hbm4b:s25+s2] =	stream.linear.scatter [tilespmem:s14], [sflag:$0x5], $0x1400, $0x38;
	[tilespmem:$0x6000] =	vst v63  }
0x4d: {  	_ =	swait.ge [sflag:s11], $0x1400  }
0x4e: {  	[sflag:s11] =	ssyncset.done $0x0  }
0x4f: {  	[sflag:s11] =	ssyncadd.s32 $0xFFFFEC00  }
0x50: {  	_ =	swait.ge [sflag:s19], $0x1400  }
0x51: {  	[sflag:s19] =	ssyncset.done $0x0  }
0x52: {  	[sflag:s19] =	ssyncadd.s32 $0xFFFFEC00  }
0x53: {  	[hbm4b:s24+s2] =	stream.linear.scatter [tilespmem:s15], [sflag:$0x5], $0x1400, $0x38;
	[tilespmem:$0x6000] =	vst v63  }
0x54: {  	_ =	swait.ge [sflag:s11], $0x1400  }
0x55: {  	[sflag:s11] =	ssyncset.done $0x0  }
0x56: {  	[sflag:s11] =	ssyncadd.s32 $0xFFFFEC00  }
0x57: {  	_ =	swait.ge [sflag:s20], $0x1400  }
.Ltmp0:
0x58: {  	[sflag:s20] =	ssyncset.done $0x0;
	(pc) =	sbr.rel @p0 .LBB2_2-.Ltmp0, $4  }
0x59: {  	s30 =	smov.u32 s29;
	[sflag:s20] =	ssyncadd.s32 $0xFFFFEC00  }
0x5a: {  	[hbm4b:s23+s2] =	stream.linear.scatter [tilespmem:s16], [sflag:$0x5], $0x1400, $0x38;
	[tilespmem:$0x6000] =	vst v63  }
0x5b: {  	s25 =	sadd.s32 $0xA00, s25;
	s24 =	sadd.s32 $0xA00, s24;
	_ =	swait.ge [sflag:s11], $0x1400  }
0x5c: {  	s26 =	sadd.s32 $0xA00, s26;
	s23 =	sadd.s32 $0xA00, s23;
	[sflag:s11] =	ssyncset.done $0x0  }
0x5d: {  	s28 =	sshra.s32 s28, $0x2;
	[sflag:s11] =	ssyncadd.s32 $0xFFFFEC00  }
0x5e: {  	[tilespmem:s13], [sflag:$0x1] =	stream.indirect.gather [hbm4b:s3+s12], $0x80, s28, s12, $0xb8;
	[tilespmem:$0x6000] =	vst v63  }
0x5f: {  	s29 =	sadd.s32 $0x80, s28  }
0x60: {  	[tilespmem:s14], [sflag:$0x2] =	stream.indirect.gather [hbm4b:s3+s12], $0x80, s29, s12, $0xb8;
	[tilespmem:$0x6000] =	vst v63  }
0x61: {  	s31 =	sadd.s32 $0x100, s28  }
0x62: {  	[tilespmem:s15], [sflag:$0x3] =	stream.indirect.gather [hbm4b:s3+s12], $0x80, s31, s12, $0xb8;
	[tilespmem:$0x6000] =	vst v63  }
0x63: {  	s28 =	sadd.s32 $0x180, s28  }
0x64: {  	[tilespmem:s16], [sflag:$0x4] =	stream.indirect.gather [hbm4b:s3+s12], $0x80, s28, s12, $0xb8;
	[tilespmem:$0x6000] =	vst v63  }
0x65: {  	_ =	swait.ge [sflag:s17], $0x1400  }
0x66: {  	[sflag:s17] =	ssyncset.done $0x0  }
0x67: {  	[sflag:s17] =	ssyncadd.s32 $0xFFFFEC00  }
0x68: {  	[hbm4b:s26+s2] =	stream.linear.scatter [tilespmem:s13], [sflag:$0x5], $0x1400, $0x38;
	[tilespmem:$0x6000] =	vst v63  }
0x69: {  	_ =	swait.ge [sflag:s11], $0x1400  }
0x6a: {  	[sflag:s11] =	ssyncset.done $0x0  }
0x6b: {  	[sflag:s11] =	ssyncadd.s32 $0xFFFFEC00  }
0x6c: {  	_ =	swait.ge [sflag:s18], $0x1400  }
0x6d: {  	[sflag:s18] =	ssyncset.done $0x0  }
0x6e: {  	[sflag:s18] =	ssyncadd.s32 $0xFFFFEC00  }
0x6f: {  	[hbm4b:s25+s2] =	stream.linear.scatter [tilespmem:s14], [sflag:$0x5], $0x1400, $0x38;
	[tilespmem:$0x6000] =	vst v63  }
0x70: {  	_ =	swait.ge [sflag:s11], $0x1400  }
0x71: {  	[sflag:s11] =	ssyncset.done $0x0  }
0x72: {  	[sflag:s11] =	ssyncadd.s32 $0xFFFFEC00  }
0x73: {  	_ =	swait.ge [sflag:s19], $0x1400  }
0x74: {  	[sflag:s19] =	ssyncset.done $0x0  }
0x75: {  	[sflag:s19] =	ssyncadd.s32 $0xFFFFEC00  }
0x76: {  	[hbm4b:s24+s2] =	stream.linear.scatter [tilespmem:s15], [sflag:$0x5], $0x1400, $0x38;
	[tilespmem:$0x6000] =	vst v63  }
0x77: {  	_ =	swait.ge [sflag:s11], $0x1400  }
0x78: {  	[sflag:s11] =	ssyncset.done $0x0  }
0x79: {  	[sflag:s11] =	ssyncadd.s32 $0xFFFFEC00  }
0x7a: {  	_ =	swait.ge [sflag:s20], $0x1400  }
0x7b: {  	[sflag:s20] =	ssyncset.done $0x0  }
0x7c: {  	[sflag:s20] =	ssyncadd.s32 $0xFFFFEC00  }
0x7d: {  	[hbm4b:s23+s2] =	stream.linear.scatter [tilespmem:s16], [sflag:$0x5], $0x1400, $0x38;
	[tilespmem:$0x6000] =	vst v63  }
0x7e: {  	_ =	swait.ge [sflag:s11], $0x1400  }
0x7f: {  	[sflag:s11] =	ssyncset.done $0x0  }
0x80: {  	[sflag:s11] =	ssyncadd.s32 $0xFFFFEC00  }
0x81: {  	[tilespmem:s13], [sflag:$0x1] =	stream.indirect.gather [hbm4b:s3+s12], $0x80, s21, s12, $0xb8;
	[tilespmem:$0x6000] =	vst v63  }
0x82: {  	s22 =	sadd.s32 $0x1, s22;
	_ =	swait.ge [sflag:s17], $0x1400  }
0x83: {  	p0 =	sne.s32 s22, s6;
	[sflag:s17] =	ssyncset.done $0x0  }
.Ltmp1:
0x84: {  	[sflag:s17] =	ssyncadd.s32 $0xFFFFEC00;
	(pc) =	sbr.rel @p0 .LBB2_1-.Ltmp1, $4  }
0x85: {  	[hbm4b:s5+s2] =	stream.linear.scatter [tilespmem:s13], [sflag:$0x5], $0x1400, $0x38;
	[tilespmem:$0x6000] =	vst v63  }
0x86: {  	_ =	swait.ge [sflag:s11], $0x1400  }
0x87: {  	[sflag:s11] =	ssyncset.done $0x0  }
0x88: {  	[sflag:s11] =	ssyncadd.s32 $0xFFFFEC00  }
0x89: {  	_ =	sfence.sel $0x180000  }
0x8a: {  	[bflag:$0x0] =	sbarrier.arrive $0xFFFF  }
0x8b: {  	p0 =	sne.s32 s1, $0x0;
	_ =	strace $0x90000053  }
0x8c: {  	s0 =	sadd.s32 @!p0 $0x100000, s0;
	[bflag:$0x2] =	sbarrier.arrive $0xFFFF  }
0x8d: {  	[sflag:s0] =	ssyncadd.tile.s32 @!p0 $0x1;
	_ =	shalt  }
.Lfunc_end2:
_tile_overlayer_lowered:
.L_overlay_start_2:
0x8e: {  	(tag) =	ssettag $0x2  }
0x8f: {  	s0 =	rddreg [dreg:$0x0];
	s2 =	stileid.u32  }
0x90: {  	s1 =	rddreg [dreg:$0x1];
	p0 =	sne.s32 s2, $0x0  }
0x91: {  	s3 =	rddreg [dreg:$0x2];
	[bflag:$0x3] =	sbarrier.arrive $0xFFFF;
	s2 =	simm.s32 @!p0 $0x1C05  }
0x92: {  	[timem:s3], [sflag:s2] =	dma.local @!p0 [hbm:s0], s1  }
0x93: {  	s0 =	simm.s32 @!p0 $0x5  }
0x94: {  	_ =	swait.ge @!p0 [sflag:s0], s1  }
0x95: {  	s1 =	ssub.s32 @!p0 $0x0, s1;
	[sflag:s0] =	ssyncset.done @!p0 $0x0  }
0x96: {  	[sflag:s0] =	ssyncadd.s32 @!p0 s1  }
0x97: {  	[bflag:$0x3] =	sbarrier.arrive $0xFFFF  }
0x98: {  	_ =	shalt  }

// kernel: kernel.22.cloned.1.call-start
scs
__scs_entry_jumppad:
0x0: {  	(pc) =	sbr.rel $0x88, $3  }
0x1: {  	(tag) =	ssettag $0x0;
	lr =	simm.s32 $0x1  }
0x2: {  	[smem:$0x3F8C] =	sst lr;
	_ =	strace $0xD0000000  }
0x3: {  	_ = 	snop  }
0x4: {  	_ = 	snop  }
0x5: {  	_ = 	snop  }
0x6: {  	_ = 	snop  }
0x7: {  	_ = 	snop  }
__scs_overlays_trampoline_lowered:
0x8: {  	[smem:$0x3F9B] =	sst s0  }
0x9: {  	[smem:$0x3F9C] =	sst s1  }
0xa: {  	[smem:$0x3F9D] =	sst s2  }
0xb: {  	[smem:$0x3F9E] =	sst s3  }
0xc: {  	[smem:$0x3F9F] =	sst s4  }
0xd: {  	[smem:$0x3FA0] =	sst s5  }
0xe: {  	[smem:$0x3FA1] =	sst s6  }
0xf: {  	[smem:$0x3FA2] =	sst s7  }
0x10: {  	[smem:$0x3FA3] =	sst s8  }
0x11: {  	[smem:$0x3FA4] =	sst s9;
	s0 =	simm.s32 @!p0 $0x0  }
0x12: {  	s1 =	sld [smem:$0x3F8A];
	s0 =	simm.s32 @p0 $0x1  }
0x13: {  	[smem:$0x3FA5] =	sst s0;
	s0 =	simm.s32 @!p1 $0x0  }
0x14: {  	s2 =	sld [smem:$0x3F89];
	s0 =	simm.s32 @p1 $0x1  }
0x15: {  	[smem:$0x3FA6] =	sst s0;
	s0 =	simm.s32 @!p2 $0x0  }
0x16: {  	s3 =	sld [smem:$0x3FDB];
	s0 =	simm.s32 @p2 $0x1  }
0x17: {  	s4 =	simm.s32 $0x1BF5;
	[smem:$0x3FA8] =	sst s0  }
0x18: {  	s0 =	sld [smem:$0x3F8B];
	_ =	swait.ge [sflag:s4], $0x0  }
0x19: {  	s7 =	sld [smem:$0x3F8C]  }
0x1a: {  	s8 =	sadd.s32 $0xFFFFE003, lr  }
0x1b: {  	s9 =	sadd.s32 $0xFFFFFEF7, lr;
	s5 =	simm.s32 $0xFFFFFFFF;
	p2 =	slt.u32 s8, $0xFFFFF086  }
0x1c: {  	p1 =	slt.u32 s9, $0xF7A;
	s5 =	simm.s32 @!p2 $0x0  }
0x1d: {  	s5 =	simm.s32 @p1 $0x1;
	p0 =	seq.s32 s7, s2  }
0x1e: {  	s7 =	smul.u32 @!p0 $0xF7A, s2;
	p2 =	seq.s32 @!p0 s5, $0x0  }
0x1f: {  	s9 =	smul.u32 $0xF7A, s1;
	s8 =	simm.s32 @!p0 $0x1BF5;
	p2 =	por !p2, p0  }
0x20: {  	[sflag:s8] =	ssyncset.s32 @!p0 $0xFFFFF086;
	s6 =	sadd.s32 @!p0 s3, s7;
	s7 =	simm.s32 @!p0 $0x108  }
0x21: {  	s3 =	sadd.s32 s3, s9;
	s6 =	sadd.s32 @!p0 $0x88, s6;
	s7 =	simm.s32 @p2 $0x1082  }
0x22: {  	[simem:s7], [sflag:s8] =	dma.local @!p0 [hbm:s6], $0xF7A  }
0x23: {  	s9 =	sor.u32 $0xD0000000, s2;
	s6 =	simm.s32 $0x108;
	_ =	swait.ge @!p0 [sflag:s8], $0x0  }
0x24: {  	s3 =	sadd.s32 $0x88, s3;
	s6 =	simm.s32 @!p1 $0x1082;
	[sflag:s4] =	ssyncset.s32 $0xFFFFF086  }
0x25: {  	[simem:s6], [sflag:s4] =	dma.local [hbm:s3], $0xF7A  }
0x26: {  	[smem:$0x3F8C] =	sst s1;
	(tag) =	ssettag s2;
	_ =	strace s9  }
0x27: {  	s1 =	sld [smem:$0x3F9C]  }
0x28: {  	s2 =	sld [smem:$0x3F9D]  }
0x29: {  	s4 =	sld [smem:$0x3F9F]  }
0x2a: {  	p0 =	seq.s32 s5, $0x0;
	s5 =	sld [smem:$0x3FA0]  }
0x2b: {  	s6 =	sld [smem:$0x3FA1]  }
0x2c: {  	s7 =	sld [smem:$0x3FA2]  }
0x2d: {  	s3 =	simm.s32 $0x108;
	s8 =	sld [smem:$0x3FA3]  }
0x2e: {  	s3 =	simm.s32 @!p0 $0x1082;
	s9 =	sld [smem:$0x3FA4]  }
0x2f: {  	lr =	sadd.s32 s0, s3;
	s0 =	sld [smem:$0x3F9B]  }
0x30: {  	s3 =	sld [smem:$0x3F9E]  }
0x31: {  	[smem:$0x3FA7] =	sst s10  }
0x32: {  	s10 =	sld [smem:$0x3FA5];
	_ =	sdelay $0x3  }
0x33: {  	p0 =	seq.s32 s10, $0x1;
	s10 =	sld [smem:$0x3FA7];
	_ =	sdelay $0x3  }
0x34: {  	[smem:$0x3FA7] =	sst s10  }
0x35: {  	s10 =	sld [smem:$0x3FA6];
	_ =	sdelay $0x3  }
0x36: {  	p1 =	seq.s32 s10, $0x1;
	s10 =	sld [smem:$0x3FA7];
	_ =	sdelay $0x3  }
0x37: {  	[smem:$0x3FA7] =	sst s10  }
0x38: {  	s10 =	sld [smem:$0x3FA8]  }
0x39: {  	_ = 	snop;
	(pc) =	sbr.ind lr, $3  }
0x3a: {  	_ = 	snop  }
0x3b: {  	_ = 	snop  }
0x3c: {  	p2 =	seq.s32 s10, $0x1;
	s10 =	sld [smem:$0x3FA7]  }
0x3d: {  	_ =	shalt  }
0x3e: {  	_ =	shalt  }
0x3f: {  	_ =	shalt  }
0x40: {  	_ =	shalt  }
0x41: {  	_ =	shalt  }
0x42: {  	_ =	shalt  }
0x43: {  	_ =	shalt  }
0x44: {  	_ =	shalt  }
0x45: {  	_ =	shalt  }
0x46: {  	_ =	shalt  }
0x47: {  	_ =	shalt  }
0x48: {  	_ =	shalt  }
0x49: {  	_ =	shalt  }
0x4a: {  	_ =	shalt  }
0x4b: {  	_ =	shalt  }
0x4c: {  	_ =	shalt  }
0x4d: {  	_ =	shalt  }
0x4e: {  	_ =	shalt  }
0x4f: {  	_ =	shalt  }
0x50: {  	_ =	shalt  }
0x51: {  	_ =	shalt  }
0x52: {  	_ =	shalt  }
0x53: {  	_ =	shalt  }
0x54: {  	_ =	shalt  }
0x55: {  	_ =	shalt  }
0x56: {  	_ =	shalt  }
0x57: {  	_ =	shalt  }
0x58: {  	_ =	shalt  }
0x59: {  	_ =	shalt  }
0x5a: {  	_ =	shalt  }
0x5b: {  	_ =	shalt  }
0x5c: {  	_ =	shalt  }
0x5d: {  	_ =	shalt  }
0x5e: {  	_ =	shalt  }
0x5f: {  	_ =	shalt  }
0x60: {  	_ =	shalt  }
0x61: {  	_ =	shalt  }
0x62: {  	_ =	shalt  }
0x63: {  	_ =	shalt  }
0x64: {  	_ =	shalt  }
0x65: {  	_ =	shalt  }
0x66: {  	_ =	shalt  }
0x67: {  	_ =	shalt  }
0x68: {  	_ =	shalt  }
0x69: {  	_ =	shalt  }
0x6a: {  	_ =	shalt  }
0x6b: {  	_ =	shalt  }
0x6c: {  	_ =	shalt  }
0x6d: {  	_ =	shalt  }
0x6e: {  	_ =	shalt  }
0x6f: {  	_ =	shalt  }
0x70: {  	_ =	shalt  }
0x71: {  	_ =	shalt  }
0x72: {  	_ =	shalt  }
0x73: {  	_ =	shalt  }
0x74: {  	_ =	shalt  }
0x75: {  	_ =	shalt  }
0x76: {  	_ =	shalt  }
0x77: {  	_ =	shalt  }
0x78: {  	_ =	shalt  }
0x79: {  	_ =	shalt  }
0x7a: {  	_ =	shalt  }
0x7b: {  	_ =	shalt  }
0x7c: {  	_ =	shalt  }
0x7d: {  	_ =	shalt  }
0x7e: {  	_ =	shalt  }
0x7f: {  	_ =	shalt  }
0x80: {  	_ =	shalt  }
0x81: {  	_ =	shalt  }
0x82: {  	_ =	shalt  }
0x83: {  	_ =	shalt  }
0x84: {  	_ =	shalt  }
0x85: {  	_ =	shalt  }
0x86: {  	_ =	shalt  }
0x87: {  	_ =	shalt  }
.Lfunc_end0:
.L_simem_size_0:
called_computation.2_lowered:
.L_overlay_start_0:
0x88: {  	s2 =	sld [smem:$0x3FD9]  }
0x89: {  	s3 =	sld [smem:$0x3FFE];
	_ =	sdelay $0x1  }
0x8a: {  	s1 =	srdreg.scid  }
0x8b: {  	s0 =	sand.u32 $0x1, s1  }
0x8c: {  	s17 =	sshll.u32 s0, $0xA;
	s2 =	sadd.s32 s3, s2  }
0x8d: {  	s2 =	sadd.s32 s2, s17  }
0x8e: {  	[smem:$0x3FB3] =	sst s2  }
0x8f: {  	_ = 	snop  }
0x90: {  	(tm) =	ssettm $0x1  }
0x91: {  	s18 =	sld [smem:$0x3FFB];
	_ =	sdelay $0x3  }
0x92: {  	_ =	strace s18  }
0x93: {  	s2 =	sld [smem:$0x3FFC];
	_ =	sdelay $0x3  }
0x94: {  	_ =	strace s2  }
0x95: {  	s2 =	sld [smem:$0x3FFD];
	_ =	sdelay $0x3  }
0x96: {  	_ =	strace s2  }
0x97: {  	_ =	strace $0x8FFFFFFF  }
0x98: {  	s19 =	sld [smem:$0x3FDB];
	_ =	sdelay $0x1  }
0x99: {  	s20 =	simm.s32 $_scs_section_size  }
0x9a: {  	s4 =	simm.s32 $_size__tile_overlayer_lowered;
	s5 =	simm.s32 $_tile_overlayer_lowered  }
0x9b: {  	s6 =	simm.s32 $0x1BFF;
	s21 =	sshll.u32 s5, $0x1;
	s3 =	sadd.s32 s20, s19  }
0x9c: {  	s22 =	simm.s32 $0x0;
	s4 =	sshll.u32 s4, $0x1;
	s5 =	sadd.s32 s21, s3  }
0x9d: {  	[timem:s22], [sflag:s6] =	dma.local [hbm:s5], s4  }
0x9e: {  	_ =	swait.ge [sflag:s6], s4  }
0x9f: {  	s4 =	ssub.s32 $0x0, s4;
	[sflag:s6] =	ssyncset.done $0x0  }
0xa0: {  	[sflag:s6] =	ssyncadd.s32 s4;
	_ =	sdelay $0x1  }
0xa1: {  	s23 =	simm.s32 $0x1B8B  }
0xa2: {  	_ =	swait.ge [sflag:s23], $0x1  }
0xa3: {  	[sflag:s23] =	ssyncset.done $0x0  }
0xa4: {  	[sflag:s23] =	ssyncadd.s32 $0xFFFFFFFF  }
0xa5: {  	s4 =	sld [smem:$0x0]  }
0xa6: {  	s5 =	sand.u32 $0xFFFFFFFE, s1  }
0xa7: {  	p0 =	sne.s32 s1, s5  }
0xa8: {  	s5 =	sshll.u32 @p0 s5, $0xE  }
0xa9: {  	s5 =	sadd.s32 @p0 $0x11B8D, s5;
	s6 =	sshll.u32 @p0 s4, $0x11  }
0xaa: {  	s5 =	sor.u32 @p0 s6, s5  }
0xab: {  	[sflag:s5] =	ssyncadd.remote.s32 @p0 $0x1;
	_ =	sdelay $0x1  }
0xac: {  	s5 =	simm.s32 @p0 $0x1B8D  }
0xad: {  	_ =	swait.eq @p0 [sflag:s5], $0x1  }
0xae: {  	[sflag:s5] =	ssyncadd.s32 @p0 $0xFFFFFFFF  }
0xaf: {  	s6 =	sshll.u32 @!p0 s1, $0xE  }
0xb0: {  	s6 =	sor.u32 @!p0 $0x4000, s6;
	s5 =	simm.s32 @!p0 $0x1B8D  }
0xb1: {  	s4 =	sshll.u32 @!p0 s4, $0x11;
	s6 =	sadd.s32 @!p0 $0x11B8D, s6;
	_ =	swait.eq @!p0 [sflag:s5], $0x1  }
0xb2: {  	s4 =	sor.u32 @!p0 s4, s6;
	[sflag:s5] =	ssyncadd.s32 @!p0 $0xFFFFFFFF  }
0xb3: {  	s25 =	simm.s32 $0x1B8E;
	s24 =	sld [smem:$0x3FFE];
	[sflag:s4] =	ssyncadd.remote.s32 @!p0 $0x1  }
0xb4: {  	s26 =	simm.s32 $execute0_lowered;
	[smem:$0x3FD2] =	sst s25  }
0xb5: {  	s5 =	sshll.u32 s26, $0x1;
	_ =	strace $0x8000005E;
	[dreg:$0x1] =	wrdreg $0xFFFFFFFF  }
0xb6: {  	s28 =	simm.s32 $_size_execute0_lowered;
	s3 =	sadd.s32 s3, s5;
	[dreg:$0x0] =	wrdreg $0x0  }
0xb7: {  	s5 =	sshll.u32 s28, $0x1;
	[dreg:$0x2] =	wrdreg s3  }
0xb8: {  	[dreg:$0x3] =	wrdreg s5  }
0xb9: {  	[dreg:$0x4] =	wrdreg $0xC0  }
0xba: {  	_ =	task [dreg:s22], $0x5FFFF  }
0xbb: {  	[dreg:$0x1] =	wrdreg $0xFFFFFFFF  }
0xbc: {  	[dreg:$0x0] =	wrdreg $0x60  }
0xbd: {  	[dreg:$0x2] =	wrdreg s24  }
0xbe: {  	[dreg:$0x3] =	wrdreg $0x44000  }
0xbf: {  	[dreg:$0x4] =	wrdreg $0x9  }
0xc0: {  	_ =	task.clear_ibuf [dreg:s22], $0x5FFFF;
	_ =	strace $0x9000005E  }
0xc1: {  	s29 =	simm.s32 $0x9;
	_ =	strace $0x80000060  }
0xc2: {  	_ =	swait.ge [sflag:s29], $0x1  }
0xc3: {  	[sflag:s29] =	ssyncadd.s32 $0xFFFFFFFF  }
0xc4: {  	_ =	strace $0x90000060  }
0xc5: {  	_ =	sfence  }
0xc6: {  	s30 =	sld [smem:$0x0];
	_ =	sdelay $0x2  }
0xc7: {  	s31 =	sshll.u32 s1, $0xD;
	s1 =	sshrl.u32 s1, $0x2  }
0xc8: {  	s4 =	sand.u32 $0x4000, s31;
	s1 =	sadd.s32 s1, s30  }
0xc9: {  	s0 =	sor.u32 s4, s0;
	s1 =	sshll.u32 s1, $0x11  }
0xca: {  	s0 =	sor.u32 s1, s0  }
0xcb: {  	s0 =	sadd.s32 $0x8F2B, s0  }
0xcc: {  	[sflag:s0] =	ssyncadd.remote.s32 $0x1  }
0xcd: {  	_ =	sfence.sel $0xFFFF  }
0xce: {  	[dreg:$0x0] =	wrdreg $0xFFFFFFFF;
	(pc) =	sbr.abs _section_cstart, $3  }
0xcf: {  	[dreg:$0x1] =	wrdreg $0xFFFFFFFF  }
0xd0: {  	_ =	task.clear_ibuf [dreg:s22], $0x2FFFF;
	_ =	strace $0x9FFFFFFF  }
0xd1: {  	(tm) =	ssettm $0x7FFFFFFF  }
tec
execute0_lowered:
.L_overlay_start_1:
0x0: {  	(tag) =	ssettag $0x1  }
0x1: {  	s4 =	rddreg [dreg:$0x0]  }
0x2: {  	s2 =	rddreg [dreg:$0x1]  }
0x3: {  	s0 =	rddreg [dreg:$0x2];
	s3 =	simm.s32 $0x0;
	s1 =	stileid.u32  }
0x4: {  	s6 =	srdreg.scid;
	s15 =	simm.s32 $0x1;
	s5 =	smul.u32 $0x14000, s1  }
0x5: {  	s16 =	simm.s32 $0x28;
	s17 =	simm.s32 $0x2;
	s7 =	smul.u32 $0x380, s1  }
0x6: {  	s18 =	simm.s32 $0x0;
	[smem:$0x7FF] =	sst s3;
	s11 =	smul.u32 $0x50000, s1  }
0x7: {  	s6 =	sand.u32 $0x1, s6;
	s10 =	sadd.s32 $0x12400, s4;
	s13 =	smul.u32 $0x3E800, s1  }
0x8: {  	s28 =	sshll.u32 s1, $0x6;
	_ =	strace $0x8000005F;
	s9 =	smul.u32 $0x140000, s6  }
0x9: {  	s25 =	ssub.s32 $0x2, s6;
	s6 =	smul.u32 $0x3E8000, s6;
	s8 =	sshrl.u32 s5, $0x3  }
0xa: {  	s7 =	sadd.s32 s7, s4;
	s12 =	sshrl.u32 s25, $0x1;
	s26 =	sshrl.u32 s11, $0x2  }
0xb: {  	s8 =	sadd.s32 s8, s4;
	s5 =	sadd.s32 s5, s9;
	s9 =	ssub.s32 s25, s12  }
0xc: {  	s11 =	sadd.s32 s26, s2;
	s29 =	sadd.s32 s13, s6;
	s6 =	sadd.s32 $0xEC00, s7  }
0xd: {  	s13 =	simm.s32 $0x1C00;
	s5 =	sshrl.u32 s5, $0x3;
	s30 =	sadd.s32 $0x1400, s29  }
0xe: {  	s12 =	sshrl.u32 s29, $0x3;
	s11 =	sshrl.u32 s11, $0x3;
	s14 =	sadd.s32 s5, s4  }
0xf: {  	s4 =	sadd.s32 $0x5BDE00, s8;
	s5 =	sor.u32 $0x1C03, s28;
	s31 =	sshrl.u32 s30, $0x3  }
0x10: {  	s8 =	smax.u32 s9, $0x1;
	s7 =	sadd.s32 $0x635E00, s14;
	s9 =	sadd.s32 s31, s10  }
0x11: {  	s10 =	sadd.s32 s12, s10;
	s12 =	simm.s32 $0x3;
	s14 =	simm.s32 $0x3000  }
.LBB2_1:
0x12: {  	[spmem:s11], [sflag:s5] =	dma.local [hbm:s4], $0x2800  }
0x13: {  	_ =	swait.ge [sflag:s12], $0x2800  }
0x14: {  	[sflag:s12] =	ssyncset.done $0x0  }
0x15: {  	[sflag:s12] =	ssyncadd.s32 $0xFFFFD800  }
0x16: {  	[tilespmem:s3], [sflag:$0x3] =	stream.linear.gather [hbm4b:s6+s3], $0x1900, $0x38;
	[tilespmem:$0x18400] =	vst v63  }
0x17: {  	_ =	swait.ge [sflag:s12], $0x1900  }
0x18: {  	[sflag:s12] =	ssyncset.done $0x0  }
0x19: {  	[sflag:s12] =	ssyncadd.s32 $0xFFFFE700  }
0x1a: {  	s19 =	sadd.s32 $0x0, s10;
	[bflag:$0x0] =	sbarrier.arrive $0xFFFF  }
0x1b: {  	[tilespmem:s13], [sflag:$0x1] =	stream.linear.gather [hbm4b:s19+s3], $0x1400, $0x38;
	[tilespmem:$0x18400] =	vst v63  }
0x1c: {  	s29 =	sadd.s32 $0x0, s9  }
0x1d: {  	[tilespmem:s14], [sflag:$0x2] =	stream.linear.gather [hbm4b:s29+s3], $0x1400, $0x38;
	[tilespmem:$0x18400] =	vst v63  }
0x1e: {  	_ =	swait.ge [sflag:s15], $0x1400  }
0x1f: {  	[sflag:s15] =	ssyncset.done $0x0  }
0x20: {  	s30 =	simm.s32 $0x0;
	[sflag:s15] =	ssyncadd.s32 $0xFFFFEC00  }
0x21: {  	[spmem:s2] =	stream.indirect.scatter.add.f32 [tilespmem:s13], [sflag:$0x3], $0x80, s30, s16, $0xb8;
	[tilespmem:$0x18400] =	vst v63  }
0x22: {  	_ =	swait.ge [sflag:s12], $0x1400  }
0x23: {  	[sflag:s12] =	ssyncset.done $0x0  }
0x24: {  	[sflag:s12] =	ssyncadd.s32 $0xFFFFEC00  }
0x25: {  	_ =	swait.ge [sflag:s17], $0x1400  }
0x26: {  	[sflag:s17] =	ssyncset.done $0x0  }
0x27: {  	s31 =	simm.s32 $0x80;
	[sflag:s17] =	ssyncadd.s32 $0xFFFFEC00  }
0x28: {  	[spmem:s2] =	stream.indirect.scatter.add.f32 [tilespmem:s14], [sflag:$0x3], $0x80, s31, s16, $0xb8;
	[tilespmem:$0x18400] =	vst v63  }
0x29: {  	s20 =	simm.s32 $0x500;
	_ =	swait.ge [sflag:s12], $0x1400  }
0x2a: {  	s21 =	simm.s32 $0xA00;
	s19 =	simm.s32 $0x180;
	[sflag:s12] =	ssyncset.done $0x0  }
.LBB2_2:
0x2b: {  	s22 =	sadd.s32 s20, s10  }
0x2c: {  	[sflag:s12] =	ssyncadd.s32 $0xFFFFEC00;
	s23 =	smov.u32 s21;
	s24 =	sadd.s32 $0x500, s21  }
0x2d: {  	[tilespmem:s13], [sflag:$0x1] =	stream.linear.gather [hbm4b:s22+s3], $0x1400, $0x38;
	[tilespmem:$0x18400] =	vst v63  }
0x2e: {  	p0 =	sne.s32 s21, $0x7800;
	s21 =	sadd.s32 s20, s9;
	s20 =	smov.u32 s23  }
0x2f: {  	[tilespmem:s14], [sflag:$0x2] =	stream.linear.gather [hbm4b:s21+s3], $0x1400, $0x38;
	[tilespmem:$0x18400] =	vst v63  }
0x30: {  	_ =	swait.ge [sflag:s15], $0x1400  }
0x31: {  	[sflag:s15] =	ssyncset.done $0x0  }
0x32: {  	s21 =	sadd.s32 $0xFFFFFF80, s19;
	[sflag:s15] =	ssyncadd.s32 $0xFFFFEC00  }
0x33: {  	[spmem:s2] =	stream.indirect.scatter.add.f32 [tilespmem:s13], [sflag:$0x3], $0x80, s21, s16, $0xb8;
	[tilespmem:$0x18400] =	vst v63  }
0x34: {  	_ =	swait.ge [sflag:s12], $0x1400  }
0x35: {  	[sflag:s12] =	ssyncset.done $0x0  }
0x36: {  	[sflag:s12] =	ssyncadd.s32 $0xFFFFEC00  }
0x37: {  	_ =	swait.ge [sflag:s17], $0x1400  }
.Ltmp0:
0x38: {  	[sflag:s17] =	ssyncset.done $0x0;
	(pc) =	sbr.rel @p0 .LBB2_2-.Ltmp0, $4  }
0x39: {  	[sflag:s17] =	ssyncadd.s32 $0xFFFFEC00  }
0x3a: {  	[spmem:s2] =	stream.indirect.scatter.add.f32 [tilespmem:s14], [sflag:$0x3], $0x80, s19, s16, $0xb8;
	[tilespmem:$0x18400] =	vst v63  }
0x3b: {  	_ =	swait.ge [sflag:s12], $0x1400  }
0x3c: {  	s21 =	smov.u32 s24;
	s19 =	sadd.s32 $0x100, s19;
	[sflag:s12] =	ssyncset.done $0x0  }
0x3d: {  	s21 =	sadd.s32 s20, s10;
	[sflag:s12] =	ssyncadd.s32 $0xFFFFEC00  }
0x3e: {  	[tilespmem:s13], [sflag:$0x1] =	stream.linear.gather [hbm4b:s21+s3], $0x1400, $0x38;
	[tilespmem:$0x18400] =	vst v63  }
0x3f: {  	s30 =	sadd.s32 s20, s9  }
0x40: {  	[tilespmem:s14], [sflag:$0x2] =	stream.linear.gather [hbm4b:s30+s3], $0x1400, $0x38;
	[tilespmem:$0x18400] =	vst v63  }
0x41: {  	_ =	swait.ge [sflag:s15], $0x1400  }
0x42: {  	[sflag:s15] =	ssyncset.done $0x0  }
0x43: {  	s31 =	sadd.s32 $0xFFFFFF80, s19;
	[sflag:s15] =	ssyncadd.s32 $0xFFFFEC00  }
0x44: {  	[spmem:s2] =	stream.indirect.scatter.add.f32 [tilespmem:s13], [sflag:$0x3], $0x80, s31, s16, $0xb8;
	[tilespmem:$0x18400] =	vst v63  }
0x45: {  	_ =	swait.ge [sflag:s12], $0x1400  }
0x46: {  	[sflag:s12] =	ssyncset.done $0x0  }
0x47: {  	[sflag:s12] =	ssyncadd.s32 $0xFFFFEC00  }
0x48: {  	_ =	swait.ge [sflag:s17], $0x1400  }
0x49: {  	[sflag:s17] =	ssyncset.done $0x0  }
0x4a: {  	[sflag:s17] =	ssyncadd.s32 $0xFFFFEC00  }
0x4b: {  	[spmem:s2] =	stream.indirect.scatter.add.f32 [tilespmem:s14], [sflag:$0x3], $0x80, s19, s16, $0xb8;
	[tilespmem:$0x18400] =	vst v63  }
0x4c: {  	_ =	swait.ge [sflag:s12], $0x1400  }
0x4d: {  	s18 =	sadd.s32 $0x1, s18;
	[sflag:s12] =	ssyncset.done $0x0  }
0x4e: {  	p0 =	sne.s32 s18, s8;
	[sflag:s12] =	ssyncadd.s32 $0xFFFFEC00  }
.Ltmp1:
0x4f: {  	[bflag:$0x0] =	sbarrier.arrive $0xFFFF;
	(pc) =	sbr.rel @p0 .LBB2_1-.Ltmp1, $4  }
0x50: {  	[hbm:s7], [sflag:s5] =	dma.local [spmem:s11], $0x2800  }
0x51: {  	_ =	swait.ge [sflag:s12], $0x2800  }
0x52: {  	[sflag:s12] =	ssyncset.done $0x0  }
0x53: {  	[sflag:s12] =	ssyncadd.s32 $0xFFFFD800  }
0x54: {  	_ =	sfence.sel $0x180000  }
0x55: {  	[bflag:$0x0] =	sbarrier.arrive $0xFFFF  }
0x56: {  	p0 =	sne.s32 s1, $0x0;
	_ =	strace $0x9000005F  }
0x57: {  	s0 =	sadd.s32 @!p0 $0x100000, s0;
	[bflag:$0x2] =	sbarrier.arrive $0xFFFF  }
0x58: {  	[sflag:s0] =	ssyncadd.tile.s32 @!p0 $0x1;
	_ =	shalt  }
.Lfunc_end2:
_tile_overlayer_lowered:
.L_overlay_start_2:
0x59: {  	(tag) =	ssettag $0x2  }
0x5a: {  	s0 =	rddreg [dreg:$0x0];
	s2 =	stileid.u32  }
0x5b: {  	s1 =	rddreg [dreg:$0x1];
	p0 =	sne.s32 s2, $0x0  }
0x5c: {  	s3 =	rddreg [dreg:$0x2];
	[bflag:$0x3] =	sbarrier.arrive $0xFFFF;
	s2 =	simm.s32 @!p0 $0x1C03  }
0x5d: {  	[timem:s3], [sflag:s2] =	dma.local @!p0 [hbm:s0], s1  }
0x5e: {  	s0 =	simm.s32 @!p0 $0x3  }
0x5f: {  	_ =	swait.ge @!p0 [sflag:s0], s1  }
0x60: {  	s1 =	ssub.s32 @!p0 $0x0, s1;
	[sflag:s0] =	ssyncset.done @!p0 $0x0  }
0x61: {  	[sflag:s0] =	ssyncadd.s32 @!p0 s1  }
0x62: {  	[bflag:$0x3] =	sbarrier.arrive $0xFFFF  }
0x63: {  	_ =	shalt  }

// kernel: kernel.25.cloned.1.call-start
scs
__scs_entry_jumppad:
0x0: {  	(pc) =	sbr.rel $0x88, $3  }
0x1: {  	(tag) =	ssettag $0x0;
	lr =	simm.s32 $0x1  }
0x2: {  	[smem:$0x3F8C] =	sst lr;
	_ =	strace $0xD0000000  }
0x3: {  	_ = 	snop  }
0x4: {  	_ = 	snop  }
0x5: {  	_ = 	snop  }
0x6: {  	_ = 	snop  }
0x7: {  	_ = 	snop  }
__scs_overlays_trampoline_lowered:
0x8: {  	[smem:$0x3F9B] =	sst s0  }
0x9: {  	[smem:$0x3F9C] =	sst s1  }
0xa: {  	[smem:$0x3F9D] =	sst s2  }
0xb: {  	[smem:$0x3F9E] =	sst s3  }
0xc: {  	[smem:$0x3F9F] =	sst s4  }
0xd: {  	[smem:$0x3FA0] =	sst s5  }
0xe: {  	[smem:$0x3FA1] =	sst s6  }
0xf: {  	[smem:$0x3FA2] =	sst s7  }
0x10: {  	[smem:$0x3FA3] =	sst s8  }
0x11: {  	[smem:$0x3FA4] =	sst s9;
	s0 =	simm.s32 @!p0 $0x0  }
0x12: {  	s1 =	sld [smem:$0x3F8A];
	s0 =	simm.s32 @p0 $0x1  }
0x13: {  	[smem:$0x3FA5] =	sst s0;
	s0 =	simm.s32 @!p1 $0x0  }
0x14: {  	s2 =	sld [smem:$0x3F89];
	s0 =	simm.s32 @p1 $0x1  }
0x15: {  	[smem:$0x3FA6] =	sst s0;
	s0 =	simm.s32 @!p2 $0x0  }
0x16: {  	s3 =	sld [smem:$0x3FDB];
	s0 =	simm.s32 @p2 $0x1  }
0x17: {  	s4 =	simm.s32 $0x1BF5;
	[smem:$0x3FA8] =	sst s0  }
0x18: {  	s0 =	sld [smem:$0x3F8B];
	_ =	swait.ge [sflag:s4], $0x0  }
0x19: {  	s7 =	sld [smem:$0x3F8C]  }
0x1a: {  	s8 =	sadd.s32 $0xFFFFE003, lr  }
0x1b: {  	s9 =	sadd.s32 $0xFFFFFEF7, lr;
	s5 =	simm.s32 $0xFFFFFFFF;
	p2 =	slt.u32 s8, $0xFFFFF086  }
0x1c: {  	p1 =	slt.u32 s9, $0xF7A;
	s5 =	simm.s32 @!p2 $0x0  }
0x1d: {  	s5 =	simm.s32 @p1 $0x1;
	p0 =	seq.s32 s7, s2  }
0x1e: {  	s7 =	smul.u32 @!p0 $0xF7A, s2;
	p2 =	seq.s32 @!p0 s5, $0x0  }
0x1f: {  	s9 =	smul.u32 $0xF7A, s1;
	s8 =	simm.s32 @!p0 $0x1BF5;
	p2 =	por !p2, p0  }
0x20: {  	[sflag:s8] =	ssyncset.s32 @!p0 $0xFFFFF086;
	s6 =	sadd.s32 @!p0 s3, s7;
	s7 =	simm.s32 @!p0 $0x108  }
0x21: {  	s3 =	sadd.s32 s3, s9;
	s6 =	sadd.s32 @!p0 $0x88, s6;
	s7 =	simm.s32 @p2 $0x1082  }
0x22: {  	[simem:s7], [sflag:s8] =	dma.local @!p0 [hbm:s6], $0xF7A  }
0x23: {  	s9 =	sor.u32 $0xD0000000, s2;
	s6 =	simm.s32 $0x108;
	_ =	swait.ge @!p0 [sflag:s8], $0x0  }
0x24: {  	s3 =	sadd.s32 $0x88, s3;
	s6 =	simm.s32 @!p1 $0x1082;
	[sflag:s4] =	ssyncset.s32 $0xFFFFF086  }
0x25: {  	[simem:s6], [sflag:s4] =	dma.local [hbm:s3], $0xF7A  }
0x26: {  	[smem:$0x3F8C] =	sst s1;
	(tag) =	ssettag s2;
	_ =	strace s9  }
0x27: {  	s1 =	sld [smem:$0x3F9C]  }
0x28: {  	s2 =	sld [smem:$0x3F9D]  }
0x29: {  	s4 =	sld [smem:$0x3F9F]  }
0x2a: {  	p0 =	seq.s32 s5, $0x0;
	s5 =	sld [smem:$0x3FA0]  }
0x2b: {  	s6 =	sld [smem:$0x3FA1]  }
0x2c: {  	s7 =	sld [smem:$0x3FA2]  }
0x2d: {  	s3 =	simm.s32 $0x108;
	s8 =	sld [smem:$0x3FA3]  }
0x2e: {  	s3 =	simm.s32 @!p0 $0x1082;
	s9 =	sld [smem:$0x3FA4]  }
0x2f: {  	lr =	sadd.s32 s0, s3;
	s0 =	sld [smem:$0x3F9B]  }
0x30: {  	s3 =	sld [smem:$0x3F9E]  }
0x31: {  	[smem:$0x3FA7] =	sst s10  }
0x32: {  	s10 =	sld [smem:$0x3FA5];
	_ =	sdelay $0x3  }
0x33: {  	p0 =	seq.s32 s10, $0x1;
	s10 =	sld [smem:$0x3FA7];
	_ =	sdelay $0x3  }
0x34: {  	[smem:$0x3FA7] =	sst s10  }
0x35: {  	s10 =	sld [smem:$0x3FA6];
	_ =	sdelay $0x3  }
0x36: {  	p1 =	seq.s32 s10, $0x1;
	s10 =	sld [smem:$0x3FA7];
	_ =	sdelay $0x3  }
0x37: {  	[smem:$0x3FA7] =	sst s10  }
0x38: {  	s10 =	sld [smem:$0x3FA8]  }
0x39: {  	_ = 	snop;
	(pc) =	sbr.ind lr, $3  }
0x3a: {  	_ = 	snop  }
0x3b: {  	_ = 	snop  }
0x3c: {  	p2 =	seq.s32 s10, $0x1;
	s10 =	sld [smem:$0x3FA7]  }
0x3d: {  	_ =	shalt  }
0x3e: {  	_ =	shalt  }
0x3f: {  	_ =	shalt  }
0x40: {  	_ =	shalt  }
0x41: {  	_ =	shalt  }
0x42: {  	_ =	shalt  }
0x43: {  	_ =	shalt  }
0x44: {  	_ =	shalt  }
0x45: {  	_ =	shalt  }
0x46: {  	_ =	shalt  }
0x47: {  	_ =	shalt  }
0x48: {  	_ =	shalt  }
0x49: {  	_ =	shalt  }
0x4a: {  	_ =	shalt  }
0x4b: {  	_ =	shalt  }
0x4c: {  	_ =	shalt  }
0x4d: {  	_ =	shalt  }
0x4e: {  	_ =	shalt  }
0x4f: {  	_ =	shalt  }
0x50: {  	_ =	shalt  }
0x51: {  	_ =	shalt  }
0x52: {  	_ =	shalt  }
0x53: {  	_ =	shalt  }
0x54: {  	_ =	shalt  }
0x55: {  	_ =	shalt  }
0x56: {  	_ =	shalt  }
0x57: {  	_ =	shalt  }
0x58: {  	_ =	shalt  }
0x59: {  	_ =	shalt  }
0x5a: {  	_ =	shalt  }
0x5b: {  	_ =	shalt  }
0x5c: {  	_ =	shalt  }
0x5d: {  	_ =	shalt  }
0x5e: {  	_ =	shalt  }
0x5f: {  	_ =	shalt  }
0x60: {  	_ =	shalt  }
0x61: {  	_ =	shalt  }
0x62: {  	_ =	shalt  }
0x63: {  	_ =	shalt  }
0x64: {  	_ =	shalt  }
0x65: {  	_ =	shalt  }
0x66: {  	_ =	shalt  }
0x67: {  	_ =	shalt  }
0x68: {  	_ =	shalt  }
0x69: {  	_ =	shalt  }
0x6a: {  	_ =	shalt  }
0x6b: {  	_ =	shalt  }
0x6c: {  	_ =	shalt  }
0x6d: {  	_ =	shalt  }
0x6e: {  	_ =	shalt  }
0x6f: {  	_ =	shalt  }
0x70: {  	_ =	shalt  }
0x71: {  	_ =	shalt  }
0x72: {  	_ =	shalt  }
0x73: {  	_ =	shalt  }
0x74: {  	_ =	shalt  }
0x75: {  	_ =	shalt  }
0x76: {  	_ =	shalt  }
0x77: {  	_ =	shalt  }
0x78: {  	_ =	shalt  }
0x79: {  	_ =	shalt  }
0x7a: {  	_ =	shalt  }
0x7b: {  	_ =	shalt  }
0x7c: {  	_ =	shalt  }
0x7d: {  	_ =	shalt  }
0x7e: {  	_ =	shalt  }
0x7f: {  	_ =	shalt  }
0x80: {  	_ =	shalt  }
0x81: {  	_ =	shalt  }
0x82: {  	_ =	shalt  }
0x83: {  	_ =	shalt  }
0x84: {  	_ =	shalt  }
0x85: {  	_ =	shalt  }
0x86: {  	_ =	shalt  }
0x87: {  	_ =	shalt  }
.Lfunc_end0:
.L_simem_size_0:
called_computation.3_lowered:
.L_overlay_start_0:
0x88: {  	s2 =	sld [smem:$0x3FD9]  }
0x89: {  	s3 =	sld [smem:$0x3FFE];
	_ =	sdelay $0x1  }
0x8a: {  	s1 =	srdreg.scid  }
0x8b: {  	s0 =	sand.u32 $0x1, s1  }
0x8c: {  	s17 =	sshll.u32 s0, $0xA;
	s2 =	sadd.s32 s3, s2  }
0x8d: {  	s2 =	sadd.s32 s2, s17  }
0x8e: {  	[smem:$0x3FB3] =	sst s2  }
0x8f: {  	_ = 	snop  }
0x90: {  	s18 =	sld [smem:$0x3FD0];
	(tm) =	ssettm $0x1  }
0x91: {  	s19 =	sld [smem:$0x3FFB];
	_ =	sdelay $0x3  }
0x92: {  	_ =	strace s19  }
0x93: {  	s2 =	sld [smem:$0x3FFC];
	_ =	sdelay $0x3  }
0x94: {  	_ =	strace s2  }
0x95: {  	s2 =	sld [smem:$0x3FFD];
	_ =	sdelay $0x3  }
0x96: {  	_ =	strace s2  }
0x97: {  	_ =	strace $0x8FFFFFFF  }
0x98: {  	s20 =	sld [smem:$0x3FDB];
	_ =	sdelay $0x1  }
0x99: {  	s4 =	simm.s32 $_scs_section_size  }
0x9a: {  	s5 =	simm.s32 $_size__tile_overlayer_lowered;
	s6 =	simm.s32 $_tile_overlayer_lowered  }
0x9b: {  	s7 =	simm.s32 $0x1BFF;
	s21 =	sshll.u32 s6, $0x1;
	s4 =	sadd.s32 s4, s20  }
0x9c: {  	s22 =	simm.s32 $0x0;
	s5 =	sshll.u32 s5, $0x1;
	s6 =	sadd.s32 s21, s4  }
0x9d: {  	[timem:s22], [sflag:s7] =	dma.local [hbm:s6], s5  }
0x9e: {  	_ =	swait.ge [sflag:s7], s5  }
0x9f: {  	s5 =	ssub.s32 $0x0, s5;
	[sflag:s7] =	ssyncset.done $0x0  }
0xa0: {  	[sflag:s7] =	ssyncadd.s32 s5;
	_ =	sdelay $0x1  }
0xa1: {  	s23 =	simm.s32 $0x1B8B  }
0xa2: {  	_ =	swait.ge [sflag:s23], $0x1  }
0xa3: {  	[sflag:s23] =	ssyncset.done $0x0  }
0xa4: {  	[sflag:s23] =	ssyncadd.s32 $0xFFFFFFFF  }
0xa5: {  	s5 =	sld [smem:$0x0]  }
0xa6: {  	s6 =	sand.u32 $0xFFFFFFFE, s1  }
0xa7: {  	p0 =	sne.s32 s1, s6  }
0xa8: {  	s6 =	sshll.u32 @p0 s6, $0xE  }
0xa9: {  	s6 =	sadd.s32 @p0 $0x11B8D, s6;
	s7 =	sshll.u32 @p0 s5, $0x11  }
0xaa: {  	s6 =	sor.u32 @p0 s7, s6  }
0xab: {  	[sflag:s6] =	ssyncadd.remote.s32 @p0 $0x1;
	_ =	sdelay $0x1  }
0xac: {  	s6 =	simm.s32 @p0 $0x1B8D  }
0xad: {  	_ =	swait.eq @p0 [sflag:s6], $0x1  }
0xae: {  	[sflag:s6] =	ssyncadd.s32 @p0 $0xFFFFFFFF  }
0xaf: {  	s7 =	sshll.u32 @!p0 s1, $0xE  }
0xb0: {  	s7 =	sor.u32 @!p0 $0x4000, s7;
	s6 =	simm.s32 @!p0 $0x1B8D  }
0xb1: {  	s5 =	sshll.u32 @!p0 s5, $0x11;
	s7 =	sadd.s32 @!p0 $0x11B8D, s7;
	_ =	swait.eq @!p0 [sflag:s6], $0x1  }
0xb2: {  	s5 =	sor.u32 @!p0 s5, s7;
	[sflag:s6] =	ssyncadd.s32 @!p0 $0xFFFFFFFF  }
0xb3: {  	s25 =	simm.s32 $0x1B8E;
	s24 =	sld [smem:$0x3FFE];
	[sflag:s5] =	ssyncadd.remote.s32 @!p0 $0x1  }
0xb4: {  	s26 =	simm.s32 $execute0_lowered;
	[smem:$0x3FD2] =	sst s25  }
0xb5: {  	s6 =	sshll.u32 s26, $0x1;
	_ =	strace $0x80000049;
	[dreg:$0x1] =	wrdreg $0xFFFFFFFF  }
0xb6: {  	s28 =	simm.s32 $_size_execute0_lowered;
	s4 =	sadd.s32 s4, s6;
	[dreg:$0x0] =	wrdreg $0x0  }
0xb7: {  	s6 =	sshll.u32 s28, $0x1;
	[dreg:$0x2] =	wrdreg s4  }
0xb8: {  	[dreg:$0x3] =	wrdreg s6  }
0xb9: {  	[dreg:$0x4] =	wrdreg $0xC0  }
0xba: {  	_ =	task [dreg:s22], $0x5FFFF  }
0xbb: {  	[dreg:$0x1] =	wrdreg $0xFFFFFFFF  }
0xbc: {  	[dreg:$0x0] =	wrdreg $0x60  }
0xbd: {  	[dreg:$0x2] =	wrdreg s18  }
0xbe: {  	[dreg:$0x3] =	wrdreg s24  }
0xbf: {  	[dreg:$0x4] =	wrdreg $0xB  }
0xc0: {  	_ =	task.clear_ibuf [dreg:s22], $0x5FFFF;
	_ =	strace $0x90000049  }
0xc1: {  	s29 =	simm.s32 $0xB;
	_ =	strace $0x8000004B  }
0xc2: {  	_ =	swait.ge [sflag:s29], $0x1  }
0xc3: {  	[sflag:s29] =	ssyncadd.s32 $0xFFFFFFFF  }
0xc4: {  	_ =	strace $0x9000004B  }
0xc5: {  	_ =	sfence  }
0xc6: {  	s30 =	sld [smem:$0x0];
	_ =	sdelay $0x2  }
0xc7: {  	s31 =	sshll.u32 s1, $0xD;
	s1 =	sshrl.u32 s1, $0x2  }
0xc8: {  	s4 =	sand.u32 $0x4000, s31;
	s1 =	sadd.s32 s1, s30  }
0xc9: {  	s0 =	sor.u32 s4, s0;
	s1 =	sshll.u32 s1, $0x11  }
0xca: {  	s0 =	sor.u32 s1, s0  }
0xcb: {  	s0 =	sadd.s32 $0x8F2B, s0  }
0xcc: {  	[sflag:s0] =	ssyncadd.remote.s32 $0x1  }
0xcd: {  	_ =	sfence.sel $0xFFFF  }
0xce: {  	[dreg:$0x0] =	wrdreg $0xFFFFFFFF;
	(pc) =	sbr.abs _section_cstart, $3  }
0xcf: {  	[dreg:$0x1] =	wrdreg $0xFFFFFFFF  }
0xd0: {  	_ =	task.clear_ibuf [dreg:s22], $0x2FFFF;
	_ =	strace $0x9FFFFFFF  }
0xd1: {  	(tm) =	ssettm $0x7FFFFFFF  }
tec
execute0_lowered:
.L_overlay_start_1:
0x0: {  	(tag) =	ssettag $0x1  }
0x1: {  	s0 =	srdreg.scid;
	s2 =	rddreg [dreg:$0x0]  }
0x2: {  	s28 =	stileid.u32;
	s4 =	rddreg [dreg:$0x1]  }
0x3: {  	s13 =	simm.s32 $0x28;
	s14 =	simm.s32 $0x1C00;
	s15 =	simm.s32 $0x3000  }
0x4: {  	s16 =	simm.s32 $0x4400;
	s17 =	simm.s32 $0x5800;
	s18 =	simm.s32 $0x1  }
0x5: {  	s19 =	simm.s32 $0x2;
	s20 =	simm.s32 $0x3;
	s21 =	simm.s32 $0x4  }
0x6: {  	s22 =	simm.s32 $0x1800;
	s23 =	simm.s32 $0x1880;
	s10 =	smul.u32 $0x3E800, s28  }
0x7: {  	s24 =	simm.s32 $0x0;
	s1 =	sand.u32 $0x1, s0;
	s12 =	smul.u32 $0x7D00, s28  }
0x8: {  	s11 =	sadd.s32 $0x13B600, s4;
	s3 =	sshll.u32 s1, $0x4;
	s7 =	smul.u32 $0x7D000, s1  }
0x9: {  	s29 =	ssub.s32 $0x2, s1;
	s1 =	smul.u32 $0x3E8000, s1;
	s5 =	sor.u32 s28, s3  }
0xa: {  	s3 =	simm.s32 $0x0;
	s8 =	sshrl.u32 s29, $0x1;
	s6 =	smul.u32 $0x380, s5  }
0xb: {  	[smem:$0x7FF] =	sst s3;
	s5 =	smul.u32 $0x3E800, s5;
	s8 =	ssub.s32 s29, s8  }
0xc: {  	s30 =	sadd.s32 s7, s11;
	s1 =	sadd.s32 s10, s1;
	_ =	strace $0x8000004A  }
0xd: {  	s7 =	smax.u32 s8, $0x1;
	s8 =	sadd.s32 s12, s30;
	s31 =	sadd.s32 $0x3C00, s1  }
0xe: {  	s10 =	sadd.s32 $0x2800, s1;
	s1 =	sadd.s32 $0x1400, s1;
	s12 =	simm.s32 $0x5  }
0xf: {  	s6 =	sadd.s32 s6, s4;
	s5 =	sshrl.u32 s5, $0x3;
	s10 =	sshrl.u32 s10, $0x3  }
0x10: {  	s1 =	sshrl.u32 s1, $0x3;
	s9 =	sadd.s32 s11, s5;
	s4 =	sadd.s32 $0x134600, s6  }
0x11: {  	s5 =	sadd.s32 $0x7800, s9;
	s6 =	sadd.s32 $0x7A80, s9;
	s9 =	sshrl.u32 s31, $0x3  }
0x12: {  	s10 =	sadd.s32 s10, s11;
	s9 =	sadd.s32 s9, s11;
	s11 =	sadd.s32 s1, s11  }
.LBB2_1:
0x13: {  	[tilespmem:s3], [sflag:$0x5] =	stream.linear.gather [hbm4b:s4+s3], $0x1900, $0x38;
	[tilespmem:$0x6C00] =	vst v63  }
0x14: {  	_ =	swait.ge [sflag:s12], $0x1900  }
0x15: {  	[sflag:s12] =	ssyncset.done $0x0  }
0x16: {  	s1 =	simm.s32 $0x0;
	[sflag:s12] =	ssyncadd.s32 $0xFFFFE700  }
0x17: {  	[tilespmem:s14], [sflag:$0x1] =	stream.indirect.gather [hbm4b:s2+s13], $0x80, s1, s13, $0xb8;
	[tilespmem:$0x6C00] =	vst v63  }
0x18: {  	s0 =	simm.s32 $0x80  }
0x19: {  	[tilespmem:s15], [sflag:$0x2] =	stream.indirect.gather [hbm4b:s2+s13], $0x80, s0, s13, $0xb8;
	[tilespmem:$0x6C00] =	vst v63  }
0x1a: {  	s25 =	simm.s32 $0x100  }
0x1b: {  	[tilespmem:s16], [sflag:$0x3] =	stream.indirect.gather [hbm4b:s2+s13], $0x80, s25, s13, $0xb8;
	[tilespmem:$0x6C00] =	vst v63  }
0x1c: {  	s26 =	simm.s32 $0x180  }
0x1d: {  	[tilespmem:s17], [sflag:$0x4] =	stream.indirect.gather [hbm4b:s2+s13], $0x80, s26, s13, $0xb8;
	[tilespmem:$0x6C00] =	vst v63  }
0x1e: {  	_ =	swait.ge [sflag:s18], $0x1400  }
0x1f: {  	[sflag:s18] =	ssyncset.done $0x0  }
0x20: {  	[sflag:s18] =	ssyncadd.s32 $0xFFFFEC00  }
0x21: {  	[hbm4b:s8+s3] =	stream.linear.scatter [tilespmem:s14], [sflag:$0x5], $0x1400, $0x38;
	[tilespmem:$0x6C00] =	vst v63  }
0x22: {  	_ =	swait.ge [sflag:s12], $0x1400  }
0x23: {  	[sflag:s12] =	ssyncset.done $0x0  }
0x24: {  	[sflag:s12] =	ssyncadd.s32 $0xFFFFEC00  }
0x25: {  	_ =	swait.ge [sflag:s19], $0x1400  }
0x26: {  	[sflag:s19] =	ssyncset.done $0x0  }
0x27: {  	[sflag:s19] =	ssyncadd.s32 $0xFFFFEC00  }
0x28: {  	[hbm4b:s11+s3] =	stream.linear.scatter [tilespmem:s15], [sflag:$0x5], $0x1400, $0x38;
	[tilespmem:$0x6C00] =	vst v63  }
0x29: {  	_ =	swait.ge [sflag:s12], $0x1400  }
0x2a: {  	[sflag:s12] =	ssyncset.done $0x0  }
0x2b: {  	[sflag:s12] =	ssyncadd.s32 $0xFFFFEC00  }
0x2c: {  	_ =	swait.ge [sflag:s20], $0x1400  }
0x2d: {  	[sflag:s20] =	ssyncset.done $0x0  }
0x2e: {  	[sflag:s20] =	ssyncadd.s32 $0xFFFFEC00  }
0x2f: {  	[hbm4b:s10+s3] =	stream.linear.scatter [tilespmem:s16], [sflag:$0x5], $0x1400, $0x38;
	[tilespmem:$0x6C00] =	vst v63  }
0x30: {  	_ =	swait.ge [sflag:s12], $0x1400  }
0x31: {  	[sflag:s12] =	ssyncset.done $0x0  }
0x32: {  	[sflag:s12] =	ssyncadd.s32 $0xFFFFEC00  }
0x33: {  	_ =	swait.ge [sflag:s21], $0x1400  }
0x34: {  	[sflag:s21] =	ssyncset.done $0x0  }
0x35: {  	s30 =	simm.s32 $0x800;
	s31 =	simm.s32 $0x1000;
	[sflag:s21] =	ssyncadd.s32 $0xFFFFEC00  }
0x36: {  	[hbm4b:s9+s3] =	stream.linear.scatter [tilespmem:s17], [sflag:$0x5], $0x1400, $0x38;
	[tilespmem:$0x6C00] =	vst v63  }
0x37: {  	s28 =	sadd.s32 $0xA00, s11;
	s29 =	sadd.s32 $0xA00, s8;
	_ =	swait.ge [sflag:s12], $0x1400  }
0x38: {  	s25 =	sadd.s32 $0xA00, s9;
	s26 =	sadd.s32 $0xA00, s10;
	[sflag:s12] =	ssyncset.done $0x0  }
.LBB2_2:
0x39: {  	s0 =	sshra.s32 s30, $0x2  }
0x3a: {  	[sflag:s12] =	ssyncadd.s32 $0xFFFFEC00;
	s30 =	smov.u32 s31;
	s1 =	sadd.s32 $0x800, s31  }
0x3b: {  	[tilespmem:s14], [sflag:$0x1] =	stream.indirect.gather [hbm4b:s2+s13], $0x80, s0, s13, $0xb8;
	[tilespmem:$0x6C00] =	vst v63  }
0x3c: {  	p0 =	sne.s32 s31, $0x5800;
	s31 =	sadd.s32 $0x80, s0  }
0x3d: {  	[tilespmem:s15], [sflag:$0x2] =	stream.indirect.gather [hbm4b:s2+s13], $0x80, s31, s13, $0xb8;
	[tilespmem:$0x6C00] =	vst v63  }
0x3e: {  	s31 =	sadd.s32 $0x100, s0  }
0x3f: {  	[tilespmem:s16], [sflag:$0x3] =	stream.indirect.gather [hbm4b:s2+s13], $0x80, s31, s13, $0xb8;
	[tilespmem:$0x6C00] =	vst v63  }
0x40: {  	s0 =	sadd.s32 $0x180, s0  }
0x41: {  	[tilespmem:s17], [sflag:$0x4] =	stream.indirect.gather [hbm4b:s2+s13], $0x80, s0, s13, $0xb8;
	[tilespmem:$0x6C00] =	vst v63  }
0x42: {  	_ =	swait.ge [sflag:s18], $0x1400  }
0x43: {  	[sflag:s18] =	ssyncset.done $0x0  }
0x44: {  	[sflag:s18] =	ssyncadd.s32 $0xFFFFEC00  }
0x45: {  	[hbm4b:s29+s3] =	stream.linear.scatter [tilespmem:s14], [sflag:$0x5], $0x1400, $0x38;
	[tilespmem:$0x6C00] =	vst v63  }
0x46: {  	_ =	swait.ge [sflag:s12], $0x1400  }
0x47: {  	[sflag:s12] =	ssyncset.done $0x0  }
0x48: {  	[sflag:s12] =	ssyncadd.s32 $0xFFFFEC00  }
0x49: {  	_ =	swait.ge [sflag:s19], $0x1400  }
0x4a: {  	[sflag:s19] =	ssyncset.done $0x0  }
0x4b: {  	[sflag:s19] =	ssyncadd.s32 $0xFFFFEC00  }
0x4c: {  	[hbm4b:s28+s3] =	stream.linear.scatter [tilespmem:s15], [sflag:$0x5], $0x1400, $0x38;
	[tilespmem:$0x6C00] =	vst v63  }
0x4d: {  	_ =	swait.ge [sflag:s12], $0x1400  }
0x4e: {  	[sflag:s12] =	ssyncset.done $0x0  }
0x4f: {  	[sflag:s12] =	ssyncadd.s32 $0xFFFFEC00  }
0x50: {  	_ =	swait.ge [sflag:s20], $0x1400  }
0x51: {  	[sflag:s20] =	ssyncset.done $0x0  }
0x52: {  	[sflag:s20] =	ssyncadd.s32 $0xFFFFEC00  }
0x53: {  	[hbm4b:s26+s3] =	stream.linear.scatter [tilespmem:s16], [sflag:$0x5], $0x1400, $0x38;
	[tilespmem:$0x6C00] =	vst v63  }
0x54: {  	_ =	swait.ge [sflag:s12], $0x1400  }
0x55: {  	[sflag:s12] =	ssyncset.done $0x0  }
0x56: {  	[sflag:s12] =	ssyncadd.s32 $0xFFFFEC00  }
0x57: {  	_ =	swait.ge [sflag:s21], $0x1400  }
.Ltmp0:
0x58: {  	[sflag:s21] =	ssyncset.done $0x0;
	(pc) =	sbr.rel @p0 .LBB2_2-.Ltmp0, $4  }
0x59: {  	s31 =	smov.u32 s1;
	[sflag:s21] =	ssyncadd.s32 $0xFFFFEC00  }
0x5a: {  	[hbm4b:s25+s3] =	stream.linear.scatter [tilespmem:s17], [sflag:$0x5], $0x1400, $0x38;
	[tilespmem:$0x6C00] =	vst v63  }
0x5b: {  	s28 =	sadd.s32 $0xA00, s28;
	s26 =	sadd.s32 $0xA00, s26;
	_ =	swait.ge [sflag:s12], $0x1400  }
0x5c: {  	s29 =	sadd.s32 $0xA00, s29;
	s25 =	sadd.s32 $0xA00, s25;
	[sflag:s12] =	ssyncset.done $0x0  }
0x5d: {  	s0 =	sshra.s32 s30, $0x2;
	[sflag:s12] =	ssyncadd.s32 $0xFFFFEC00  }
0x5e: {  	[tilespmem:s14], [sflag:$0x1] =	stream.indirect.gather [hbm4b:s2+s13], $0x80, s0, s13, $0xb8;
	[tilespmem:$0x6C00] =	vst v63  }
0x5f: {  	s1 =	sadd.s32 $0x80, s0  }
0x60: {  	[tilespmem:s15], [sflag:$0x2] =	stream.indirect.gather [hbm4b:s2+s13], $0x80, s1, s13, $0xb8;
	[tilespmem:$0x6C00] =	vst v63  }
0x61: {  	s31 =	sadd.s32 $0x100, s0  }
0x62: {  	[tilespmem:s16], [sflag:$0x3] =	stream.indirect.gather [hbm4b:s2+s13], $0x80, s31, s13, $0xb8;
	[tilespmem:$0x6C00] =	vst v63  }
0x63: {  	s0 =	sadd.s32 $0x180, s0  }
0x64: {  	[tilespmem:s17], [sflag:$0x4] =	stream.indirect.gather [hbm4b:s2+s13], $0x80, s0, s13, $0xb8;
	[tilespmem:$0x6C00] =	vst v63  }
0x65: {  	_ =	swait.ge [sflag:s18], $0x1400  }
0x66: {  	[sflag:s18] =	ssyncset.done $0x0  }
0x67: {  	[sflag:s18] =	ssyncadd.s32 $0xFFFFEC00  }
0x68: {  	[hbm4b:s29+s3] =	stream.linear.scatter [tilespmem:s14], [sflag:$0x5], $0x1400, $0x38;
	[tilespmem:$0x6C00] =	vst v63  }
0x69: {  	_ =	swait.ge [sflag:s12], $0x1400  }
0x6a: {  	[sflag:s12] =	ssyncset.done $0x0  }
0x6b: {  	[sflag:s12] =	ssyncadd.s32 $0xFFFFEC00  }
0x6c: {  	_ =	swait.ge [sflag:s19], $0x1400  }
0x6d: {  	[sflag:s19] =	ssyncset.done $0x0  }
0x6e: {  	[sflag:s19] =	ssyncadd.s32 $0xFFFFEC00  }
0x6f: {  	[hbm4b:s28+s3] =	stream.linear.scatter [tilespmem:s15], [sflag:$0x5], $0x1400, $0x38;
	[tilespmem:$0x6C00] =	vst v63  }
0x70: {  	_ =	swait.ge [sflag:s12], $0x1400  }
0x71: {  	[sflag:s12] =	ssyncset.done $0x0  }
0x72: {  	[sflag:s12] =	ssyncadd.s32 $0xFFFFEC00  }
0x73: {  	_ =	swait.ge [sflag:s20], $0x1400  }
0x74: {  	[sflag:s20] =	ssyncset.done $0x0  }
0x75: {  	[sflag:s20] =	ssyncadd.s32 $0xFFFFEC00  }
0x76: {  	[hbm4b:s26+s3] =	stream.linear.scatter [tilespmem:s16], [sflag:$0x5], $0x1400, $0x38;
	[tilespmem:$0x6C00] =	vst v63  }
0x77: {  	_ =	swait.ge [sflag:s12], $0x1400  }
0x78: {  	[sflag:s12] =	ssyncset.done $0x0  }
0x79: {  	[sflag:s12] =	ssyncadd.s32 $0xFFFFEC00  }
0x7a: {  	_ =	swait.ge [sflag:s21], $0x1400  }
0x7b: {  	[sflag:s21] =	ssyncset.done $0x0  }
0x7c: {  	[sflag:s21] =	ssyncadd.s32 $0xFFFFEC00  }
0x7d: {  	[hbm4b:s25+s3] =	stream.linear.scatter [tilespmem:s17], [sflag:$0x5], $0x1400, $0x38;
	[tilespmem:$0x6C00] =	vst v63  }
0x7e: {  	_ =	swait.ge [sflag:s12], $0x1400  }
0x7f: {  	[sflag:s12] =	ssyncset.done $0x0  }
0x80: {  	[sflag:s12] =	ssyncadd.s32 $0xFFFFEC00  }
0x81: {  	[tilespmem:s14], [sflag:$0x1] =	stream.indirect.gather [hbm4b:s2+s13], $0x80, s22, s13, $0xb8;
	[tilespmem:$0x6C00] =	vst v63  }
0x82: {  	_ = 	snop  }
0x83: {  	[tilespmem:s15], [sflag:$0x2] =	stream.indirect.gather [hbm4b:s2+s13], $0x80, s23, s13, $0xb8;
	[tilespmem:$0x6C00] =	vst v63  }
0x84: {  	_ =	swait.ge [sflag:s18], $0x1400  }
0x85: {  	[sflag:s18] =	ssyncset.done $0x0  }
0x86: {  	[sflag:s18] =	ssyncadd.s32 $0xFFFFEC00  }
0x87: {  	[hbm4b:s5+s3] =	stream.linear.scatter [tilespmem:s14], [sflag:$0x5], $0x1400, $0x38;
	[tilespmem:$0x6C00] =	vst v63  }
0x88: {  	_ =	swait.ge [sflag:s12], $0x1400  }
0x89: {  	[sflag:s12] =	ssyncset.done $0x0  }
0x8a: {  	[sflag:s12] =	ssyncadd.s32 $0xFFFFEC00  }
0x8b: {  	s24 =	sadd.s32 $0x1, s24;
	_ =	swait.ge [sflag:s19], $0x1400  }
0x8c: {  	p0 =	sne.s32 s24, s7;
	[sflag:s19] =	ssyncset.done $0x0  }
.Ltmp1:
0x8d: {  	[sflag:s19] =	ssyncadd.s32 $0xFFFFEC00;
	(pc) =	sbr.rel @p0 .LBB2_1-.Ltmp1, $4  }
0x8e: {  	[hbm4b:s6+s3] =	stream.linear.scatter [tilespmem:s15], [sflag:$0x5], $0x1400, $0x38;
	[tilespmem:$0x6C00] =	vst v63  }
0x8f: {  	_ =	swait.ge [sflag:s12], $0x1400  }
0x90: {  	[sflag:s12] =	ssyncset.done $0x0  }
0x91: {  	[sflag:s12] =	ssyncadd.s32 $0xFFFFEC00  }
0x92: {  	_ =	sfence.sel $0x180000  }
0x93: {  	[bflag:$0x0] =	sbarrier.arrive $0xFFFF  }
0x94: {  	_ =	strace $0x9000004A  }
0x95: {  	s0 =	stileid.u32;
	[bflag:$0x2] =	sbarrier.arrive $0xFFFF  }
0x96: {  	p0 =	sne.s32 s0, $0x0;
	s0 =	rddreg [dreg:$0x2]  }
0x97: {  	s0 =	sadd.s32 @!p0 $0x100000, s0  }
0x98: {  	[sflag:s0] =	ssyncadd.tile.s32 @!p0 $0x1;
	_ =	shalt  }
.Lfunc_end2:
_tile_overlayer_lowered:
.L_overlay_start_2:
0x99: {  	(tag) =	ssettag $0x2  }
0x9a: {  	s0 =	rddreg [dreg:$0x0];
	s2 =	stileid.u32  }
0x9b: {  	s1 =	rddreg [dreg:$0x1];
	p0 =	sne.s32 s2, $0x0  }
0x9c: {  	s3 =	rddreg [dreg:$0x2];
	[bflag:$0x3] =	sbarrier.arrive $0xFFFF;
	s2 =	simm.s32 @!p0 $0x1C05  }
0x9d: {  	[timem:s3], [sflag:s2] =	dma.local @!p0 [hbm:s0], s1  }
0x9e: {  	s0 =	simm.s32 @!p0 $0x5  }
0x9f: {  	_ =	swait.ge @!p0 [sflag:s0], s1  }
0xa0: {  	s1 =	ssub.s32 @!p0 $0x0, s1;
	[sflag:s0] =	ssyncset.done @!p0 $0x0  }
0xa1: {  	[sflag:s0] =	ssyncadd.s32 @!p0 s1  }
0xa2: {  	[bflag:$0x3] =	sbarrier.arrive $0xFFFF  }
0xa3: {  	_ =	shalt  }

// kernel: kernel.28.cloned.1.call-start
scs
__scs_entry_jumppad:
0x0: {  	(pc) =	sbr.rel $0x88, $3  }
0x1: {  	(tag) =	ssettag $0x0;
	lr =	simm.s32 $0x1  }
0x2: {  	[smem:$0x3F8C] =	sst lr;
	_ =	strace $0xD0000000  }
0x3: {  	_ = 	snop  }
0x4: {  	_ = 	snop  }
0x5: {  	_ = 	snop  }
0x6: {  	_ = 	snop  }
0x7: {  	_ = 	snop  }
__scs_overlays_trampoline_lowered:
0x8: {  	[smem:$0x3F9B] =	sst s0  }
0x9: {  	[smem:$0x3F9C] =	sst s1  }
0xa: {  	[smem:$0x3F9D] =	sst s2  }
0xb: {  	[smem:$0x3F9E] =	sst s3  }
0xc: {  	[smem:$0x3F9F] =	sst s4  }
0xd: {  	[smem:$0x3FA0] =	sst s5  }
0xe: {  	[smem:$0x3FA1] =	sst s6  }
0xf: {  	[smem:$0x3FA2] =	sst s7  }
0x10: {  	[smem:$0x3FA3] =	sst s8  }
0x11: {  	[smem:$0x3FA4] =	sst s9;
	s0 =	simm.s32 @!p0 $0x0  }
0x12: {  	s1 =	sld [smem:$0x3F8A];
	s0 =	simm.s32 @p0 $0x1  }
0x13: {  	[smem:$0x3FA5] =	sst s0;
	s0 =	simm.s32 @!p1 $0x0  }
0x14: {  	s2 =	sld [smem:$0x3F89];
	s0 =	simm.s32 @p1 $0x1  }
0x15: {  	[smem:$0x3FA6] =	sst s0;
	s0 =	simm.s32 @!p2 $0x0  }
0x16: {  	s3 =	sld [smem:$0x3FDB];
	s0 =	simm.s32 @p2 $0x1  }
0x17: {  	s4 =	simm.s32 $0x1BF5;
	[smem:$0x3FA8] =	sst s0  }
0x18: {  	s0 =	sld [smem:$0x3F8B];
	_ =	swait.ge [sflag:s4], $0x0  }
0x19: {  	s7 =	sld [smem:$0x3F8C]  }
0x1a: {  	s8 =	sadd.s32 $0xFFFFE003, lr  }
0x1b: {  	s9 =	sadd.s32 $0xFFFFFEF7, lr;
	s5 =	simm.s32 $0xFFFFFFFF;
	p2 =	slt.u32 s8, $0xFFFFF086  }
0x1c: {  	p1 =	slt.u32 s9, $0xF7A;
	s5 =	simm.s32 @!p2 $0x0  }
0x1d: {  	s5 =	simm.s32 @p1 $0x1;
	p0 =	seq.s32 s7, s2  }
0x1e: {  	s7 =	smul.u32 @!p0 $0xF7A, s2;
	p2 =	seq.s32 @!p0 s5, $0x0  }
0x1f: {  	s9 =	smul.u32 $0xF7A, s1;
	s8 =	simm.s32 @!p0 $0x1BF5;
	p2 =	por !p2, p0  }
0x20: {  	[sflag:s8] =	ssyncset.s32 @!p0 $0xFFFFF086;
	s6 =	sadd.s32 @!p0 s3, s7;
	s7 =	simm.s32 @!p0 $0x108  }
0x21: {  	s3 =	sadd.s32 s3, s9;
	s6 =	sadd.s32 @!p0 $0x88, s6;
	s7 =	simm.s32 @p2 $0x1082  }
0x22: {  	[simem:s7], [sflag:s8] =	dma.local @!p0 [hbm:s6], $0xF7A  }
0x23: {  	s9 =	sor.u32 $0xD0000000, s2;
	s6 =	simm.s32 $0x108;
	_ =	swait.ge @!p0 [sflag:s8], $0x0  }
0x24: {  	s3 =	sadd.s32 $0x88, s3;
	s6 =	simm.s32 @!p1 $0x1082;
	[sflag:s4] =	ssyncset.s32 $0xFFFFF086  }
0x25: {  	[simem:s6], [sflag:s4] =	dma.local [hbm:s3], $0xF7A  }
0x26: {  	[smem:$0x3F8C] =	sst s1;
	(tag) =	ssettag s2;
	_ =	strace s9  }
0x27: {  	s1 =	sld [smem:$0x3F9C]  }
0x28: {  	s2 =	sld [smem:$0x3F9D]  }
0x29: {  	s4 =	sld [smem:$0x3F9F]  }
0x2a: {  	p0 =	seq.s32 s5, $0x0;
	s5 =	sld [smem:$0x3FA0]  }
0x2b: {  	s6 =	sld [smem:$0x3FA1]  }
0x2c: {  	s7 =	sld [smem:$0x3FA2]  }
0x2d: {  	s3 =	simm.s32 $0x108;
	s8 =	sld [smem:$0x3FA3]  }
0x2e: {  	s3 =	simm.s32 @!p0 $0x1082;
	s9 =	sld [smem:$0x3FA4]  }
0x2f: {  	lr =	sadd.s32 s0, s3;
	s0 =	sld [smem:$0x3F9B]  }
0x30: {  	s3 =	sld [smem:$0x3F9E]  }
0x31: {  	[smem:$0x3FA7] =	sst s10  }
0x32: {  	s10 =	sld [smem:$0x3FA5];
	_ =	sdelay $0x3  }
0x33: {  	p0 =	seq.s32 s10, $0x1;
	s10 =	sld [smem:$0x3FA7];
	_ =	sdelay $0x3  }
0x34: {  	[smem:$0x3FA7] =	sst s10  }
0x35: {  	s10 =	sld [smem:$0x3FA6];
	_ =	sdelay $0x3  }
0x36: {  	p1 =	seq.s32 s10, $0x1;
	s10 =	sld [smem:$0x3FA7];
	_ =	sdelay $0x3  }
0x37: {  	[smem:$0x3FA7] =	sst s10  }
0x38: {  	s10 =	sld [smem:$0x3FA8]  }
0x39: {  	_ = 	snop;
	(pc) =	sbr.ind lr, $3  }
0x3a: {  	_ = 	snop  }
0x3b: {  	_ = 	snop  }
0x3c: {  	p2 =	seq.s32 s10, $0x1;
	s10 =	sld [smem:$0x3FA7]  }
0x3d: {  	_ =	shalt  }
0x3e: {  	_ =	shalt  }
0x3f: {  	_ =	shalt  }
0x40: {  	_ =	shalt  }
0x41: {  	_ =	shalt  }
0x42: {  	_ =	shalt  }
0x43: {  	_ =	shalt  }
0x44: {  	_ =	shalt  }
0x45: {  	_ =	shalt  }
0x46: {  	_ =	shalt  }
0x47: {  	_ =	shalt  }
0x48: {  	_ =	shalt  }
0x49: {  	_ =	shalt  }
0x4a: {  	_ =	shalt  }
0x4b: {  	_ =	shalt  }
0x4c: {  	_ =	shalt  }
0x4d: {  	_ =	shalt  }
0x4e: {  	_ =	shalt  }
0x4f: {  	_ =	shalt  }
0x50: {  	_ =	shalt  }
0x51: {  	_ =	shalt  }
0x52: {  	_ =	shalt  }
0x53: {  	_ =	shalt  }
0x54: {  	_ =	shalt  }
0x55: {  	_ =	shalt  }
0x56: {  	_ =	shalt  }
0x57: {  	_ =	shalt  }
0x58: {  	_ =	shalt  }
0x59: {  	_ =	shalt  }
0x5a: {  	_ =	shalt  }
0x5b: {  	_ =	shalt  }
0x5c: {  	_ =	shalt  }
0x5d: {  	_ =	shalt  }
0x5e: {  	_ =	shalt  }
0x5f: {  	_ =	shalt  }
0x60: {  	_ =	shalt  }
0x61: {  	_ =	shalt  }
0x62: {  	_ =	shalt  }
0x63: {  	_ =	shalt  }
0x64: {  	_ =	shalt  }
0x65: {  	_ =	shalt  }
0x66: {  	_ =	shalt  }
0x67: {  	_ =	shalt  }
0x68: {  	_ =	shalt  }
0x69: {  	_ =	shalt  }
0x6a: {  	_ =	shalt  }
0x6b: {  	_ =	shalt  }
0x6c: {  	_ =	shalt  }
0x6d: {  	_ =	shalt  }
0x6e: {  	_ =	shalt  }
0x6f: {  	_ =	shalt  }
0x70: {  	_ =	shalt  }
0x71: {  	_ =	shalt  }
0x72: {  	_ =	shalt  }
0x73: {  	_ =	shalt  }
0x74: {  	_ =	shalt  }
0x75: {  	_ =	shalt  }
0x76: {  	_ =	shalt  }
0x77: {  	_ =	shalt  }
0x78: {  	_ =	shalt  }
0x79: {  	_ =	shalt  }
0x7a: {  	_ =	shalt  }
0x7b: {  	_ =	shalt  }
0x7c: {  	_ =	shalt  }
0x7d: {  	_ =	shalt  }
0x7e: {  	_ =	shalt  }
0x7f: {  	_ =	shalt  }
0x80: {  	_ =	shalt  }
0x81: {  	_ =	shalt  }
0x82: {  	_ =	shalt  }
0x83: {  	_ =	shalt  }
0x84: {  	_ =	shalt  }
0x85: {  	_ =	shalt  }
0x86: {  	_ =	shalt  }
0x87: {  	_ =	shalt  }
.Lfunc_end0:
.L_simem_size_0:
called_computation.4_lowered:
.L_overlay_start_0:
0x88: {  	s2 =	sld [smem:$0x3FD9]  }
0x89: {  	s3 =	sld [smem:$0x3FFE];
	_ =	sdelay $0x1  }
0x8a: {  	s1 =	srdreg.scid  }
0x8b: {  	s0 =	sand.u32 $0x1, s1  }
0x8c: {  	s16 =	sshll.u32 s0, $0xA;
	s2 =	sadd.s32 s3, s2  }
0x8d: {  	s2 =	sadd.s32 s2, s16  }
0x8e: {  	[smem:$0x3FB3] =	sst s2  }
0x8f: {  	_ = 	snop  }
0x90: {  	(tm) =	ssettm $0x1  }
0x91: {  	s17 =	sld [smem:$0x3FFB];
	_ =	sdelay $0x3  }
0x92: {  	_ =	strace s17  }
0x93: {  	s2 =	sld [smem:$0x3FFC];
	_ =	sdelay $0x3  }
0x94: {  	_ =	strace s2  }
0x95: {  	s2 =	sld [smem:$0x3FFD];
	_ =	sdelay $0x3  }
0x96: {  	_ =	strace s2  }
0x97: {  	_ =	strace $0x8FFFFFFF  }
0x98: {  	s18 =	sld [smem:$0x3FDB];
	_ =	sdelay $0x1  }
0x99: {  	s19 =	simm.s32 $_scs_section_size  }
0x9a: {  	s4 =	simm.s32 $_size__tile_overlayer_lowered;
	s5 =	simm.s32 $_tile_overlayer_lowered  }
0x9b: {  	s22 =	simm.s32 $0x1BFF;
	s21 =	sshll.u32 s5, $0x1;
	s2 =	sadd.s32 s19, s18  }
0x9c: {  	s6 =	simm.s32 $0x0;
	s20 =	sshll.u32 s4, $0x1;
	s4 =	sadd.s32 s21, s2  }
0x9d: {  	[timem:s6], [sflag:s22] =	dma.local [hbm:s4], s20  }
0x9e: {  	_ =	swait.ge [sflag:s22], s20  }
0x9f: {  	s3 =	ssub.s32 $0x0, s20;
	[sflag:s22] =	ssyncset.done $0x0  }
0xa0: {  	[sflag:s22] =	ssyncadd.s32 s3;
	_ =	sdelay $0x1  }
0xa1: {  	s23 =	simm.s32 $0x1B8B  }
0xa2: {  	_ =	swait.ge [sflag:s23], $0x1  }
0xa3: {  	[sflag:s23] =	ssyncset.done $0x0  }
0xa4: {  	s25 =	simm.s32 $0x1B8E;
	s24 =	sld [smem:$0x3FFE];
	[sflag:s23] =	ssyncadd.s32 $0xFFFFFFFF  }
0xa5: {  	s26 =	simm.s32 $execute0_lowered;
	[smem:$0x3FD2] =	sst s25  }
0xa6: {  	s4 =	sshll.u32 s26, $0x1;
	_ =	strace $0x80000046;
	[dreg:$0x1] =	wrdreg $0xFFFFFFFF  }
0xa7: {  	s28 =	simm.s32 $_size_execute0_lowered;
	s2 =	sadd.s32 s2, s4;
	[dreg:$0x0] =	wrdreg $0x0  }
0xa8: {  	s4 =	sshll.u32 s28, $0x1;
	[dreg:$0x2] =	wrdreg s2  }
0xa9: {  	[dreg:$0x3] =	wrdreg s4  }
0xaa: {  	[dreg:$0x4] =	wrdreg $0xC0  }
0xab: {  	_ =	task [dreg:s6], $0x5FFFF  }
0xac: {  	[dreg:$0x1] =	wrdreg $0xFFFFFFFF  }
0xad: {  	[dreg:$0x0] =	wrdreg $0x60  }
0xae: {  	[dreg:$0x2] =	wrdreg s24  }
0xaf: {  	[dreg:$0x3] =	wrdreg $0xE  }
0xb0: {  	_ =	task.clear_ibuf [dreg:s6], $0x4FFFF;
	_ =	strace $0x90000046  }
0xb1: {  	s29 =	simm.s32 $0xE;
	_ =	strace $0x80000048  }
0xb2: {  	_ =	swait.ge [sflag:s29], $0x1  }
0xb3: {  	[sflag:s29] =	ssyncadd.s32 $0xFFFFFFFF  }
0xb4: {  	_ =	strace $0x90000048  }
0xb5: {  	_ =	sfence  }
0xb6: {  	s30 =	sld [smem:$0x0];
	_ =	sdelay $0x2  }
0xb7: {  	s31 =	sshll.u32 s1, $0xD;
	s1 =	sshrl.u32 s1, $0x2  }
0xb8: {  	s3 =	sand.u32 $0x4000, s31;
	s1 =	sadd.s32 s1, s30  }
0xb9: {  	s0 =	sor.u32 s3, s0;
	s1 =	sshll.u32 s1, $0x11  }
0xba: {  	s0 =	sor.u32 s1, s0  }
0xbb: {  	s0 =	sadd.s32 $0x8F2B, s0  }
0xbc: {  	[sflag:s0] =	ssyncadd.remote.s32 $0x1  }
0xbd: {  	_ =	sfence.sel $0xFFFF  }
0xbe: {  	[dreg:$0x0] =	wrdreg $0xFFFFFFFF;
	(pc) =	sbr.abs _section_cstart, $3  }
0xbf: {  	[dreg:$0x1] =	wrdreg $0xFFFFFFFF  }
0xc0: {  	_ =	task.clear_ibuf [dreg:s6], $0x2FFFF;
	_ =	strace $0x9FFFFFFF  }
0xc1: {  	(tm) =	ssettm $0x7FFFFFFF  }
tec
execute0_lowered:
.L_overlay_start_1:
0x0: {  	(tag) =	ssettag $0x1  }
0x1: {  	s0 =	srdreg.scid  }
0x2: {  	s4 =	rddreg [dreg:$0x0];
	s1 =	stileid.u32;
	s2 =	simm.s32 $0x0  }
0x3: {  	s13 =	simm.s32 $0x28;
	s14 =	simm.s32 $0x1C00;
	s15 =	simm.s32 $0x3000  }
0x4: {  	s16 =	simm.s32 $0x4400;
	s17 =	simm.s32 $0x5800;
	s18 =	simm.s32 $0x1  }
0x5: {  	s19 =	simm.s32 $0x2;
	s20 =	simm.s32 $0x3;
	s21 =	simm.s32 $0x4  }
0x6: {  	s22 =	simm.s32 $0x1800;
	s23 =	simm.s32 $0x1880;
	s10 =	smul.u32 $0x3E800, s1  }
0x7: {  	s24 =	simm.s32 $0x0;
	s0 =	sand.u32 $0x1, s0;
	s12 =	smul.u32 $0x7D00, s1  }
0x8: {  	[smem:$0x7FF] =	sst s2;
	s3 =	sshll.u32 s0, $0x4;
	s7 =	smul.u32 $0x7D000, s0  }
0x9: {  	s29 =	ssub.s32 $0x2, s0;
	s0 =	smul.u32 $0x3E8000, s0;
	s5 =	sor.u32 s1, s3  }
0xa: {  	s11 =	sadd.s32 $0x3A600, s4;
	_ =	strace $0x80000047;
	s6 =	smul.u32 $0x380, s5  }
0xb: {  	s3 =	sadd.s32 $0x13400, s4;
	s8 =	sshrl.u32 s29, $0x1;
	s5 =	smul.u32 $0x3E800, s5  }
0xc: {  	s8 =	ssub.s32 s29, s8;
	s30 =	sadd.s32 s7, s11;
	s0 =	sadd.s32 s10, s0  }
0xd: {  	s7 =	smax.u32 s8, $0x1;
	s8 =	sadd.s32 s12, s30;
	s31 =	sadd.s32 $0x3C00, s0  }
0xe: {  	s10 =	sadd.s32 $0x2800, s0;
	s0 =	sadd.s32 $0x1400, s0;
	s12 =	simm.s32 $0x5  }
0xf: {  	s6 =	sadd.s32 s6, s4;
	s5 =	sshrl.u32 s5, $0x3;
	s10 =	sshrl.u32 s10, $0x3  }
0x10: {  	s0 =	sshrl.u32 s0, $0x3;
	s9 =	sadd.s32 s11, s5;
	s4 =	sadd.s32 $0xC400, s6  }
0x11: {  	s5 =	sadd.s32 $0x7800, s9;
	s6 =	sadd.s32 $0x7A80, s9;
	s9 =	sshrl.u32 s31, $0x3  }
0x12: {  	s10 =	sadd.s32 s10, s11;
	s9 =	sadd.s32 s9, s11;
	s11 =	sadd.s32 s0, s11  }
.LBB2_1:
0x13: {  	[tilespmem:s2], [sflag:$0x5] =	stream.linear.gather [hbm4b:s4+s2], $0x1900, $0x38;
	[tilespmem:$0x6C00] =	vst v63  }
0x14: {  	_ =	swait.ge [sflag:s12], $0x1900  }
0x15: {  	[sflag:s12] =	ssyncset.done $0x0  }
0x16: {  	s0 =	simm.s32 $0x0;
	[sflag:s12] =	ssyncadd.s32 $0xFFFFE700  }
0x17: {  	[tilespmem:s14], [sflag:$0x1] =	stream.indirect.gather [hbm4b:s3+s13], $0x80, s0, s13, $0xb8;
	[tilespmem:$0x6C00] =	vst v63  }
0x18: {  	s1 =	simm.s32 $0x80  }
0x19: {  	[tilespmem:s15], [sflag:$0x2] =	stream.indirect.gather [hbm4b:s3+s13], $0x80, s1, s13, $0xb8;
	[tilespmem:$0x6C00] =	vst v63  }
0x1a: {  	s25 =	simm.s32 $0x100  }
0x1b: {  	[tilespmem:s16], [sflag:$0x3] =	stream.indirect.gather [hbm4b:s3+s13], $0x80, s25, s13, $0xb8;
	[tilespmem:$0x6C00] =	vst v63  }
0x1c: {  	s26 =	simm.s32 $0x180  }
0x1d: {  	[tilespmem:s17], [sflag:$0x4] =	stream.indirect.gather [hbm4b:s3+s13], $0x80, s26, s13, $0xb8;
	[tilespmem:$0x6C00] =	vst v63  }
0x1e: {  	_ =	swait.ge [sflag:s18], $0x1400  }
0x1f: {  	[sflag:s18] =	ssyncset.done $0x0  }
0x20: {  	[sflag:s18] =	ssyncadd.s32 $0xFFFFEC00  }
0x21: {  	[hbm4b:s8+s2] =	stream.linear.scatter [tilespmem:s14], [sflag:$0x5], $0x1400, $0x38;
	[tilespmem:$0x6C00] =	vst v63  }
0x22: {  	_ =	swait.ge [sflag:s12], $0x1400  }
0x23: {  	[sflag:s12] =	ssyncset.done $0x0  }
0x24: {  	[sflag:s12] =	ssyncadd.s32 $0xFFFFEC00  }
0x25: {  	_ =	swait.ge [sflag:s19], $0x1400  }
0x26: {  	[sflag:s19] =	ssyncset.done $0x0  }
0x27: {  	[sflag:s19] =	ssyncadd.s32 $0xFFFFEC00  }
0x28: {  	[hbm4b:s11+s2] =	stream.linear.scatter [tilespmem:s15], [sflag:$0x5], $0x1400, $0x38;
	[tilespmem:$0x6C00] =	vst v63  }
0x29: {  	_ =	swait.ge [sflag:s12], $0x1400  }
0x2a: {  	[sflag:s12] =	ssyncset.done $0x0  }
0x2b: {  	[sflag:s12] =	ssyncadd.s32 $0xFFFFEC00  }
0x2c: {  	_ =	swait.ge [sflag:s20], $0x1400  }
0x2d: {  	[sflag:s20] =	ssyncset.done $0x0  }
0x2e: {  	[sflag:s20] =	ssyncadd.s32 $0xFFFFEC00  }
0x2f: {  	[hbm4b:s10+s2] =	stream.linear.scatter [tilespmem:s16], [sflag:$0x5], $0x1400, $0x38;
	[tilespmem:$0x6C00] =	vst v63  }
0x30: {  	_ =	swait.ge [sflag:s12], $0x1400  }
0x31: {  	[sflag:s12] =	ssyncset.done $0x0  }
0x32: {  	[sflag:s12] =	ssyncadd.s32 $0xFFFFEC00  }
0x33: {  	_ =	swait.ge [sflag:s21], $0x1400  }
0x34: {  	[sflag:s21] =	ssyncset.done $0x0  }
0x35: {  	s30 =	simm.s32 $0x800;
	s31 =	simm.s32 $0x1000;
	[sflag:s21] =	ssyncadd.s32 $0xFFFFEC00  }
0x36: {  	[hbm4b:s9+s2] =	stream.linear.scatter [tilespmem:s17], [sflag:$0x5], $0x1400, $0x38;
	[tilespmem:$0x6C00] =	vst v63  }
0x37: {  	s28 =	sadd.s32 $0xA00, s11;
	s29 =	sadd.s32 $0xA00, s8;
	_ =	swait.ge [sflag:s12], $0x1400  }
0x38: {  	s25 =	sadd.s32 $0xA00, s9;
	s26 =	sadd.s32 $0xA00, s10;
	[sflag:s12] =	ssyncset.done $0x0  }
.LBB2_2:
0x39: {  	s1 =	sshra.s32 s30, $0x2  }
0x3a: {  	[sflag:s12] =	ssyncadd.s32 $0xFFFFEC00;
	s30 =	smov.u32 s31;
	s0 =	sadd.s32 $0x800, s31  }
0x3b: {  	[tilespmem:s14], [sflag:$0x1] =	stream.indirect.gather [hbm4b:s3+s13], $0x80, s1, s13, $0xb8;
	[tilespmem:$0x6C00] =	vst v63  }
0x3c: {  	p0 =	sne.s32 s31, $0x5800;
	s31 =	sadd.s32 $0x80, s1  }
0x3d: {  	[tilespmem:s15], [sflag:$0x2] =	stream.indirect.gather [hbm4b:s3+s13], $0x80, s31, s13, $0xb8;
	[tilespmem:$0x6C00] =	vst v63  }
0x3e: {  	s31 =	sadd.s32 $0x100, s1  }
0x3f: {  	[tilespmem:s16], [sflag:$0x3] =	stream.indirect.gather [hbm4b:s3+s13], $0x80, s31, s13, $0xb8;
	[tilespmem:$0x6C00] =	vst v63  }
0x40: {  	s1 =	sadd.s32 $0x180, s1  }
0x41: {  	[tilespmem:s17], [sflag:$0x4] =	stream.indirect.gather [hbm4b:s3+s13], $0x80, s1, s13, $0xb8;
	[tilespmem:$0x6C00] =	vst v63  }
0x42: {  	_ =	swait.ge [sflag:s18], $0x1400  }
0x43: {  	[sflag:s18] =	ssyncset.done $0x0  }
0x44: {  	[sflag:s18] =	ssyncadd.s32 $0xFFFFEC00  }
0x45: {  	[hbm4b:s29+s2] =	stream.linear.scatter [tilespmem:s14], [sflag:$0x5], $0x1400, $0x38;
	[tilespmem:$0x6C00] =	vst v63  }
0x46: {  	_ =	swait.ge [sflag:s12], $0x1400  }
0x47: {  	[sflag:s12] =	ssyncset.done $0x0  }
0x48: {  	[sflag:s12] =	ssyncadd.s32 $0xFFFFEC00  }
0x49: {  	_ =	swait.ge [sflag:s19], $0x1400  }
0x4a: {  	[sflag:s19] =	ssyncset.done $0x0  }
0x4b: {  	[sflag:s19] =	ssyncadd.s32 $0xFFFFEC00  }
0x4c: {  	[hbm4b:s28+s2] =	stream.linear.scatter [tilespmem:s15], [sflag:$0x5], $0x1400, $0x38;
	[tilespmem:$0x6C00] =	vst v63  }
0x4d: {  	_ =	swait.ge [sflag:s12], $0x1400  }
0x4e: {  	[sflag:s12] =	ssyncset.done $0x0  }
0x4f: {  	[sflag:s12] =	ssyncadd.s32 $0xFFFFEC00  }
0x50: {  	_ =	swait.ge [sflag:s20], $0x1400  }
0x51: {  	[sflag:s20] =	ssyncset.done $0x0  }
0x52: {  	[sflag:s20] =	ssyncadd.s32 $0xFFFFEC00  }
0x53: {  	[hbm4b:s26+s2] =	stream.linear.scatter [tilespmem:s16], [sflag:$0x5], $0x1400, $0x38;
	[tilespmem:$0x6C00] =	vst v63  }
0x54: {  	_ =	swait.ge [sflag:s12], $0x1400  }
0x55: {  	[sflag:s12] =	ssyncset.done $0x0  }
0x56: {  	[sflag:s12] =	ssyncadd.s32 $0xFFFFEC00  }
0x57: {  	_ =	swait.ge [sflag:s21], $0x1400  }
.Ltmp0:
0x58: {  	[sflag:s21] =	ssyncset.done $0x0;
	(pc) =	sbr.rel @p0 .LBB2_2-.Ltmp0, $4  }
0x59: {  	s31 =	smov.u32 s0;
	[sflag:s21] =	ssyncadd.s32 $0xFFFFEC00  }
0x5a: {  	[hbm4b:s25+s2] =	stream.linear.scatter [tilespmem:s17], [sflag:$0x5], $0x1400, $0x38;
	[tilespmem:$0x6C00] =	vst v63  }
0x5b: {  	s28 =	sadd.s32 $0xA00, s28;
	s26 =	sadd.s32 $0xA00, s26;
	_ =	swait.ge [sflag:s12], $0x1400  }
0x5c: {  	s29 =	sadd.s32 $0xA00, s29;
	s25 =	sadd.s32 $0xA00, s25;
	[sflag:s12] =	ssyncset.done $0x0  }
0x5d: {  	s0 =	sshra.s32 s30, $0x2;
	[sflag:s12] =	ssyncadd.s32 $0xFFFFEC00  }
0x5e: {  	[tilespmem:s14], [sflag:$0x1] =	stream.indirect.gather [hbm4b:s3+s13], $0x80, s0, s13, $0xb8;
	[tilespmem:$0x6C00] =	vst v63  }
0x5f: {  	s1 =	sadd.s32 $0x80, s0  }
0x60: {  	[tilespmem:s15], [sflag:$0x2] =	stream.indirect.gather [hbm4b:s3+s13], $0x80, s1, s13, $0xb8;
	[tilespmem:$0x6C00] =	vst v63  }
0x61: {  	s31 =	sadd.s32 $0x100, s0  }
0x62: {  	[tilespmem:s16], [sflag:$0x3] =	stream.indirect.gather [hbm4b:s3+s13], $0x80, s31, s13, $0xb8;
	[tilespmem:$0x6C00] =	vst v63  }
0x63: {  	s0 =	sadd.s32 $0x180, s0  }
0x64: {  	[tilespmem:s17], [sflag:$0x4] =	stream.indirect.gather [hbm4b:s3+s13], $0x80, s0, s13, $0xb8;
	[tilespmem:$0x6C00] =	vst v63  }
0x65: {  	_ =	swait.ge [sflag:s18], $0x1400  }
0x66: {  	[sflag:s18] =	ssyncset.done $0x0  }
0x67: {  	[sflag:s18] =	ssyncadd.s32 $0xFFFFEC00  }
0x68: {  	[hbm4b:s29+s2] =	stream.linear.scatter [tilespmem:s14], [sflag:$0x5], $0x1400, $0x38;
	[tilespmem:$0x6C00] =	vst v63  }
0x69: {  	_ =	swait.ge [sflag:s12], $0x1400  }
0x6a: {  	[sflag:s12] =	ssyncset.done $0x0  }
0x6b: {  	[sflag:s12] =	ssyncadd.s32 $0xFFFFEC00  }
0x6c: {  	_ =	swait.ge [sflag:s19], $0x1400  }
0x6d: {  	[sflag:s19] =	ssyncset.done $0x0  }
0x6e: {  	[sflag:s19] =	ssyncadd.s32 $0xFFFFEC00  }
0x6f: {  	[hbm4b:s28+s2] =	stream.linear.scatter [tilespmem:s15], [sflag:$0x5], $0x1400, $0x38;
	[tilespmem:$0x6C00] =	vst v63  }
0x70: {  	_ =	swait.ge [sflag:s12], $0x1400  }
0x71: {  	[sflag:s12] =	ssyncset.done $0x0  }
0x72: {  	[sflag:s12] =	ssyncadd.s32 $0xFFFFEC00  }
0x73: {  	_ =	swait.ge [sflag:s20], $0x1400  }
0x74: {  	[sflag:s20] =	ssyncset.done $0x0  }
0x75: {  	[sflag:s20] =	ssyncadd.s32 $0xFFFFEC00  }
0x76: {  	[hbm4b:s26+s2] =	stream.linear.scatter [tilespmem:s16], [sflag:$0x5], $0x1400, $0x38;
	[tilespmem:$0x6C00] =	vst v63  }
0x77: {  	_ =	swait.ge [sflag:s12], $0x1400  }
0x78: {  	[sflag:s12] =	ssyncset.done $0x0  }
0x79: {  	[sflag:s12] =	ssyncadd.s32 $0xFFFFEC00  }
0x7a: {  	_ =	swait.ge [sflag:s21], $0x1400  }
0x7b: {  	[sflag:s21] =	ssyncset.done $0x0  }
0x7c: {  	[sflag:s21] =	ssyncadd.s32 $0xFFFFEC00  }
0x7d: {  	[hbm4b:s25+s2] =	stream.linear.scatter [tilespmem:s17], [sflag:$0x5], $0x1400, $0x38;
	[tilespmem:$0x6C00] =	vst v63  }
0x7e: {  	_ =	swait.ge [sflag:s12], $0x1400  }
0x7f: {  	[sflag:s12] =	ssyncset.done $0x0  }
0x80: {  	[sflag:s12] =	ssyncadd.s32 $0xFFFFEC00  }
0x81: {  	[tilespmem:s14], [sflag:$0x1] =	stream.indirect.gather [hbm4b:s3+s13], $0x80, s22, s13, $0xb8;
	[tilespmem:$0x6C00] =	vst v63  }
0x82: {  	_ = 	snop  }
0x83: {  	[tilespmem:s15], [sflag:$0x2] =	stream.indirect.gather [hbm4b:s3+s13], $0x80, s23, s13, $0xb8;
	[tilespmem:$0x6C00] =	vst v63  }
0x84: {  	_ =	swait.ge [sflag:s18], $0x1400  }
0x85: {  	[sflag:s18] =	ssyncset.done $0x0  }
0x86: {  	[sflag:s18] =	ssyncadd.s32 $0xFFFFEC00  }
0x87: {  	[hbm4b:s5+s2] =	stream.linear.scatter [tilespmem:s14], [sflag:$0x5], $0x1400, $0x38;
	[tilespmem:$0x6C00] =	vst v63  }
0x88: {  	_ =	swait.ge [sflag:s12], $0x1400  }
0x89: {  	[sflag:s12] =	ssyncset.done $0x0  }
0x8a: {  	[sflag:s12] =	ssyncadd.s32 $0xFFFFEC00  }
0x8b: {  	s24 =	sadd.s32 $0x1, s24;
	_ =	swait.ge [sflag:s19], $0x1400  }
0x8c: {  	p0 =	sne.s32 s24, s7;
	[sflag:s19] =	ssyncset.done $0x0  }
.Ltmp1:
0x8d: {  	[sflag:s19] =	ssyncadd.s32 $0xFFFFEC00;
	(pc) =	sbr.rel @p0 .LBB2_1-.Ltmp1, $4  }
0x8e: {  	[hbm4b:s6+s2] =	stream.linear.scatter [tilespmem:s15], [sflag:$0x5], $0x1400, $0x38;
	[tilespmem:$0x6C00] =	vst v63  }
0x8f: {  	_ =	swait.ge [sflag:s12], $0x1400  }
0x90: {  	[sflag:s12] =	ssyncset.done $0x0  }
0x91: {  	[sflag:s12] =	ssyncadd.s32 $0xFFFFEC00  }
0x92: {  	_ =	sfence.sel $0x180000  }
0x93: {  	[bflag:$0x0] =	sbarrier.arrive $0xFFFF  }
0x94: {  	_ =	strace $0x90000047  }
0x95: {  	s0 =	stileid.u32;
	[bflag:$0x2] =	sbarrier.arrive $0xFFFF  }
0x96: {  	p0 =	sne.s32 s0, $0x0;
	s0 =	rddreg [dreg:$0x1]  }
0x97: {  	s0 =	sadd.s32 @!p0 $0x100000, s0  }
0x98: {  	[sflag:s0] =	ssyncadd.tile.s32 @!p0 $0x1;
	_ =	shalt  }
.Lfunc_end2:
_tile_overlayer_lowered:
.L_overlay_start_2:
0x99: {  	(tag) =	ssettag $0x2  }
0x9a: {  	s0 =	rddreg [dreg:$0x0];
	s2 =	stileid.u32  }
0x9b: {  	s1 =	rddreg [dreg:$0x1];
	p0 =	sne.s32 s2, $0x0  }
0x9c: {  	s3 =	rddreg [dreg:$0x2];
	[bflag:$0x3] =	sbarrier.arrive $0xFFFF;
	s2 =	simm.s32 @!p0 $0x1C05  }
0x9d: {  	[timem:s3], [sflag:s2] =	dma.local @!p0 [hbm:s0], s1  }
0x9e: {  	s0 =	simm.s32 @!p0 $0x5  }
0x9f: {  	_ =	swait.ge @!p0 [sflag:s0], s1  }
0xa0: {  	s1 =	ssub.s32 @!p0 $0x0, s1;
	[sflag:s0] =	ssyncset.done @!p0 $0x0  }
0xa1: {  	[sflag:s0] =	ssyncadd.s32 @!p0 s1  }
0xa2: {  	[bflag:$0x3] =	sbarrier.arrive $0xFFFF  }
0xa3: {  	_ =	shalt  }

// kernel: kernel.31.cloned.1.call-start
scs
__scs_entry_jumppad:
0x0: {  	(pc) =	sbr.rel $0x88, $3  }
0x1: {  	(tag) =	ssettag $0x0;
	lr =	simm.s32 $0x1  }
0x2: {  	[smem:$0x3F8C] =	sst lr;
	_ =	strace $0xD0000000  }
0x3: {  	_ = 	snop  }
0x4: {  	_ = 	snop  }
0x5: {  	_ = 	snop  }
0x6: {  	_ = 	snop  }
0x7: {  	_ = 	snop  }
__scs_overlays_trampoline_lowered:
0x8: {  	[smem:$0x3F9B] =	sst s0  }
0x9: {  	[smem:$0x3F9C] =	sst s1  }
0xa: {  	[smem:$0x3F9D] =	sst s2  }
0xb: {  	[smem:$0x3F9E] =	sst s3  }
0xc: {  	[smem:$0x3F9F] =	sst s4  }
0xd: {  	[smem:$0x3FA0] =	sst s5  }
0xe: {  	[smem:$0x3FA1] =	sst s6  }
0xf: {  	[smem:$0x3FA2] =	sst s7  }
0x10: {  	[smem:$0x3FA3] =	sst s8  }
0x11: {  	[smem:$0x3FA4] =	sst s9;
	s0 =	simm.s32 @!p0 $0x0  }
0x12: {  	s1 =	sld [smem:$0x3F8A];
	s0 =	simm.s32 @p0 $0x1  }
0x13: {  	[smem:$0x3FA5] =	sst s0;
	s0 =	simm.s32 @!p1 $0x0  }
0x14: {  	s2 =	sld [smem:$0x3F89];
	s0 =	simm.s32 @p1 $0x1  }
0x15: {  	[smem:$0x3FA6] =	sst s0;
	s0 =	simm.s32 @!p2 $0x0  }
0x16: {  	s3 =	sld [smem:$0x3FDB];
	s0 =	simm.s32 @p2 $0x1  }
0x17: {  	s4 =	simm.s32 $0x1BF5;
	[smem:$0x3FA8] =	sst s0  }
0x18: {  	s0 =	sld [smem:$0x3F8B];
	_ =	swait.ge [sflag:s4], $0x0  }
0x19: {  	s7 =	sld [smem:$0x3F8C]  }
0x1a: {  	s8 =	sadd.s32 $0xFFFFE003, lr  }
0x1b: {  	s9 =	sadd.s32 $0xFFFFFEF7, lr;
	s5 =	simm.s32 $0xFFFFFFFF;
	p2 =	slt.u32 s8, $0xFFFFF086  }
0x1c: {  	p1 =	slt.u32 s9, $0xF7A;
	s5 =	simm.s32 @!p2 $0x0  }
0x1d: {  	s5 =	simm.s32 @p1 $0x1;
	p0 =	seq.s32 s7, s2  }
0x1e: {  	s7 =	smul.u32 @!p0 $0xF7A, s2;
	p2 =	seq.s32 @!p0 s5, $0x0  }
0x1f: {  	s9 =	smul.u32 $0xF7A, s1;
	s8 =	simm.s32 @!p0 $0x1BF5;
	p2 =	por !p2, p0  }
0x20: {  	[sflag:s8] =	ssyncset.s32 @!p0 $0xFFFFF086;
	s6 =	sadd.s32 @!p0 s3, s7;
	s7 =	simm.s32 @!p0 $0x108  }
0x21: {  	s3 =	sadd.s32 s3, s9;
	s6 =	sadd.s32 @!p0 $0x88, s6;
	s7 =	simm.s32 @p2 $0x1082  }
0x22: {  	[simem:s7], [sflag:s8] =	dma.local @!p0 [hbm:s6], $0xF7A  }
0x23: {  	s9 =	sor.u32 $0xD0000000, s2;
	s6 =	simm.s32 $0x108;
	_ =	swait.ge @!p0 [sflag:s8], $0x0  }
0x24: {  	s3 =	sadd.s32 $0x88, s3;
	s6 =	simm.s32 @!p1 $0x1082;
	[sflag:s4] =	ssyncset.s32 $0xFFFFF086  }
0x25: {  	[simem:s6], [sflag:s4] =	dma.local [hbm:s3], $0xF7A  }
0x26: {  	[smem:$0x3F8C] =	sst s1;
	(tag) =	ssettag s2;
	_ =	strace s9  }
0x27: {  	s1 =	sld [smem:$0x3F9C]  }
0x28: {  	s2 =	sld [smem:$0x3F9D]  }
0x29: {  	s4 =	sld [smem:$0x3F9F]  }
0x2a: {  	p0 =	seq.s32 s5, $0x0;
	s5 =	sld [smem:$0x3FA0]  }
0x2b: {  	s6 =	sld [smem:$0x3FA1]  }
0x2c: {  	s7 =	sld [smem:$0x3FA2]  }
0x2d: {  	s3 =	simm.s32 $0x108;
	s8 =	sld [smem:$0x3FA3]  }
0x2e: {  	s3 =	simm.s32 @!p0 $0x1082;
	s9 =	sld [smem:$0x3FA4]  }
0x2f: {  	lr =	sadd.s32 s0, s3;
	s0 =	sld [smem:$0x3F9B]  }
0x30: {  	s3 =	sld [smem:$0x3F9E]  }
0x31: {  	[smem:$0x3FA7] =	sst s10  }
0x32: {  	s10 =	sld [smem:$0x3FA5];
	_ =	sdelay $0x3  }
0x33: {  	p0 =	seq.s32 s10, $0x1;
	s10 =	sld [smem:$0x3FA7];
	_ =	sdelay $0x3  }
0x34: {  	[smem:$0x3FA7] =	sst s10  }
0x35: {  	s10 =	sld [smem:$0x3FA6];
	_ =	sdelay $0x3  }
0x36: {  	p1 =	seq.s32 s10, $0x1;
	s10 =	sld [smem:$0x3FA7];
	_ =	sdelay $0x3  }
0x37: {  	[smem:$0x3FA7] =	sst s10  }
0x38: {  	s10 =	sld [smem:$0x3FA8]  }
0x39: {  	_ = 	snop;
	(pc) =	sbr.ind lr, $3  }
0x3a: {  	_ = 	snop  }
0x3b: {  	_ = 	snop  }
0x3c: {  	p2 =	seq.s32 s10, $0x1;
	s10 =	sld [smem:$0x3FA7]  }
0x3d: {  	_ =	shalt  }
0x3e: {  	_ =	shalt  }
0x3f: {  	_ =	shalt  }
0x40: {  	_ =	shalt  }
0x41: {  	_ =	shalt  }
0x42: {  	_ =	shalt  }
0x43: {  	_ =	shalt  }
0x44: {  	_ =	shalt  }
0x45: {  	_ =	shalt  }
0x46: {  	_ =	shalt  }
0x47: {  	_ =	shalt  }
0x48: {  	_ =	shalt  }
0x49: {  	_ =	shalt  }
0x4a: {  	_ =	shalt  }
0x4b: {  	_ =	shalt  }
0x4c: {  	_ =	shalt  }
0x4d: {  	_ =	shalt  }
0x4e: {  	_ =	shalt  }
0x4f: {  	_ =	shalt  }
0x50: {  	_ =	shalt  }
0x51: {  	_ =	shalt  }
0x52: {  	_ =	shalt  }
0x53: {  	_ =	shalt  }
0x54: {  	_ =	shalt  }
0x55: {  	_ =	shalt  }
0x56: {  	_ =	shalt  }
0x57: {  	_ =	shalt  }
0x58: {  	_ =	shalt  }
0x59: {  	_ =	shalt  }
0x5a: {  	_ =	shalt  }
0x5b: {  	_ =	shalt  }
0x5c: {  	_ =	shalt  }
0x5d: {  	_ =	shalt  }
0x5e: {  	_ =	shalt  }
0x5f: {  	_ =	shalt  }
0x60: {  	_ =	shalt  }
0x61: {  	_ =	shalt  }
0x62: {  	_ =	shalt  }
0x63: {  	_ =	shalt  }
0x64: {  	_ =	shalt  }
0x65: {  	_ =	shalt  }
0x66: {  	_ =	shalt  }
0x67: {  	_ =	shalt  }
0x68: {  	_ =	shalt  }
0x69: {  	_ =	shalt  }
0x6a: {  	_ =	shalt  }
0x6b: {  	_ =	shalt  }
0x6c: {  	_ =	shalt  }
0x6d: {  	_ =	shalt  }
0x6e: {  	_ =	shalt  }
0x6f: {  	_ =	shalt  }
0x70: {  	_ =	shalt  }
0x71: {  	_ =	shalt  }
0x72: {  	_ =	shalt  }
0x73: {  	_ =	shalt  }
0x74: {  	_ =	shalt  }
0x75: {  	_ =	shalt  }
0x76: {  	_ =	shalt  }
0x77: {  	_ =	shalt  }
0x78: {  	_ =	shalt  }
0x79: {  	_ =	shalt  }
0x7a: {  	_ =	shalt  }
0x7b: {  	_ =	shalt  }
0x7c: {  	_ =	shalt  }
0x7d: {  	_ =	shalt  }
0x7e: {  	_ =	shalt  }
0x7f: {  	_ =	shalt  }
0x80: {  	_ =	shalt  }
0x81: {  	_ =	shalt  }
0x82: {  	_ =	shalt  }
0x83: {  	_ =	shalt  }
0x84: {  	_ =	shalt  }
0x85: {  	_ =	shalt  }
0x86: {  	_ =	shalt  }
0x87: {  	_ =	shalt  }
.Lfunc_end0:
.L_simem_size_0:
called_computation.5_lowered:
.L_overlay_start_0:
0x88: {  	s2 =	sld [smem:$0x3FD9]  }
0x89: {  	s3 =	sld [smem:$0x3FFE];
	_ =	sdelay $0x1  }
0x8a: {  	s1 =	srdreg.scid  }
0x8b: {  	s0 =	sand.u32 $0x1, s1  }
0x8c: {  	s17 =	sshll.u32 s0, $0xA;
	s2 =	sadd.s32 s3, s2  }
0x8d: {  	s2 =	sadd.s32 s2, s17  }
0x8e: {  	[smem:$0x3FB3] =	sst s2  }
0x8f: {  	_ = 	snop  }
0x90: {  	(tm) =	ssettm $0x1  }
0x91: {  	s18 =	sld [smem:$0x3FFB];
	_ =	sdelay $0x3  }
0x92: {  	_ =	strace s18  }
0x93: {  	s2 =	sld [smem:$0x3FFC];
	_ =	sdelay $0x3  }
0x94: {  	_ =	strace s2  }
0x95: {  	s2 =	sld [smem:$0x3FFD];
	_ =	sdelay $0x3  }
0x96: {  	_ =	strace s2  }
0x97: {  	_ =	strace $0x8FFFFFFF  }
0x98: {  	s19 =	sld [smem:$0x3FDB];
	_ =	sdelay $0x1  }
0x99: {  	s20 =	simm.s32 $_scs_section_size  }
0x9a: {  	s4 =	simm.s32 $_size__tile_overlayer_lowered;
	s5 =	simm.s32 $_tile_overlayer_lowered  }
0x9b: {  	s6 =	simm.s32 $0x1BFF;
	s21 =	sshll.u32 s5, $0x1;
	s3 =	sadd.s32 s20, s19  }
0x9c: {  	s22 =	simm.s32 $0x0;
	s4 =	sshll.u32 s4, $0x1;
	s5 =	sadd.s32 s21, s3  }
0x9d: {  	[timem:s22], [sflag:s6] =	dma.local [hbm:s5], s4  }
0x9e: {  	_ =	swait.ge [sflag:s6], s4  }
0x9f: {  	s4 =	ssub.s32 $0x0, s4;
	[sflag:s6] =	ssyncset.done $0x0  }
0xa0: {  	[sflag:s6] =	ssyncadd.s32 s4;
	_ =	sdelay $0x1  }
0xa1: {  	s23 =	simm.s32 $0x1B8B  }
0xa2: {  	_ =	swait.ge [sflag:s23], $0x1  }
0xa3: {  	[sflag:s23] =	ssyncset.done $0x0  }
0xa4: {  	[sflag:s23] =	ssyncadd.s32 $0xFFFFFFFF  }
0xa5: {  	s4 =	sld [smem:$0x0]  }
0xa6: {  	s5 =	sand.u32 $0xFFFFFFFE, s1  }
0xa7: {  	p0 =	sne.s32 s1, s5  }
0xa8: {  	s5 =	sshll.u32 @p0 s5, $0xE  }
0xa9: {  	s5 =	sadd.s32 @p0 $0x11B8D, s5;
	s6 =	sshll.u32 @p0 s4, $0x11  }
0xaa: {  	s5 =	sor.u32 @p0 s6, s5  }
0xab: {  	[sflag:s5] =	ssyncadd.remote.s32 @p0 $0x1;
	_ =	sdelay $0x1  }
0xac: {  	s5 =	simm.s32 @p0 $0x1B8D  }
0xad: {  	_ =	swait.eq @p0 [sflag:s5], $0x1  }
0xae: {  	[sflag:s5] =	ssyncadd.s32 @p0 $0xFFFFFFFF  }
0xaf: {  	s6 =	sshll.u32 @!p0 s1, $0xE  }
0xb0: {  	s6 =	sor.u32 @!p0 $0x4000, s6;
	s5 =	simm.s32 @!p0 $0x1B8D  }
0xb1: {  	s4 =	sshll.u32 @!p0 s4, $0x11;
	s6 =	sadd.s32 @!p0 $0x11B8D, s6;
	_ =	swait.eq @!p0 [sflag:s5], $0x1  }
0xb2: {  	s4 =	sor.u32 @!p0 s4, s6;
	[sflag:s5] =	ssyncadd.s32 @!p0 $0xFFFFFFFF  }
0xb3: {  	s25 =	simm.s32 $0x1B8E;
	s24 =	sld [smem:$0x3FFE];
	[sflag:s4] =	ssyncadd.remote.s32 @!p0 $0x1  }
0xb4: {  	s26 =	simm.s32 $execute0_lowered;
	[smem:$0x3FD2] =	sst s25  }
0xb5: {  	s5 =	sshll.u32 s26, $0x1;
	_ =	strace $0x80000058;
	[dreg:$0x1] =	wrdreg $0xFFFFFFFF  }
0xb6: {  	s28 =	simm.s32 $_size_execute0_lowered;
	s3 =	sadd.s32 s3, s5;
	[dreg:$0x0] =	wrdreg $0x0  }
0xb7: {  	s5 =	sshll.u32 s28, $0x1;
	[dreg:$0x2] =	wrdreg s3  }
0xb8: {  	[dreg:$0x3] =	wrdreg s5  }
0xb9: {  	[dreg:$0x4] =	wrdreg $0xC0  }
0xba: {  	_ =	task [dreg:s22], $0x5FFFF  }
0xbb: {  	[dreg:$0x1] =	wrdreg $0xFFFFFFFF  }
0xbc: {  	[dreg:$0x0] =	wrdreg $0x60  }
0xbd: {  	[dreg:$0x2] =	wrdreg s24  }
0xbe: {  	[dreg:$0x3] =	wrdreg $0x5C000  }
0xbf: {  	[dreg:$0x4] =	wrdreg $0xB  }
0xc0: {  	_ =	task.clear_ibuf [dreg:s22], $0x5FFFF;
	_ =	strace $0x90000058  }
0xc1: {  	s29 =	simm.s32 $0xB;
	_ =	strace $0x8000005A  }
0xc2: {  	_ =	swait.ge [sflag:s29], $0x1  }
0xc3: {  	[sflag:s29] =	ssyncadd.s32 $0xFFFFFFFF  }
0xc4: {  	_ =	strace $0x9000005A  }
0xc5: {  	_ =	sfence  }
0xc6: {  	s30 =	sld [smem:$0x0];
	_ =	sdelay $0x2  }
0xc7: {  	s31 =	sshll.u32 s1, $0xD;
	s1 =	sshrl.u32 s1, $0x2  }
0xc8: {  	s4 =	sand.u32 $0x4000, s31;
	s1 =	sadd.s32 s1, s30  }
0xc9: {  	s0 =	sor.u32 s4, s0;
	s1 =	sshll.u32 s1, $0x11  }
0xca: {  	s0 =	sor.u32 s1, s0  }
0xcb: {  	s0 =	sadd.s32 $0x8F2B, s0  }
0xcc: {  	[sflag:s0] =	ssyncadd.remote.s32 $0x1  }
0xcd: {  	_ =	sfence.sel $0xFFFF  }
0xce: {  	[dreg:$0x0] =	wrdreg $0xFFFFFFFF;
	(pc) =	sbr.abs _section_cstart, $3  }
0xcf: {  	[dreg:$0x1] =	wrdreg $0xFFFFFFFF  }
0xd0: {  	_ =	task.clear_ibuf [dreg:s22], $0x2FFFF;
	_ =	strace $0x9FFFFFFF  }
0xd1: {  	(tm) =	ssettm $0x7FFFFFFF  }
tec
execute0_lowered:
.L_overlay_start_1:
0x0: {  	(tag) =	ssettag $0x1  }
0x1: {  	s4 =	rddreg [dreg:$0x0]  }
0x2: {  	s2 =	rddreg [dreg:$0x1]  }
0x3: {  	s0 =	rddreg [dreg:$0x2];
	s3 =	simm.s32 $0x0;
	s1 =	stileid.u32  }
0x4: {  	s6 =	srdreg.scid;
	s15 =	simm.s32 $0x1;
	s5 =	smul.u32 $0x14000, s1  }
0x5: {  	s16 =	simm.s32 $0x28;
	s17 =	simm.s32 $0x2;
	s7 =	smul.u32 $0x680, s1  }
0x6: {  	s18 =	simm.s32 $0x0;
	[smem:$0x7FF] =	sst s3;
	s11 =	smul.u32 $0x50000, s1  }
0x7: {  	s6 =	sand.u32 $0x1, s6;
	s10 =	sadd.s32 $0x7B9C00, s4;
	s13 =	smul.u32 $0x7D000, s1  }
0x8: {  	s28 =	sshll.u32 s1, $0x6;
	_ =	strace $0x80000059;
	s9 =	smul.u32 $0x140000, s6  }
0x9: {  	s25 =	ssub.s32 $0x2, s6;
	s6 =	smul.u32 $0x7D0000, s6;
	s8 =	sshrl.u32 s5, $0x3  }
0xa: {  	s7 =	sadd.s32 s7, s4;
	s12 =	sshrl.u32 s25, $0x1;
	s26 =	sshrl.u32 s11, $0x2  }
0xb: {  	s8 =	sadd.s32 s8, s4;
	s5 =	sadd.s32 s5, s9;
	s9 =	ssub.s32 s25, s12  }
0xc: {  	s11 =	sadd.s32 s26, s2;
	s29 =	sadd.s32 s13, s6;
	s6 =	sadd.s32 $0x53A600, s7  }
0xd: {  	s13 =	simm.s32 $0x3400;
	s5 =	sshrl.u32 s5, $0x3;
	s30 =	sadd.s32 $0x1400, s29  }
0xe: {  	s12 =	sshrl.u32 s29, $0x3;
	s11 =	sshrl.u32 s11, $0x3;
	s14 =	sadd.s32 s5, s4  }
0xf: {  	s4 =	sadd.s32 $0x5BDE00, s8;
	s5 =	sor.u32 $0x1C03, s28;
	s31 =	sshrl.u32 s30, $0x3  }
0x10: {  	s8 =	smax.u32 s9, $0x1;
	s7 =	sadd.s32 $0x5E5E00, s14;
	s9 =	sadd.s32 s31, s10  }
0x11: {  	s10 =	sadd.s32 s12, s10;
	s12 =	simm.s32 $0x3;
	s14 =	simm.s32 $0x4800  }
.LBB2_1:
0x12: {  	[spmem:s11], [sflag:s5] =	dma.local [hbm:s4], $0x2800  }
0x13: {  	_ =	swait.ge [sflag:s12], $0x2800  }
0x14: {  	[sflag:s12] =	ssyncset.done $0x0  }
0x15: {  	[sflag:s12] =	ssyncadd.s32 $0xFFFFD800  }
0x16: {  	[tilespmem:s3], [sflag:$0x3] =	stream.linear.gather [hbm4b:s6+s3], $0x3200, $0x38;
	[tilespmem:$0x19C00] =	vst v63  }
0x17: {  	_ =	swait.ge [sflag:s12], $0x3200  }
0x18: {  	[sflag:s12] =	ssyncset.done $0x0  }
0x19: {  	[sflag:s12] =	ssyncadd.s32 $0xFFFFCE00  }
0x1a: {  	s19 =	sadd.s32 $0x0, s10;
	[bflag:$0x0] =	sbarrier.arrive $0xFFFF  }
0x1b: {  	[tilespmem:s13], [sflag:$0x1] =	stream.linear.gather [hbm4b:s19+s3], $0x1400, $0x38;
	[tilespmem:$0x19C00] =	vst v63  }
0x1c: {  	s29 =	sadd.s32 $0x0, s9  }
0x1d: {  	[tilespmem:s14], [sflag:$0x2] =	stream.linear.gather [hbm4b:s29+s3], $0x1400, $0x38;
	[tilespmem:$0x19C00] =	vst v63  }
0x1e: {  	_ =	swait.ge [sflag:s15], $0x1400  }
0x1f: {  	[sflag:s15] =	ssyncset.done $0x0  }
0x20: {  	s30 =	simm.s32 $0x0;
	[sflag:s15] =	ssyncadd.s32 $0xFFFFEC00  }
0x21: {  	[spmem:s2] =	stream.indirect.scatter.add.f32 [tilespmem:s13], [sflag:$0x3], $0x80, s30, s16, $0xb8;
	[tilespmem:$0x19C00] =	vst v63  }
0x22: {  	_ =	swait.ge [sflag:s12], $0x1400  }
0x23: {  	[sflag:s12] =	ssyncset.done $0x0  }
0x24: {  	[sflag:s12] =	ssyncadd.s32 $0xFFFFEC00  }
0x25: {  	_ =	swait.ge [sflag:s17], $0x1400  }
0x26: {  	[sflag:s17] =	ssyncset.done $0x0  }
0x27: {  	s31 =	simm.s32 $0x80;
	[sflag:s17] =	ssyncadd.s32 $0xFFFFEC00  }
0x28: {  	[spmem:s2] =	stream.indirect.scatter.add.f32 [tilespmem:s14], [sflag:$0x3], $0x80, s31, s16, $0xb8;
	[tilespmem:$0x19C00] =	vst v63  }
0x29: {  	s20 =	simm.s32 $0x500;
	_ =	swait.ge [sflag:s12], $0x1400  }
0x2a: {  	s21 =	simm.s32 $0xA00;
	s19 =	simm.s32 $0x180;
	[sflag:s12] =	ssyncset.done $0x0  }
.LBB2_2:
0x2b: {  	s22 =	sadd.s32 s20, s10  }
0x2c: {  	[sflag:s12] =	ssyncadd.s32 $0xFFFFEC00;
	s23 =	smov.u32 s21;
	s24 =	sadd.s32 $0x500, s21  }
0x2d: {  	[tilespmem:s13], [sflag:$0x1] =	stream.linear.gather [hbm4b:s22+s3], $0x1400, $0x38;
	[tilespmem:$0x19C00] =	vst v63  }
0x2e: {  	p0 =	sne.s32 s21, $0xF500;
	s21 =	sadd.s32 s20, s9;
	s20 =	smov.u32 s23  }
0x2f: {  	[tilespmem:s14], [sflag:$0x2] =	stream.linear.gather [hbm4b:s21+s3], $0x1400, $0x38;
	[tilespmem:$0x19C00] =	vst v63  }
0x30: {  	_ =	swait.ge [sflag:s15], $0x1400  }
0x31: {  	[sflag:s15] =	ssyncset.done $0x0  }
0x32: {  	s21 =	sadd.s32 $0xFFFFFF80, s19;
	[sflag:s15] =	ssyncadd.s32 $0xFFFFEC00  }
0x33: {  	[spmem:s2] =	stream.indirect.scatter.add.f32 [tilespmem:s13], [sflag:$0x3], $0x80, s21, s16, $0xb8;
	[tilespmem:$0x19C00] =	vst v63  }
0x34: {  	_ =	swait.ge [sflag:s12], $0x1400  }
0x35: {  	[sflag:s12] =	ssyncset.done $0x0  }
0x36: {  	[sflag:s12] =	ssyncadd.s32 $0xFFFFEC00  }
0x37: {  	_ =	swait.ge [sflag:s17], $0x1400  }
.Ltmp0:
0x38: {  	[sflag:s17] =	ssyncset.done $0x0;
	(pc) =	sbr.rel @p0 .LBB2_2-.Ltmp0, $4  }
0x39: {  	[sflag:s17] =	ssyncadd.s32 $0xFFFFEC00  }
0x3a: {  	[spmem:s2] =	stream.indirect.scatter.add.f32 [tilespmem:s14], [sflag:$0x3], $0x80, s19, s16, $0xb8;
	[tilespmem:$0x19C00] =	vst v63  }
0x3b: {  	_ =	swait.ge [sflag:s12], $0x1400  }
0x3c: {  	s21 =	smov.u32 s24;
	s19 =	sadd.s32 $0x100, s19;
	[sflag:s12] =	ssyncset.done $0x0  }
0x3d: {  	s21 =	sadd.s32 s20, s10;
	[sflag:s12] =	ssyncadd.s32 $0xFFFFEC00  }
0x3e: {  	[tilespmem:s13], [sflag:$0x1] =	stream.linear.gather [hbm4b:s21+s3], $0x1400, $0x38;
	[tilespmem:$0x19C00] =	vst v63  }
0x3f: {  	s30 =	sadd.s32 s20, s9  }
0x40: {  	[tilespmem:s14], [sflag:$0x2] =	stream.linear.gather [hbm4b:s30+s3], $0x1400, $0x38;
	[tilespmem:$0x19C00] =	vst v63  }
0x41: {  	_ =	swait.ge [sflag:s15], $0x1400  }
0x42: {  	[sflag:s15] =	ssyncset.done $0x0  }
0x43: {  	s31 =	sadd.s32 $0xFFFFFF80, s19;
	[sflag:s15] =	ssyncadd.s32 $0xFFFFEC00  }
0x44: {  	[spmem:s2] =	stream.indirect.scatter.add.f32 [tilespmem:s13], [sflag:$0x3], $0x80, s31, s16, $0xb8;
	[tilespmem:$0x19C00] =	vst v63  }
0x45: {  	_ =	swait.ge [sflag:s12], $0x1400  }
0x46: {  	[sflag:s12] =	ssyncset.done $0x0  }
0x47: {  	[sflag:s12] =	ssyncadd.s32 $0xFFFFEC00  }
0x48: {  	_ =	swait.ge [sflag:s17], $0x1400  }
0x49: {  	[sflag:s17] =	ssyncset.done $0x0  }
0x4a: {  	[sflag:s17] =	ssyncadd.s32 $0xFFFFEC00  }
0x4b: {  	[spmem:s2] =	stream.indirect.scatter.add.f32 [tilespmem:s14], [sflag:$0x3], $0x80, s19, s16, $0xb8;
	[tilespmem:$0x19C00] =	vst v63  }
0x4c: {  	_ =	swait.ge [sflag:s12], $0x1400  }
0x4d: {  	s18 =	sadd.s32 $0x1, s18;
	[sflag:s12] =	ssyncset.done $0x0  }
0x4e: {  	p0 =	sne.s32 s18, s8;
	[sflag:s12] =	ssyncadd.s32 $0xFFFFEC00  }
.Ltmp1:
0x4f: {  	[bflag:$0x0] =	sbarrier.arrive $0xFFFF;
	(pc) =	sbr.rel @p0 .LBB2_1-.Ltmp1, $4  }
0x50: {  	[hbm:s7], [sflag:s5] =	dma.local [spmem:s11], $0x2800  }
0x51: {  	_ =	swait.ge [sflag:s12], $0x2800  }
0x52: {  	[sflag:s12] =	ssyncset.done $0x0  }
0x53: {  	[sflag:s12] =	ssyncadd.s32 $0xFFFFD800  }
0x54: {  	_ =	sfence.sel $0x180000  }
0x55: {  	[bflag:$0x0] =	sbarrier.arrive $0xFFFF  }
0x56: {  	p0 =	sne.s32 s1, $0x0;
	_ =	strace $0x90000059  }
0x57: {  	s0 =	sadd.s32 @!p0 $0x100000, s0;
	[bflag:$0x2] =	sbarrier.arrive $0xFFFF  }
0x58: {  	[sflag:s0] =	ssyncadd.tile.s32 @!p0 $0x1;
	_ =	shalt  }
.Lfunc_end2:
_tile_overlayer_lowered:
.L_overlay_start_2:
0x59: {  	(tag) =	ssettag $0x2  }
0x5a: {  	s0 =	rddreg [dreg:$0x0];
	s2 =	stileid.u32  }
0x5b: {  	s1 =	rddreg [dreg:$0x1];
	p0 =	sne.s32 s2, $0x0  }
0x5c: {  	s3 =	rddreg [dreg:$0x2];
	[bflag:$0x3] =	sbarrier.arrive $0xFFFF;
	s2 =	simm.s32 @!p0 $0x1C03  }
0x5d: {  	[timem:s3], [sflag:s2] =	dma.local @!p0 [hbm:s0], s1  }
0x5e: {  	s0 =	simm.s32 @!p0 $0x3  }
0x5f: {  	_ =	swait.ge @!p0 [sflag:s0], s1  }
0x60: {  	s1 =	ssub.s32 @!p0 $0x0, s1;
	[sflag:s0] =	ssyncset.done @!p0 $0x0  }
0x61: {  	[sflag:s0] =	ssyncadd.s32 @!p0 s1  }
0x62: {  	[bflag:$0x3] =	sbarrier.arrive $0xFFFF  }
0x63: {  	_ =	shalt  }

// kernel: kernel.34.cloned.1.call-start
scs
__scs_entry_jumppad:
0x0: {  	(pc) =	sbr.rel $0x88, $3  }
0x1: {  	(tag) =	ssettag $0x0;
	lr =	simm.s32 $0x1  }
0x2: {  	[smem:$0x3F8C] =	sst lr;
	_ =	strace $0xD0000000  }
0x3: {  	_ = 	snop  }
0x4: {  	_ = 	snop  }
0x5: {  	_ = 	snop  }
0x6: {  	_ = 	snop  }
0x7: {  	_ = 	snop  }
__scs_overlays_trampoline_lowered:
0x8: {  	[smem:$0x3F9B] =	sst s0  }
0x9: {  	[smem:$0x3F9C] =	sst s1  }
0xa: {  	[smem:$0x3F9D] =	sst s2  }
0xb: {  	[smem:$0x3F9E] =	sst s3  }
0xc: {  	[smem:$0x3F9F] =	sst s4  }
0xd: {  	[smem:$0x3FA0] =	sst s5  }
0xe: {  	[smem:$0x3FA1] =	sst s6  }
0xf: {  	[smem:$0x3FA2] =	sst s7  }
0x10: {  	[smem:$0x3FA3] =	sst s8  }
0x11: {  	[smem:$0x3FA4] =	sst s9;
	s0 =	simm.s32 @!p0 $0x0  }
0x12: {  	s1 =	sld [smem:$0x3F8A];
	s0 =	simm.s32 @p0 $0x1  }
0x13: {  	[smem:$0x3FA5] =	sst s0;
	s0 =	simm.s32 @!p1 $0x0  }
0x14: {  	s2 =	sld [smem:$0x3F89];
	s0 =	simm.s32 @p1 $0x1  }
0x15: {  	[smem:$0x3FA6] =	sst s0;
	s0 =	simm.s32 @!p2 $0x0  }
0x16: {  	s3 =	sld [smem:$0x3FDB];
	s0 =	simm.s32 @p2 $0x1  }
0x17: {  	s4 =	simm.s32 $0x1BF5;
	[smem:$0x3FA8] =	sst s0  }
0x18: {  	s0 =	sld [smem:$0x3F8B];
	_ =	swait.ge [sflag:s4], $0x0  }
0x19: {  	s7 =	sld [smem:$0x3F8C]  }
0x1a: {  	s8 =	sadd.s32 $0xFFFFE003, lr  }
0x1b: {  	s9 =	sadd.s32 $0xFFFFFEF7, lr;
	s5 =	simm.s32 $0xFFFFFFFF;
	p2 =	slt.u32 s8, $0xFFFFF086  }
0x1c: {  	p1 =	slt.u32 s9, $0xF7A;
	s5 =	simm.s32 @!p2 $0x0  }
0x1d: {  	s5 =	simm.s32 @p1 $0x1;
	p0 =	seq.s32 s7, s2  }
0x1e: {  	s7 =	smul.u32 @!p0 $0xF7A, s2;
	p2 =	seq.s32 @!p0 s5, $0x0  }
0x1f: {  	s9 =	smul.u32 $0xF7A, s1;
	s8 =	simm.s32 @!p0 $0x1BF5;
	p2 =	por !p2, p0  }
0x20: {  	[sflag:s8] =	ssyncset.s32 @!p0 $0xFFFFF086;
	s6 =	sadd.s32 @!p0 s3, s7;
	s7 =	simm.s32 @!p0 $0x108  }
0x21: {  	s3 =	sadd.s32 s3, s9;
	s6 =	sadd.s32 @!p0 $0x88, s6;
	s7 =	simm.s32 @p2 $0x1082  }
0x22: {  	[simem:s7], [sflag:s8] =	dma.local @!p0 [hbm:s6], $0xF7A  }
0x23: {  	s9 =	sor.u32 $0xD0000000, s2;
	s6 =	simm.s32 $0x108;
	_ =	swait.ge @!p0 [sflag:s8], $0x0  }
0x24: {  	s3 =	sadd.s32 $0x88, s3;
	s6 =	simm.s32 @!p1 $0x1082;
	[sflag:s4] =	ssyncset.s32 $0xFFFFF086  }
0x25: {  	[simem:s6], [sflag:s4] =	dma.local [hbm:s3], $0xF7A  }
0x26: {  	[smem:$0x3F8C] =	sst s1;
	(tag) =	ssettag s2;
	_ =	strace s9  }
0x27: {  	s1 =	sld [smem:$0x3F9C]  }
0x28: {  	s2 =	sld [smem:$0x3F9D]  }
0x29: {  	s4 =	sld [smem:$0x3F9F]  }
0x2a: {  	p0 =	seq.s32 s5, $0x0;
	s5 =	sld [smem:$0x3FA0]  }
0x2b: {  	s6 =	sld [smem:$0x3FA1]  }
0x2c: {  	s7 =	sld [smem:$0x3FA2]  }
0x2d: {  	s3 =	simm.s32 $0x108;
	s8 =	sld [smem:$0x3FA3]  }
0x2e: {  	s3 =	simm.s32 @!p0 $0x1082;
	s9 =	sld [smem:$0x3FA4]  }
0x2f: {  	lr =	sadd.s32 s0, s3;
	s0 =	sld [smem:$0x3F9B]  }
0x30: {  	s3 =	sld [smem:$0x3F9E]  }
0x31: {  	[smem:$0x3FA7] =	sst s10  }
0x32: {  	s10 =	sld [smem:$0x3FA5];
	_ =	sdelay $0x3  }
0x33: {  	p0 =	seq.s32 s10, $0x1;
	s10 =	sld [smem:$0x3FA7];
	_ =	sdelay $0x3  }
0x34: {  	[smem:$0x3FA7] =	sst s10  }
0x35: {  	s10 =	sld [smem:$0x3FA6];
	_ =	sdelay $0x3  }
0x36: {  	p1 =	seq.s32 s10, $0x1;
	s10 =	sld [smem:$0x3FA7];
	_ =	sdelay $0x3  }
0x37: {  	[smem:$0x3FA7] =	sst s10  }
0x38: {  	s10 =	sld [smem:$0x3FA8]  }
0x39: {  	_ = 	snop;
	(pc) =	sbr.ind lr, $3  }
0x3a: {  	_ = 	snop  }
0x3b: {  	_ = 	snop  }
0x3c: {  	p2 =	seq.s32 s10, $0x1;
	s10 =	sld [smem:$0x3FA7]  }
0x3d: {  	_ =	shalt  }
0x3e: {  	_ =	shalt  }
0x3f: {  	_ =	shalt  }
0x40: {  	_ =	shalt  }
0x41: {  	_ =	shalt  }
0x42: {  	_ =	shalt  }
0x43: {  	_ =	shalt  }
0x44: {  	_ =	shalt  }
0x45: {  	_ =	shalt  }
0x46: {  	_ =	shalt  }
0x47: {  	_ =	shalt  }
0x48: {  	_ =	shalt  }
0x49: {  	_ =	shalt  }
0x4a: {  	_ =	shalt  }
0x4b: {  	_ =	shalt  }
0x4c: {  	_ =	shalt  }
0x4d: {  	_ =	shalt  }
0x4e: {  	_ =	shalt  }
0x4f: {  	_ =	shalt  }
0x50: {  	_ =	shalt  }
0x51: {  	_ =	shalt  }
0x52: {  	_ =	shalt  }
0x53: {  	_ =	shalt  }
0x54: {  	_ =	shalt  }
0x55: {  	_ =	shalt  }
0x56: {  	_ =	shalt  }
0x57: {  	_ =	shalt  }
0x58: {  	_ =	shalt  }
0x59: {  	_ =	shalt  }
0x5a: {  	_ =	shalt  }
0x5b: {  	_ =	shalt  }
0x5c: {  	_ =	shalt  }
0x5d: {  	_ =	shalt  }
0x5e: {  	_ =	shalt  }
0x5f: {  	_ =	shalt  }
0x60: {  	_ =	shalt  }
0x61: {  	_ =	shalt  }
0x62: {  	_ =	shalt  }
0x63: {  	_ =	shalt  }
0x64: {  	_ =	shalt  }
0x65: {  	_ =	shalt  }
0x66: {  	_ =	shalt  }
0x67: {  	_ =	shalt  }
0x68: {  	_ =	shalt  }
0x69: {  	_ =	shalt  }
0x6a: {  	_ =	shalt  }
0x6b: {  	_ =	shalt  }
0x6c: {  	_ =	shalt  }
0x6d: {  	_ =	shalt  }
0x6e: {  	_ =	shalt  }
0x6f: {  	_ =	shalt  }
0x70: {  	_ =	shalt  }
0x71: {  	_ =	shalt  }
0x72: {  	_ =	shalt  }
0x73: {  	_ =	shalt  }
0x74: {  	_ =	shalt  }
0x75: {  	_ =	shalt  }
0x76: {  	_ =	shalt  }
0x77: {  	_ =	shalt  }
0x78: {  	_ =	shalt  }
0x79: {  	_ =	shalt  }
0x7a: {  	_ =	shalt  }
0x7b: {  	_ =	shalt  }
0x7c: {  	_ =	shalt  }
0x7d: {  	_ =	shalt  }
0x7e: {  	_ =	shalt  }
0x7f: {  	_ =	shalt  }
0x80: {  	_ =	shalt  }
0x81: {  	_ =	shalt  }
0x82: {  	_ =	shalt  }
0x83: {  	_ =	shalt  }
0x84: {  	_ =	shalt  }
0x85: {  	_ =	shalt  }
0x86: {  	_ =	shalt  }
0x87: {  	_ =	shalt  }
.Lfunc_end0:
.L_simem_size_0:
called_computation.6_lowered:
.L_overlay_start_0:
0x88: {  	s2 =	sld [smem:$0x3FD9]  }
0x89: {  	s3 =	sld [smem:$0x3FFE];
	_ =	sdelay $0x1  }
0x8a: {  	s1 =	srdreg.scid  }
0x8b: {  	s0 =	sand.u32 $0x1, s1  }
0x8c: {  	s17 =	sshll.u32 s0, $0xA;
	s2 =	sadd.s32 s3, s2  }
0x8d: {  	s2 =	sadd.s32 s2, s17  }
0x8e: {  	[smem:$0x3FB3] =	sst s2  }
0x8f: {  	_ = 	snop  }
0x90: {  	s18 =	sld [smem:$0x3FD0];
	(tm) =	ssettm $0x1  }
0x91: {  	s19 =	sld [smem:$0x3FFB];
	_ =	sdelay $0x3  }
0x92: {  	_ =	strace s19  }
0x93: {  	s2 =	sld [smem:$0x3FFC];
	_ =	sdelay $0x3  }
0x94: {  	_ =	strace s2  }
0x95: {  	s2 =	sld [smem:$0x3FFD];
	_ =	sdelay $0x3  }
0x96: {  	_ =	strace s2  }
0x97: {  	_ =	strace $0x8FFFFFFF  }
0x98: {  	s20 =	sld [smem:$0x3FDB];
	_ =	sdelay $0x1  }
0x99: {  	s4 =	simm.s32 $_scs_section_size  }
0x9a: {  	s5 =	simm.s32 $_size__tile_overlayer_lowered;
	s6 =	simm.s32 $_tile_overlayer_lowered  }
0x9b: {  	s7 =	simm.s32 $0x1BFF;
	s21 =	sshll.u32 s6, $0x1;
	s4 =	sadd.s32 s4, s20  }
0x9c: {  	s22 =	simm.s32 $0x0;
	s5 =	sshll.u32 s5, $0x1;
	s6 =	sadd.s32 s21, s4  }
0x9d: {  	[timem:s22], [sflag:s7] =	dma.local [hbm:s6], s5  }
0x9e: {  	_ =	swait.ge [sflag:s7], s5  }
0x9f: {  	s5 =	ssub.s32 $0x0, s5;
	[sflag:s7] =	ssyncset.done $0x0  }
0xa0: {  	[sflag:s7] =	ssyncadd.s32 s5;
	_ =	sdelay $0x1  }
0xa1: {  	s23 =	simm.s32 $0x1B8B  }
0xa2: {  	_ =	swait.ge [sflag:s23], $0x1  }
0xa3: {  	[sflag:s23] =	ssyncset.done $0x0  }
0xa4: {  	[sflag:s23] =	ssyncadd.s32 $0xFFFFFFFF  }
0xa5: {  	s5 =	sld [smem:$0x0]  }
0xa6: {  	s6 =	sand.u32 $0xFFFFFFFE, s1  }
0xa7: {  	p0 =	sne.s32 s1, s6  }
0xa8: {  	s6 =	sshll.u32 @p0 s6, $0xE  }
0xa9: {  	s6 =	sadd.s32 @p0 $0x11B8D, s6;
	s7 =	sshll.u32 @p0 s5, $0x11  }
0xaa: {  	s6 =	sor.u32 @p0 s7, s6  }
0xab: {  	[sflag:s6] =	ssyncadd.remote.s32 @p0 $0x1;
	_ =	sdelay $0x1  }
0xac: {  	s6 =	simm.s32 @p0 $0x1B8D  }
0xad: {  	_ =	swait.eq @p0 [sflag:s6], $0x1  }
0xae: {  	[sflag:s6] =	ssyncadd.s32 @p0 $0xFFFFFFFF  }
0xaf: {  	s7 =	sshll.u32 @!p0 s1, $0xE  }
0xb0: {  	s7 =	sor.u32 @!p0 $0x4000, s7;
	s6 =	simm.s32 @!p0 $0x1B8D  }
0xb1: {  	s5 =	sshll.u32 @!p0 s5, $0x11;
	s7 =	sadd.s32 @!p0 $0x11B8D, s7;
	_ =	swait.eq @!p0 [sflag:s6], $0x1  }
0xb2: {  	s5 =	sor.u32 @!p0 s5, s7;
	[sflag:s6] =	ssyncadd.s32 @!p0 $0xFFFFFFFF  }
0xb3: {  	s25 =	simm.s32 $0x1B8E;
	s24 =	sld [smem:$0x3FFE];
	[sflag:s5] =	ssyncadd.remote.s32 @!p0 $0x1  }
0xb4: {  	s26 =	simm.s32 $execute0_lowered;
	[smem:$0x3FD2] =	sst s25  }
0xb5: {  	s6 =	sshll.u32 s26, $0x1;
	_ =	strace $0x8000004F;
	[dreg:$0x1] =	wrdreg $0xFFFFFFFF  }
0xb6: {  	s28 =	simm.s32 $_size_execute0_lowered;
	s4 =	sadd.s32 s4, s6;
	[dreg:$0x0] =	wrdreg $0x0  }
0xb7: {  	s6 =	sshll.u32 s28, $0x1;
	[dreg:$0x2] =	wrdreg s4  }
0xb8: {  	[dreg:$0x3] =	wrdreg s6  }
0xb9: {  	[dreg:$0x4] =	wrdreg $0xC0  }
0xba: {  	_ =	task [dreg:s22], $0x5FFFF  }
0xbb: {  	[dreg:$0x1] =	wrdreg $0xFFFFFFFF  }
0xbc: {  	[dreg:$0x0] =	wrdreg $0x60  }
0xbd: {  	[dreg:$0x2] =	wrdreg s18  }
0xbe: {  	[dreg:$0x3] =	wrdreg s24  }
0xbf: {  	[dreg:$0x4] =	wrdreg $0xC  }
0xc0: {  	_ =	task.clear_ibuf [dreg:s22], $0x5FFFF;
	_ =	strace $0x9000004F  }
0xc1: {  	s29 =	simm.s32 $0xC;
	_ =	strace $0x80000051  }
0xc2: {  	_ =	swait.ge [sflag:s29], $0x1  }
0xc3: {  	[sflag:s29] =	ssyncadd.s32 $0xFFFFFFFF  }
0xc4: {  	_ =	strace $0x90000051  }
0xc5: {  	_ =	sfence  }
0xc6: {  	s30 =	sld [smem:$0x0];
	_ =	sdelay $0x2  }
0xc7: {  	s31 =	sshll.u32 s1, $0xD;
	s1 =	sshrl.u32 s1, $0x2  }
0xc8: {  	s4 =	sand.u32 $0x4000, s31;
	s1 =	sadd.s32 s1, s30  }
0xc9: {  	s0 =	sor.u32 s4, s0;
	s1 =	sshll.u32 s1, $0x11  }
0xca: {  	s0 =	sor.u32 s1, s0  }
0xcb: {  	s0 =	sadd.s32 $0x8F2B, s0  }
0xcc: {  	[sflag:s0] =	ssyncadd.remote.s32 $0x1  }
0xcd: {  	_ =	sfence.sel $0xFFFF  }
0xce: {  	[dreg:$0x0] =	wrdreg $0xFFFFFFFF;
	(pc) =	sbr.abs _section_cstart, $3  }
0xcf: {  	[dreg:$0x1] =	wrdreg $0xFFFFFFFF  }
0xd0: {  	_ =	task.clear_ibuf [dreg:s22], $0x2FFFF;
	_ =	strace $0x9FFFFFFF  }
0xd1: {  	(tm) =	ssettm $0x7FFFFFFF  }
tec
execute0_lowered:
.L_overlay_start_1:
0x0: {  	(tag) =	ssettag $0x1  }
0x1: {  	s0 =	srdreg.scid;
	s2 =	rddreg [dreg:$0x0]  }
0x2: {  	s28 =	stileid.u32;
	s4 =	rddreg [dreg:$0x1]  }
0x3: {  	s13 =	simm.s32 $0x28;
	s14 =	simm.s32 $0x1C00;
	s15 =	simm.s32 $0x3000  }
0x4: {  	s16 =	simm.s32 $0x4400;
	s17 =	simm.s32 $0x5800;
	s18 =	simm.s32 $0x1  }
0x5: {  	s19 =	simm.s32 $0x2;
	s20 =	simm.s32 $0x3;
	s21 =	simm.s32 $0x4  }
0x6: {  	s22 =	simm.s32 $0x1800;
	s23 =	simm.s32 $0x1880;
	s10 =	smul.u32 $0x3E800, s28  }
0x7: {  	s24 =	simm.s32 $0x0;
	s1 =	sand.u32 $0x1, s0;
	s12 =	smul.u32 $0x7D00, s28  }
0x8: {  	s11 =	sadd.s32 $0x33D600, s4;
	s3 =	sshll.u32 s1, $0x4;
	s7 =	smul.u32 $0x7D000, s1  }
0x9: {  	s29 =	ssub.s32 $0x2, s1;
	s1 =	smul.u32 $0x3E8000, s1;
	s5 =	sor.u32 s28, s3  }
0xa: {  	s3 =	simm.s32 $0x0;
	s8 =	sshrl.u32 s29, $0x1;
	s6 =	smul.u32 $0x380, s5  }
0xb: {  	[smem:$0x7FF] =	sst s3;
	s5 =	smul.u32 $0x3E800, s5;
	s8 =	ssub.s32 s29, s8  }
0xc: {  	s30 =	sadd.s32 s7, s11;
	s1 =	sadd.s32 s10, s1;
	_ =	strace $0x80000050  }
0xd: {  	s7 =	smax.u32 s8, $0x1;
	s8 =	sadd.s32 s12, s30;
	s31 =	sadd.s32 $0x3C00, s1  }
0xe: {  	s10 =	sadd.s32 $0x2800, s1;
	s1 =	sadd.s32 $0x1400, s1;
	s12 =	simm.s32 $0x5  }
0xf: {  	s6 =	sadd.s32 s6, s4;
	s5 =	sshrl.u32 s5, $0x3;
	s10 =	sshrl.u32 s10, $0x3  }
0x10: {  	s1 =	sshrl.u32 s1, $0x3;
	s9 =	sadd.s32 s11, s5;
	s4 =	sadd.s32 $0x336600, s6  }
0x11: {  	s5 =	sadd.s32 $0x7800, s9;
	s6 =	sadd.s32 $0x7A80, s9;
	s9 =	sshrl.u32 s31, $0x3  }
0x12: {  	s10 =	sadd.s32 s10, s11;
	s9 =	sadd.s32 s9, s11;
	s11 =	sadd.s32 s1, s11  }
.LBB2_1:
0x13: {  	[tilespmem:s3], [sflag:$0x5] =	stream.linear.gather [hbm4b:s4+s3], $0x1900, $0x38;
	[tilespmem:$0x6C00] =	vst v63  }
0x14: {  	_ =	swait.ge [sflag:s12], $0x1900  }
0x15: {  	[sflag:s12] =	ssyncset.done $0x0  }
0x16: {  	s1 =	simm.s32 $0x0;
	[sflag:s12] =	ssyncadd.s32 $0xFFFFE700  }
0x17: {  	[tilespmem:s14], [sflag:$0x1] =	stream.indirect.gather [hbm4b:s2+s13], $0x80, s1, s13, $0xb8;
	[tilespmem:$0x6C00] =	vst v63  }
0x18: {  	s0 =	simm.s32 $0x80  }
0x19: {  	[tilespmem:s15], [sflag:$0x2] =	stream.indirect.gather [hbm4b:s2+s13], $0x80, s0, s13, $0xb8;
	[tilespmem:$0x6C00] =	vst v63  }
0x1a: {  	s25 =	simm.s32 $0x100  }
0x1b: {  	[tilespmem:s16], [sflag:$0x3] =	stream.indirect.gather [hbm4b:s2+s13], $0x80, s25, s13, $0xb8;
	[tilespmem:$0x6C00] =	vst v63  }
0x1c: {  	s26 =	simm.s32 $0x180  }
0x1d: {  	[tilespmem:s17], [sflag:$0x4] =	stream.indirect.gather [hbm4b:s2+s13], $0x80, s26, s13, $0xb8;
	[tilespmem:$0x6C00] =	vst v63  }
0x1e: {  	_ =	swait.ge [sflag:s18], $0x1400  }
0x1f: {  	[sflag:s18] =	ssyncset.done $0x0  }
0x20: {  	[sflag:s18] =	ssyncadd.s32 $0xFFFFEC00  }
0x21: {  	[hbm4b:s8+s3] =	stream.linear.scatter [tilespmem:s14], [sflag:$0x5], $0x1400, $0x38;
	[tilespmem:$0x6C00] =	vst v63  }
0x22: {  	_ =	swait.ge [sflag:s12], $0x1400  }
0x23: {  	[sflag:s12] =	ssyncset.done $0x0  }
0x24: {  	[sflag:s12] =	ssyncadd.s32 $0xFFFFEC00  }
0x25: {  	_ =	swait.ge [sflag:s19], $0x1400  }
0x26: {  	[sflag:s19] =	ssyncset.done $0x0  }
0x27: {  	[sflag:s19] =	ssyncadd.s32 $0xFFFFEC00  }
0x28: {  	[hbm4b:s11+s3] =	stream.linear.scatter [tilespmem:s15], [sflag:$0x5], $0x1400, $0x38;
	[tilespmem:$0x6C00] =	vst v63  }
0x29: {  	_ =	swait.ge [sflag:s12], $0x1400  }
0x2a: {  	[sflag:s12] =	ssyncset.done $0x0  }
0x2b: {  	[sflag:s12] =	ssyncadd.s32 $0xFFFFEC00  }
0x2c: {  	_ =	swait.ge [sflag:s20], $0x1400  }
0x2d: {  	[sflag:s20] =	ssyncset.done $0x0  }
0x2e: {  	[sflag:s20] =	ssyncadd.s32 $0xFFFFEC00  }
0x2f: {  	[hbm4b:s10+s3] =	stream.linear.scatter [tilespmem:s16], [sflag:$0x5], $0x1400, $0x38;
	[tilespmem:$0x6C00] =	vst v63  }
0x30: {  	_ =	swait.ge [sflag:s12], $0x1400  }
0x31: {  	[sflag:s12] =	ssyncset.done $0x0  }
0x32: {  	[sflag:s12] =	ssyncadd.s32 $0xFFFFEC00  }
0x33: {  	_ =	swait.ge [sflag:s21], $0x1400  }
0x34: {  	[sflag:s21] =	ssyncset.done $0x0  }
0x35: {  	s30 =	simm.s32 $0x800;
	s31 =	simm.s32 $0x1000;
	[sflag:s21] =	ssyncadd.s32 $0xFFFFEC00  }
0x36: {  	[hbm4b:s9+s3] =	stream.linear.scatter [tilespmem:s17], [sflag:$0x5], $0x1400, $0x38;
	[tilespmem:$0x6C00] =	vst v63  }
0x37: {  	s28 =	sadd.s32 $0xA00, s11;
	s29 =	sadd.s32 $0xA00, s8;
	_ =	swait.ge [sflag:s12], $0x1400  }
0x38: {  	s25 =	sadd.s32 $0xA00, s9;
	s26 =	sadd.s32 $0xA00, s10;
	[sflag:s12] =	ssyncset.done $0x0  }
.LBB2_2:
0x39: {  	s0 =	sshra.s32 s30, $0x2  }
0x3a: {  	[sflag:s12] =	ssyncadd.s32 $0xFFFFEC00;
	s30 =	smov.u32 s31;
	s1 =	sadd.s32 $0x800, s31  }
0x3b: {  	[tilespmem:s14], [sflag:$0x1] =	stream.indirect.gather [hbm4b:s2+s13], $0x80, s0, s13, $0xb8;
	[tilespmem:$0x6C00] =	vst v63  }
0x3c: {  	p0 =	sne.s32 s31, $0x5800;
	s31 =	sadd.s32 $0x80, s0  }
0x3d: {  	[tilespmem:s15], [sflag:$0x2] =	stream.indirect.gather [hbm4b:s2+s13], $0x80, s31, s13, $0xb8;
	[tilespmem:$0x6C00] =	vst v63  }
0x3e: {  	s31 =	sadd.s32 $0x100, s0  }
0x3f: {  	[tilespmem:s16], [sflag:$0x3] =	stream.indirect.gather [hbm4b:s2+s13], $0x80, s31, s13, $0xb8;
	[tilespmem:$0x6C00] =	vst v63  }
0x40: {  	s0 =	sadd.s32 $0x180, s0  }
0x41: {  	[tilespmem:s17], [sflag:$0x4] =	stream.indirect.gather [hbm4b:s2+s13], $0x80, s0, s13, $0xb8;
	[tilespmem:$0x6C00] =	vst v63  }
0x42: {  	_ =	swait.ge [sflag:s18], $0x1400  }
0x43: {  	[sflag:s18] =	ssyncset.done $0x0  }
0x44: {  	[sflag:s18] =	ssyncadd.s32 $0xFFFFEC00  }
0x45: {  	[hbm4b:s29+s3] =	stream.linear.scatter [tilespmem:s14], [sflag:$0x5], $0x1400, $0x38;
	[tilespmem:$0x6C00] =	vst v63  }
0x46: {  	_ =	swait.ge [sflag:s12], $0x1400  }
0x47: {  	[sflag:s12] =	ssyncset.done $0x0  }
0x48: {  	[sflag:s12] =	ssyncadd.s32 $0xFFFFEC00  }
0x49: {  	_ =	swait.ge [sflag:s19], $0x1400  }
0x4a: {  	[sflag:s19] =	ssyncset.done $0x0  }
0x4b: {  	[sflag:s19] =	ssyncadd.s32 $0xFFFFEC00  }
0x4c: {  	[hbm4b:s28+s3] =	stream.linear.scatter [tilespmem:s15], [sflag:$0x5], $0x1400, $0x38;
	[tilespmem:$0x6C00] =	vst v63  }
0x4d: {  	_ =	swait.ge [sflag:s12], $0x1400  }
0x4e: {  	[sflag:s12] =	ssyncset.done $0x0  }
0x4f: {  	[sflag:s12] =	ssyncadd.s32 $0xFFFFEC00  }
0x50: {  	_ =	swait.ge [sflag:s20], $0x1400  }
0x51: {  	[sflag:s20] =	ssyncset.done $0x0  }
0x52: {  	[sflag:s20] =	ssyncadd.s32 $0xFFFFEC00  }
0x53: {  	[hbm4b:s26+s3] =	stream.linear.scatter [tilespmem:s16], [sflag:$0x5], $0x1400, $0x38;
	[tilespmem:$0x6C00] =	vst v63  }
0x54: {  	_ =	swait.ge [sflag:s12], $0x1400  }
0x55: {  	[sflag:s12] =	ssyncset.done $0x0  }
0x56: {  	[sflag:s12] =	ssyncadd.s32 $0xFFFFEC00  }
0x57: {  	_ =	swait.ge [sflag:s21], $0x1400  }
.Ltmp0:
0x58: {  	[sflag:s21] =	ssyncset.done $0x0;
	(pc) =	sbr.rel @p0 .LBB2_2-.Ltmp0, $4  }
0x59: {  	s31 =	smov.u32 s1;
	[sflag:s21] =	ssyncadd.s32 $0xFFFFEC00  }
0x5a: {  	[hbm4b:s25+s3] =	stream.linear.scatter [tilespmem:s17], [sflag:$0x5], $0x1400, $0x38;
	[tilespmem:$0x6C00] =	vst v63  }
0x5b: {  	s28 =	sadd.s32 $0xA00, s28;
	s26 =	sadd.s32 $0xA00, s26;
	_ =	swait.ge [sflag:s12], $0x1400  }
0x5c: {  	s29 =	sadd.s32 $0xA00, s29;
	s25 =	sadd.s32 $0xA00, s25;
	[sflag:s12] =	ssyncset.done $0x0  }
0x5d: {  	s0 =	sshra.s32 s30, $0x2;
	[sflag:s12] =	ssyncadd.s32 $0xFFFFEC00  }
0x5e: {  	[tilespmem:s14], [sflag:$0x1] =	stream.indirect.gather [hbm4b:s2+s13], $0x80, s0, s13, $0xb8;
	[tilespmem:$0x6C00] =	vst v63  }
0x5f: {  	s1 =	sadd.s32 $0x80, s0  }
0x60: {  	[tilespmem:s15], [sflag:$0x2] =	stream.indirect.gather [hbm4b:s2+s13], $0x80, s1, s13, $0xb8;
	[tilespmem:$0x6C00] =	vst v63  }
0x61: {  	s31 =	sadd.s32 $0x100, s0  }
0x62: {  	[tilespmem:s16], [sflag:$0x3] =	stream.indirect.gather [hbm4b:s2+s13], $0x80, s31, s13, $0xb8;
	[tilespmem:$0x6C00] =	vst v63  }
0x63: {  	s0 =	sadd.s32 $0x180, s0  }
0x64: {  	[tilespmem:s17], [sflag:$0x4] =	stream.indirect.gather [hbm4b:s2+s13], $0x80, s0, s13, $0xb8;
	[tilespmem:$0x6C00] =	vst v63  }
0x65: {  	_ =	swait.ge [sflag:s18], $0x1400  }
0x66: {  	[sflag:s18] =	ssyncset.done $0x0  }
0x67: {  	[sflag:s18] =	ssyncadd.s32 $0xFFFFEC00  }
0x68: {  	[hbm4b:s29+s3] =	stream.linear.scatter [tilespmem:s14], [sflag:$0x5], $0x1400, $0x38;
	[tilespmem:$0x6C00] =	vst v63  }
0x69: {  	_ =	swait.ge [sflag:s12], $0x1400  }
0x6a: {  	[sflag:s12] =	ssyncset.done $0x0  }
0x6b: {  	[sflag:s12] =	ssyncadd.s32 $0xFFFFEC00  }
0x6c: {  	_ =	swait.ge [sflag:s19], $0x1400  }
0x6d: {  	[sflag:s19] =	ssyncset.done $0x0  }
0x6e: {  	[sflag:s19] =	ssyncadd.s32 $0xFFFFEC00  }
0x6f: {  	[hbm4b:s28+s3] =	stream.linear.scatter [tilespmem:s15], [sflag:$0x5], $0x1400, $0x38;
	[tilespmem:$0x6C00] =	vst v63  }
0x70: {  	_ =	swait.ge [sflag:s12], $0x1400  }
0x71: {  	[sflag:s12] =	ssyncset.done $0x0  }
0x72: {  	[sflag:s12] =	ssyncadd.s32 $0xFFFFEC00  }
0x73: {  	_ =	swait.ge [sflag:s20], $0x1400  }
0x74: {  	[sflag:s20] =	ssyncset.done $0x0  }
0x75: {  	[sflag:s20] =	ssyncadd.s32 $0xFFFFEC00  }
0x76: {  	[hbm4b:s26+s3] =	stream.linear.scatter [tilespmem:s16], [sflag:$0x5], $0x1400, $0x38;
	[tilespmem:$0x6C00] =	vst v63  }
0x77: {  	_ =	swait.ge [sflag:s12], $0x1400  }
0x78: {  	[sflag:s12] =	ssyncset.done $0x0  }
0x79: {  	[sflag:s12] =	ssyncadd.s32 $0xFFFFEC00  }
0x7a: {  	_ =	swait.ge [sflag:s21], $0x1400  }
0x7b: {  	[sflag:s21] =	ssyncset.done $0x0  }
0x7c: {  	[sflag:s21] =	ssyncadd.s32 $0xFFFFEC00  }
0x7d: {  	[hbm4b:s25+s3] =	stream.linear.scatter [tilespmem:s17], [sflag:$0x5], $0x1400, $0x38;
	[tilespmem:$0x6C00] =	vst v63  }
0x7e: {  	_ =	swait.ge [sflag:s12], $0x1400  }
0x7f: {  	[sflag:s12] =	ssyncset.done $0x0  }
0x80: {  	[sflag:s12] =	ssyncadd.s32 $0xFFFFEC00  }
0x81: {  	[tilespmem:s14], [sflag:$0x1] =	stream.indirect.gather [hbm4b:s2+s13], $0x80, s22, s13, $0xb8;
	[tilespmem:$0x6C00] =	vst v63  }
0x82: {  	_ = 	snop  }
0x83: {  	[tilespmem:s15], [sflag:$0x2] =	stream.indirect.gather [hbm4b:s2+s13], $0x80, s23, s13, $0xb8;
	[tilespmem:$0x6C00] =	vst v63  }
0x84: {  	_ =	swait.ge [sflag:s18], $0x1400  }
0x85: {  	[sflag:s18] =	ssyncset.done $0x0  }
0x86: {  	[sflag:s18] =	ssyncadd.s32 $0xFFFFEC00  }
0x87: {  	[hbm4b:s5+s3] =	stream.linear.scatter [tilespmem:s14], [sflag:$0x5], $0x1400, $0x38;
	[tilespmem:$0x6C00] =	vst v63  }
0x88: {  	_ =	swait.ge [sflag:s12], $0x1400  }
0x89: {  	[sflag:s12] =	ssyncset.done $0x0  }
0x8a: {  	[sflag:s12] =	ssyncadd.s32 $0xFFFFEC00  }
0x8b: {  	s24 =	sadd.s32 $0x1, s24;
	_ =	swait.ge [sflag:s19], $0x1400  }
0x8c: {  	p0 =	sne.s32 s24, s7;
	[sflag:s19] =	ssyncset.done $0x0  }
.Ltmp1:
0x8d: {  	[sflag:s19] =	ssyncadd.s32 $0xFFFFEC00;
	(pc) =	sbr.rel @p0 .LBB2_1-.Ltmp1, $4  }
0x8e: {  	[hbm4b:s6+s3] =	stream.linear.scatter [tilespmem:s15], [sflag:$0x5], $0x1400, $0x38;
	[tilespmem:$0x6C00] =	vst v63  }
0x8f: {  	_ =	swait.ge [sflag:s12], $0x1400  }
0x90: {  	[sflag:s12] =	ssyncset.done $0x0  }
0x91: {  	[sflag:s12] =	ssyncadd.s32 $0xFFFFEC00  }
0x92: {  	_ =	sfence.sel $0x180000  }
0x93: {  	[bflag:$0x0] =	sbarrier.arrive $0xFFFF  }
0x94: {  	_ =	strace $0x90000050  }
0x95: {  	s0 =	stileid.u32;
	[bflag:$0x2] =	sbarrier.arrive $0xFFFF  }
0x96: {  	p0 =	sne.s32 s0, $0x0;
	s0 =	rddreg [dreg:$0x2]  }
0x97: {  	s0 =	sadd.s32 @!p0 $0x100000, s0  }
0x98: {  	[sflag:s0] =	ssyncadd.tile.s32 @!p0 $0x1;
	_ =	shalt  }
.Lfunc_end2:
_tile_overlayer_lowered:
.L_overlay_start_2:
0x99: {  	(tag) =	ssettag $0x2  }
0x9a: {  	s0 =	rddreg [dreg:$0x0];
	s2 =	stileid.u32  }
0x9b: {  	s1 =	rddreg [dreg:$0x1];
	p0 =	sne.s32 s2, $0x0  }
0x9c: {  	s3 =	rddreg [dreg:$0x2];
	[bflag:$0x3] =	sbarrier.arrive $0xFFFF;
	s2 =	simm.s32 @!p0 $0x1C05  }
0x9d: {  	[timem:s3], [sflag:s2] =	dma.local @!p0 [hbm:s0], s1  }
0x9e: {  	s0 =	simm.s32 @!p0 $0x5  }
0x9f: {  	_ =	swait.ge @!p0 [sflag:s0], s1  }
0xa0: {  	s1 =	ssub.s32 @!p0 $0x0, s1;
	[sflag:s0] =	ssyncset.done @!p0 $0x0  }
0xa1: {  	[sflag:s0] =	ssyncadd.s32 @!p0 s1  }
0xa2: {  	[bflag:$0x3] =	sbarrier.arrive $0xFFFF  }
0xa3: {  	_ =	shalt  }

// kernel: kernel.37.cloned.1.call-start
scs
__scs_entry_jumppad:
0x0: {  	(pc) =	sbr.rel $0x88, $3  }
0x1: {  	(tag) =	ssettag $0x0;
	lr =	simm.s32 $0x1  }
0x2: {  	[smem:$0x3F8C] =	sst lr;
	_ =	strace $0xD0000000  }
0x3: {  	_ = 	snop  }
0x4: {  	_ = 	snop  }
0x5: {  	_ = 	snop  }
0x6: {  	_ = 	snop  }
0x7: {  	_ = 	snop  }
__scs_overlays_trampoline_lowered:
0x8: {  	[smem:$0x3F9B] =	sst s0  }
0x9: {  	[smem:$0x3F9C] =	sst s1  }
0xa: {  	[smem:$0x3F9D] =	sst s2  }
0xb: {  	[smem:$0x3F9E] =	sst s3  }
0xc: {  	[smem:$0x3F9F] =	sst s4  }
0xd: {  	[smem:$0x3FA0] =	sst s5  }
0xe: {  	[smem:$0x3FA1] =	sst s6  }
0xf: {  	[smem:$0x3FA2] =	sst s7  }
0x10: {  	[smem:$0x3FA3] =	sst s8  }
0x11: {  	[smem:$0x3FA4] =	sst s9;
	s0 =	simm.s32 @!p0 $0x0  }
0x12: {  	s1 =	sld [smem:$0x3F8A];
	s0 =	simm.s32 @p0 $0x1  }
0x13: {  	[smem:$0x3FA5] =	sst s0;
	s0 =	simm.s32 @!p1 $0x0  }
0x14: {  	s2 =	sld [smem:$0x3F89];
	s0 =	simm.s32 @p1 $0x1  }
0x15: {  	[smem:$0x3FA6] =	sst s0;
	s0 =	simm.s32 @!p2 $0x0  }
0x16: {  	s3 =	sld [smem:$0x3FDB];
	s0 =	simm.s32 @p2 $0x1  }
0x17: {  	s4 =	simm.s32 $0x1BF5;
	[smem:$0x3FA8] =	sst s0  }
0x18: {  	s0 =	sld [smem:$0x3F8B];
	_ =	swait.ge [sflag:s4], $0x0  }
0x19: {  	s7 =	sld [smem:$0x3F8C]  }
0x1a: {  	s8 =	sadd.s32 $0xFFFFE003, lr  }
0x1b: {  	s9 =	sadd.s32 $0xFFFFFEF7, lr;
	s5 =	simm.s32 $0xFFFFFFFF;
	p2 =	slt.u32 s8, $0xFFFFF086  }
0x1c: {  	p1 =	slt.u32 s9, $0xF7A;
	s5 =	simm.s32 @!p2 $0x0  }
0x1d: {  	s5 =	simm.s32 @p1 $0x1;
	p0 =	seq.s32 s7, s2  }
0x1e: {  	s7 =	smul.u32 @!p0 $0xF7A, s2;
	p2 =	seq.s32 @!p0 s5, $0x0  }
0x1f: {  	s9 =	smul.u32 $0xF7A, s1;
	s8 =	simm.s32 @!p0 $0x1BF5;
	p2 =	por !p2, p0  }
0x20: {  	[sflag:s8] =	ssyncset.s32 @!p0 $0xFFFFF086;
	s6 =	sadd.s32 @!p0 s3, s7;
	s7 =	simm.s32 @!p0 $0x108  }
0x21: {  	s3 =	sadd.s32 s3, s9;
	s6 =	sadd.s32 @!p0 $0x88, s6;
	s7 =	simm.s32 @p2 $0x1082  }
0x22: {  	[simem:s7], [sflag:s8] =	dma.local @!p0 [hbm:s6], $0xF7A  }
0x23: {  	s9 =	sor.u32 $0xD0000000, s2;
	s6 =	simm.s32 $0x108;
	_ =	swait.ge @!p0 [sflag:s8], $0x0  }
0x24: {  	s3 =	sadd.s32 $0x88, s3;
	s6 =	simm.s32 @!p1 $0x1082;
	[sflag:s4] =	ssyncset.s32 $0xFFFFF086  }
0x25: {  	[simem:s6], [sflag:s4] =	dma.local [hbm:s3], $0xF7A  }
0x26: {  	[smem:$0x3F8C] =	sst s1;
	(tag) =	ssettag s2;
	_ =	strace s9  }
0x27: {  	s1 =	sld [smem:$0x3F9C]  }
0x28: {  	s2 =	sld [smem:$0x3F9D]  }
0x29: {  	s4 =	sld [smem:$0x3F9F]  }
0x2a: {  	p0 =	seq.s32 s5, $0x0;
	s5 =	sld [smem:$0x3FA0]  }
0x2b: {  	s6 =	sld [smem:$0x3FA1]  }
0x2c: {  	s7 =	sld [smem:$0x3FA2]  }
0x2d: {  	s3 =	simm.s32 $0x108;
	s8 =	sld [smem:$0x3FA3]  }
0x2e: {  	s3 =	simm.s32 @!p0 $0x1082;
	s9 =	sld [smem:$0x3FA4]  }
0x2f: {  	lr =	sadd.s32 s0, s3;
	s0 =	sld [smem:$0x3F9B]  }
0x30: {  	s3 =	sld [smem:$0x3F9E]  }
0x31: {  	[smem:$0x3FA7] =	sst s10  }
0x32: {  	s10 =	sld [smem:$0x3FA5];
	_ =	sdelay $0x3  }
0x33: {  	p0 =	seq.s32 s10, $0x1;
	s10 =	sld [smem:$0x3FA7];
	_ =	sdelay $0x3  }
0x34: {  	[smem:$0x3FA7] =	sst s10  }
0x35: {  	s10 =	sld [smem:$0x3FA6];
	_ =	sdelay $0x3  }
0x36: {  	p1 =	seq.s32 s10, $0x1;
	s10 =	sld [smem:$0x3FA7];
	_ =	sdelay $0x3  }
0x37: {  	[smem:$0x3FA7] =	sst s10  }
0x38: {  	s10 =	sld [smem:$0x3FA8]  }
0x39: {  	_ = 	snop;
	(pc) =	sbr.ind lr, $3  }
0x3a: {  	_ = 	snop  }
0x3b: {  	_ = 	snop  }
0x3c: {  	p2 =	seq.s32 s10, $0x1;
	s10 =	sld [smem:$0x3FA7]  }
0x3d: {  	_ =	shalt  }
0x3e: {  	_ =	shalt  }
0x3f: {  	_ =	shalt  }
0x40: {  	_ =	shalt  }
0x41: {  	_ =	shalt  }
0x42: {  	_ =	shalt  }
0x43: {  	_ =	shalt  }
0x44: {  	_ =	shalt  }
0x45: {  	_ =	shalt  }
0x46: {  	_ =	shalt  }
0x47: {  	_ =	shalt  }
0x48: {  	_ =	shalt  }
0x49: {  	_ =	shalt  }
0x4a: {  	_ =	shalt  }
0x4b: {  	_ =	shalt  }
0x4c: {  	_ =	shalt  }
0x4d: {  	_ =	shalt  }
0x4e: {  	_ =	shalt  }
0x4f: {  	_ =	shalt  }
0x50: {  	_ =	shalt  }
0x51: {  	_ =	shalt  }
0x52: {  	_ =	shalt  }
0x53: {  	_ =	shalt  }
0x54: {  	_ =	shalt  }
0x55: {  	_ =	shalt  }
0x56: {  	_ =	shalt  }
0x57: {  	_ =	shalt  }
0x58: {  	_ =	shalt  }
0x59: {  	_ =	shalt  }
0x5a: {  	_ =	shalt  }
0x5b: {  	_ =	shalt  }
0x5c: {  	_ =	shalt  }
0x5d: {  	_ =	shalt  }
0x5e: {  	_ =	shalt  }
0x5f: {  	_ =	shalt  }
0x60: {  	_ =	shalt  }
0x61: {  	_ =	shalt  }
0x62: {  	_ =	shalt  }
0x63: {  	_ =	shalt  }
0x64: {  	_ =	shalt  }
0x65: {  	_ =	shalt  }
0x66: {  	_ =	shalt  }
0x67: {  	_ =	shalt  }
0x68: {  	_ =	shalt  }
0x69: {  	_ =	shalt  }
0x6a: {  	_ =	shalt  }
0x6b: {  	_ =	shalt  }
0x6c: {  	_ =	shalt  }
0x6d: {  	_ =	shalt  }
0x6e: {  	_ =	shalt  }
0x6f: {  	_ =	shalt  }
0x70: {  	_ =	shalt  }
0x71: {  	_ =	shalt  }
0x72: {  	_ =	shalt  }
0x73: {  	_ =	shalt  }
0x74: {  	_ =	shalt  }
0x75: {  	_ =	shalt  }
0x76: {  	_ =	shalt  }
0x77: {  	_ =	shalt  }
0x78: {  	_ =	shalt  }
0x79: {  	_ =	shalt  }
0x7a: {  	_ =	shalt  }
0x7b: {  	_ =	shalt  }
0x7c: {  	_ =	shalt  }
0x7d: {  	_ =	shalt  }
0x7e: {  	_ =	shalt  }
0x7f: {  	_ =	shalt  }
0x80: {  	_ =	shalt  }
0x81: {  	_ =	shalt  }
0x82: {  	_ =	shalt  }
0x83: {  	_ =	shalt  }
0x84: {  	_ =	shalt  }
0x85: {  	_ =	shalt  }
0x86: {  	_ =	shalt  }
0x87: {  	_ =	shalt  }
.Lfunc_end0:
.L_simem_size_0:
called_computation.7_lowered:
.L_overlay_start_0:
0x88: {  	s2 =	sld [smem:$0x3FD9]  }
0x89: {  	s3 =	sld [smem:$0x3FFE];
	_ =	sdelay $0x1  }
0x8a: {  	s1 =	srdreg.scid  }
0x8b: {  	s0 =	sand.u32 $0x1, s1  }
0x8c: {  	s17 =	sshll.u32 s0, $0xA;
	s2 =	sadd.s32 s3, s2  }
0x8d: {  	s2 =	sadd.s32 s2, s17  }
0x8e: {  	[smem:$0x3FB3] =	sst s2  }
0x8f: {  	_ = 	snop  }
0x90: {  	(tm) =	ssettm $0x1  }
0x91: {  	s18 =	sld [smem:$0x3FFB];
	_ =	sdelay $0x3  }
0x92: {  	_ =	strace s18  }
0x93: {  	s2 =	sld [smem:$0x3FFC];
	_ =	sdelay $0x3  }
0x94: {  	_ =	strace s2  }
0x95: {  	s2 =	sld [smem:$0x3FFD];
	_ =	sdelay $0x3  }
0x96: {  	_ =	strace s2  }
0x97: {  	_ =	strace $0x8FFFFFFF  }
0x98: {  	s19 =	sld [smem:$0x3FDB];
	_ =	sdelay $0x1  }
0x99: {  	s20 =	simm.s32 $_scs_section_size  }
0x9a: {  	s4 =	simm.s32 $_size__tile_overlayer_lowered;
	s5 =	simm.s32 $_tile_overlayer_lowered  }
0x9b: {  	s6 =	simm.s32 $0x1BFF;
	s21 =	sshll.u32 s5, $0x1;
	s3 =	sadd.s32 s20, s19  }
0x9c: {  	s22 =	simm.s32 $0x0;
	s4 =	sshll.u32 s4, $0x1;
	s5 =	sadd.s32 s21, s3  }
0x9d: {  	[timem:s22], [sflag:s6] =	dma.local [hbm:s5], s4  }
0x9e: {  	_ =	swait.ge [sflag:s6], s4  }
0x9f: {  	s4 =	ssub.s32 $0x0, s4;
	[sflag:s6] =	ssyncset.done $0x0  }
0xa0: {  	[sflag:s6] =	ssyncadd.s32 s4;
	_ =	sdelay $0x1  }
0xa1: {  	s23 =	simm.s32 $0x1B8B  }
0xa2: {  	_ =	swait.ge [sflag:s23], $0x1  }
0xa3: {  	[sflag:s23] =	ssyncset.done $0x0  }
0xa4: {  	[sflag:s23] =	ssyncadd.s32 $0xFFFFFFFF  }
0xa5: {  	s4 =	sld [smem:$0x0]  }
0xa6: {  	s5 =	sand.u32 $0xFFFFFFFE, s1  }
0xa7: {  	p0 =	sne.s32 s1, s5  }
0xa8: {  	s5 =	sshll.u32 @p0 s5, $0xE  }
0xa9: {  	s5 =	sadd.s32 @p0 $0x11B8D, s5;
	s6 =	sshll.u32 @p0 s4, $0x11  }
0xaa: {  	s5 =	sor.u32 @p0 s6, s5  }
0xab: {  	[sflag:s5] =	ssyncadd.remote.s32 @p0 $0x1;
	_ =	sdelay $0x1  }
0xac: {  	s5 =	simm.s32 @p0 $0x1B8D  }
0xad: {  	_ =	swait.eq @p0 [sflag:s5], $0x1  }
0xae: {  	[sflag:s5] =	ssyncadd.s32 @p0 $0xFFFFFFFF  }
0xaf: {  	s6 =	sshll.u32 @!p0 s1, $0xE  }
0xb0: {  	s6 =	sor.u32 @!p0 $0x4000, s6;
	s5 =	simm.s32 @!p0 $0x1B8D  }
0xb1: {  	s4 =	sshll.u32 @!p0 s4, $0x11;
	s6 =	sadd.s32 @!p0 $0x11B8D, s6;
	_ =	swait.eq @!p0 [sflag:s5], $0x1  }
0xb2: {  	s4 =	sor.u32 @!p0 s4, s6;
	[sflag:s5] =	ssyncadd.s32 @!p0 $0xFFFFFFFF  }
0xb3: {  	s25 =	simm.s32 $0x1B8E;
	s24 =	sld [smem:$0x3FFE];
	[sflag:s4] =	ssyncadd.remote.s32 @!p0 $0x1  }
0xb4: {  	s26 =	simm.s32 $execute0_lowered;
	[smem:$0x3FD2] =	sst s25  }
0xb5: {  	s5 =	sshll.u32 s26, $0x1;
	_ =	strace $0x8000004C;
	[dreg:$0x1] =	wrdreg $0xFFFFFFFF  }
0xb6: {  	s28 =	simm.s32 $_size_execute0_lowered;
	s3 =	sadd.s32 s3, s5;
	[dreg:$0x0] =	wrdreg $0x0  }
0xb7: {  	s5 =	sshll.u32 s28, $0x1;
	[dreg:$0x2] =	wrdreg s3  }
0xb8: {  	[dreg:$0x3] =	wrdreg s5  }
0xb9: {  	[dreg:$0x4] =	wrdreg $0xC0  }
0xba: {  	_ =	task [dreg:s22], $0x5FFFF  }
0xbb: {  	[dreg:$0x1] =	wrdreg $0xFFFFFFFF  }
0xbc: {  	[dreg:$0x0] =	wrdreg $0x60  }
0xbd: {  	[dreg:$0x2] =	wrdreg s24  }
0xbe: {  	[dreg:$0x3] =	wrdreg $0xD  }
0xbf: {  	_ =	task.clear_ibuf [dreg:s22], $0x4FFFF;
	_ =	strace $0x9000004C  }
0xc0: {  	s29 =	simm.s32 $0xD;
	_ =	strace $0x8000004E  }
0xc1: {  	_ =	swait.ge [sflag:s29], $0x1  }
0xc2: {  	[sflag:s29] =	ssyncadd.s32 $0xFFFFFFFF  }
0xc3: {  	_ =	strace $0x9000004E  }
0xc4: {  	_ =	sfence  }
0xc5: {  	s30 =	sld [smem:$0x0];
	_ =	sdelay $0x2  }
0xc6: {  	s31 =	sshll.u32 s1, $0xD;
	s1 =	sshrl.u32 s1, $0x2  }
0xc7: {  	s4 =	sand.u32 $0x4000, s31;
	s1 =	sadd.s32 s1, s30  }
0xc8: {  	s0 =	sor.u32 s4, s0;
	s1 =	sshll.u32 s1, $0x11  }
0xc9: {  	s0 =	sor.u32 s1, s0  }
0xca: {  	s0 =	sadd.s32 $0x8F2B, s0  }
0xcb: {  	[sflag:s0] =	ssyncadd.remote.s32 $0x1  }
0xcc: {  	_ =	sfence.sel $0xFFFF  }
0xcd: {  	[dreg:$0x0] =	wrdreg $0xFFFFFFFF;
	(pc) =	sbr.abs _section_cstart, $3  }
0xce: {  	[dreg:$0x1] =	wrdreg $0xFFFFFFFF  }
0xcf: {  	_ =	task.clear_ibuf [dreg:s22], $0x2FFFF;
	_ =	strace $0x9FFFFFFF  }
0xd0: {  	(tm) =	ssettm $0x7FFFFFFF  }
0xd1: {  	_ =	shalt  }
tec
execute0_lowered:
.L_overlay_start_1:
0x0: {  	(tag) =	ssettag $0x1  }
0x1: {  	s0 =	srdreg.scid  }
0x2: {  	s4 =	rddreg [dreg:$0x0];
	s1 =	stileid.u32;
	s2 =	simm.s32 $0x0  }
0x3: {  	s13 =	simm.s32 $0x28;
	s14 =	simm.s32 $0x1C00;
	s15 =	simm.s32 $0x3000  }
0x4: {  	s16 =	simm.s32 $0x4400;
	s17 =	simm.s32 $0x5800;
	s18 =	simm.s32 $0x1  }
0x5: {  	s19 =	simm.s32 $0x2;
	s20 =	simm.s32 $0x3;
	s21 =	simm.s32 $0x4  }
0x6: {  	s22 =	simm.s32 $0x1800;
	s23 =	simm.s32 $0x1880;
	s10 =	smul.u32 $0x3E800, s1  }
0x7: {  	s0 =	sand.u32 $0x1, s0;
	[smem:$0x7FF] =	sst s2;
	s12 =	smul.u32 $0x7D00, s1  }
0x8: {  	s11 =	sadd.s32 $0x23C600, s4;
	s3 =	sshll.u32 s0, $0x4;
	s7 =	smul.u32 $0x7D000, s0  }
0x9: {  	s29 =	ssub.s32 $0x2, s0;
	s0 =	smul.u32 $0x3E8000, s0;
	s5 =	sor.u32 s1, s3  }
0xa: {  	s24 =	simm.s32 $0x0;
	_ =	strace $0x8000004D;
	s6 =	smul.u32 $0x380, s5  }
0xb: {  	s3 =	sadd.s32 $0x13400, s4;
	s8 =	sshrl.u32 s29, $0x1;
	s5 =	smul.u32 $0x3E800, s5  }
0xc: {  	s8 =	ssub.s32 s29, s8;
	s30 =	sadd.s32 s7, s11;
	s0 =	sadd.s32 s10, s0  }
0xd: {  	s7 =	smax.u32 s8, $0x1;
	s8 =	sadd.s32 s12, s30;
	s31 =	sadd.s32 $0x3C00, s0  }
0xe: {  	s10 =	sadd.s32 $0x2800, s0;
	s0 =	sadd.s32 $0x1400, s0;
	s12 =	simm.s32 $0x5  }
0xf: {  	s6 =	sadd.s32 s6, s4;
	s5 =	sshrl.u32 s5, $0x3;
	s10 =	sshrl.u32 s10, $0x3  }
0x10: {  	s0 =	sshrl.u32 s0, $0x3;
	s9 =	sadd.s32 s11, s5;
	s4 =	sadd.s32 $0x235600, s6  }
0x11: {  	s5 =	sadd.s32 $0x7800, s9;
	s6 =	sadd.s32 $0x7A80, s9;
	s9 =	sshrl.u32 s31, $0x3  }
0x12: {  	s10 =	sadd.s32 s10, s11;
	s9 =	sadd.s32 s9, s11;
	s11 =	sadd.s32 s0, s11  }
.LBB2_1:
0x13: {  	[tilespmem:s2], [sflag:$0x5] =	stream.linear.gather [hbm4b:s4+s2], $0x1900, $0x38;
	[tilespmem:$0x6C00] =	vst v63  }
0x14: {  	_ =	swait.ge [sflag:s12], $0x1900  }
0x15: {  	[sflag:s12] =	ssyncset.done $0x0  }
0x16: {  	s0 =	simm.s32 $0x0;
	[sflag:s12] =	ssyncadd.s32 $0xFFFFE700  }
0x17: {  	[tilespmem:s14], [sflag:$0x1] =	stream.indirect.gather [hbm4b:s3+s13], $0x80, s0, s13, $0xb8;
	[tilespmem:$0x6C00] =	vst v63  }
0x18: {  	s1 =	simm.s32 $0x80  }
0x19: {  	[tilespmem:s15], [sflag:$0x2] =	stream.indirect.gather [hbm4b:s3+s13], $0x80, s1, s13, $0xb8;
	[tilespmem:$0x6C00] =	vst v63  }
0x1a: {  	s25 =	simm.s32 $0x100  }
0x1b: {  	[tilespmem:s16], [sflag:$0x3] =	stream.indirect.gather [hbm4b:s3+s13], $0x80, s25, s13, $0xb8;
	[tilespmem:$0x6C00] =	vst v63  }
0x1c: {  	s26 =	simm.s32 $0x180  }
0x1d: {  	[tilespmem:s17], [sflag:$0x4] =	stream.indirect.gather [hbm4b:s3+s13], $0x80, s26, s13, $0xb8;
	[tilespmem:$0x6C00] =	vst v63  }
0x1e: {  	_ =	swait.ge [sflag:s18], $0x1400  }
0x1f: {  	[sflag:s18] =	ssyncset.done $0x0  }
0x20: {  	[sflag:s18] =	ssyncadd.s32 $0xFFFFEC00  }
0x21: {  	[hbm4b:s8+s2] =	stream.linear.scatter [tilespmem:s14], [sflag:$0x5], $0x1400, $0x38;
	[tilespmem:$0x6C00] =	vst v63  }
0x22: {  	_ =	swait.ge [sflag:s12], $0x1400  }
0x23: {  	[sflag:s12] =	ssyncset.done $0x0  }
0x24: {  	[sflag:s12] =	ssyncadd.s32 $0xFFFFEC00  }
0x25: {  	_ =	swait.ge [sflag:s19], $0x1400  }
0x26: {  	[sflag:s19] =	ssyncset.done $0x0  }
0x27: {  	[sflag:s19] =	ssyncadd.s32 $0xFFFFEC00  }
0x28: {  	[hbm4b:s11+s2] =	stream.linear.scatter [tilespmem:s15], [sflag:$0x5], $0x1400, $0x38;
	[tilespmem:$0x6C00] =	vst v63  }
0x29: {  	_ =	swait.ge [sflag:s12], $0x1400  }
0x2a: {  	[sflag:s12] =	ssyncset.done $0x0  }
0x2b: {  	[sflag:s12] =	ssyncadd.s32 $0xFFFFEC00  }
0x2c: {  	_ =	swait.ge [sflag:s20], $0x1400  }
0x2d: {  	[sflag:s20] =	ssyncset.done $0x0  }
0x2e: {  	[sflag:s20] =	ssyncadd.s32 $0xFFFFEC00  }
0x2f: {  	[hbm4b:s10+s2] =	stream.linear.scatter [tilespmem:s16], [sflag:$0x5], $0x1400, $0x38;
	[tilespmem:$0x6C00] =	vst v63  }
0x30: {  	_ =	swait.ge [sflag:s12], $0x1400  }
0x31: {  	[sflag:s12] =	ssyncset.done $0x0  }
0x32: {  	[sflag:s12] =	ssyncadd.s32 $0xFFFFEC00  }
0x33: {  	_ =	swait.ge [sflag:s21], $0x1400  }
0x34: {  	[sflag:s21] =	ssyncset.done $0x0  }
0x35: {  	s30 =	simm.s32 $0x800;
	s31 =	simm.s32 $0x1000;
	[sflag:s21] =	ssyncadd.s32 $0xFFFFEC00  }
0x36: {  	[hbm4b:s9+s2] =	stream.linear.scatter [tilespmem:s17], [sflag:$0x5], $0x1400, $0x38;
	[tilespmem:$0x6C00] =	vst v63  }
0x37: {  	s28 =	sadd.s32 $0xA00, s11;
	s29 =	sadd.s32 $0xA00, s8;
	_ =	swait.ge [sflag:s12], $0x1400  }
0x38: {  	s25 =	sadd.s32 $0xA00, s9;
	s26 =	sadd.s32 $0xA00, s10;
	[sflag:s12] =	ssyncset.done $0x0  }
.LBB2_2:
0x39: {  	s1 =	sshra.s32 s30, $0x2  }
0x3a: {  	[sflag:s12] =	ssyncadd.s32 $0xFFFFEC00;
	s30 =	smov.u32 s31;
	s0 =	sadd.s32 $0x800, s31  }
0x3b: {  	[tilespmem:s14], [sflag:$0x1] =	stream.indirect.gather [hbm4b:s3+s13], $0x80, s1, s13, $0xb8;
	[tilespmem:$0x6C00] =	vst v63  }
0x3c: {  	p0 =	sne.s32 s31, $0x5800;
	s31 =	sadd.s32 $0x80, s1  }
0x3d: {  	[tilespmem:s15], [sflag:$0x2] =	stream.indirect.gather [hbm4b:s3+s13], $0x80, s31, s13, $0xb8;
	[tilespmem:$0x6C00] =	vst v63  }
0x3e: {  	s31 =	sadd.s32 $0x100, s1  }
0x3f: {  	[tilespmem:s16], [sflag:$0x3] =	stream.indirect.gather [hbm4b:s3+s13], $0x80, s31, s13, $0xb8;
	[tilespmem:$0x6C00] =	vst v63  }
0x40: {  	s1 =	sadd.s32 $0x180, s1  }
0x41: {  	[tilespmem:s17], [sflag:$0x4] =	stream.indirect.gather [hbm4b:s3+s13], $0x80, s1, s13, $0xb8;
	[tilespmem:$0x6C00] =	vst v63  }
0x42: {  	_ =	swait.ge [sflag:s18], $0x1400  }
0x43: {  	[sflag:s18] =	ssyncset.done $0x0  }
0x44: {  	[sflag:s18] =	ssyncadd.s32 $0xFFFFEC00  }
0x45: {  	[hbm4b:s29+s2] =	stream.linear.scatter [tilespmem:s14], [sflag:$0x5], $0x1400, $0x38;
	[tilespmem:$0x6C00] =	vst v63  }
0x46: {  	_ =	swait.ge [sflag:s12], $0x1400  }
0x47: {  	[sflag:s12] =	ssyncset.done $0x0  }
0x48: {  	[sflag:s12] =	ssyncadd.s32 $0xFFFFEC00  }
0x49: {  	_ =	swait.ge [sflag:s19], $0x1400  }
0x4a: {  	[sflag:s19] =	ssyncset.done $0x0  }
0x4b: {  	[sflag:s19] =	ssyncadd.s32 $0xFFFFEC00  }
0x4c: {  	[hbm4b:s28+s2] =	stream.linear.scatter [tilespmem:s15], [sflag:$0x5], $0x1400, $0x38;
	[tilespmem:$0x6C00] =	vst v63  }
0x4d: {  	_ =	swait.ge [sflag:s12], $0x1400  }
0x4e: {  	[sflag:s12] =	ssyncset.done $0x0  }
0x4f: {  	[sflag:s12] =	ssyncadd.s32 $0xFFFFEC00  }
0x50: {  	_ =	swait.ge [sflag:s20], $0x1400  }
0x51: {  	[sflag:s20] =	ssyncset.done $0x0  }
0x52: {  	[sflag:s20] =	ssyncadd.s32 $0xFFFFEC00  }
0x53: {  	[hbm4b:s26+s2] =	stream.linear.scatter [tilespmem:s16], [sflag:$0x5], $0x1400, $0x38;
	[tilespmem:$0x6C00] =	vst v63  }
0x54: {  	_ =	swait.ge [sflag:s12], $0x1400  }
0x55: {  	[sflag:s12] =	ssyncset.done $0x0  }
0x56: {  	[sflag:s12] =	ssyncadd.s32 $0xFFFFEC00  }
0x57: {  	_ =	swait.ge [sflag:s21], $0x1400  }
.Ltmp0:
0x58: {  	[sflag:s21] =	ssyncset.done $0x0;
	(pc) =	sbr.rel @p0 .LBB2_2-.Ltmp0, $4  }
0x59: {  	s31 =	smov.u32 s0;
	[sflag:s21] =	ssyncadd.s32 $0xFFFFEC00  }
0x5a: {  	[hbm4b:s25+s2] =	stream.linear.scatter [tilespmem:s17], [sflag:$0x5], $0x1400, $0x38;
	[tilespmem:$0x6C00] =	vst v63  }
0x5b: {  	s28 =	sadd.s32 $0xA00, s28;
	s26 =	sadd.s32 $0xA00, s26;
	_ =	swait.ge [sflag:s12], $0x1400  }
0x5c: {  	s29 =	sadd.s32 $0xA00, s29;
	s25 =	sadd.s32 $0xA00, s25;
	[sflag:s12] =	ssyncset.done $0x0  }
0x5d: {  	s0 =	sshra.s32 s30, $0x2;
	[sflag:s12] =	ssyncadd.s32 $0xFFFFEC00  }
0x5e: {  	[tilespmem:s14], [sflag:$0x1] =	stream.indirect.gather [hbm4b:s3+s13], $0x80, s0, s13, $0xb8;
	[tilespmem:$0x6C00] =	vst v63  }
0x5f: {  	s1 =	sadd.s32 $0x80, s0  }
0x60: {  	[tilespmem:s15], [sflag:$0x2] =	stream.indirect.gather [hbm4b:s3+s13], $0x80, s1, s13, $0xb8;
	[tilespmem:$0x6C00] =	vst v63  }
0x61: {  	s31 =	sadd.s32 $0x100, s0  }
0x62: {  	[tilespmem:s16], [sflag:$0x3] =	stream.indirect.gather [hbm4b:s3+s13], $0x80, s31, s13, $0xb8;
	[tilespmem:$0x6C00] =	vst v63  }
0x63: {  	s0 =	sadd.s32 $0x180, s0  }
0x64: {  	[tilespmem:s17], [sflag:$0x4] =	stream.indirect.gather [hbm4b:s3+s13], $0x80, s0, s13, $0xb8;
	[tilespmem:$0x6C00] =	vst v63  }
0x65: {  	_ =	swait.ge [sflag:s18], $0x1400  }
0x66: {  	[sflag:s18] =	ssyncset.done $0x0  }
0x67: {  	[sflag:s18] =	ssyncadd.s32 $0xFFFFEC00  }
0x68: {  	[hbm4b:s29+s2] =	stream.linear.scatter [tilespmem:s14], [sflag:$0x5], $0x1400, $0x38;
	[tilespmem:$0x6C00] =	vst v63  }
0x69: {  	_ =	swait.ge [sflag:s12], $0x1400  }
0x6a: {  	[sflag:s12] =	ssyncset.done $0x0  }
0x6b: {  	[sflag:s12] =	ssyncadd.s32 $0xFFFFEC00  }
0x6c: {  	_ =	swait.ge [sflag:s19], $0x1400  }
0x6d: {  	[sflag:s19] =	ssyncset.done $0x0  }
0x6e: {  	[sflag:s19] =	ssyncadd.s32 $0xFFFFEC00  }
0x6f: {  	[hbm4b:s28+s2] =	stream.linear.scatter [tilespmem:s15], [sflag:$0x5], $0x1400, $0x38;
	[tilespmem:$0x6C00] =	vst v63  }
0x70: {  	_ =	swait.ge [sflag:s12], $0x1400  }
0x71: {  	[sflag:s12] =	ssyncset.done $0x0  }
0x72: {  	[sflag:s12] =	ssyncadd.s32 $0xFFFFEC00  }
0x73: {  	_ =	swait.ge [sflag:s20], $0x1400  }
0x74: {  	[sflag:s20] =	ssyncset.done $0x0  }
0x75: {  	[sflag:s20] =	ssyncadd.s32 $0xFFFFEC00  }
0x76: {  	[hbm4b:s26+s2] =	stream.linear.scatter [tilespmem:s16], [sflag:$0x5], $0x1400, $0x38;
	[tilespmem:$0x6C00] =	vst v63  }
0x77: {  	_ =	swait.ge [sflag:s12], $0x1400  }
0x78: {  	[sflag:s12] =	ssyncset.done $0x0  }
0x79: {  	[sflag:s12] =	ssyncadd.s32 $0xFFFFEC00  }
0x7a: {  	_ =	swait.ge [sflag:s21], $0x1400  }
0x7b: {  	[sflag:s21] =	ssyncset.done $0x0  }
0x7c: {  	[sflag:s21] =	ssyncadd.s32 $0xFFFFEC00  }
0x7d: {  	[hbm4b:s25+s2] =	stream.linear.scatter [tilespmem:s17], [sflag:$0x5], $0x1400, $0x38;
	[tilespmem:$0x6C00] =	vst v63  }
0x7e: {  	_ =	swait.ge [sflag:s12], $0x1400  }
0x7f: {  	[sflag:s12] =	ssyncset.done $0x0  }
0x80: {  	[sflag:s12] =	ssyncadd.s32 $0xFFFFEC00  }
0x81: {  	[tilespmem:s14], [sflag:$0x1] =	stream.indirect.gather [hbm4b:s3+s13], $0x80, s22, s13, $0xb8;
	[tilespmem:$0x6C00] =	vst v63  }
0x82: {  	_ = 	snop  }
0x83: {  	[tilespmem:s15], [sflag:$0x2] =	stream.indirect.gather [hbm4b:s3+s13], $0x80, s23, s13, $0xb8;
	[tilespmem:$0x6C00] =	vst v63  }
0x84: {  	_ =	swait.ge [sflag:s18], $0x1400  }
0x85: {  	[sflag:s18] =	ssyncset.done $0x0  }
0x86: {  	[sflag:s18] =	ssyncadd.s32 $0xFFFFEC00  }
0x87: {  	[hbm4b:s5+s2] =	stream.linear.scatter [tilespmem:s14], [sflag:$0x5], $0x1400, $0x38;
	[tilespmem:$0x6C00] =	vst v63  }
0x88: {  	_ =	swait.ge [sflag:s12], $0x1400  }
0x89: {  	[sflag:s12] =	ssyncset.done $0x0  }
0x8a: {  	[sflag:s12] =	ssyncadd.s32 $0xFFFFEC00  }
0x8b: {  	s24 =	sadd.s32 $0x1, s24;
	_ =	swait.ge [sflag:s19], $0x1400  }
0x8c: {  	p0 =	sne.s32 s24, s7;
	[sflag:s19] =	ssyncset.done $0x0  }
.Ltmp1:
0x8d: {  	[sflag:s19] =	ssyncadd.s32 $0xFFFFEC00;
	(pc) =	sbr.rel @p0 .LBB2_1-.Ltmp1, $4  }
0x8e: {  	[hbm4b:s6+s2] =	stream.linear.scatter [tilespmem:s15], [sflag:$0x5], $0x1400, $0x38;
	[tilespmem:$0x6C00] =	vst v63  }
0x8f: {  	_ =	swait.ge [sflag:s12], $0x1400  }
0x90: {  	[sflag:s12] =	ssyncset.done $0x0  }
0x91: {  	[sflag:s12] =	ssyncadd.s32 $0xFFFFEC00  }
0x92: {  	_ =	sfence.sel $0x180000  }
0x93: {  	[bflag:$0x0] =	sbarrier.arrive $0xFFFF  }
0x94: {  	_ =	strace $0x9000004D  }
0x95: {  	s0 =	stileid.u32;
	[bflag:$0x2] =	sbarrier.arrive $0xFFFF  }
0x96: {  	p0 =	sne.s32 s0, $0x0;
	s0 =	rddreg [dreg:$0x1]  }
0x97: {  	s0 =	sadd.s32 @!p0 $0x100000, s0  }
0x98: {  	[sflag:s0] =	ssyncadd.tile.s32 @!p0 $0x1;
	_ =	shalt  }
.Lfunc_end2:
_tile_overlayer_lowered:
.L_overlay_start_2:
0x99: {  	(tag) =	ssettag $0x2  }
0x9a: {  	s0 =	rddreg [dreg:$0x0];
	s2 =	stileid.u32  }
0x9b: {  	s1 =	rddreg [dreg:$0x1];
	p0 =	sne.s32 s2, $0x0  }
0x9c: {  	s3 =	rddreg [dreg:$0x2];
	[bflag:$0x3] =	sbarrier.arrive $0xFFFF;
	s2 =	simm.s32 @!p0 $0x1C05  }
0x9d: {  	[timem:s3], [sflag:s2] =	dma.local @!p0 [hbm:s0], s1  }
0x9e: {  	s0 =	simm.s32 @!p0 $0x5  }
0x9f: {  	_ =	swait.ge @!p0 [sflag:s0], s1  }
0xa0: {  	s1 =	ssub.s32 @!p0 $0x0, s1;
	[sflag:s0] =	ssyncset.done @!p0 $0x0  }
0xa1: {  	[sflag:s0] =	ssyncadd.s32 @!p0 s1  }
0xa2: {  	[bflag:$0x3] =	sbarrier.arrive $0xFFFF  }
0xa3: {  	_ =	shalt  }

// kernel: kernel.40.cloned.1.call-start
scs
__scs_entry_jumppad:
0x0: {  	(pc) =	sbr.rel $0x88, $3  }
0x1: {  	(tag) =	ssettag $0x0;
	lr =	simm.s32 $0x1  }
0x2: {  	[smem:$0x3F8C] =	sst lr;
	_ =	strace $0xD0000000  }
0x3: {  	_ = 	snop  }
0x4: {  	_ = 	snop  }
0x5: {  	_ = 	snop  }
0x6: {  	_ = 	snop  }
0x7: {  	_ = 	snop  }
__scs_overlays_trampoline_lowered:
0x8: {  	[smem:$0x3F9B] =	sst s0  }
0x9: {  	[smem:$0x3F9C] =	sst s1  }
0xa: {  	[smem:$0x3F9D] =	sst s2  }
0xb: {  	[smem:$0x3F9E] =	sst s3  }
0xc: {  	[smem:$0x3F9F] =	sst s4  }
0xd: {  	[smem:$0x3FA0] =	sst s5  }
0xe: {  	[smem:$0x3FA1] =	sst s6  }
0xf: {  	[smem:$0x3FA2] =	sst s7  }
0x10: {  	[smem:$0x3FA3] =	sst s8  }
0x11: {  	[smem:$0x3FA4] =	sst s9;
	s0 =	simm.s32 @!p0 $0x0  }
0x12: {  	s1 =	sld [smem:$0x3F8A];
	s0 =	simm.s32 @p0 $0x1  }
0x13: {  	[smem:$0x3FA5] =	sst s0;
	s0 =	simm.s32 @!p1 $0x0  }
0x14: {  	s2 =	sld [smem:$0x3F89];
	s0 =	simm.s32 @p1 $0x1  }
0x15: {  	[smem:$0x3FA6] =	sst s0;
	s0 =	simm.s32 @!p2 $0x0  }
0x16: {  	s3 =	sld [smem:$0x3FDB];
	s0 =	simm.s32 @p2 $0x1  }
0x17: {  	s4 =	simm.s32 $0x1BF5;
	[smem:$0x3FA8] =	sst s0  }
0x18: {  	s0 =	sld [smem:$0x3F8B];
	_ =	swait.ge [sflag:s4], $0x0  }
0x19: {  	s7 =	sld [smem:$0x3F8C]  }
0x1a: {  	s8 =	sadd.s32 $0xFFFFE003, lr  }
0x1b: {  	s9 =	sadd.s32 $0xFFFFFEF7, lr;
	s5 =	simm.s32 $0xFFFFFFFF;
	p2 =	slt.u32 s8, $0xFFFFF086  }
0x1c: {  	p1 =	slt.u32 s9, $0xF7A;
	s5 =	simm.s32 @!p2 $0x0  }
0x1d: {  	s5 =	simm.s32 @p1 $0x1;
	p0 =	seq.s32 s7, s2  }
0x1e: {  	s7 =	smul.u32 @!p0 $0xF7A, s2;
	p2 =	seq.s32 @!p0 s5, $0x0  }
0x1f: {  	s9 =	smul.u32 $0xF7A, s1;
	s8 =	simm.s32 @!p0 $0x1BF5;
	p2 =	por !p2, p0  }
0x20: {  	[sflag:s8] =	ssyncset.s32 @!p0 $0xFFFFF086;
	s6 =	sadd.s32 @!p0 s3, s7;
	s7 =	simm.s32 @!p0 $0x108  }
0x21: {  	s3 =	sadd.s32 s3, s9;
	s6 =	sadd.s32 @!p0 $0x88, s6;
	s7 =	simm.s32 @p2 $0x1082  }
0x22: {  	[simem:s7], [sflag:s8] =	dma.local @!p0 [hbm:s6], $0xF7A  }
0x23: {  	s9 =	sor.u32 $0xD0000000, s2;
	s6 =	simm.s32 $0x108;
	_ =	swait.ge @!p0 [sflag:s8], $0x0  }
0x24: {  	s3 =	sadd.s32 $0x88, s3;
	s6 =	simm.s32 @!p1 $0x1082;
	[sflag:s4] =	ssyncset.s32 $0xFFFFF086  }
0x25: {  	[simem:s6], [sflag:s4] =	dma.local [hbm:s3], $0xF7A  }
0x26: {  	[smem:$0x3F8C] =	sst s1;
	(tag) =	ssettag s2;
	_ =	strace s9  }
0x27: {  	s1 =	sld [smem:$0x3F9C]  }
0x28: {  	s2 =	sld [smem:$0x3F9D]  }
0x29: {  	s4 =	sld [smem:$0x3F9F]  }
0x2a: {  	p0 =	seq.s32 s5, $0x0;
	s5 =	sld [smem:$0x3FA0]  }
0x2b: {  	s6 =	sld [smem:$0x3FA1]  }
0x2c: {  	s7 =	sld [smem:$0x3FA2]  }
0x2d: {  	s3 =	simm.s32 $0x108;
	s8 =	sld [smem:$0x3FA3]  }
0x2e: {  	s3 =	simm.s32 @!p0 $0x1082;
	s9 =	sld [smem:$0x3FA4]  }
0x2f: {  	lr =	sadd.s32 s0, s3;
	s0 =	sld [smem:$0x3F9B]  }
0x30: {  	s3 =	sld [smem:$0x3F9E]  }
0x31: {  	[smem:$0x3FA7] =	sst s10  }
0x32: {  	s10 =	sld [smem:$0x3FA5];
	_ =	sdelay $0x3  }
0x33: {  	p0 =	seq.s32 s10, $0x1;
	s10 =	sld [smem:$0x3FA7];
	_ =	sdelay $0x3  }
0x34: {  	[smem:$0x3FA7] =	sst s10  }
0x35: {  	s10 =	sld [smem:$0x3FA6];
	_ =	sdelay $0x3  }
0x36: {  	p1 =	seq.s32 s10, $0x1;
	s10 =	sld [smem:$0x3FA7];
	_ =	sdelay $0x3  }
0x37: {  	[smem:$0x3FA7] =	sst s10  }
0x38: {  	s10 =	sld [smem:$0x3FA8]  }
0x39: {  	_ = 	snop;
	(pc) =	sbr.ind lr, $3  }
0x3a: {  	_ = 	snop  }
0x3b: {  	_ = 	snop  }
0x3c: {  	p2 =	seq.s32 s10, $0x1;
	s10 =	sld [smem:$0x3FA7]  }
0x3d: {  	_ =	shalt  }
0x3e: {  	_ =	shalt  }
0x3f: {  	_ =	shalt  }
0x40: {  	_ =	shalt  }
0x41: {  	_ =	shalt  }
0x42: {  	_ =	shalt  }
0x43: {  	_ =	shalt  }
0x44: {  	_ =	shalt  }
0x45: {  	_ =	shalt  }
0x46: {  	_ =	shalt  }
0x47: {  	_ =	shalt  }
0x48: {  	_ =	shalt  }
0x49: {  	_ =	shalt  }
0x4a: {  	_ =	shalt  }
0x4b: {  	_ =	shalt  }
0x4c: {  	_ =	shalt  }
0x4d: {  	_ =	shalt  }
0x4e: {  	_ =	shalt  }
0x4f: {  	_ =	shalt  }
0x50: {  	_ =	shalt  }
0x51: {  	_ =	shalt  }
0x52: {  	_ =	shalt  }
0x53: {  	_ =	shalt  }
0x54: {  	_ =	shalt  }
0x55: {  	_ =	shalt  }
0x56: {  	_ =	shalt  }
0x57: {  	_ =	shalt  }
0x58: {  	_ =	shalt  }
0x59: {  	_ =	shalt  }
0x5a: {  	_ =	shalt  }
0x5b: {  	_ =	shalt  }
0x5c: {  	_ =	shalt  }
0x5d: {  	_ =	shalt  }
0x5e: {  	_ =	shalt  }
0x5f: {  	_ =	shalt  }
0x60: {  	_ =	shalt  }
0x61: {  	_ =	shalt  }
0x62: {  	_ =	shalt  }
0x63: {  	_ =	shalt  }
0x64: {  	_ =	shalt  }
0x65: {  	_ =	shalt  }
0x66: {  	_ =	shalt  }
0x67: {  	_ =	shalt  }
0x68: {  	_ =	shalt  }
0x69: {  	_ =	shalt  }
0x6a: {  	_ =	shalt  }
0x6b: {  	_ =	shalt  }
0x6c: {  	_ =	shalt  }
0x6d: {  	_ =	shalt  }
0x6e: {  	_ =	shalt  }
0x6f: {  	_ =	shalt  }
0x70: {  	_ =	shalt  }
0x71: {  	_ =	shalt  }
0x72: {  	_ =	shalt  }
0x73: {  	_ =	shalt  }
0x74: {  	_ =	shalt  }
0x75: {  	_ =	shalt  }
0x76: {  	_ =	shalt  }
0x77: {  	_ =	shalt  }
0x78: {  	_ =	shalt  }
0x79: {  	_ =	shalt  }
0x7a: {  	_ =	shalt  }
0x7b: {  	_ =	shalt  }
0x7c: {  	_ =	shalt  }
0x7d: {  	_ =	shalt  }
0x7e: {  	_ =	shalt  }
0x7f: {  	_ =	shalt  }
0x80: {  	_ =	shalt  }
0x81: {  	_ =	shalt  }
0x82: {  	_ =	shalt  }
0x83: {  	_ =	shalt  }
0x84: {  	_ =	shalt  }
0x85: {  	_ =	shalt  }
0x86: {  	_ =	shalt  }
0x87: {  	_ =	shalt  }
.Lfunc_end0:
.L_simem_size_0:
called_computation.8_lowered:
.L_overlay_start_0:
0x88: {  	s2 =	sld [smem:$0x3FD9]  }
0x89: {  	s3 =	sld [smem:$0x3FFE];
	_ =	sdelay $0x1  }
0x8a: {  	s1 =	srdreg.scid  }
0x8b: {  	s0 =	sand.u32 $0x1, s1  }
0x8c: {  	s17 =	sshll.u32 s0, $0xA;
	s2 =	sadd.s32 s3, s2  }
0x8d: {  	s2 =	sadd.s32 s2, s17  }
0x8e: {  	[smem:$0x3FB3] =	sst s2  }
0x8f: {  	_ = 	snop  }
0x90: {  	(tm) =	ssettm $0x1  }
0x91: {  	s18 =	sld [smem:$0x3FFB];
	_ =	sdelay $0x3  }
0x92: {  	_ =	strace s18  }
0x93: {  	s2 =	sld [smem:$0x3FFC];
	_ =	sdelay $0x3  }
0x94: {  	_ =	strace s2  }
0x95: {  	s2 =	sld [smem:$0x3FFD];
	_ =	sdelay $0x3  }
0x96: {  	_ =	strace s2  }
0x97: {  	_ =	strace $0x8FFFFFFF  }
0x98: {  	s19 =	sld [smem:$0x3FDB];
	_ =	sdelay $0x1  }
0x99: {  	s20 =	simm.s32 $_scs_section_size  }
0x9a: {  	s4 =	simm.s32 $_size__tile_overlayer_lowered;
	s5 =	simm.s32 $_tile_overlayer_lowered  }
0x9b: {  	s6 =	simm.s32 $0x1BFF;
	s21 =	sshll.u32 s5, $0x1;
	s3 =	sadd.s32 s20, s19  }
0x9c: {  	s22 =	simm.s32 $0x0;
	s4 =	sshll.u32 s4, $0x1;
	s5 =	sadd.s32 s21, s3  }
0x9d: {  	[timem:s22], [sflag:s6] =	dma.local [hbm:s5], s4  }
0x9e: {  	_ =	swait.ge [sflag:s6], s4  }
0x9f: {  	s4 =	ssub.s32 $0x0, s4;
	[sflag:s6] =	ssyncset.done $0x0  }
0xa0: {  	[sflag:s6] =	ssyncadd.s32 s4;
	_ =	sdelay $0x1  }
0xa1: {  	s23 =	simm.s32 $0x1B8B  }
0xa2: {  	_ =	swait.ge [sflag:s23], $0x1  }
0xa3: {  	[sflag:s23] =	ssyncset.done $0x0  }
0xa4: {  	[sflag:s23] =	ssyncadd.s32 $0xFFFFFFFF  }
0xa5: {  	s4 =	sld [smem:$0x0]  }
0xa6: {  	s5 =	sand.u32 $0xFFFFFFFE, s1  }
0xa7: {  	p0 =	sne.s32 s1, s5  }
0xa8: {  	s5 =	sshll.u32 @p0 s5, $0xE  }
0xa9: {  	s5 =	sadd.s32 @p0 $0x11B8D, s5;
	s6 =	sshll.u32 @p0 s4, $0x11  }
0xaa: {  	s5 =	sor.u32 @p0 s6, s5  }
0xab: {  	[sflag:s5] =	ssyncadd.remote.s32 @p0 $0x1;
	_ =	sdelay $0x1  }
0xac: {  	s5 =	simm.s32 @p0 $0x1B8D  }
0xad: {  	_ =	swait.eq @p0 [sflag:s5], $0x1  }
0xae: {  	[sflag:s5] =	ssyncadd.s32 @p0 $0xFFFFFFFF  }
0xaf: {  	s6 =	sshll.u32 @!p0 s1, $0xE  }
0xb0: {  	s6 =	sor.u32 @!p0 $0x4000, s6;
	s5 =	simm.s32 @!p0 $0x1B8D  }
0xb1: {  	s4 =	sshll.u32 @!p0 s4, $0x11;
	s6 =	sadd.s32 @!p0 $0x11B8D, s6;
	_ =	swait.eq @!p0 [sflag:s5], $0x1  }
0xb2: {  	s4 =	sor.u32 @!p0 s4, s6;
	[sflag:s5] =	ssyncadd.s32 @!p0 $0xFFFFFFFF  }
0xb3: {  	s25 =	simm.s32 $0x1B8E;
	s24 =	sld [smem:$0x3FFE];
	[sflag:s4] =	ssyncadd.remote.s32 @!p0 $0x1  }
0xb4: {  	s26 =	simm.s32 $execute0_lowered;
	[smem:$0x3FD2] =	sst s25  }
0xb5: {  	s5 =	sshll.u32 s26, $0x1;
	_ =	strace $0x8000005B;
	[dreg:$0x1] =	wrdreg $0xFFFFFFFF  }
0xb6: {  	s28 =	simm.s32 $_size_execute0_lowered;
	s3 =	sadd.s32 s3, s5;
	[dreg:$0x0] =	wrdreg $0x0  }
0xb7: {  	s5 =	sshll.u32 s28, $0x1;
	[dreg:$0x2] =	wrdreg s3  }
0xb8: {  	[dreg:$0x3] =	wrdreg s5  }
0xb9: {  	[dreg:$0x4] =	wrdreg $0xC0  }
0xba: {  	_ =	task [dreg:s22], $0x5FFFF  }
0xbb: {  	[dreg:$0x1] =	wrdreg $0xFFFFFFFF  }
0xbc: {  	[dreg:$0x0] =	wrdreg $0x60  }
0xbd: {  	[dreg:$0x2] =	wrdreg s24  }
0xbe: {  	[dreg:$0x3] =	wrdreg $0x5C000  }
0xbf: {  	[dreg:$0x4] =	wrdreg $0xC  }
0xc0: {  	_ =	task.clear_ibuf [dreg:s22], $0x5FFFF;
	_ =	strace $0x9000005B  }
0xc1: {  	s29 =	simm.s32 $0xC;
	_ =	strace $0x8000005D  }
0xc2: {  	_ =	swait.ge [sflag:s29], $0x1  }
0xc3: {  	[sflag:s29] =	ssyncadd.s32 $0xFFFFFFFF  }
0xc4: {  	_ =	strace $0x9000005D  }
0xc5: {  	_ =	sfence  }
0xc6: {  	s30 =	sld [smem:$0x0];
	_ =	sdelay $0x2  }
0xc7: {  	s31 =	sshll.u32 s1, $0xD;
	s1 =	sshrl.u32 s1, $0x2  }
0xc8: {  	s4 =	sand.u32 $0x4000, s31;
	s1 =	sadd.s32 s1, s30  }
0xc9: {  	s0 =	sor.u32 s4, s0;
	s1 =	sshll.u32 s1, $0x11  }
0xca: {  	s0 =	sor.u32 s1, s0  }
0xcb: {  	s0 =	sadd.s32 $0x8F2B, s0  }
0xcc: {  	[sflag:s0] =	ssyncadd.remote.s32 $0x1  }
0xcd: {  	_ =	sfence.sel $0xFFFF  }
0xce: {  	[dreg:$0x0] =	wrdreg $0xFFFFFFFF;
	(pc) =	sbr.abs _section_cstart, $3  }
0xcf: {  	[dreg:$0x1] =	wrdreg $0xFFFFFFFF  }
0xd0: {  	_ =	task.clear_ibuf [dreg:s22], $0x2FFFF;
	_ =	strace $0x9FFFFFFF  }
0xd1: {  	(tm) =	ssettm $0x7FFFFFFF  }
tec
execute0_lowered:
.L_overlay_start_1:
0x0: {  	(tag) =	ssettag $0x1  }
0x1: {  	s4 =	rddreg [dreg:$0x0]  }
0x2: {  	s2 =	rddreg [dreg:$0x1]  }
0x3: {  	s0 =	rddreg [dreg:$0x2];
	s3 =	simm.s32 $0x0;
	s1 =	stileid.u32  }
0x4: {  	s6 =	srdreg.scid;
	s15 =	simm.s32 $0x1;
	s5 =	smul.u32 $0x14000, s1  }
0x5: {  	s16 =	simm.s32 $0x28;
	s17 =	simm.s32 $0x2;
	s7 =	smul.u32 $0x680, s1  }
0x6: {  	s18 =	simm.s32 $0x0;
	[smem:$0x7FF] =	sst s3;
	s11 =	smul.u32 $0x50000, s1  }
0x7: {  	s6 =	sand.u32 $0x1, s6;
	s10 =	sadd.s32 $0x9ADC00, s4;
	s13 =	smul.u32 $0x7D000, s1  }
0x8: {  	s28 =	sshll.u32 s1, $0x6;
	_ =	strace $0x8000005C;
	s9 =	smul.u32 $0x140000, s6  }
0x9: {  	s25 =	ssub.s32 $0x2, s6;
	s6 =	smul.u32 $0x7D0000, s6;
	s8 =	sshrl.u32 s5, $0x3  }
0xa: {  	s7 =	sadd.s32 s7, s4;
	s12 =	sshrl.u32 s25, $0x1;
	s26 =	sshrl.u32 s11, $0x2  }
0xb: {  	s8 =	sadd.s32 s8, s4;
	s5 =	sadd.s32 s5, s9;
	s9 =	ssub.s32 s25, s12  }
0xc: {  	s11 =	sadd.s32 s26, s2;
	s29 =	sadd.s32 s13, s6;
	s6 =	sadd.s32 $0x8400, s7  }
0xd: {  	s13 =	simm.s32 $0x3400;
	s5 =	sshrl.u32 s5, $0x3;
	s30 =	sadd.s32 $0x1400, s29  }
0xe: {  	s12 =	sshrl.u32 s29, $0x3;
	s11 =	sshrl.u32 s11, $0x3;
	s14 =	sadd.s32 s5, s4  }
0xf: {  	s4 =	sadd.s32 $0x5BDE00, s8;
	s5 =	sor.u32 $0x1C03, s28;
	s31 =	sshrl.u32 s30, $0x3  }
0x10: {  	s8 =	smax.u32 s9, $0x1;
	s7 =	sadd.s32 $0x540E00, s14;
	s9 =	sadd.s32 s31, s10  }
0x11: {  	s10 =	sadd.s32 s12, s10;
	s12 =	simm.s32 $0x3;
	s14 =	simm.s32 $0x4800  }
.LBB2_1:
0x12: {  	[spmem:s11], [sflag:s5] =	dma.local [hbm:s4], $0x2800  }
0x13: {  	_ =	swait.ge [sflag:s12], $0x2800  }
0x14: {  	[sflag:s12] =	ssyncset.done $0x0  }
0x15: {  	[sflag:s12] =	ssyncadd.s32 $0xFFFFD800  }
0x16: {  	[tilespmem:s3], [sflag:$0x3] =	stream.linear.gather [hbm4b:s6+s3], $0x3200, $0x38;
	[tilespmem:$0x19C00] =	vst v63  }
0x17: {  	_ =	swait.ge [sflag:s12], $0x3200  }
0x18: {  	[sflag:s12] =	ssyncset.done $0x0  }
0x19: {  	[sflag:s12] =	ssyncadd.s32 $0xFFFFCE00  }
0x1a: {  	s19 =	sadd.s32 $0x0, s10;
	[bflag:$0x0] =	sbarrier.arrive $0xFFFF  }
0x1b: {  	[tilespmem:s13], [sflag:$0x1] =	stream.linear.gather [hbm4b:s19+s3], $0x1400, $0x38;
	[tilespmem:$0x19C00] =	vst v63  }
0x1c: {  	s29 =	sadd.s32 $0x0, s9  }
0x1d: {  	[tilespmem:s14], [sflag:$0x2] =	stream.linear.gather [hbm4b:s29+s3], $0x1400, $0x38;
	[tilespmem:$0x19C00] =	vst v63  }
0x1e: {  	_ =	swait.ge [sflag:s15], $0x1400  }
0x1f: {  	[sflag:s15] =	ssyncset.done $0x0  }
0x20: {  	s30 =	simm.s32 $0x0;
	[sflag:s15] =	ssyncadd.s32 $0xFFFFEC00  }
0x21: {  	[spmem:s2] =	stream.indirect.scatter.add.f32 [tilespmem:s13], [sflag:$0x3], $0x80, s30, s16, $0xb8;
	[tilespmem:$0x19C00] =	vst v63  }
0x22: {  	_ =	swait.ge [sflag:s12], $0x1400  }
0x23: {  	[sflag:s12] =	ssyncset.done $0x0  }
0x24: {  	[sflag:s12] =	ssyncadd.s32 $0xFFFFEC00  }
0x25: {  	_ =	swait.ge [sflag:s17], $0x1400  }
0x26: {  	[sflag:s17] =	ssyncset.done $0x0  }
0x27: {  	s31 =	simm.s32 $0x80;
	[sflag:s17] =	ssyncadd.s32 $0xFFFFEC00  }
0x28: {  	[spmem:s2] =	stream.indirect.scatter.add.f32 [tilespmem:s14], [sflag:$0x3], $0x80, s31, s16, $0xb8;
	[tilespmem:$0x19C00] =	vst v63  }
0x29: {  	s20 =	simm.s32 $0x500;
	_ =	swait.ge [sflag:s12], $0x1400  }
0x2a: {  	s21 =	simm.s32 $0xA00;
	s19 =	simm.s32 $0x180;
	[sflag:s12] =	ssyncset.done $0x0  }
.LBB2_2:
0x2b: {  	s22 =	sadd.s32 s20, s10  }
0x2c: {  	[sflag:s12] =	ssyncadd.s32 $0xFFFFEC00;
	s23 =	smov.u32 s21;
	s24 =	sadd.s32 $0x500, s21  }
0x2d: {  	[tilespmem:s13], [sflag:$0x1] =	stream.linear.gather [hbm4b:s22+s3], $0x1400, $0x38;
	[tilespmem:$0x19C00] =	vst v63  }
0x2e: {  	p0 =	sne.s32 s21, $0xF500;
	s21 =	sadd.s32 s20, s9;
	s20 =	smov.u32 s23  }
0x2f: {  	[tilespmem:s14], [sflag:$0x2] =	stream.linear.gather [hbm4b:s21+s3], $0x1400, $0x38;
	[tilespmem:$0x19C00] =	vst v63  }
0x30: {  	_ =	swait.ge [sflag:s15], $0x1400  }
0x31: {  	[sflag:s15] =	ssyncset.done $0x0  }
0x32: {  	s21 =	sadd.s32 $0xFFFFFF80, s19;
	[sflag:s15] =	ssyncadd.s32 $0xFFFFEC00  }
0x33: {  	[spmem:s2] =	stream.indirect.scatter.add.f32 [tilespmem:s13], [sflag:$0x3], $0x80, s21, s16, $0xb8;
	[tilespmem:$0x19C00] =	vst v63  }
0x34: {  	_ =	swait.ge [sflag:s12], $0x1400  }
0x35: {  	[sflag:s12] =	ssyncset.done $0x0  }
0x36: {  	[sflag:s12] =	ssyncadd.s32 $0xFFFFEC00  }
0x37: {  	_ =	swait.ge [sflag:s17], $0x1400  }
.Ltmp0:
0x38: {  	[sflag:s17] =	ssyncset.done $0x0;
	(pc) =	sbr.rel @p0 .LBB2_2-.Ltmp0, $4  }
0x39: {  	[sflag:s17] =	ssyncadd.s32 $0xFFFFEC00  }
0x3a: {  	[spmem:s2] =	stream.indirect.scatter.add.f32 [tilespmem:s14], [sflag:$0x3], $0x80, s19, s16, $0xb8;
	[tilespmem:$0x19C00] =	vst v63  }
0x3b: {  	_ =	swait.ge [sflag:s12], $0x1400  }
0x3c: {  	s21 =	smov.u32 s24;
	s19 =	sadd.s32 $0x100, s19;
	[sflag:s12] =	ssyncset.done $0x0  }
0x3d: {  	s21 =	sadd.s32 s20, s10;
	[sflag:s12] =	ssyncadd.s32 $0xFFFFEC00  }
0x3e: {  	[tilespmem:s13], [sflag:$0x1] =	stream.linear.gather [hbm4b:s21+s3], $0x1400, $0x38;
	[tilespmem:$0x19C00] =	vst v63  }
0x3f: {  	s30 =	sadd.s32 s20, s9  }
0x40: {  	[tilespmem:s14], [sflag:$0x2] =	stream.linear.gather [hbm4b:s30+s3], $0x1400, $0x38;
	[tilespmem:$0x19C00] =	vst v63  }
0x41: {  	_ =	swait.ge [sflag:s15], $0x1400  }
0x42: {  	[sflag:s15] =	ssyncset.done $0x0  }
0x43: {  	s31 =	sadd.s32 $0xFFFFFF80, s19;
	[sflag:s15] =	ssyncadd.s32 $0xFFFFEC00  }
0x44: {  	[spmem:s2] =	stream.indirect.scatter.add.f32 [tilespmem:s13], [sflag:$0x3], $0x80, s31, s16, $0xb8;
	[tilespmem:$0x19C00] =	vst v63  }
0x45: {  	_ =	swait.ge [sflag:s12], $0x1400  }
0x46: {  	[sflag:s12] =	ssyncset.done $0x0  }
0x47: {  	[sflag:s12] =	ssyncadd.s32 $0xFFFFEC00  }
0x48: {  	_ =	swait.ge [sflag:s17], $0x1400  }
0x49: {  	[sflag:s17] =	ssyncset.done $0x0  }
0x4a: {  	[sflag:s17] =	ssyncadd.s32 $0xFFFFEC00  }
0x4b: {  	[spmem:s2] =	stream.indirect.scatter.add.f32 [tilespmem:s14], [sflag:$0x3], $0x80, s19, s16, $0xb8;
	[tilespmem:$0x19C00] =	vst v63  }
0x4c: {  	_ =	swait.ge [sflag:s12], $0x1400  }
0x4d: {  	s18 =	sadd.s32 $0x1, s18;
	[sflag:s12] =	ssyncset.done $0x0  }
0x4e: {  	p0 =	sne.s32 s18, s8;
	[sflag:s12] =	ssyncadd.s32 $0xFFFFEC00  }
.Ltmp1:
0x4f: {  	[bflag:$0x0] =	sbarrier.arrive $0xFFFF;
	(pc) =	sbr.rel @p0 .LBB2_1-.Ltmp1, $4  }
0x50: {  	[hbm:s7], [sflag:s5] =	dma.local [spmem:s11], $0x2800  }
0x51: {  	_ =	swait.ge [sflag:s12], $0x2800  }
0x52: {  	[sflag:s12] =	ssyncset.done $0x0  }
0x53: {  	[sflag:s12] =	ssyncadd.s32 $0xFFFFD800  }
0x54: {  	_ =	sfence.sel $0x180000  }
0x55: {  	[bflag:$0x0] =	sbarrier.arrive $0xFFFF  }
0x56: {  	p0 =	sne.s32 s1, $0x0;
	_ =	strace $0x9000005C  }
0x57: {  	s0 =	sadd.s32 @!p0 $0x100000, s0;
	[bflag:$0x2] =	sbarrier.arrive $0xFFFF  }
0x58: {  	[sflag:s0] =	ssyncadd.tile.s32 @!p0 $0x1;
	_ =	shalt  }
.Lfunc_end2:
_tile_overlayer_lowered:
.L_overlay_start_2:
0x59: {  	(tag) =	ssettag $0x2  }
0x5a: {  	s0 =	rddreg [dreg:$0x0];
	s2 =	stileid.u32  }
0x5b: {  	s1 =	rddreg [dreg:$0x1];
	p0 =	sne.s32 s2, $0x0  }
0x5c: {  	s3 =	rddreg [dreg:$0x2];
	[bflag:$0x3] =	sbarrier.arrive $0xFFFF;
	s2 =	simm.s32 @!p0 $0x1C03  }
0x5d: {  	[timem:s3], [sflag:s2] =	dma.local @!p0 [hbm:s0], s1  }
0x5e: {  	s0 =	simm.s32 @!p0 $0x3  }
0x5f: {  	_ =	swait.ge @!p0 [sflag:s0], s1  }
0x60: {  	s1 =	ssub.s32 @!p0 $0x0, s1;
	[sflag:s0] =	ssyncset.done @!p0 $0x0  }
0x61: {  	[sflag:s0] =	ssyncadd.s32 @!p0 s1  }
0x62: {  	[bflag:$0x3] =	sbarrier.arrive $0xFFFF  }
0x63: {  	_ =	shalt  }

</sc_bundles>
